<compile_context>
chip_gen: v7x
topology: tpu7x:2x2x1
jax: 0.10.2.dev20260603
libtpu: 0.0.44.dev20260713+nightly
codegen_flags: <defaults>
</compile_context>

<pallas_src>
import functools
import math

import jax
import jax.numpy as jnp
from jax import lax
from jax.experimental import pallas as pl
from jax.experimental.pallas import tpu as pltpu
from jax.experimental.pallas import tpu_sc as plsc

NC = 2
NS = 16
NW = NC * NS
IDXW = 1024
PK = 16
BN = 14336


def _mesh():
    return plsc.VectorSubcoreMesh(
        core_axis_name="c", subcore_axis_name="s",
        num_cores=NC, num_subcores=NS)


NBUF = 2
LOOKAHEAD = 1
CB = 2
NIB = 2

_SC_PARAMS = pltpu.CompilerParams(use_tc_tiling_on_sc=False)


def _make_deg(npad, d, nrows):
    rpt = nrows // NW
    nblk = rpt // CB

    def body(dst_hbm, ones_hbm, zeros_hbm, deg_out, acc_sh, didx, ones_v,
             *sems):
        ssems = sems[:NBUF]
        isems = sems[NBUF:]
        cid = lax.axis_index("c")
        sid = lax.axis_index("s")
        wid = cid * NS + sid
        slc = npad // NS
        base = wid * rpt

        def iload(g, p):
            pltpu.async_copy(dst_hbm.at[pl.ds(base + g * CB, CB)],
                             didx.at[p], isems[p])

        def iwait(p):
            pltpu.make_async_copy(dst_hbm.at[pl.ds(0, CB)], didx.at[p],
                                  isems[p]).wait()

        def scat(p, j, k):
            pltpu.async_copy(ones_v, acc_sh.at[didx.at[p, j]], ssems[k],
                             add=True)

        def swait(k):
            pltpu.make_async_copy(ones_v, acc_sh.at[didx.at[0, 0]],
                                  ssems[k]).wait()

        pltpu.sync_copy(ones_hbm, ones_v)
        pltpu.sync_copy(zeros_hbm, acc_sh.at[pl.ds(sid * slc, slc)])
        iload(0, 0)
        iwait(0)
        plsc.subcore_barrier()

        def outer(gg, carry):
            for pp in range(NIB):
                g = gg * NIB + pp
                p, pn = pp, (pp + 1) % NIB
                for j in range(CB):
                    r = g * CB + j
                    k = j % NBUF

                    @pl.when(r >= NBUF)
                    def _():
                        swait(k)

                    scat(p, j, k)
                    if j == CB - 1:
                        @pl.when(g + 1 < nblk)
                        def _():
                            iload(g + 1, pn)
                            iwait(pn)
            return carry

        lax.fori_loop(0, nblk // NIB, outer, 0)
        for k in range(NBUF):
            swait(k)
        plsc.subcore_barrier()
        pltpu.sync_copy(acc_sh.at[pl.ds(sid * slc, slc)],
                        deg_out.at[cid, pl.ds(sid * slc, slc)])

    return pl.kernel(
        body,
        out_type=jax.ShapeDtypeStruct((NC, npad, d), jnp.float32),
        mesh=_mesh(),
        compiler_params=_SC_PARAMS,
        scratch_types=[
            pltpu.VMEM_SHARED((npad, d), jnp.float32),
            pltpu.VMEM((NIB, CB, IDXW), jnp.int32),
            pltpu.VMEM((IDXW, d), jnp.float32),
        ] + [pltpu.SemaphoreType.DMA] * (NBUF + NIB),
    )


def _make_agg(npad, d, nrows):
    rpt = nrows // NW
    nblk = rpt // CB

    def body(src_hbm, dst_hbm, zt_hbm, zeros_hbm, q_out,
             acc_sh, sidx, didx, rows, *sems):
        gsems = sems[:NBUF]
        ssems = sems[NBUF:2 * NBUF]
        isems = sems[2 * NBUF:]
        cid = lax.axis_index("c")
        sid = lax.axis_index("s")
        wid = cid * NS + sid
        slc = npad // NS
        base = wid * rpt

        def iload(g, p):
            pltpu.async_copy(src_hbm.at[pl.ds(base + g * CB, CB)],
                             sidx.at[p], isems[p])
            pltpu.async_copy(dst_hbm.at[pl.ds(base + g * CB, CB)],
                             didx.at[p], isems[p])

        def iwait(p):
            pltpu.make_async_copy(src_hbm.at[pl.ds(0, CB)], sidx.at[p],
                                  isems[p]).wait()
            pltpu.make_async_copy(dst_hbm.at[pl.ds(0, CB)], didx.at[p],
                                  isems[p]).wait()

        def gather(p, j, k):
            pltpu.async_copy(zt_hbm.at[sidx.at[p, j]], rows.at[k], gsems[k])

        def gwait(p, j, k):
            pltpu.make_async_copy(zt_hbm.at[sidx.at[p, j]], rows.at[k],
                                  gsems[k]).wait()

        def scat(p, j, k):
            pltpu.async_copy(rows.at[k], acc_sh.at[didx.at[p, j]], ssems[k],
                             add=True)

        def swait(k):
            pltpu.make_async_copy(rows.at[k], acc_sh.at[didx.at[0, 0]],
                                  ssems[k]).wait()

        pltpu.sync_copy(zeros_hbm, acc_sh.at[pl.ds(sid * slc, slc)])
        iload(0, 0)
        iwait(0)
        for j in range(LOOKAHEAD):
            gather(0, j, j)
        plsc.subcore_barrier()

        def outer(gg, carry):
            for pp in range(NIB):
                g = gg * NIB + pp
                p, pn = pp, (pp + 1) % NIB
                for j in range(CB):
                    r = g * CB + j
                    k = j % NBUF
                    nxt = r + LOOKAHEAD
                    jn = j + LOOKAHEAD
                    kn = jn % NBUF

                    @pl.when(jnp.logical_and(nxt >= NBUF, nxt < rpt))
                    def _():
                        swait(kn)

                    if jn < CB:
                        @pl.when(nxt < rpt)
                        def _():
                            gather(p, jn, kn)
                    else:
                        if jn == CB:
                            @pl.when(g + 1 < nblk)
                            def _():
                                iwait(pn)

                        @pl.when(nxt < rpt)
                        def _():
                            gather(pn, jn - CB, kn)

                    gwait(p, j, k)
                    scat(p, j, k)
                    if j == 0:
                        @pl.when(g + 1 < nblk)
                        def _():
                            iload(g + 1, pn)
            return carry

        lax.fori_loop(0, nblk // NIB, outer, 0)
        for k in range(NBUF):
            swait(k)
        plsc.subcore_barrier()
        pltpu.sync_copy(acc_sh.at[pl.ds(sid * slc, slc)],
                        q_out.at[cid, pl.ds(sid * slc, slc)])

    return pl.kernel(
        body,
        out_type=jax.ShapeDtypeStruct((NC, npad, d), jnp.float32),
        mesh=_mesh(),
        compiler_params=_SC_PARAMS,
        scratch_types=[
            pltpu.VMEM_SHARED((npad, d), jnp.float32),
            pltpu.VMEM((NIB, CB, IDXW), jnp.int32),
            pltpu.VMEM((NIB, CB, IDXW), jnp.int32),
            pltpu.VMEM((NBUF, IDXW, d), jnp.float32),
        ] + [pltpu.SemaphoreType.DMA] * (2 * NBUF + NIB),
    )


def _matmul0_body(x_ref, w_ref, z_ref):
    z_ref[...] = jnp.dot(x_ref[...], w_ref[...],
                         preferred_element_type=jnp.float32)


def _dense0_body(p_ref, z_ref, brep_ref,
                 alpha_ref, selfw_ref, zt_ref, s_ref):
    deg = p_ref[0] + p_ref[1] + 1.0
    alpha = lax.rsqrt(deg)
    selfw = 1.0 / deg
    z = z_ref[...]
    alpha_ref[...] = alpha
    selfw_ref[...] = selfw
    zt_ref[...] = z * alpha
    s_ref[...] = z * selfw + brep_ref[...]


def _dense_mid_body(q_ref, alpha_ref, selfw_ref, s_ref, bd_ref, brep_ref,
                    zt_ref, snext_ref):
    alpha = alpha_ref[...]
    h = jnp.tanh(alpha * (q_ref[0] + q_ref[1]) + s_ref[...])
    z = jnp.dot(h, bd_ref[...], preferred_element_type=jnp.float32)
    zt_ref[...] = z * alpha
    snext_ref[...] = z * selfw_ref[...] + brep_ref[...]


def _dense_out_body(q_ref, alpha_ref, s_ref, bd_ref, brep_ref,
                    out_ref, emb_ref):
    emb = jnp.tanh(alpha_ref[...] * (q_ref[0] + q_ref[1]) + s_ref[...])
    emb_ref[...] = emb
    out_ref[...] = (jnp.dot(emb, bd_ref[...],
                            preferred_element_type=jnp.float32)
                    + brep_ref[...])


def _pk_spec():
    return pl.BlockSpec((BN // PK, 128), lambda i: (i, 0))


def _qpk_spec():
    return pl.BlockSpec((NC, BN // PK, 128), lambda i: (0, i, 0))


def _full_spec(shape):
    return pl.BlockSpec(shape, lambda i: tuple(0 for _ in shape))


def kernel(x, edge_index, W1, b1, W2, b2, W3, b3, Wc, bc):
    n, in_dim = x.shape
    e = edge_index.shape[1]
    hid = W1.shape[1]
    emb_d = W3.shape[1]
    ncls = Wc.shape[1]
    AD = 8
    npad = (n + BN) // BN * BN
    nrows = npad // PK
    bnp = BN // PK
    rows_per_tile = math.ceil(e / (NW * IDXW * CB * NIB)) * CB * NIB
    epad = NW * IDXW * rows_per_tile
    grid = (npad // BN,)

    pad_idx = n + jnp.arange(epad - e, dtype=jnp.int32) % (npad - n)
    src2d = jnp.concatenate([edge_index[0], pad_idx]).reshape(epad // IDXW, IDXW)
    dst2d = jnp.concatenate([edge_index[1], pad_idx]).reshape(epad // IDXW, IDXW)
    ones = jnp.ones((IDXW, AD), jnp.float32)
    zeros_h = jnp.zeros((npad // NS, AD), jnp.float32)

    def padw(w):
        return jnp.zeros((AD, AD), jnp.float32).at[:w.shape[0],
                                                   :w.shape[1]].set(w)

    def brep(b):
        bp = jnp.zeros((AD,), jnp.float32).at[:b.shape[0]].set(b)
        return jnp.tile(bp, PK).reshape(1, PK * AD)

    eye = jnp.eye(PK, dtype=jnp.float32)
    W1p = jnp.zeros((in_dim, AD), jnp.float32).at[:, :hid].set(W1)
    BD2 = jnp.kron(eye, padw(W2))
    BD3 = jnp.kron(eye, padw(W3))
    BDc = jnp.kron(eye, padw(Wc))

    degp = _make_deg(npad, AD, epad // IDXW)(dst2d, ones, zeros_h)
    degp_v = degp.reshape(NC, nrows, PK * AD)

    matmul0 = pl.pallas_call(
        _matmul0_body,
        grid=grid,
        in_specs=[pl.BlockSpec((BN, in_dim), lambda i: (i, 0)),
                  _full_spec((in_dim, AD))],
        out_specs=pl.BlockSpec((BN, AD), lambda i: (i, 0)),
        out_shape=jax.ShapeDtypeStruct((npad, AD), jnp.float32),
    )
    z1_pk = matmul0(x, W1p).reshape(nrows, PK * AD)

    dense0 = pl.pallas_call(
        _dense0_body,
        grid=grid,
        in_specs=[_qpk_spec(), _pk_spec(), _full_spec((1, PK * AD))],
        out_specs=(_pk_spec(), _pk_spec(), _pk_spec(), _pk_spec()),
        out_shape=tuple(jax.ShapeDtypeStruct((nrows, PK * AD), jnp.float32)
                        for _ in range(4)),
    )
    alpha, selfw, zt1, s1 = dense0(degp_v, z1_pk, brep(b1))

    agg = _make_agg(npad, AD, epad // IDXW)

    def dense_mid(q, s, bd, br):
        f = pl.pallas_call(
            _dense_mid_body,
            grid=grid,
            in_specs=[_qpk_spec(), _pk_spec(), _pk_spec(), _pk_spec(),
                      _full_spec((PK * AD, PK * AD)), _full_spec((1, PK * AD))],
            out_specs=(_pk_spec(), _pk_spec()),
            out_shape=(jax.ShapeDtypeStruct((nrows, PK * AD), jnp.float32),
                       jax.ShapeDtypeStruct((nrows, PK * AD), jnp.float32)),
        )
        return f(q.reshape(NC, nrows, PK * AD), alpha, selfw, s, bd, br)

    q1 = agg(src2d, dst2d, zt1.reshape(npad, AD), zeros_h)
    zt2, s2 = dense_mid(q1, s1, BD2, brep(b2))
    q2 = agg(src2d, dst2d, zt2.reshape(npad, AD), zeros_h)
    zt3, s3 = dense_mid(q2, s2, BD3, brep(b3))
    q3 = agg(src2d, dst2d, zt3.reshape(npad, AD), zeros_h)

    dense_out = pl.pallas_call(
        _dense_out_body,
        grid=grid,
        in_specs=[_qpk_spec(), _pk_spec(), _pk_spec(),
                  _full_spec((PK * AD, PK * AD)), _full_spec((1, PK * AD))],
        out_specs=(_pk_spec(), _pk_spec()),
        out_shape=(jax.ShapeDtypeStruct((nrows, PK * AD), jnp.float32),
                   jax.ShapeDtypeStruct((nrows, PK * AD), jnp.float32)),
    )
    out_pk, emb_pk = dense_out(q3.reshape(NC, nrows, PK * AD), alpha, s3,
                               BDc, brep(bc))
    out = out_pk.reshape(npad, AD)[:n, :ncls]
    emb = emb_pk.reshape(npad, AD)[:n, :emb_d]
    return out, emb

# --- scband reference (transcript-rebuilt; emitter-appended) ---
"""Pipeline reference for scband-gcn-11587821765033 (READ-ONLY COPY).

The authoritative reference and input builder live on the scoring server;
editing this copy changes nothing except your own understanding.
"""

import jax, jax.numpy as jnp
import numpy as np

N = 100000
E = 1600000
IN_DIM = 34
HID = 4
EMB = 2
NUM_CLASSES = 4


def setup_inputs(seed: int = 0) -> dict:
    key = jax.random.key(seed)
    ks = jax.random.split(key, 12)
    x = jax.random.normal(ks[0], (N, IN_DIM), dtype=jnp.float32)
    edge_index = jax.random.randint(ks[1], (2, E), 0, N, dtype=jnp.int32)
    W1 = jax.random.normal(ks[2], (IN_DIM, HID), dtype=jnp.float32) * (1.0 / np.sqrt(IN_DIM))
    b1 = jnp.zeros((HID,), jnp.float32)
    W2 = jax.random.normal(ks[3], (HID, HID), dtype=jnp.float32) * (1.0 / np.sqrt(HID))
    b2 = jnp.zeros((HID,), jnp.float32)
    W3 = jax.random.normal(ks[4], (HID, EMB), dtype=jnp.float32) * (1.0 / np.sqrt(HID))
    b3 = jnp.zeros((EMB,), jnp.float32)
    Wc = jax.random.normal(ks[5], (EMB, NUM_CLASSES), dtype=jnp.float32) * (1.0 / np.sqrt(EMB))
    bc = jnp.zeros((NUM_CLASSES,), jnp.float32)
    return {"x": x, "edge_index": edge_index, "W1": W1, "b1": b1, "W2": W2, "b2": b2, "W3": W3, "b3": b3, "Wc": Wc, "bc": bc}


def _gcn_conv(x, src, dst, dinv, W, b):
    # GCNConv (PyG defaults): x' = D^{-1/2} (A + I) D^{-1/2} X W + b
    h = x @ W
    norm = dinv[src] * dinv[dst]
    msg = h[src] * norm[:, None]
    out = jnp.zeros((N, h.shape[1]), jnp.float32).at[dst].add(msg)
    return out + b


def reference(x, edge_index, W1, b1, W2, b2, W3, b3, Wc, bc):
    loop = jnp.arange(N, dtype=edge_index.dtype)
    src = jnp.concatenate([edge_index[0], loop])
    dst = jnp.concatenate([edge_index[1], loop])
    deg = jnp.zeros((N,), jnp.float32).at[dst].add(1.0)
    dinv = jnp.where(deg > 0, 1.0 / jnp.sqrt(deg), 0.0)
    h = jnp.tanh(_gcn_conv(x, src, dst, dinv, W1, b1))
    h = jnp.tanh(_gcn_conv(h, src, dst, dinv, W2, b2))
    h = jnp.tanh(_gcn_conv(h, src, dst, dinv, W3, b3))
    embeddings = h
    out = embeddings @ Wc + bc
    return (out, embeddings)

if __name__ == "__main__":
    import jax
    _d = setup_inputs()
    print(jax.jit(kernel)(*tuple(_d.values())))

</pallas_src>

<mosaic_0001>
#map = affine_map<(d0, d1) -> (0, 0)>
#map1 = affine_map<(d0, d1) -> (0, 0, 0)>
module attributes {stable_mosaic.version = 14 : i64} {
  func.func @body(%arg0: i32, %arg1: i32, %arg2: memref<1664x1024xi32, #tpu.memory_space<hbm>>, %arg3: memref<1664x1024xi32, #tpu.memory_space<hbm>>, %arg4: memref<100352x8xf32, #tpu.memory_space<hbm>>, %arg5: memref<6272x8xf32, #tpu.memory_space<hbm>>, %arg6: memref<2x100352x8xf32, #tpu.memory_space<hbm>>, %arg7: memref<100352x8xf32, #tpu.memory_space<vmem_shared>>, %arg8: memref<2x2x1024xi32, #tpu.memory_space<vmem>>, %arg9: memref<2x2x1024xi32, #tpu.memory_space<vmem>>, %arg10: memref<2x1024x8xf32, #tpu.memory_space<vmem>>, %arg11: memref<!tpu.dma_semaphore, #tpu.memory_space<semaphore_mem>>, %arg12: memref<!tpu.dma_semaphore, #tpu.memory_space<semaphore_mem>>, %arg13: memref<!tpu.dma_semaphore, #tpu.memory_space<semaphore_mem>>, %arg14: memref<!tpu.dma_semaphore, #tpu.memory_space<semaphore_mem>>, %arg15: memref<!tpu.dma_semaphore, #tpu.memory_space<semaphore_mem>>, %arg16: memref<!tpu.dma_semaphore, #tpu.memory_space<semaphore_mem>>) attributes {dimension_semantics = [#tpu.dimension_semantics<core_parallel>, #tpu.dimension_semantics<subcore_parallel>], iteration_bounds = array<i64: 2, 16>, scalar_prefetch = 0 : i64, scratch_operands = 10 : i64, tpu.core_type = #tpu.core_type<sc_vector_subcore>, window_params = [{transform_indices = #map}, {transform_indices = #map}, {transform_indices = #map}, {transform_indices = #map}, {transform_indices = #map1}]} {
    %mul3A = arith.constant 16 : i32
    %mul3A_0 = arith.muli %arg0, %mul3A : i32
    %add3A = arith.addi %mul3A_0, %arg1 : i32
    %mul3A_1 = arith.constant 52 : i32
    %mul3A_2 = arith.muli %add3A, %mul3A_1 : i32
    %mul3A_3 = arith.constant 6272 : i32
    %mul3A_4 = arith.muli %arg1, %mul3A_3 : i32
    "tpu.region"() ({
      %run_scoped3A = tpu.sem_alloc : memref<!tpu.dma_semaphore, #tpu.memory_space<semaphore_mem>>
      %dma_start3A_112 = arith.constant 0 : i32
      %dma_start3A_113 = tpu.memref_slice %arg7[%mul3A_4, %dma_start3A_112] : memref<100352x8xf32, #tpu.memory_space<vmem_shared>> -> memref<6272x8xf32, #tpu.memory_space<vmem_shared>>
      tpu.enqueue_dma source(%arg5 : memref<6272x8xf32, #tpu.memory_space<hbm>>) target(%dma_start3A_113 : memref<6272x8xf32, #tpu.memory_space<vmem_shared>>) target_semaphore(%run_scoped3A : memref<!tpu.dma_semaphore, #tpu.memory_space<semaphore_mem>>)
      %dma_wait3A_114 = arith.constant 0 : i32
      %dma_wait3A_115 = tpu.memref_slice %arg7[%mul3A_4, %dma_wait3A_114] : memref<100352x8xf32, #tpu.memory_space<vmem_shared>> -> memref<6272x8xf32, #tpu.memory_space<vmem_shared>>
      tpu.wait_dma2 semaphore(%run_scoped3A : memref<!tpu.dma_semaphore, #tpu.memory_space<semaphore_mem>>) src(%arg5 : memref<6272x8xf32, #tpu.memory_space<hbm>>) dst(%dma_wait3A_115 : memref<6272x8xf32, #tpu.memory_space<vmem_shared>>)
      tpu.yield
    }) : () -> ()
    %add3A_5 = arith.constant 0 : i32
    %add3A_6 = arith.addi %mul3A_2, %add3A_5 : i32
    %dma_start3A = arith.constant 0 : i32
    %dma_start3A_7 = arith.constant 0 : i32
    %dma_start3A_8 = arith.constant 0 : i32
    %dma_start3A_9 = tpu.memref_slice %arg8[%dma_start3A, %dma_start3A_7, %dma_start3A_8] : memref<2x2x1024xi32, #tpu.memory_space<vmem>> -> memref<1x2x1024xi32, #tpu.memory_space<vmem>>
    %dma_start3A_10 = tpu.memref_squeeze %dma_start3A_9 : memref<1x2x1024xi32, #tpu.memory_space<vmem>> -> memref<2x1024xi32, #tpu.memory_space<vmem>>
    %dma_start3A_11 = arith.constant 0 : i32
    %dma_start3A_12 = tpu.memref_slice %arg2[%add3A_6, %dma_start3A_11] : memref<1664x1024xi32, #tpu.memory_space<hbm>> -> memref<2x1024xi32, #tpu.memory_space<hbm>>
    %dma_start3A_13 = arith.constant 0 : i32
    %dma_start3A_14 = arith.constant 0 : i32
    %dma_start3A_15 = tpu.memref_slice %arg8[%dma_start3A, %dma_start3A_13, %dma_start3A_14] : memref<2x2x1024xi32, #tpu.memory_space<vmem>> -> memref<1x2x1024xi32, #tpu.memory_space<vmem>>
    %dma_start3A_16 = tpu.memref_squeeze %dma_start3A_15 : memref<1x2x1024xi32, #tpu.memory_space<vmem>> -> memref<2x1024xi32, #tpu.memory_space<vmem>>
    %dma_start3A_17 = arith.constant 0 : i32
    %dma_start3A_18 = tpu.memref_slice %arg2[%add3A_6, %dma_start3A_17] : memref<1664x1024xi32, #tpu.memory_space<hbm>> -> memref<2x1024xi32, #tpu.memory_space<hbm>>
    tpu.enqueue_dma source(%dma_start3A_18 : memref<2x1024xi32, #tpu.memory_space<hbm>>) target(%dma_start3A_16 : memref<2x1024xi32, #tpu.memory_space<vmem>>) target_semaphore(%arg15 : memref<!tpu.dma_semaphore, #tpu.memory_space<semaphore_mem>>)
    %add3A_19 = arith.constant 0 : i32
    %add3A_20 = arith.addi %mul3A_2, %add3A_19 : i32
    %dma_start3A_21 = arith.constant 0 : i32
    %dma_start3A_22 = arith.constant 0 : i32
    %dma_start3A_23 = arith.constant 0 : i32
    %dma_start3A_24 = tpu.memref_slice %arg9[%dma_start3A_21, %dma_start3A_22, %dma_start3A_23] : memref<2x2x1024xi32, #tpu.memory_space<vmem>> -> memref<1x2x1024xi32, #tpu.memory_space<vmem>>
    %dma_start3A_25 = tpu.memref_squeeze %dma_start3A_24 : memref<1x2x1024xi32, #tpu.memory_space<vmem>> -> memref<2x1024xi32, #tpu.memory_space<vmem>>
    %dma_start3A_26 = arith.constant 0 : i32
    %dma_start3A_27 = tpu.memref_slice %arg3[%add3A_20, %dma_start3A_26] : memref<1664x1024xi32, #tpu.memory_space<hbm>> -> memref<2x1024xi32, #tpu.memory_space<hbm>>
    %dma_start3A_28 = arith.constant 0 : i32
    %dma_start3A_29 = arith.constant 0 : i32
    %dma_start3A_30 = tpu.memref_slice %arg9[%dma_start3A_21, %dma_start3A_28, %dma_start3A_29] : memref<2x2x1024xi32, #tpu.memory_space<vmem>> -> memref<1x2x1024xi32, #tpu.memory_space<vmem>>
    %dma_start3A_31 = tpu.memref_squeeze %dma_start3A_30 : memref<1x2x1024xi32, #tpu.memory_space<vmem>> -> memref<2x1024xi32, #tpu.memory_space<vmem>>
    %dma_start3A_32 = arith.constant 0 : i32
    %dma_start3A_33 = tpu.memref_slice %arg3[%add3A_20, %dma_start3A_32] : memref<1664x1024xi32, #tpu.memory_space<hbm>> -> memref<2x1024xi32, #tpu.memory_space<hbm>>
    tpu.enqueue_dma source(%dma_start3A_33 : memref<2x1024xi32, #tpu.memory_space<hbm>>) target(%dma_start3A_31 : memref<2x1024xi32, #tpu.memory_space<vmem>>) target_semaphore(%arg15 : memref<!tpu.dma_semaphore, #tpu.memory_space<semaphore_mem>>)
    %dma_wait3A = arith.constant 0 : i32
    %dma_wait3A_34 = arith.constant 0 : i32
    %dma_wait3A_35 = arith.constant 0 : i32
    %dma_wait3A_36 = tpu.memref_slice %arg8[%dma_wait3A, %dma_wait3A_34, %dma_wait3A_35] : memref<2x2x1024xi32, #tpu.memory_space<vmem>> -> memref<1x2x1024xi32, #tpu.memory_space<vmem>>
    %dma_wait3A_37 = tpu.memref_squeeze %dma_wait3A_36 : memref<1x2x1024xi32, #tpu.memory_space<vmem>> -> memref<2x1024xi32, #tpu.memory_space<vmem>>
    %dma_wait3A_38 = arith.constant 0 : i32
    %dma_wait3A_39 = arith.constant 0 : i32
    %dma_wait3A_40 = tpu.memref_slice %arg2[%dma_wait3A_38, %dma_wait3A_39] : memref<1664x1024xi32, #tpu.memory_space<hbm>> -> memref<2x1024xi32, #tpu.memory_space<hbm>>
    %dma_wait3A_41 = arith.constant 0 : i32
    %dma_wait3A_42 = arith.constant 0 : i32
    %dma_wait3A_43 = tpu.memref_slice %arg8[%dma_wait3A, %dma_wait3A_41, %dma_wait3A_42] : memref<2x2x1024xi32, #tpu.memory_space<vmem>> -> memref<1x2x1024xi32, #tpu.memory_space<vmem>>
    %dma_wait3A_44 = tpu.memref_squeeze %dma_wait3A_43 : memref<1x2x1024xi32, #tpu.memory_space<vmem>> -> memref<2x1024xi32, #tpu.memory_space<vmem>>
    %dma_wait3A_45 = arith.constant 0 : i32
    %dma_wait3A_46 = arith.constant 0 : i32
    %dma_wait3A_47 = tpu.memref_slice %arg2[%dma_wait3A_45, %dma_wait3A_46] : memref<1664x1024xi32, #tpu.memory_space<hbm>> -> memref<2x1024xi32, #tpu.memory_space<hbm>>
    tpu.wait_dma2 semaphore(%arg15 : memref<!tpu.dma_semaphore, #tpu.memory_space<semaphore_mem>>) src(%dma_wait3A_47 : memref<2x1024xi32, #tpu.memory_space<hbm>>) dst(%dma_wait3A_44 : memref<2x1024xi32, #tpu.memory_space<vmem>>)
    %dma_wait3A_48 = arith.constant 0 : i32
    %dma_wait3A_49 = arith.constant 0 : i32
    %dma_wait3A_50 = arith.constant 0 : i32
    %dma_wait3A_51 = tpu.memref_slice %arg9[%dma_wait3A_48, %dma_wait3A_49, %dma_wait3A_50] : memref<2x2x1024xi32, #tpu.memory_space<vmem>> -> memref<1x2x1024xi32, #tpu.memory_space<vmem>>
    %dma_wait3A_52 = tpu.memref_squeeze %dma_wait3A_51 : memref<1x2x1024xi32, #tpu.memory_space<vmem>> -> memref<2x1024xi32, #tpu.memory_space<vmem>>
    %dma_wait3A_53 = arith.constant 0 : i32
    %dma_wait3A_54 = arith.constant 0 : i32
    %dma_wait3A_55 = tpu.memref_slice %arg3[%dma_wait3A_53, %dma_wait3A_54] : memref<1664x1024xi32, #tpu.memory_space<hbm>> -> memref<2x1024xi32, #tpu.memory_space<hbm>>
    %dma_wait3A_56 = arith.constant 0 : i32
    %dma_wait3A_57 = arith.constant 0 : i32
    %dma_wait3A_58 = tpu.memref_slice %arg9[%dma_wait3A_48, %dma_wait3A_56, %dma_wait3A_57] : memref<2x2x1024xi32, #tpu.memory_space<vmem>> -> memref<1x2x1024xi32, #tpu.memory_space<vmem>>
    %dma_wait3A_59 = tpu.memref_squeeze %dma_wait3A_58 : memref<1x2x1024xi32, #tpu.memory_space<vmem>> -> memref<2x1024xi32, #tpu.memory_space<vmem>>
    %dma_wait3A_60 = arith.constant 0 : i32
    %dma_wait3A_61 = arith.constant 0 : i32
    %dma_wait3A_62 = tpu.memref_slice %arg3[%dma_wait3A_60, %dma_wait3A_61] : memref<1664x1024xi32, #tpu.memory_space<hbm>> -> memref<2x1024xi32, #tpu.memory_space<hbm>>
    tpu.wait_dma2 semaphore(%arg15 : memref<!tpu.dma_semaphore, #tpu.memory_space<semaphore_mem>>) src(%dma_wait3A_62 : memref<2x1024xi32, #tpu.memory_space<hbm>>) dst(%dma_wait3A_59 : memref<2x1024xi32, #tpu.memory_space<vmem>>)
    %dma_start3A_63 = arith.constant 0 : i32
    %dma_start3A_64 = arith.constant 0 : i32
    %dma_start3A_65 = arith.constant 0 : i32
    %dma_start3A_66 = arith.constant 0 : i32
    %dma_start3A_67 = arith.constant 0 : i32
    %dma_start3A_68 = tpu.memref_slice %arg10[%dma_start3A_65, %dma_start3A_66, %dma_start3A_67] : memref<2x1024x8xf32, #tpu.memory_space<vmem>> -> memref<1x1024x8xf32, #tpu.memory_space<vmem>>
    %dma_start3A_69 = tpu.memref_squeeze %dma_start3A_68 : memref<1x1024x8xf32, #tpu.memory_space<vmem>> -> memref<1024x8xf32, #tpu.memory_space<vmem>>
    %dma_start3A_70 = arith.constant 0 : i32
    %dma_start3A_71 = tpu.memref_slice %arg8[%dma_start3A_63, %dma_start3A_64, %dma_start3A_70] : memref<2x2x1024xi32, #tpu.memory_space<vmem>> -> memref<1x1x1024xi32, #tpu.memory_space<vmem>>
    %dma_start3A_72 = tpu.memref_squeeze %dma_start3A_71 : memref<1x1x1024xi32, #tpu.memory_space<vmem>> -> memref<1024xi32, #tpu.memory_space<vmem>>
    %dma_start3A_73 = arith.constant 0 : i32
    %dma_start3A_74 = arith.constant 0 : i32
    %dma_start3A_75 = tpu.memref_slice %arg4[%dma_start3A_73, %dma_start3A_74] : memref<100352x8xf32, #tpu.memory_space<hbm>> -> memref<100352x8xf32, #tpu.memory_space<hbm>>
    tpu.enqueue_indirect_dma source(%dma_start3A_75 : memref<100352x8xf32, #tpu.memory_space<hbm>>) target(%dma_start3A_69 : memref<1024x8xf32, #tpu.memory_space<vmem>>) offsets(%dma_start3A_72 : memref<1024xi32, #tpu.memory_space<vmem>>) semaphore(%arg11 : memref<!tpu.dma_semaphore, #tpu.memory_space<semaphore_mem>>)
    %barrier3A = arith.constant 0 : index
    tpu.barrier barrier_id(%barrier3A)
    %scan3A = arith.constant 0 : i32
    %scan3A_76 = arith.constant 0 : i32
    %scan3A_77 = arith.constant 13 : i32
    %scan3A_78 = arith.addi %scan3A_76, %scan3A_77 : i32
    %scan3A_79 = arith.constant 1 : i32
    scf.for %scan3A_112 = %scan3A_76 to %scan3A_78 step %scan3A_79  : i32 {
      %mul3A_113 = arith.constant 2 : i32
      %mul3A_114 = arith.muli %scan3A_112, %mul3A_113 : i32
      %add3A_115 = arith.constant 0 : i32
      %add3A_116 = arith.addi %mul3A_114, %add3A_115 : i32
      %mul3A_117 = arith.constant 2 : i32
      %mul3A_118 = arith.muli %add3A_116, %mul3A_117 : i32
      %add3A_119 = arith.constant 0 : i32
      %add3A_120 = arith.addi %mul3A_118, %add3A_119 : i32
      %add3A_121 = arith.constant 1 : i32
      %add3A_122 = arith.addi %add3A_120, %add3A_121 : i32
      %ge3A = arith.constant 2 : i32
      %ge3A_123 = arith.cmpi sge, %add3A_122, %ge3A : i32
      %lt3A = arith.constant 52 : i32
      %lt3A_124 = arith.cmpi slt, %add3A_122, %lt3A : i32
      %and3A = arith.andi %ge3A_123, %lt3A_124 : i1
      %convert_element_type3A = arith.extui %and3A : i1 to i32
      %cond3A = arith.constant 0 : i32
      %cond3A_125 = arith.cmpi ne, %convert_element_type3A, %cond3A : i32
      scf.if %cond3A_125 {
        %dma_wait3A_324 = arith.constant 1 : i32
        %dma_wait3A_325 = arith.constant 0 : i32
        %dma_wait3A_326 = arith.constant 0 : i32
        %dma_wait3A_327 = arith.constant 0 : i32
        %dma_wait3A_328 = arith.constant 0 : i32
        %dma_wait3A_329 = tpu.memref_slice %arg10[%dma_wait3A_324, %dma_wait3A_327, %dma_wait3A_328] : memref<2x1024x8xf32, #tpu.memory_space<vmem>> -> memref<1x1024x8xf32, #tpu.memory_space<vmem>>
        %dma_wait3A_330 = tpu.memref_squeeze %dma_wait3A_329 : memref<1x1024x8xf32, #tpu.memory_space<vmem>> -> memref<1024x8xf32, #tpu.memory_space<vmem>>
        %dma_wait3A_331 = arith.constant 0 : i32
        %dma_wait3A_332 = tpu.memref_slice %arg9[%dma_wait3A_325, %dma_wait3A_326, %dma_wait3A_331] : memref<2x2x1024xi32, #tpu.memory_space<vmem>> -> memref<1x1x1024xi32, #tpu.memory_space<vmem>>
        %dma_wait3A_333 = tpu.memref_squeeze %dma_wait3A_332 : memref<1x1x1024xi32, #tpu.memory_space<vmem>> -> memref<1024xi32, #tpu.memory_space<vmem>>
        %dma_wait3A_334 = arith.constant 0 : i32
        %dma_wait3A_335 = arith.constant 0 : i32
        %dma_wait3A_336 = tpu.memref_slice %arg7[%dma_wait3A_334, %dma_wait3A_335] : memref<100352x8xf32, #tpu.memory_space<vmem_shared>> -> memref<100352x8xf32, #tpu.memory_space<vmem_shared>>
        tpu.wait_indirect_dma semaphore(%arg14 : memref<!tpu.dma_semaphore, #tpu.memory_space<semaphore_mem>>) src(%dma_wait3A_330 : memref<1024x8xf32, #tpu.memory_space<vmem>>) dst(%dma_wait3A_336 : memref<100352x8xf32, #tpu.memory_space<vmem_shared>>)
      } else {
      }
      %lt3A_126 = arith.constant 52 : i32
      %lt3A_127 = arith.cmpi slt, %add3A_122, %lt3A_126 : i32
      %convert_element_type3A_128 = arith.extui %lt3A_127 : i1 to i32
      %cond3A_129 = arith.constant 0 : i32
      %cond3A_130 = arith.cmpi ne, %convert_element_type3A_128, %cond3A_129 : i32
      scf.if %cond3A_130 {
        %dma_start3A_324 = arith.constant 0 : i32
        %dma_start3A_325 = arith.constant 1 : i32
        %dma_start3A_326 = arith.constant 1 : i32
        %dma_start3A_327 = arith.constant 0 : i32
        %dma_start3A_328 = arith.constant 0 : i32
        %dma_start3A_329 = tpu.memref_slice %arg10[%dma_start3A_326, %dma_start3A_327, %dma_start3A_328] : memref<2x1024x8xf32, #tpu.memory_space<vmem>> -> memref<1x1024x8xf32, #tpu.memory_space<vmem>>
        %dma_start3A_330 = tpu.memref_squeeze %dma_start3A_329 : memref<1x1024x8xf32, #tpu.memory_space<vmem>> -> memref<1024x8xf32, #tpu.memory_space<vmem>>
        %dma_start3A_331 = arith.constant 0 : i32
        %dma_start3A_332 = tpu.memref_slice %arg8[%dma_start3A_324, %dma_start3A_325, %dma_start3A_331] : memref<2x2x1024xi32, #tpu.memory_space<vmem>> -> memref<1x1x1024xi32, #tpu.memory_space<vmem>>
        %dma_start3A_333 = tpu.memref_squeeze %dma_start3A_332 : memref<1x1x1024xi32, #tpu.memory_space<vmem>> -> memref<1024xi32, #tpu.memory_space<vmem>>
        %dma_start3A_334 = arith.constant 0 : i32
        %dma_start3A_335 = arith.constant 0 : i32
        %dma_start3A_336 = tpu.memref_slice %arg4[%dma_start3A_334, %dma_start3A_335] : memref<100352x8xf32, #tpu.memory_space<hbm>> -> memref<100352x8xf32, #tpu.memory_space<hbm>>
        tpu.enqueue_indirect_dma source(%dma_start3A_336 : memref<100352x8xf32, #tpu.memory_space<hbm>>) target(%dma_start3A_330 : memref<1024x8xf32, #tpu.memory_space<vmem>>) offsets(%dma_start3A_333 : memref<1024xi32, #tpu.memory_space<vmem>>) semaphore(%arg12 : memref<!tpu.dma_semaphore, #tpu.memory_space<semaphore_mem>>)
      } else {
      }
      %dma_wait3A_131 = arith.constant 0 : i32
      %dma_wait3A_132 = arith.constant 0 : i32
      %dma_wait3A_133 = arith.constant 0 : i32
      %dma_wait3A_134 = arith.constant 0 : i32
      %dma_wait3A_135 = arith.constant 0 : i32
      %dma_wait3A_136 = tpu.memref_slice %arg10[%dma_wait3A_133, %dma_wait3A_134, %dma_wait3A_135] : memref<2x1024x8xf32, #tpu.memory_space<vmem>> -> memref<1x1024x8xf32, #tpu.memory_space<vmem>>
      %dma_wait3A_137 = tpu.memref_squeeze %dma_wait3A_136 : memref<1x1024x8xf32, #tpu.memory_space<vmem>> -> memref<1024x8xf32, #tpu.memory_space<vmem>>
      %dma_wait3A_138 = arith.constant 0 : i32
      %dma_wait3A_139 = tpu.memref_slice %arg8[%dma_wait3A_131, %dma_wait3A_132, %dma_wait3A_138] : memref<2x2x1024xi32, #tpu.memory_space<vmem>> -> memref<1x1x1024xi32, #tpu.memory_space<vmem>>
      %dma_wait3A_140 = tpu.memref_squeeze %dma_wait3A_139 : memref<1x1x1024xi32, #tpu.memory_space<vmem>> -> memref<1024xi32, #tpu.memory_space<vmem>>
      %dma_wait3A_141 = arith.constant 0 : i32
      %dma_wait3A_142 = arith.constant 0 : i32
      %dma_wait3A_143 = tpu.memref_slice %arg4[%dma_wait3A_141, %dma_wait3A_142] : memref<100352x8xf32, #tpu.memory_space<hbm>> -> memref<100352x8xf32, #tpu.memory_space<hbm>>
      tpu.wait_indirect_dma semaphore(%arg11 : memref<!tpu.dma_semaphore, #tpu.memory_space<semaphore_mem>>) src(%dma_wait3A_143 : memref<100352x8xf32, #tpu.memory_space<hbm>>) dst(%dma_wait3A_137 : memref<1024x8xf32, #tpu.memory_space<vmem>>)
      %dma_start3A_144 = arith.constant 0 : i32
      %dma_start3A_145 = arith.constant 0 : i32
      %dma_start3A_146 = arith.constant 0 : i32
      %dma_start3A_147 = arith.constant 0 : i32
      %dma_start3A_148 = arith.constant 0 : i32
      %dma_start3A_149 = tpu.memref_slice %arg10[%dma_start3A_144, %dma_start3A_147, %dma_start3A_148] : memref<2x1024x8xf32, #tpu.memory_space<vmem>> -> memref<1x1024x8xf32, #tpu.memory_space<vmem>>
      %dma_start3A_150 = tpu.memref_squeeze %dma_start3A_149 : memref<1x1024x8xf32, #tpu.memory_space<vmem>> -> memref<1024x8xf32, #tpu.memory_space<vmem>>
      %dma_start3A_151 = arith.constant 0 : i32
      %dma_start3A_152 = tpu.memref_slice %arg9[%dma_start3A_145, %dma_start3A_146, %dma_start3A_151] : memref<2x2x1024xi32, #tpu.memory_space<vmem>> -> memref<1x1x1024xi32, #tpu.memory_space<vmem>>
      %dma_start3A_153 = tpu.memref_squeeze %dma_start3A_152 : memref<1x1x1024xi32, #tpu.memory_space<vmem>> -> memref<1024xi32, #tpu.memory_space<vmem>>
      %dma_start3A_154 = arith.constant 0 : i32
      %dma_start3A_155 = arith.constant 0 : i32
      %dma_start3A_156 = tpu.memref_slice %arg7[%dma_start3A_154, %dma_start3A_155] : memref<100352x8xf32, #tpu.memory_space<vmem_shared>> -> memref<100352x8xf32, #tpu.memory_space<vmem_shared>>
      tpu.enqueue_indirect_dma source(%dma_start3A_150 : memref<1024x8xf32, #tpu.memory_space<vmem>>) target(%dma_start3A_156 : memref<100352x8xf32, #tpu.memory_space<vmem_shared>>) offsets(%dma_start3A_153 : memref<1024xi32, #tpu.memory_space<vmem>>) semaphore(%arg13 : memref<!tpu.dma_semaphore, #tpu.memory_space<semaphore_mem>>) {add = true}
      %add3A_157 = arith.constant 1 : i32
      %add3A_158 = arith.addi %add3A_116, %add3A_157 : i32
      %lt3A_159 = arith.constant 26 : i32
      %lt3A_160 = arith.cmpi slt, %add3A_158, %lt3A_159 : i32
      %convert_element_type3A_161 = arith.extui %lt3A_160 : i1 to i32
      %cond3A_162 = arith.constant 0 : i32
      %cond3A_163 = arith.cmpi ne, %convert_element_type3A_161, %cond3A_162 : i32
      scf.if %cond3A_163 {
        %add3A_324 = arith.constant 1 : i32
        %add3A_325 = arith.addi %add3A_116, %add3A_324 : i32
        %mul3A_326 = arith.constant 2 : i32
        %mul3A_327 = arith.muli %add3A_325, %mul3A_326 : i32
        %add3A_328 = arith.addi %mul3A_2, %mul3A_327 : i32
        %dma_start3A_329 = arith.constant 1 : i32
        %dma_start3A_330 = arith.constant 0 : i32
        %dma_start3A_331 = arith.constant 0 : i32
        %dma_start3A_332 = tpu.memref_slice %arg8[%dma_start3A_329, %dma_start3A_330, %dma_start3A_331] : memref<2x2x1024xi32, #tpu.memory_space<vmem>> -> memref<1x2x1024xi32, #tpu.memory_space<vmem>>
        %dma_start3A_333 = tpu.memref_squeeze %dma_start3A_332 : memref<1x2x1024xi32, #tpu.memory_space<vmem>> -> memref<2x1024xi32, #tpu.memory_space<vmem>>
        %dma_start3A_334 = arith.constant 0 : i32
        %dma_start3A_335 = tpu.memref_slice %arg2[%add3A_328, %dma_start3A_334] : memref<1664x1024xi32, #tpu.memory_space<hbm>> -> memref<2x1024xi32, #tpu.memory_space<hbm>>
        %dma_start3A_336 = arith.constant 0 : i32
        %dma_start3A_337 = arith.constant 0 : i32
        %dma_start3A_338 = tpu.memref_slice %arg8[%dma_start3A_329, %dma_start3A_336, %dma_start3A_337] : memref<2x2x1024xi32, #tpu.memory_space<vmem>> -> memref<1x2x1024xi32, #tpu.memory_space<vmem>>
        %dma_start3A_339 = tpu.memref_squeeze %dma_start3A_338 : memref<1x2x1024xi32, #tpu.memory_space<vmem>> -> memref<2x1024xi32, #tpu.memory_space<vmem>>
        %dma_start3A_340 = arith.constant 0 : i32
        %dma_start3A_341 = tpu.memref_slice %arg2[%add3A_328, %dma_start3A_340] : memref<1664x1024xi32, #tpu.memory_space<hbm>> -> memref<2x1024xi32, #tpu.memory_space<hbm>>
        tpu.enqueue_dma source(%dma_start3A_341 : memref<2x1024xi32, #tpu.memory_space<hbm>>) target(%dma_start3A_339 : memref<2x1024xi32, #tpu.memory_space<vmem>>) target_semaphore(%arg16 : memref<!tpu.dma_semaphore, #tpu.memory_space<semaphore_mem>>)
        %mul3A_342 = arith.constant 2 : i32
        %mul3A_343 = arith.muli %add3A_325, %mul3A_342 : i32
        %add3A_344 = arith.addi %mul3A_2, %mul3A_343 : i32
        %dma_start3A_345 = arith.constant 1 : i32
        %dma_start3A_346 = arith.constant 0 : i32
        %dma_start3A_347 = arith.constant 0 : i32
        %dma_start3A_348 = tpu.memref_slice %arg9[%dma_start3A_345, %dma_start3A_346, %dma_start3A_347] : memref<2x2x1024xi32, #tpu.memory_space<vmem>> -> memref<1x2x1024xi32, #tpu.memory_space<vmem>>
        %dma_start3A_349 = tpu.memref_squeeze %dma_start3A_348 : memref<1x2x1024xi32, #tpu.memory_space<vmem>> -> memref<2x1024xi32, #tpu.memory_space<vmem>>
        %dma_start3A_350 = arith.constant 0 : i32
        %dma_start3A_351 = tpu.memref_slice %arg3[%add3A_344, %dma_start3A_350] : memref<1664x1024xi32, #tpu.memory_space<hbm>> -> memref<2x1024xi32, #tpu.memory_space<hbm>>
        %dma_start3A_352 = arith.constant 0 : i32
        %dma_start3A_353 = arith.constant 0 : i32
        %dma_start3A_354 = tpu.memref_slice %arg9[%dma_start3A_345, %dma_start3A_352, %dma_start3A_353] : memref<2x2x1024xi32, #tpu.memory_space<vmem>> -> memref<1x2x1024xi32, #tpu.memory_space<vmem>>
        %dma_start3A_355 = tpu.memref_squeeze %dma_start3A_354 : memref<1x2x1024xi32, #tpu.memory_space<vmem>> -> memref<2x1024xi32, #tpu.memory_space<vmem>>
        %dma_start3A_356 = arith.constant 0 : i32
        %dma_start3A_357 = tpu.memref_slice %arg3[%add3A_344, %dma_start3A_356] : memref<1664x1024xi32, #tpu.memory_space<hbm>> -> memref<2x1024xi32, #tpu.memory_space<hbm>>
        tpu.enqueue_dma source(%dma_start3A_357 : memref<2x1024xi32, #tpu.memory_space<hbm>>) target(%dma_start3A_355 : memref<2x1024xi32, #tpu.memory_space<vmem>>) target_semaphore(%arg16 : memref<!tpu.dma_semaphore, #tpu.memory_space<semaphore_mem>>)
      } else {
      }
      %mul3A_164 = arith.constant 2 : i32
      %mul3A_165 = arith.muli %add3A_116, %mul3A_164 : i32
      %add3A_166 = arith.constant 1 : i32
      %add3A_167 = arith.addi %mul3A_165, %add3A_166 : i32
      %add3A_168 = arith.constant 1 : i32
      %add3A_169 = arith.addi %add3A_167, %add3A_168 : i32
      %ge3A_170 = arith.constant 2 : i32
      %ge3A_171 = arith.cmpi sge, %add3A_169, %ge3A_170 : i32
      %lt3A_172 = arith.constant 52 : i32
      %lt3A_173 = arith.cmpi slt, %add3A_169, %lt3A_172 : i32
      %and3A_174 = arith.andi %ge3A_171, %lt3A_173 : i1
      %convert_element_type3A_175 = arith.extui %and3A_174 : i1 to i32
      %cond3A_176 = arith.constant 0 : i32
      %cond3A_177 = arith.cmpi ne, %convert_element_type3A_175, %cond3A_176 : i32
      scf.if %cond3A_177 {
        %dma_wait3A_324 = arith.constant 0 : i32
        %dma_wait3A_325 = arith.constant 0 : i32
        %dma_wait3A_326 = arith.constant 0 : i32
        %dma_wait3A_327 = arith.constant 0 : i32
        %dma_wait3A_328 = arith.constant 0 : i32
        %dma_wait3A_329 = tpu.memref_slice %arg10[%dma_wait3A_324, %dma_wait3A_327, %dma_wait3A_328] : memref<2x1024x8xf32, #tpu.memory_space<vmem>> -> memref<1x1024x8xf32, #tpu.memory_space<vmem>>
        %dma_wait3A_330 = tpu.memref_squeeze %dma_wait3A_329 : memref<1x1024x8xf32, #tpu.memory_space<vmem>> -> memref<1024x8xf32, #tpu.memory_space<vmem>>
        %dma_wait3A_331 = arith.constant 0 : i32
        %dma_wait3A_332 = tpu.memref_slice %arg9[%dma_wait3A_325, %dma_wait3A_326, %dma_wait3A_331] : memref<2x2x1024xi32, #tpu.memory_space<vmem>> -> memref<1x1x1024xi32, #tpu.memory_space<vmem>>
        %dma_wait3A_333 = tpu.memref_squeeze %dma_wait3A_332 : memref<1x1x1024xi32, #tpu.memory_space<vmem>> -> memref<1024xi32, #tpu.memory_space<vmem>>
        %dma_wait3A_334 = arith.constant 0 : i32
        %dma_wait3A_335 = arith.constant 0 : i32
        %dma_wait3A_336 = tpu.memref_slice %arg7[%dma_wait3A_334, %dma_wait3A_335] : memref<100352x8xf32, #tpu.memory_space<vmem_shared>> -> memref<100352x8xf32, #tpu.memory_space<vmem_shared>>
        tpu.wait_indirect_dma semaphore(%arg13 : memref<!tpu.dma_semaphore, #tpu.memory_space<semaphore_mem>>) src(%dma_wait3A_330 : memref<1024x8xf32, #tpu.memory_space<vmem>>) dst(%dma_wait3A_336 : memref<100352x8xf32, #tpu.memory_space<vmem_shared>>)
      } else {
      }
      %add3A_178 = arith.constant 1 : i32
      %add3A_179 = arith.addi %add3A_116, %add3A_178 : i32
      %lt3A_180 = arith.constant 26 : i32
      %lt3A_181 = arith.cmpi slt, %add3A_179, %lt3A_180 : i32
      %convert_element_type3A_182 = arith.extui %lt3A_181 : i1 to i32
      %cond3A_183 = arith.constant 0 : i32
      %cond3A_184 = arith.cmpi ne, %convert_element_type3A_182, %cond3A_183 : i32
      scf.if %cond3A_184 {
        %dma_wait3A_324 = arith.constant 1 : i32
        %dma_wait3A_325 = arith.constant 0 : i32
        %dma_wait3A_326 = arith.constant 0 : i32
        %dma_wait3A_327 = tpu.memref_slice %arg8[%dma_wait3A_324, %dma_wait3A_325, %dma_wait3A_326] : memref<2x2x1024xi32, #tpu.memory_space<vmem>> -> memref<1x2x1024xi32, #tpu.memory_space<vmem>>
        %dma_wait3A_328 = tpu.memref_squeeze %dma_wait3A_327 : memref<1x2x1024xi32, #tpu.memory_space<vmem>> -> memref<2x1024xi32, #tpu.memory_space<vmem>>
        %dma_wait3A_329 = arith.constant 0 : i32
        %dma_wait3A_330 = arith.constant 0 : i32
        %dma_wait3A_331 = tpu.memref_slice %arg2[%dma_wait3A_329, %dma_wait3A_330] : memref<1664x1024xi32, #tpu.memory_space<hbm>> -> memref<2x1024xi32, #tpu.memory_space<hbm>>
        %dma_wait3A_332 = arith.constant 0 : i32
        %dma_wait3A_333 = arith.constant 0 : i32
        %dma_wait3A_334 = tpu.memref_slice %arg8[%dma_wait3A_324, %dma_wait3A_332, %dma_wait3A_333] : memref<2x2x1024xi32, #tpu.memory_space<vmem>> -> memref<1x2x1024xi32, #tpu.memory_space<vmem>>
        %dma_wait3A_335 = tpu.memref_squeeze %dma_wait3A_334 : memref<1x2x1024xi32, #tpu.memory_space<vmem>> -> memref<2x1024xi32, #tpu.memory_space<vmem>>
        %dma_wait3A_336 = arith.constant 0 : i32
        %dma_wait3A_337 = arith.constant 0 : i32
        %dma_wait3A_338 = tpu.memref_slice %arg2[%dma_wait3A_336, %dma_wait3A_337] : memref<1664x1024xi32, #tpu.memory_space<hbm>> -> memref<2x1024xi32, #tpu.memory_space<hbm>>
        tpu.wait_dma2 semaphore(%arg16 : memref<!tpu.dma_semaphore, #tpu.memory_space<semaphore_mem>>) src(%dma_wait3A_338 : memref<2x1024xi32, #tpu.memory_space<hbm>>) dst(%dma_wait3A_335 : memref<2x1024xi32, #tpu.memory_space<vmem>>)
        %dma_wait3A_339 = arith.constant 1 : i32
        %dma_wait3A_340 = arith.constant 0 : i32
        %dma_wait3A_341 = arith.constant 0 : i32
        %dma_wait3A_342 = tpu.memref_slice %arg9[%dma_wait3A_339, %dma_wait3A_340, %dma_wait3A_341] : memref<2x2x1024xi32, #tpu.memory_space<vmem>> -> memref<1x2x1024xi32, #tpu.memory_space<vmem>>
        %dma_wait3A_343 = tpu.memref_squeeze %dma_wait3A_342 : memref<1x2x1024xi32, #tpu.memory_space<vmem>> -> memref<2x1024xi32, #tpu.memory_space<vmem>>
        %dma_wait3A_344 = arith.constant 0 : i32
        %dma_wait3A_345 = arith.constant 0 : i32
        %dma_wait3A_346 = tpu.memref_slice %arg3[%dma_wait3A_344, %dma_wait3A_345] : memref<1664x1024xi32, #tpu.memory_space<hbm>> -> memref<2x1024xi32, #tpu.memory_space<hbm>>
        %dma_wait3A_347 = arith.constant 0 : i32
        %dma_wait3A_348 = arith.constant 0 : i32
        %dma_wait3A_349 = tpu.memref_slice %arg9[%dma_wait3A_339, %dma_wait3A_347, %dma_wait3A_348] : memref<2x2x1024xi32, #tpu.memory_space<vmem>> -> memref<1x2x1024xi32, #tpu.memory_space<vmem>>
        %dma_wait3A_350 = tpu.memref_squeeze %dma_wait3A_349 : memref<1x2x1024xi32, #tpu.memory_space<vmem>> -> memref<2x1024xi32, #tpu.memory_space<vmem>>
        %dma_wait3A_351 = arith.constant 0 : i32
        %dma_wait3A_352 = arith.constant 0 : i32
        %dma_wait3A_353 = tpu.memref_slice %arg3[%dma_wait3A_351, %dma_wait3A_352] : memref<1664x1024xi32, #tpu.memory_space<hbm>> -> memref<2x1024xi32, #tpu.memory_space<hbm>>
        tpu.wait_dma2 semaphore(%arg16 : memref<!tpu.dma_semaphore, #tpu.memory_space<semaphore_mem>>) src(%dma_wait3A_353 : memref<2x1024xi32, #tpu.memory_space<hbm>>) dst(%dma_wait3A_350 : memref<2x1024xi32, #tpu.memory_space<vmem>>)
      } else {
      }
      %lt3A_185 = arith.constant 52 : i32
      %lt3A_186 = arith.cmpi slt, %add3A_169, %lt3A_185 : i32
      %convert_element_type3A_187 = arith.extui %lt3A_186 : i1 to i32
      %cond3A_188 = arith.constant 0 : i32
      %cond3A_189 = arith.cmpi ne, %convert_element_type3A_187, %cond3A_188 : i32
      scf.if %cond3A_189 {
        %dma_start3A_324 = arith.constant 1 : i32
        %dma_start3A_325 = arith.constant 0 : i32
        %dma_start3A_326 = arith.constant 0 : i32
        %dma_start3A_327 = arith.constant 0 : i32
        %dma_start3A_328 = arith.constant 0 : i32
        %dma_start3A_329 = tpu.memref_slice %arg10[%dma_start3A_326, %dma_start3A_327, %dma_start3A_328] : memref<2x1024x8xf32, #tpu.memory_space<vmem>> -> memref<1x1024x8xf32, #tpu.memory_space<vmem>>
        %dma_start3A_330 = tpu.memref_squeeze %dma_start3A_329 : memref<1x1024x8xf32, #tpu.memory_space<vmem>> -> memref<1024x8xf32, #tpu.memory_space<vmem>>
        %dma_start3A_331 = arith.constant 0 : i32
        %dma_start3A_332 = tpu.memref_slice %arg8[%dma_start3A_324, %dma_start3A_325, %dma_start3A_331] : memref<2x2x1024xi32, #tpu.memory_space<vmem>> -> memref<1x1x1024xi32, #tpu.memory_space<vmem>>
        %dma_start3A_333 = tpu.memref_squeeze %dma_start3A_332 : memref<1x1x1024xi32, #tpu.memory_space<vmem>> -> memref<1024xi32, #tpu.memory_space<vmem>>
        %dma_start3A_334 = arith.constant 0 : i32
        %dma_start3A_335 = arith.constant 0 : i32
        %dma_start3A_336 = tpu.memref_slice %arg4[%dma_start3A_334, %dma_start3A_335] : memref<100352x8xf32, #tpu.memory_space<hbm>> -> memref<100352x8xf32, #tpu.memory_space<hbm>>
        tpu.enqueue_indirect_dma source(%dma_start3A_336 : memref<100352x8xf32, #tpu.memory_space<hbm>>) target(%dma_start3A_330 : memref<1024x8xf32, #tpu.memory_space<vmem>>) offsets(%dma_start3A_333 : memref<1024xi32, #tpu.memory_space<vmem>>) semaphore(%arg11 : memref<!tpu.dma_semaphore, #tpu.memory_space<semaphore_mem>>)
      } else {
      }
      %dma_wait3A_190 = arith.constant 0 : i32
      %dma_wait3A_191 = arith.constant 1 : i32
      %dma_wait3A_192 = arith.constant 1 : i32
      %dma_wait3A_193 = arith.constant 0 : i32
      %dma_wait3A_194 = arith.constant 0 : i32
      %dma_wait3A_195 = tpu.memref_slice %arg10[%dma_wait3A_192, %dma_wait3A_193, %dma_wait3A_194] : memref<2x1024x8xf32, #tpu.memory_space<vmem>> -> memref<1x1024x8xf32, #tpu.memory_space<vmem>>
      %dma_wait3A_196 = tpu.memref_squeeze %dma_wait3A_195 : memref<1x1024x8xf32, #tpu.memory_space<vmem>> -> memref<1024x8xf32, #tpu.memory_space<vmem>>
      %dma_wait3A_197 = arith.constant 0 : i32
      %dma_wait3A_198 = tpu.memref_slice %arg8[%dma_wait3A_190, %dma_wait3A_191, %dma_wait3A_197] : memref<2x2x1024xi32, #tpu.memory_space<vmem>> -> memref<1x1x1024xi32, #tpu.memory_space<vmem>>
      %dma_wait3A_199 = tpu.memref_squeeze %dma_wait3A_198 : memref<1x1x1024xi32, #tpu.memory_space<vmem>> -> memref<1024xi32, #tpu.memory_space<vmem>>
      %dma_wait3A_200 = arith.constant 0 : i32
      %dma_wait3A_201 = arith.constant 0 : i32
      %dma_wait3A_202 = tpu.memref_slice %arg4[%dma_wait3A_200, %dma_wait3A_201] : memref<100352x8xf32, #tpu.memory_space<hbm>> -> memref<100352x8xf32, #tpu.memory_space<hbm>>
      tpu.wait_indirect_dma semaphore(%arg12 : memref<!tpu.dma_semaphore, #tpu.memory_space<semaphore_mem>>) src(%dma_wait3A_202 : memref<100352x8xf32, #tpu.memory_space<hbm>>) dst(%dma_wait3A_196 : memref<1024x8xf32, #tpu.memory_space<vmem>>)
      %dma_start3A_203 = arith.constant 1 : i32
      %dma_start3A_204 = arith.constant 0 : i32
      %dma_start3A_205 = arith.constant 1 : i32
      %dma_start3A_206 = arith.constant 0 : i32
      %dma_start3A_207 = arith.constant 0 : i32
      %dma_start3A_208 = tpu.memref_slice %arg10[%dma_start3A_203, %dma_start3A_206, %dma_start3A_207] : memref<2x1024x8xf32, #tpu.memory_space<vmem>> -> memref<1x1024x8xf32, #tpu.memory_space<vmem>>
      %dma_start3A_209 = tpu.memref_squeeze %dma_start3A_208 : memref<1x1024x8xf32, #tpu.memory_space<vmem>> -> memref<1024x8xf32, #tpu.memory_space<vmem>>
      %dma_start3A_210 = arith.constant 0 : i32
      %dma_start3A_211 = tpu.memref_slice %arg9[%dma_start3A_204, %dma_start3A_205, %dma_start3A_210] : memref<2x2x1024xi32, #tpu.memory_space<vmem>> -> memref<1x1x1024xi32, #tpu.memory_space<vmem>>
      %dma_start3A_212 = tpu.memref_squeeze %dma_start3A_211 : memref<1x1x1024xi32, #tpu.memory_space<vmem>> -> memref<1024xi32, #tpu.memory_space<vmem>>
      %dma_start3A_213 = arith.constant 0 : i32
      %dma_start3A_214 = arith.constant 0 : i32
      %dma_start3A_215 = tpu.memref_slice %arg7[%dma_start3A_213, %dma_start3A_214] : memref<100352x8xf32, #tpu.memory_space<vmem_shared>> -> memref<100352x8xf32, #tpu.memory_space<vmem_shared>>
      tpu.enqueue_indirect_dma source(%dma_start3A_209 : memref<1024x8xf32, #tpu.memory_space<vmem>>) target(%dma_start3A_215 : memref<100352x8xf32, #tpu.memory_space<vmem_shared>>) offsets(%dma_start3A_212 : memref<1024xi32, #tpu.memory_space<vmem>>) semaphore(%arg14 : memref<!tpu.dma_semaphore, #tpu.memory_space<semaphore_mem>>) {add = true}
      %mul3A_216 = arith.constant 2 : i32
      %mul3A_217 = arith.muli %scan3A_112, %mul3A_216 : i32
      %add3A_218 = arith.constant 1 : i32
      %add3A_219 = arith.addi %mul3A_217, %add3A_218 : i32
      %mul3A_220 = arith.constant 2 : i32
      %mul3A_221 = arith.muli %add3A_219, %mul3A_220 : i32
      %add3A_222 = arith.constant 0 : i32
      %add3A_223 = arith.addi %mul3A_221, %add3A_222 : i32
      %add3A_224 = arith.constant 1 : i32
      %add3A_225 = arith.addi %add3A_223, %add3A_224 : i32
      %ge3A_226 = arith.constant 2 : i32
      %ge3A_227 = arith.cmpi sge, %add3A_225, %ge3A_226 : i32
      %lt3A_228 = arith.constant 52 : i32
      %lt3A_229 = arith.cmpi slt, %add3A_225, %lt3A_228 : i32
      %and3A_230 = arith.andi %ge3A_227, %lt3A_229 : i1
      %convert_element_type3A_231 = arith.extui %and3A_230 : i1 to i32
      %cond3A_232 = arith.constant 0 : i32
      %cond3A_233 = arith.cmpi ne, %convert_element_type3A_231, %cond3A_232 : i32
      scf.if %cond3A_233 {
        %dma_wait3A_324 = arith.constant 1 : i32
        %dma_wait3A_325 = arith.constant 0 : i32
        %dma_wait3A_326 = arith.constant 0 : i32
        %dma_wait3A_327 = arith.constant 0 : i32
        %dma_wait3A_328 = arith.constant 0 : i32
        %dma_wait3A_329 = tpu.memref_slice %arg10[%dma_wait3A_324, %dma_wait3A_327, %dma_wait3A_328] : memref<2x1024x8xf32, #tpu.memory_space<vmem>> -> memref<1x1024x8xf32, #tpu.memory_space<vmem>>
        %dma_wait3A_330 = tpu.memref_squeeze %dma_wait3A_329 : memref<1x1024x8xf32, #tpu.memory_space<vmem>> -> memref<1024x8xf32, #tpu.memory_space<vmem>>
        %dma_wait3A_331 = arith.constant 0 : i32
        %dma_wait3A_332 = tpu.memref_slice %arg9[%dma_wait3A_325, %dma_wait3A_326, %dma_wait3A_331] : memref<2x2x1024xi32, #tpu.memory_space<vmem>> -> memref<1x1x1024xi32, #tpu.memory_space<vmem>>
        %dma_wait3A_333 = tpu.memref_squeeze %dma_wait3A_332 : memref<1x1x1024xi32, #tpu.memory_space<vmem>> -> memref<1024xi32, #tpu.memory_space<vmem>>
        %dma_wait3A_334 = arith.constant 0 : i32
        %dma_wait3A_335 = arith.constant 0 : i32
        %dma_wait3A_336 = tpu.memref_slice %arg7[%dma_wait3A_334, %dma_wait3A_335] : memref<100352x8xf32, #tpu.memory_space<vmem_shared>> -> memref<100352x8xf32, #tpu.memory_space<vmem_shared>>
        tpu.wait_indirect_dma semaphore(%arg14 : memref<!tpu.dma_semaphore, #tpu.memory_space<semaphore_mem>>) src(%dma_wait3A_330 : memref<1024x8xf32, #tpu.memory_space<vmem>>) dst(%dma_wait3A_336 : memref<100352x8xf32, #tpu.memory_space<vmem_shared>>)
      } else {
      }
      %lt3A_234 = arith.constant 52 : i32
      %lt3A_235 = arith.cmpi slt, %add3A_225, %lt3A_234 : i32
      %convert_element_type3A_236 = arith.extui %lt3A_235 : i1 to i32
      %cond3A_237 = arith.constant 0 : i32
      %cond3A_238 = arith.cmpi ne, %convert_element_type3A_236, %cond3A_237 : i32
      scf.if %cond3A_238 {
        %dma_start3A_324 = arith.constant 1 : i32
        %dma_start3A_325 = arith.constant 1 : i32
        %dma_start3A_326 = arith.constant 1 : i32
        %dma_start3A_327 = arith.constant 0 : i32
        %dma_start3A_328 = arith.constant 0 : i32
        %dma_start3A_329 = tpu.memref_slice %arg10[%dma_start3A_326, %dma_start3A_327, %dma_start3A_328] : memref<2x1024x8xf32, #tpu.memory_space<vmem>> -> memref<1x1024x8xf32, #tpu.memory_space<vmem>>
        %dma_start3A_330 = tpu.memref_squeeze %dma_start3A_329 : memref<1x1024x8xf32, #tpu.memory_space<vmem>> -> memref<1024x8xf32, #tpu.memory_space<vmem>>
        %dma_start3A_331 = arith.constant 0 : i32
        %dma_start3A_332 = tpu.memref_slice %arg8[%dma_start3A_324, %dma_start3A_325, %dma_start3A_331] : memref<2x2x1024xi32, #tpu.memory_space<vmem>> -> memref<1x1x1024xi32, #tpu.memory_space<vmem>>
        %dma_start3A_333 = tpu.memref_squeeze %dma_start3A_332 : memref<1x1x1024xi32, #tpu.memory_space<vmem>> -> memref<1024xi32, #tpu.memory_space<vmem>>
        %dma_start3A_334 = arith.constant 0 : i32
        %dma_start3A_335 = arith.constant 0 : i32
        %dma_start3A_336 = tpu.memref_slice %arg4[%dma_start3A_334, %dma_start3A_335] : memref<100352x8xf32, #tpu.memory_space<hbm>> -> memref<100352x8xf32, #tpu.memory_space<hbm>>
        tpu.enqueue_indirect_dma source(%dma_start3A_336 : memref<100352x8xf32, #tpu.memory_space<hbm>>) target(%dma_start3A_330 : memref<1024x8xf32, #tpu.memory_space<vmem>>) offsets(%dma_start3A_333 : memref<1024xi32, #tpu.memory_space<vmem>>) semaphore(%arg12 : memref<!tpu.dma_semaphore, #tpu.memory_space<semaphore_mem>>)
      } else {
      }
      %dma_wait3A_239 = arith.constant 1 : i32
      %dma_wait3A_240 = arith.constant 0 : i32
      %dma_wait3A_241 = arith.constant 0 : i32
      %dma_wait3A_242 = arith.constant 0 : i32
      %dma_wait3A_243 = arith.constant 0 : i32
      %dma_wait3A_244 = tpu.memref_slice %arg10[%dma_wait3A_241, %dma_wait3A_242, %dma_wait3A_243] : memref<2x1024x8xf32, #tpu.memory_space<vmem>> -> memref<1x1024x8xf32, #tpu.memory_space<vmem>>
      %dma_wait3A_245 = tpu.memref_squeeze %dma_wait3A_244 : memref<1x1024x8xf32, #tpu.memory_space<vmem>> -> memref<1024x8xf32, #tpu.memory_space<vmem>>
      %dma_wait3A_246 = arith.constant 0 : i32
      %dma_wait3A_247 = tpu.memref_slice %arg8[%dma_wait3A_239, %dma_wait3A_240, %dma_wait3A_246] : memref<2x2x1024xi32, #tpu.memory_space<vmem>> -> memref<1x1x1024xi32, #tpu.memory_space<vmem>>
      %dma_wait3A_248 = tpu.memref_squeeze %dma_wait3A_247 : memref<1x1x1024xi32, #tpu.memory_space<vmem>> -> memref<1024xi32, #tpu.memory_space<vmem>>
      %dma_wait3A_249 = arith.constant 0 : i32
      %dma_wait3A_250 = arith.constant 0 : i32
      %dma_wait3A_251 = tpu.memref_slice %arg4[%dma_wait3A_249, %dma_wait3A_250] : memref<100352x8xf32, #tpu.memory_space<hbm>> -> memref<100352x8xf32, #tpu.memory_space<hbm>>
      tpu.wait_indirect_dma semaphore(%arg11 : memref<!tpu.dma_semaphore, #tpu.memory_space<semaphore_mem>>) src(%dma_wait3A_251 : memref<100352x8xf32, #tpu.memory_space<hbm>>) dst(%dma_wait3A_245 : memref<1024x8xf32, #tpu.memory_space<vmem>>)
      %dma_start3A_252 = arith.constant 0 : i32
      %dma_start3A_253 = arith.constant 1 : i32
      %dma_start3A_254 = arith.constant 0 : i32
      %dma_start3A_255 = arith.constant 0 : i32
      %dma_start3A_256 = arith.constant 0 : i32
      %dma_start3A_257 = tpu.memref_slice %arg10[%dma_start3A_252, %dma_start3A_255, %dma_start3A_256] : memref<2x1024x8xf32, #tpu.memory_space<vmem>> -> memref<1x1024x8xf32, #tpu.memory_space<vmem>>
      %dma_start3A_258 = tpu.memref_squeeze %dma_start3A_257 : memref<1x1024x8xf32, #tpu.memory_space<vmem>> -> memref<1024x8xf32, #tpu.memory_space<vmem>>
      %dma_start3A_259 = arith.constant 0 : i32
      %dma_start3A_260 = tpu.memref_slice %arg9[%dma_start3A_253, %dma_start3A_254, %dma_start3A_259] : memref<2x2x1024xi32, #tpu.memory_space<vmem>> -> memref<1x1x1024xi32, #tpu.memory_space<vmem>>
      %dma_start3A_261 = tpu.memref_squeeze %dma_start3A_260 : memref<1x1x1024xi32, #tpu.memory_space<vmem>> -> memref<1024xi32, #tpu.memory_space<vmem>>
      %dma_start3A_262 = arith.constant 0 : i32
      %dma_start3A_263 = arith.constant 0 : i32
      %dma_start3A_264 = tpu.memref_slice %arg7[%dma_start3A_262, %dma_start3A_263] : memref<100352x8xf32, #tpu.memory_space<vmem_shared>> -> memref<100352x8xf32, #tpu.memory_space<vmem_shared>>
      tpu.enqueue_indirect_dma source(%dma_start3A_258 : memref<1024x8xf32, #tpu.memory_space<vmem>>) target(%dma_start3A_264 : memref<100352x8xf32, #tpu.memory_space<vmem_shared>>) offsets(%dma_start3A_261 : memref<1024xi32, #tpu.memory_space<vmem>>) semaphore(%arg13 : memref<!tpu.dma_semaphore, #tpu.memory_space<semaphore_mem>>) {add = true}
      %add3A_265 = arith.constant 1 : i32
      %add3A_266 = arith.addi %add3A_219, %add3A_265 : i32
      %lt3A_267 = arith.constant 26 : i32
      %lt3A_268 = arith.cmpi slt, %add3A_266, %lt3A_267 : i32
      %convert_element_type3A_269 = arith.extui %lt3A_268 : i1 to i32
      %cond3A_270 = arith.constant 0 : i32
      %cond3A_271 = arith.cmpi ne, %convert_element_type3A_269, %cond3A_270 : i32
      scf.if %cond3A_271 {
        %add3A_324 = arith.constant 1 : i32
        %add3A_325 = arith.addi %add3A_219, %add3A_324 : i32
        %mul3A_326 = arith.constant 2 : i32
        %mul3A_327 = arith.muli %add3A_325, %mul3A_326 : i32
        %add3A_328 = arith.addi %mul3A_2, %mul3A_327 : i32
        %dma_start3A_329 = arith.constant 0 : i32
        %dma_start3A_330 = arith.constant 0 : i32
        %dma_start3A_331 = arith.constant 0 : i32
        %dma_start3A_332 = tpu.memref_slice %arg8[%dma_start3A_329, %dma_start3A_330, %dma_start3A_331] : memref<2x2x1024xi32, #tpu.memory_space<vmem>> -> memref<1x2x1024xi32, #tpu.memory_space<vmem>>
        %dma_start3A_333 = tpu.memref_squeeze %dma_start3A_332 : memref<1x2x1024xi32, #tpu.memory_space<vmem>> -> memref<2x1024xi32, #tpu.memory_space<vmem>>
        %dma_start3A_334 = arith.constant 0 : i32
        %dma_start3A_335 = tpu.memref_slice %arg2[%add3A_328, %dma_start3A_334] : memref<1664x1024xi32, #tpu.memory_space<hbm>> -> memref<2x1024xi32, #tpu.memory_space<hbm>>
        %dma_start3A_336 = arith.constant 0 : i32
        %dma_start3A_337 = arith.constant 0 : i32
        %dma_start3A_338 = tpu.memref_slice %arg8[%dma_start3A_329, %dma_start3A_336, %dma_start3A_337] : memref<2x2x1024xi32, #tpu.memory_space<vmem>> -> memref<1x2x1024xi32, #tpu.memory_space<vmem>>
        %dma_start3A_339 = tpu.memref_squeeze %dma_start3A_338 : memref<1x2x1024xi32, #tpu.memory_space<vmem>> -> memref<2x1024xi32, #tpu.memory_space<vmem>>
        %dma_start3A_340 = arith.constant 0 : i32
        %dma_start3A_341 = tpu.memref_slice %arg2[%add3A_328, %dma_start3A_340] : memref<1664x1024xi32, #tpu.memory_space<hbm>> -> memref<2x1024xi32, #tpu.memory_space<hbm>>
        tpu.enqueue_dma source(%dma_start3A_341 : memref<2x1024xi32, #tpu.memory_space<hbm>>) target(%dma_start3A_339 : memref<2x1024xi32, #tpu.memory_space<vmem>>) target_semaphore(%arg15 : memref<!tpu.dma_semaphore, #tpu.memory_space<semaphore_mem>>)
        %mul3A_342 = arith.constant 2 : i32
        %mul3A_343 = arith.muli %add3A_325, %mul3A_342 : i32
        %add3A_344 = arith.addi %mul3A_2, %mul3A_343 : i32
        %dma_start3A_345 = arith.constant 0 : i32
        %dma_start3A_346 = arith.constant 0 : i32
        %dma_start3A_347 = arith.constant 0 : i32
        %dma_start3A_348 = tpu.memref_slice %arg9[%dma_start3A_345, %dma_start3A_346, %dma_start3A_347] : memref<2x2x1024xi32, #tpu.memory_space<vmem>> -> memref<1x2x1024xi32, #tpu.memory_space<vmem>>
        %dma_start3A_349 = tpu.memref_squeeze %dma_start3A_348 : memref<1x2x1024xi32, #tpu.memory_space<vmem>> -> memref<2x1024xi32, #tpu.memory_space<vmem>>
        %dma_start3A_350 = arith.constant 0 : i32
        %dma_start3A_351 = tpu.memref_slice %arg3[%add3A_344, %dma_start3A_350] : memref<1664x1024xi32, #tpu.memory_space<hbm>> -> memref<2x1024xi32, #tpu.memory_space<hbm>>
        %dma_start3A_352 = arith.constant 0 : i32
        %dma_start3A_353 = arith.constant 0 : i32
        %dma_start3A_354 = tpu.memref_slice %arg9[%dma_start3A_345, %dma_start3A_352, %dma_start3A_353] : memref<2x2x1024xi32, #tpu.memory_space<vmem>> -> memref<1x2x1024xi32, #tpu.memory_space<vmem>>
        %dma_start3A_355 = tpu.memref_squeeze %dma_start3A_354 : memref<1x2x1024xi32, #tpu.memory_space<vmem>> -> memref<2x1024xi32, #tpu.memory_space<vmem>>
        %dma_start3A_356 = arith.constant 0 : i32
        %dma_start3A_357 = tpu.memref_slice %arg3[%add3A_344, %dma_start3A_356] : memref<1664x1024xi32, #tpu.memory_space<hbm>> -> memref<2x1024xi32, #tpu.memory_space<hbm>>
        tpu.enqueue_dma source(%dma_start3A_357 : memref<2x1024xi32, #tpu.memory_space<hbm>>) target(%dma_start3A_355 : memref<2x1024xi32, #tpu.memory_space<vmem>>) target_semaphore(%arg15 : memref<!tpu.dma_semaphore, #tpu.memory_space<semaphore_mem>>)
      } else {
      }
      %mul3A_272 = arith.constant 2 : i32
      %mul3A_273 = arith.muli %add3A_219, %mul3A_272 : i32
      %add3A_274 = arith.constant 1 : i32
      %add3A_275 = arith.addi %mul3A_273, %add3A_274 : i32
      %add3A_276 = arith.constant 1 : i32
      %add3A_277 = arith.addi %add3A_275, %add3A_276 : i32
      %ge3A_278 = arith.constant 2 : i32
      %ge3A_279 = arith.cmpi sge, %add3A_277, %ge3A_278 : i32
      %lt3A_280 = arith.constant 52 : i32
      %lt3A_281 = arith.cmpi slt, %add3A_277, %lt3A_280 : i32
      %and3A_282 = arith.andi %ge3A_279, %lt3A_281 : i1
      %convert_element_type3A_283 = arith.extui %and3A_282 : i1 to i32
      %cond3A_284 = arith.constant 0 : i32
      %cond3A_285 = arith.cmpi ne, %convert_element_type3A_283, %cond3A_284 : i32
      scf.if %cond3A_285 {
        %dma_wait3A_324 = arith.constant 0 : i32
        %dma_wait3A_325 = arith.constant 0 : i32
        %dma_wait3A_326 = arith.constant 0 : i32
        %dma_wait3A_327 = arith.constant 0 : i32
        %dma_wait3A_328 = arith.constant 0 : i32
        %dma_wait3A_329 = tpu.memref_slice %arg10[%dma_wait3A_324, %dma_wait3A_327, %dma_wait3A_328] : memref<2x1024x8xf32, #tpu.memory_space<vmem>> -> memref<1x1024x8xf32, #tpu.memory_space<vmem>>
        %dma_wait3A_330 = tpu.memref_squeeze %dma_wait3A_329 : memref<1x1024x8xf32, #tpu.memory_space<vmem>> -> memref<1024x8xf32, #tpu.memory_space<vmem>>
        %dma_wait3A_331 = arith.constant 0 : i32
        %dma_wait3A_332 = tpu.memref_slice %arg9[%dma_wait3A_325, %dma_wait3A_326, %dma_wait3A_331] : memref<2x2x1024xi32, #tpu.memory_space<vmem>> -> memref<1x1x1024xi32, #tpu.memory_space<vmem>>
        %dma_wait3A_333 = tpu.memref_squeeze %dma_wait3A_332 : memref<1x1x1024xi32, #tpu.memory_space<vmem>> -> memref<1024xi32, #tpu.memory_space<vmem>>
        %dma_wait3A_334 = arith.constant 0 : i32
        %dma_wait3A_335 = arith.constant 0 : i32
        %dma_wait3A_336 = tpu.memref_slice %arg7[%dma_wait3A_334, %dma_wait3A_335] : memref<100352x8xf32, #tpu.memory_space<vmem_shared>> -> memref<100352x8xf32, #tpu.memory_space<vmem_shared>>
        tpu.wait_indirect_dma semaphore(%arg13 : memref<!tpu.dma_semaphore, #tpu.memory_space<semaphore_mem>>) src(%dma_wait3A_330 : memref<1024x8xf32, #tpu.memory_space<vmem>>) dst(%dma_wait3A_336 : memref<100352x8xf32, #tpu.memory_space<vmem_shared>>)
      } else {
      }
      %add3A_286 = arith.constant 1 : i32
      %add3A_287 = arith.addi %add3A_219, %add3A_286 : i32
      %lt3A_288 = arith.constant 26 : i32
      %lt3A_289 = arith.cmpi slt, %add3A_287, %lt3A_288 : i32
      %convert_element_type3A_290 = arith.extui %lt3A_289 : i1 to i32
      %cond3A_291 = arith.constant 0 : i32
      %cond3A_292 = arith.cmpi ne, %convert_element_type3A_290, %cond3A_291 : i32
      scf.if %cond3A_292 {
        %dma_wait3A_324 = arith.constant 0 : i32
        %dma_wait3A_325 = arith.constant 0 : i32
        %dma_wait3A_326 = arith.constant 0 : i32
        %dma_wait3A_327 = tpu.memref_slice %arg8[%dma_wait3A_324, %dma_wait3A_325, %dma_wait3A_326] : memref<2x2x1024xi32, #tpu.memory_space<vmem>> -> memref<1x2x1024xi32, #tpu.memory_space<vmem>>
        %dma_wait3A_328 = tpu.memref_squeeze %dma_wait3A_327 : memref<1x2x1024xi32, #tpu.memory_space<vmem>> -> memref<2x1024xi32, #tpu.memory_space<vmem>>
        %dma_wait3A_329 = arith.constant 0 : i32
        %dma_wait3A_330 = arith.constant 0 : i32
        %dma_wait3A_331 = tpu.memref_slice %arg2[%dma_wait3A_329, %dma_wait3A_330] : memref<1664x1024xi32, #tpu.memory_space<hbm>> -> memref<2x1024xi32, #tpu.memory_space<hbm>>
        %dma_wait3A_332 = arith.constant 0 : i32
        %dma_wait3A_333 = arith.constant 0 : i32
        %dma_wait3A_334 = tpu.memref_slice %arg8[%dma_wait3A_324, %dma_wait3A_332, %dma_wait3A_333] : memref<2x2x1024xi32, #tpu.memory_space<vmem>> -> memref<1x2x1024xi32, #tpu.memory_space<vmem>>
        %dma_wait3A_335 = tpu.memref_squeeze %dma_wait3A_334 : memref<1x2x1024xi32, #tpu.memory_space<vmem>> -> memref<2x1024xi32, #tpu.memory_space<vmem>>
        %dma_wait3A_336 = arith.constant 0 : i32
        %dma_wait3A_337 = arith.constant 0 : i32
        %dma_wait3A_338 = tpu.memref_slice %arg2[%dma_wait3A_336, %dma_wait3A_337] : memref<1664x1024xi32, #tpu.memory_space<hbm>> -> memref<2x1024xi32, #tpu.memory_space<hbm>>
        tpu.wait_dma2 semaphore(%arg15 : memref<!tpu.dma_semaphore, #tpu.memory_space<semaphore_mem>>) src(%dma_wait3A_338 : memref<2x1024xi32, #tpu.memory_space<hbm>>) dst(%dma_wait3A_335 : memref<2x1024xi32, #tpu.memory_space<vmem>>)
        %dma_wait3A_339 = arith.constant 0 : i32
        %dma_wait3A_340 = arith.constant 0 : i32
        %dma_wait3A_341 = arith.constant 0 : i32
        %dma_wait3A_342 = tpu.memref_slice %arg9[%dma_wait3A_339, %dma_wait3A_340, %dma_wait3A_341] : memref<2x2x1024xi32, #tpu.memory_space<vmem>> -> memref<1x2x1024xi32, #tpu.memory_space<vmem>>
        %dma_wait3A_343 = tpu.memref_squeeze %dma_wait3A_342 : memref<1x2x1024xi32, #tpu.memory_space<vmem>> -> memref<2x1024xi32, #tpu.memory_space<vmem>>
        %dma_wait3A_344 = arith.constant 0 : i32
        %dma_wait3A_345 = arith.constant 0 : i32
        %dma_wait3A_346 = tpu.memref_slice %arg3[%dma_wait3A_344, %dma_wait3A_345] : memref<1664x1024xi32, #tpu.memory_space<hbm>> -> memref<2x1024xi32, #tpu.memory_space<hbm>>
        %dma_wait3A_347 = arith.constant 0 : i32
        %dma_wait3A_348 = arith.constant 0 : i32
        %dma_wait3A_349 = tpu.memref_slice %arg9[%dma_wait3A_339, %dma_wait3A_347, %dma_wait3A_348] : memref<2x2x1024xi32, #tpu.memory_space<vmem>> -> memref<1x2x1024xi32, #tpu.memory_space<vmem>>
        %dma_wait3A_350 = tpu.memref_squeeze %dma_wait3A_349 : memref<1x2x1024xi32, #tpu.memory_space<vmem>> -> memref<2x1024xi32, #tpu.memory_space<vmem>>
        %dma_wait3A_351 = arith.constant 0 : i32
        %dma_wait3A_352 = arith.constant 0 : i32
        %dma_wait3A_353 = tpu.memref_slice %arg3[%dma_wait3A_351, %dma_wait3A_352] : memref<1664x1024xi32, #tpu.memory_space<hbm>> -> memref<2x1024xi32, #tpu.memory_space<hbm>>
        tpu.wait_dma2 semaphore(%arg15 : memref<!tpu.dma_semaphore, #tpu.memory_space<semaphore_mem>>) src(%dma_wait3A_353 : memref<2x1024xi32, #tpu.memory_space<hbm>>) dst(%dma_wait3A_350 : memref<2x1024xi32, #tpu.memory_space<vmem>>)
      } else {
      }
      %lt3A_293 = arith.constant 52 : i32
      %lt3A_294 = arith.cmpi slt, %add3A_277, %lt3A_293 : i32
      %convert_element_type3A_295 = arith.extui %lt3A_294 : i1 to i32
      %cond3A_296 = arith.constant 0 : i32
      %cond3A_297 = arith.cmpi ne, %convert_element_type3A_295, %cond3A_296 : i32
      scf.if %cond3A_297 {
        %dma_start3A_324 = arith.constant 0 : i32
        %dma_start3A_325 = arith.constant 0 : i32
        %dma_start3A_326 = arith.constant 0 : i32
        %dma_start3A_327 = arith.constant 0 : i32
        %dma_start3A_328 = arith.constant 0 : i32
        %dma_start3A_329 = tpu.memref_slice %arg10[%dma_start3A_326, %dma_start3A_327, %dma_start3A_328] : memref<2x1024x8xf32, #tpu.memory_space<vmem>> -> memref<1x1024x8xf32, #tpu.memory_space<vmem>>
        %dma_start3A_330 = tpu.memref_squeeze %dma_start3A_329 : memref<1x1024x8xf32, #tpu.memory_space<vmem>> -> memref<1024x8xf32, #tpu.memory_space<vmem>>
        %dma_start3A_331 = arith.constant 0 : i32
        %dma_start3A_332 = tpu.memref_slice %arg8[%dma_start3A_324, %dma_start3A_325, %dma_start3A_331] : memref<2x2x1024xi32, #tpu.memory_space<vmem>> -> memref<1x1x1024xi32, #tpu.memory_space<vmem>>
        %dma_start3A_333 = tpu.memref_squeeze %dma_start3A_332 : memref<1x1x1024xi32, #tpu.memory_space<vmem>> -> memref<1024xi32, #tpu.memory_space<vmem>>
        %dma_start3A_334 = arith.constant 0 : i32
        %dma_start3A_335 = arith.constant 0 : i32
        %dma_start3A_336 = tpu.memref_slice %arg4[%dma_start3A_334, %dma_start3A_335] : memref<100352x8xf32, #tpu.memory_space<hbm>> -> memref<100352x8xf32, #tpu.memory_space<hbm>>
        tpu.enqueue_indirect_dma source(%dma_start3A_336 : memref<100352x8xf32, #tpu.memory_space<hbm>>) target(%dma_start3A_330 : memref<1024x8xf32, #tpu.memory_space<vmem>>) offsets(%dma_start3A_333 : memref<1024xi32, #tpu.memory_space<vmem>>) semaphore(%arg11 : memref<!tpu.dma_semaphore, #tpu.memory_space<semaphore_mem>>)
      } else {
      }
      %dma_wait3A_298 = arith.constant 1 : i32
      %dma_wait3A_299 = arith.constant 1 : i32
      %dma_wait3A_300 = arith.constant 1 : i32
      %dma_wait3A_301 = arith.constant 0 : i32
      %dma_wait3A_302 = arith.constant 0 : i32
      %dma_wait3A_303 = tpu.memref_slice %arg10[%dma_wait3A_300, %dma_wait3A_301, %dma_wait3A_302] : memref<2x1024x8xf32, #tpu.memory_space<vmem>> -> memref<1x1024x8xf32, #tpu.memory_space<vmem>>
      %dma_wait3A_304 = tpu.memref_squeeze %dma_wait3A_303 : memref<1x1024x8xf32, #tpu.memory_space<vmem>> -> memref<1024x8xf32, #tpu.memory_space<vmem>>
      %dma_wait3A_305 = arith.constant 0 : i32
      %dma_wait3A_306 = tpu.memref_slice %arg8[%dma_wait3A_298, %dma_wait3A_299, %dma_wait3A_305] : memref<2x2x1024xi32, #tpu.memory_space<vmem>> -> memref<1x1x1024xi32, #tpu.memory_space<vmem>>
      %dma_wait3A_307 = tpu.memref_squeeze %dma_wait3A_306 : memref<1x1x1024xi32, #tpu.memory_space<vmem>> -> memref<1024xi32, #tpu.memory_space<vmem>>
      %dma_wait3A_308 = arith.constant 0 : i32
      %dma_wait3A_309 = arith.constant 0 : i32
      %dma_wait3A_310 = tpu.memref_slice %arg4[%dma_wait3A_308, %dma_wait3A_309] : memref<100352x8xf32, #tpu.memory_space<hbm>> -> memref<100352x8xf32, #tpu.memory_space<hbm>>
      tpu.wait_indirect_dma semaphore(%arg12 : memref<!tpu.dma_semaphore, #tpu.memory_space<semaphore_mem>>) src(%dma_wait3A_310 : memref<100352x8xf32, #tpu.memory_space<hbm>>) dst(%dma_wait3A_304 : memref<1024x8xf32, #tpu.memory_space<vmem>>)
      %dma_start3A_311 = arith.constant 1 : i32
      %dma_start3A_312 = arith.constant 1 : i32
      %dma_start3A_313 = arith.constant 1 : i32
      %dma_start3A_314 = arith.constant 0 : i32
      %dma_start3A_315 = arith.constant 0 : i32
      %dma_start3A_316 = tpu.memref_slice %arg10[%dma_start3A_311, %dma_start3A_314, %dma_start3A_315] : memref<2x1024x8xf32, #tpu.memory_space<vmem>> -> memref<1x1024x8xf32, #tpu.memory_space<vmem>>
      %dma_start3A_317 = tpu.memref_squeeze %dma_start3A_316 : memref<1x1024x8xf32, #tpu.memory_space<vmem>> -> memref<1024x8xf32, #tpu.memory_space<vmem>>
      %dma_start3A_318 = arith.constant 0 : i32
      %dma_start3A_319 = tpu.memref_slice %arg9[%dma_start3A_312, %dma_start3A_313, %dma_start3A_318] : memref<2x2x1024xi32, #tpu.memory_space<vmem>> -> memref<1x1x1024xi32, #tpu.memory_space<vmem>>
      %dma_start3A_320 = tpu.memref_squeeze %dma_start3A_319 : memref<1x1x1024xi32, #tpu.memory_space<vmem>> -> memref<1024xi32, #tpu.memory_space<vmem>>
      %dma_start3A_321 = arith.constant 0 : i32
      %dma_start3A_322 = arith.constant 0 : i32
      %dma_start3A_323 = tpu.memref_slice %arg7[%dma_start3A_321, %dma_start3A_322] : memref<100352x8xf32, #tpu.memory_space<vmem_shared>> -> memref<100352x8xf32, #tpu.memory_space<vmem_shared>>
      tpu.enqueue_indirect_dma source(%dma_start3A_317 : memref<1024x8xf32, #tpu.memory_space<vmem>>) target(%dma_start3A_323 : memref<100352x8xf32, #tpu.memory_space<vmem_shared>>) offsets(%dma_start3A_320 : memref<1024xi32, #tpu.memory_space<vmem>>) semaphore(%arg14 : memref<!tpu.dma_semaphore, #tpu.memory_space<semaphore_mem>>) {add = true}
    }
    %scan3A_80 = arith.constant 13 : i32
    %dma_wait3A_81 = arith.constant 0 : i32
    %dma_wait3A_82 = arith.constant 0 : i32
    %dma_wait3A_83 = arith.constant 0 : i32
    %dma_wait3A_84 = arith.constant 0 : i32
    %dma_wait3A_85 = arith.constant 0 : i32
    %dma_wait3A_86 = tpu.memref_slice %arg10[%dma_wait3A_81, %dma_wait3A_84, %dma_wait3A_85] : memref<2x1024x8xf32, #tpu.memory_space<vmem>> -> memref<1x1024x8xf32, #tpu.memory_space<vmem>>
    %dma_wait3A_87 = tpu.memref_squeeze %dma_wait3A_86 : memref<1x1024x8xf32, #tpu.memory_space<vmem>> -> memref<1024x8xf32, #tpu.memory_space<vmem>>
    %dma_wait3A_88 = arith.constant 0 : i32
    %dma_wait3A_89 = tpu.memref_slice %arg9[%dma_wait3A_82, %dma_wait3A_83, %dma_wait3A_88] : memref<2x2x1024xi32, #tpu.memory_space<vmem>> -> memref<1x1x1024xi32, #tpu.memory_space<vmem>>
    %dma_wait3A_90 = tpu.memref_squeeze %dma_wait3A_89 : memref<1x1x1024xi32, #tpu.memory_space<vmem>> -> memref<1024xi32, #tpu.memory_space<vmem>>
    %dma_wait3A_91 = arith.constant 0 : i32
    %dma_wait3A_92 = arith.constant 0 : i32
    %dma_wait3A_93 = tpu.memref_slice %arg7[%dma_wait3A_91, %dma_wait3A_92] : memref<100352x8xf32, #tpu.memory_space<vmem_shared>> -> memref<100352x8xf32, #tpu.memory_space<vmem_shared>>
    tpu.wait_indirect_dma semaphore(%arg13 : memref<!tpu.dma_semaphore, #tpu.memory_space<semaphore_mem>>) src(%dma_wait3A_87 : memref<1024x8xf32, #tpu.memory_space<vmem>>) dst(%dma_wait3A_93 : memref<100352x8xf32, #tpu.memory_space<vmem_shared>>)
    %dma_wait3A_94 = arith.constant 1 : i32
    %dma_wait3A_95 = arith.constant 0 : i32
    %dma_wait3A_96 = arith.constant 0 : i32
    %dma_wait3A_97 = arith.constant 0 : i32
    %dma_wait3A_98 = arith.constant 0 : i32
    %dma_wait3A_99 = tpu.memref_slice %arg10[%dma_wait3A_94, %dma_wait3A_97, %dma_wait3A_98] : memref<2x1024x8xf32, #tpu.memory_space<vmem>> -> memref<1x1024x8xf32, #tpu.memory_space<vmem>>
    %dma_wait3A_100 = tpu.memref_squeeze %dma_wait3A_99 : memref<1x1024x8xf32, #tpu.memory_space<vmem>> -> memref<1024x8xf32, #tpu.memory_space<vmem>>
    %dma_wait3A_101 = arith.constant 0 : i32
    %dma_wait3A_102 = tpu.memref_slice %arg9[%dma_wait3A_95, %dma_wait3A_96, %dma_wait3A_101] : memref<2x2x1024xi32, #tpu.memory_space<vmem>> -> memref<1x1x1024xi32, #tpu.memory_space<vmem>>
    %dma_wait3A_103 = tpu.memref_squeeze %dma_wait3A_102 : memref<1x1x1024xi32, #tpu.memory_space<vmem>> -> memref<1024xi32, #tpu.memory_space<vmem>>
    %dma_wait3A_104 = arith.constant 0 : i32
    %dma_wait3A_105 = arith.constant 0 : i32
    %dma_wait3A_106 = tpu.memref_slice %arg7[%dma_wait3A_104, %dma_wait3A_105] : memref<100352x8xf32, #tpu.memory_space<vmem_shared>> -> memref<100352x8xf32, #tpu.memory_space<vmem_shared>>
    tpu.wait_indirect_dma semaphore(%arg14 : memref<!tpu.dma_semaphore, #tpu.memory_space<semaphore_mem>>) src(%dma_wait3A_100 : memref<1024x8xf32, #tpu.memory_space<vmem>>) dst(%dma_wait3A_106 : memref<100352x8xf32, #tpu.memory_space<vmem_shared>>)
    %barrier3A_107 = arith.constant 0 : index
    tpu.barrier barrier_id(%barrier3A_107)
    %mul3A_108 = arith.constant 6272 : i32
    %mul3A_109 = arith.muli %arg1, %mul3A_108 : i32
    %mul3A_110 = arith.constant 6272 : i32
    %mul3A_111 = arith.muli %arg1, %mul3A_110 : i32
    "tpu.region"() ({
      %run_scoped3A = tpu.sem_alloc : memref<!tpu.dma_semaphore, #tpu.memory_space<semaphore_mem>>
      %dma_start3A_112 = arith.constant 0 : i32
      %dma_start3A_113 = tpu.memref_slice %arg6[%arg0, %mul3A_111, %dma_start3A_112] : memref<2x100352x8xf32, #tpu.memory_space<hbm>> -> memref<1x6272x8xf32, #tpu.memory_space<hbm>>
      %dma_start3A_114 = tpu.memref_squeeze %dma_start3A_113 : memref<1x6272x8xf32, #tpu.memory_space<hbm>> -> memref<6272x8xf32, #tpu.memory_space<hbm>>
      %dma_start3A_115 = arith.constant 0 : i32
      %dma_start3A_116 = tpu.memref_slice %arg7[%mul3A_109, %dma_start3A_115] : memref<100352x8xf32, #tpu.memory_space<vmem_shared>> -> memref<6272x8xf32, #tpu.memory_space<vmem_shared>>
      tpu.enqueue_dma source(%dma_start3A_116 : memref<6272x8xf32, #tpu.memory_space<vmem_shared>>) target(%dma_start3A_114 : memref<6272x8xf32, #tpu.memory_space<hbm>>) target_semaphore(%run_scoped3A : memref<!tpu.dma_semaphore, #tpu.memory_space<semaphore_mem>>)
      %dma_wait3A_117 = arith.constant 0 : i32
      %dma_wait3A_118 = tpu.memref_slice %arg6[%arg0, %mul3A_111, %dma_wait3A_117] : memref<2x100352x8xf32, #tpu.memory_space<hbm>> -> memref<1x6272x8xf32, #tpu.memory_space<hbm>>
      %dma_wait3A_119 = tpu.memref_squeeze %dma_wait3A_118 : memref<1x6272x8xf32, #tpu.memory_space<hbm>> -> memref<6272x8xf32, #tpu.memory_space<hbm>>
      %dma_wait3A_120 = arith.constant 0 : i32
      %dma_wait3A_121 = tpu.memref_slice %arg7[%mul3A_109, %dma_wait3A_120] : memref<100352x8xf32, #tpu.memory_space<vmem_shared>> -> memref<6272x8xf32, #tpu.memory_space<vmem_shared>>
      tpu.wait_dma2 semaphore(%run_scoped3A : memref<!tpu.dma_semaphore, #tpu.memory_space<semaphore_mem>>) src(%dma_wait3A_121 : memref<6272x8xf32, #tpu.memory_space<vmem_shared>>) dst(%dma_wait3A_119 : memref<6272x8xf32, #tpu.memory_space<hbm>>)
      tpu.yield
    }) : () -> ()
    return
  }
}

#map = affine_map<(d0, d1) -> (0, 0)>
#map1 = affine_map<(d0, d1) -> (0, 0, 0)>
module attributes {stable_mosaic.version = 14 : i64} {
  func.func @body(%arg0: i32, %arg1: i32, %arg2: memref<1664x1024xi32, #tpu.memory_space<hbm>>, %arg3: memref<1664x1024xi32, #tpu.memory_space<hbm>>, %arg4: memref<100352x8xf32, #tpu.memory_space<hbm>>, %arg5: memref<6272x8xf32, #tpu.memory_space<hbm>>, %arg6: memref<2x100352x8xf32, #tpu.memory_space<hbm>>, %arg7: memref<100352x8xf32, #tpu.memory_space<vmem_shared>>, %arg8: memref<2x2x1024xi32, #tpu.memory_space<vmem>>, %arg9: memref<2x2x1024xi32, #tpu.memory_space<vmem>>, %arg10: memref<2x1024x8xf32, #tpu.memory_space<vmem>>, %arg11: memref<!tpu.dma_semaphore, #tpu.memory_space<semaphore_mem>>, %arg12: memref<!tpu.dma_semaphore, #tpu.memory_space<semaphore_mem>>, %arg13: memref<!tpu.dma_semaphore, #tpu.memory_space<semaphore_mem>>, %arg14: memref<!tpu.dma_semaphore, #tpu.memory_space<semaphore_mem>>, %arg15: memref<!tpu.dma_semaphore, #tpu.memory_space<semaphore_mem>>, %arg16: memref<!tpu.dma_semaphore, #tpu.memory_space<semaphore_mem>>) attributes {dimension_semantics = [#tpu.dimension_semantics<core_parallel>, #tpu.dimension_semantics<subcore_parallel>], iteration_bounds = array<i64: 2, 16>, scalar_prefetch = 0 : i64, scratch_operands = 10 : i64, tpu.core_type = #tpu.core_type<sc_vector_subcore>, window_params = [{transform_indices = #map}, {transform_indices = #map}, {transform_indices = #map}, {transform_indices = #map}, {transform_indices = #map1}]} {
    %mul3A = arith.constant 16 : i32
    %mul3A_0 = arith.muli %arg0, %mul3A : i32
    %add3A = arith.addi %mul3A_0, %arg1 : i32
    %mul3A_1 = arith.constant 52 : i32
    %mul3A_2 = arith.muli %add3A, %mul3A_1 : i32
    %mul3A_3 = arith.constant 6272 : i32
    %mul3A_4 = arith.muli %arg1, %mul3A_3 : i32
    "tpu.region"() ({
      %run_scoped3A = tpu.sem_alloc : memref<!tpu.dma_semaphore, #tpu.memory_space<semaphore_mem>>
      %dma_start3A_112 = arith.constant 0 : i32
      %dma_start3A_113 = tpu.memref_slice %arg7[%mul3A_4, %dma_start3A_112] : memref<100352x8xf32, #tpu.memory_space<vmem_shared>> -> memref<6272x8xf32, #tpu.memory_space<vmem_shared>>
      tpu.enqueue_dma source(%arg5 : memref<6272x8xf32, #tpu.memory_space<hbm>>) target(%dma_start3A_113 : memref<6272x8xf32, #tpu.memory_space<vmem_shared>>) target_semaphore(%run_scoped3A : memref<!tpu.dma_semaphore, #tpu.memory_space<semaphore_mem>>)
      %dma_wait3A_114 = arith.constant 0 : i32
      %dma_wait3A_115 = tpu.memref_slice %arg7[%mul3A_4, %dma_wait3A_114] : memref<100352x8xf32, #tpu.memory_space<vmem_shared>> -> memref<6272x8xf32, #tpu.memory_space<vmem_shared>>
      tpu.wait_dma2 semaphore(%run_scoped3A : memref<!tpu.dma_semaphore, #tpu.memory_space<semaphore_mem>>) src(%arg5 : memref<6272x8xf32, #tpu.memory_space<hbm>>) dst(%dma_wait3A_115 : memref<6272x8xf32, #tpu.memory_space<vmem_shared>>)
      tpu.yield
    }) : () -> ()
    %add3A_5 = arith.constant 0 : i32
    %add3A_6 = arith.addi %mul3A_2, %add3A_5 : i32
    %dma_start3A = arith.constant 0 : i32
    %dma_start3A_7 = arith.constant 0 : i32
    %dma_start3A_8 = arith.constant 0 : i32
    %dma_start3A_9 = tpu.memref_slice %arg8[%dma_start3A, %dma_start3A_7, %dma_start3A_8] : memref<2x2x1024xi32, #tpu.memory_space<vmem>> -> memref<1x2x1024xi32, #tpu.memory_space<vmem>>
    %dma_start3A_10 = tpu.memref_squeeze %dma_start3A_9 : memref<1x2x1024xi32, #tpu.memory_space<vmem>> -> memref<2x1024xi32, #tpu.memory_space<vmem>>
    %dma_start3A_11 = arith.constant 0 : i32
    %dma_start3A_12 = tpu.memref_slice %arg2[%add3A_6, %dma_start3A_11] : memref<1664x1024xi32, #tpu.memory_space<hbm>> -> memref<2x1024xi32, #tpu.memory_space<hbm>>
    %dma_start3A_13 = arith.constant 0 : i32
    %dma_start3A_14 = arith.constant 0 : i32
    %dma_start3A_15 = tpu.memref_slice %arg8[%dma_start3A, %dma_start3A_13, %dma_start3A_14] : memref<2x2x1024xi32, #tpu.memory_space<vmem>> -> memref<1x2x1024xi32, #tpu.memory_space<vmem>>
    %dma_start3A_16 = tpu.memref_squeeze %dma_start3A_15 : memref<1x2x1024xi32, #tpu.memory_space<vmem>> -> memref<2x1024xi32, #tpu.memory_space<vmem>>
    %dma_start3A_17 = arith.constant 0 : i32
    %dma_start3A_18 = tpu.memref_slice %arg2[%add3A_6, %dma_start3A_17] : memref<1664x1024xi32, #tpu.memory_space<hbm>> -> memref<2x1024xi32, #tpu.memory_space<hbm>>
    tpu.enqueue_dma source(%dma_start3A_18 : memref<2x1024xi32, #tpu.memory_space<hbm>>) target(%dma_start3A_16 : memref<2x1024xi32, #tpu.memory_space<vmem>>) target_semaphore(%arg15 : memref<!tpu.dma_semaphore, #tpu.memory_space<semaphore_mem>>)
    %add3A_19 = arith.constant 0 : i32
    %add3A_20 = arith.addi %mul3A_2, %add3A_19 : i32
    %dma_start3A_21 = arith.constant 0 : i32
    %dma_start3A_22 = arith.constant 0 : i32
    %dma_start3A_23 = arith.constant 0 : i32
    %dma_start3A_24 = tpu.memref_slice %arg9[%dma_start3A_21, %dma_start3A_22, %dma_start3A_23] : memref<2x2x1024xi32, #tpu.memory_space<vmem>> -> memref<1x2x1024xi32, #tpu.memory_space<vmem>>
    %dma_start3A_25 = tpu.memref_squeeze %dma_start3A_24 : memref<1x2x1024xi32, #tpu.memory_space<vmem>> -> memref<2x1024xi32, #tpu.memory_space<vmem>>
    %dma_start3A_26 = arith.constant 0 : i32
    %dma_start3A_27 = tpu.memref_slice %arg3[%add3A_20, %dma_start3A_26] : memref<1664x1024xi32, #tpu.memory_space<hbm>> -> memref<2x1024xi32, #tpu.memory_space<hbm>>
    %dma_start3A_28 = arith.constant 0 : i32
    %dma_start3A_29 = arith.constant 0 : i32
    %dma_start3A_30 = tpu.memref_slice %arg9[%dma_start3A_21, %dma_start3A_28, %dma_start3A_29] : memref<2x2x1024xi32, #tpu.memory_space<vmem>> -> memref<1x2x1024xi32, #tpu.memory_space<vmem>>
    %dma_start3A_31 = tpu.memref_squeeze %dma_start3A_30 : memref<1x2x1024xi32, #tpu.memory_space<vmem>> -> memref<2x1024xi32, #tpu.memory_space<vmem>>
    %dma_start3A_32 = arith.constant 0 : i32
    %dma_start3A_33 = tpu.memref_slice %arg3[%add3A_20, %dma_start3A_32] : memref<1664x1024xi32, #tpu.memory_space<hbm>> -> memref<2x1024xi32, #tpu.memory_space<hbm>>
    tpu.enqueue_dma source(%dma_start3A_33 : memref<2x1024xi32, #tpu.memory_space<hbm>>) target(%dma_start3A_31 : memref<2x1024xi32, #tpu.memory_space<vmem>>) target_semaphore(%arg15 : memref<!tpu.dma_semaphore, #tpu.memory_space<semaphore_mem>>)
    %dma_wait3A = arith.constant 0 : i32
    %dma_wait3A_34 = arith.constant 0 : i32
    %dma_wait3A_35 = arith.constant 0 : i32
    %dma_wait3A_36 = tpu.memref_slice %arg8[%dma_wait3A, %dma_wait3A_34, %dma_wait3A_35] : memref<2x2x1024xi32, #tpu.memory_space<vmem>> -> memref<1x2x1024xi32, #tpu.memory_space<vmem>>
    %dma_wait3A_37 = tpu.memref_squeeze %dma_wait3A_36 : memref<1x2x1024xi32, #tpu.memory_space<vmem>> -> memref<2x1024xi32, #tpu.memory_space<vmem>>
    %dma_wait3A_38 = arith.constant 0 : i32
    %dma_wait3A_39 = arith.constant 0 : i32
    %dma_wait3A_40 = tpu.memref_slice %arg2[%dma_wait3A_38, %dma_wait3A_39] : memref<1664x1024xi32, #tpu.memory_space<hbm>> -> memref<2x1024xi32, #tpu.memory_space<hbm>>
    %dma_wait3A_41 = arith.constant 0 : i32
    %dma_wait3A_42 = arith.constant 0 : i32
    %dma_wait3A_43 = tpu.memref_slice %arg8[%dma_wait3A, %dma_wait3A_41, %dma_wait3A_42] : memref<2x2x1024xi32, #tpu.memory_space<vmem>> -> memref<1x2x1024xi32, #tpu.memory_space<vmem>>
    %dma_wait3A_44 = tpu.memref_squeeze %dma_wait3A_43 : memref<1x2x1024xi32, #tpu.memory_space<vmem>> -> memref<2x1024xi32, #tpu.memory_space<vmem>>
    %dma_wait3A_45 = arith.constant 0 : i32
    %dma_wait3A_46 = arith.constant 0 : i32
    %dma_wait3A_47 = tpu.memref_slice %arg2[%dma_wait3A_45, %dma_wait3A_46] : memref<1664x1024xi32, #tpu.memory_space<hbm>> -> memref<2x1024xi32, #tpu.memory_space<hbm>>
    tpu.wait_dma2 semaphore(%arg15 : memref<!tpu.dma_semaphore, #tpu.memory_space<semaphore_mem>>) src(%dma_wait3A_47 : memref<2x1024xi32, #tpu.memory_space<hbm>>) dst(%dma_wait3A_44 : memref<2x1024xi32, #tpu.memory_space<vmem>>)
    %dma_wait3A_48 = arith.constant 0 : i32
    %dma_wait3A_49 = arith.constant 0 : i32
    %dma_wait3A_50 = arith.constant 0 : i32
    %dma_wait3A_51 = tpu.memref_slice %arg9[%dma_wait3A_48, %dma_wait3A_49, %dma_wait3A_50] : memref<2x2x1024xi32, #tpu.memory_space<vmem>> -> memref<1x2x1024xi32, #tpu.memory_space<vmem>>
    %dma_wait3A_52 = tpu.memref_squeeze %dma_wait3A_51 : memref<1x2x1024xi32, #tpu.memory_space<vmem>> -> memref<2x1024xi32, #tpu.memory_space<vmem>>
    %dma_wait3A_53 = arith.constant 0 : i32
    %dma_wait3A_54 = arith.constant 0 : i32
    %dma_wait3A_55 = tpu.memref_slice %arg3[%dma_wait3A_53, %dma_wait3A_54] : memref<1664x1024xi32, #tpu.memory_space<hbm>> -> memref<2x1024xi32, #tpu.memory_space<hbm>>
    %dma_wait3A_56 = arith.constant 0 : i32
    %dma_wait3A_57 = arith.constant 0 : i32
    %dma_wait3A_58 = tpu.memref_slice %arg9[%dma_wait3A_48, %dma_wait3A_56, %dma_wait3A_57] : memref<2x2x1024xi32, #tpu.memory_space<vmem>> -> memref<1x2x1024xi32, #tpu.memory_space<vmem>>
    %dma_wait3A_59 = tpu.memref_squeeze %dma_wait3A_58 : memref<1x2x1024xi32, #tpu.memory_space<vmem>> -> memref<2x1024xi32, #tpu.memory_space<vmem>>
    %dma_wait3A_60 = arith.constant 0 : i32
    %dma_wait3A_61 = arith.constant 0 : i32
    %dma_wait3A_62 = tpu.memref_slice %arg3[%dma_wait3A_60, %dma_wait3A_61] : memref<1664x1024xi32, #tpu.memory_space<hbm>> -> memref<2x1024xi32, #tpu.memory_space<hbm>>
    tpu.wait_dma2 semaphore(%arg15 : memref<!tpu.dma_semaphore, #tpu.memory_space<semaphore_mem>>) src(%dma_wait3A_62 : memref<2x1024xi32, #tpu.memory_space<hbm>>) dst(%dma_wait3A_59 : memref<2x1024xi32, #tpu.memory_space<vmem>>)
    %dma_start3A_63 = arith.constant 0 : i32
    %dma_start3A_64 = arith.constant 0 : i32
    %dma_start3A_65 = arith.constant 0 : i32
    %dma_start3A_66 = arith.constant 0 : i32
    %dma_start3A_67 = arith.constant 0 : i32
    %dma_start3A_68 = tpu.memref_slice %arg10[%dma_start3A_65, %dma_start3A_66, %dma_start3A_67] : memref<2x1024x8xf32, #tpu.memory_space<vmem>> -> memref<1x1024x8xf32, #tpu.memory_space<vmem>>
    %dma_start3A_69 = tpu.memref_squeeze %dma_start3A_68 : memref<1x1024x8xf32, #tpu.memory_space<vmem>> -> memref<1024x8xf32, #tpu.memory_space<vmem>>
    %dma_start3A_70 = arith.constant 0 : i32
    %dma_start3A_71 = tpu.memref_slice %arg8[%dma_start3A_63, %dma_start3A_64, %dma_start3A_70] : memref<2x2x1024xi32, #tpu.memory_space<vmem>> -> memref<1x1x1024xi32, #tpu.memory_space<vmem>>
    %dma_start3A_72 = tpu.memref_squeeze %dma_start3A_71 : memref<1x1x1024xi32, #tpu.memory_space<vmem>> -> memref<1024xi32, #tpu.memory_space<vmem>>
    %dma_start3A_73 = arith.constant 0 : i32
    %dma_start3A_74 = arith.constant 0 : i32
    %dma_start3A_75 = tpu.memref_slice %arg4[%dma_start3A_73, %dma_start3A_74] : memref<100352x8xf32, #tpu.memory_space<hbm>> -> memref<100352x8xf32, #tpu.memory_space<hbm>>
    tpu.enqueue_indirect_dma source(%dma_start3A_75 : memref<100352x8xf32, #tpu.memory_space<hbm>>) target(%dma_start3A_69 : memref<1024x8xf32, #tpu.memory_space<vmem>>) offsets(%dma_start3A_72 : memref<1024xi32, #tpu.memory_space<vmem>>) semaphore(%arg11 : memref<!tpu.dma_semaphore, #tpu.memory_space<semaphore_mem>>)
    %barrier3A = arith.constant 0 : index
    tpu.barrier barrier_id(%barrier3A)
    %scan3A = arith.constant 0 : i32
    %scan3A_76 = arith.constant 0 : i32
    %scan3A_77 = arith.constant 13 : i32
    %scan3A_78 = arith.addi %scan3A_76, %scan3A_77 : i32
    %scan3A_79 = arith.constant 1 : i32
    scf.for %scan3A_112 = %scan3A_76 to %scan3A_78 step %scan3A_79  : i32 {
      %mul3A_113 = arith.constant 2 : i32
      %mul3A_114 = arith.muli %scan3A_112, %mul3A_113 : i32
      %add3A_115 = arith.constant 0 : i32
      %add3A_116 = arith.addi %mul3A_114, %add3A_115 : i32
      %mul3A_117 = arith.constant 2 : i32
      %mul3A_118 = arith.muli %add3A_116, %mul3A_117 : i32
      %add3A_119 = arith.constant 0 : i32
      %add3A_120 = arith.addi %mul3A_118, %add3A_119 : i32
      %add3A_121 = arith.constant 1 : i32
      %add3A_122 = arith.addi %add3A_120, %add3A_121 : i32
      %ge3A = arith.constant 2 : i32
      %ge3A_123 = arith.cmpi sge, %add3A_122, %ge3A : i32
      %lt3A = arith.constant 52 : i32
      %lt3A_124 = arith.cmpi slt, %add3A_122, %lt3A : i32
      %and3A = arith.andi %ge3A_123, %lt3A_124 : i1
      %convert_element_type3A = arith.extui %and3A : i1 to i32
      %cond3A = arith.constant 0 : i32
      %cond3A_125 = arith.cmpi ne, %convert_element_type3A, %cond3A : i32
      scf.if %cond3A_125 {
        %dma_wait3A_324 = arith.constant 1 : i32
        %dma_wait3A_325 = arith.constant 0 : i32
        %dma_wait3A_326 = arith.constant 0 : i32
        %dma_wait3A_327 = arith.constant 0 : i32
        %dma_wait3A_328 = arith.constant 0 : i32
        %dma_wait3A_329 = tpu.memref_slice %arg10[%dma_wait3A_324, %dma_wait3A_327, %dma_wait3A_328] : memref<2x1024x8xf32, #tpu.memory_space<vmem>> -> memref<1x1024x8xf32, #tpu.memory_space<vmem>>
        %dma_wait3A_330 = tpu.memref_squeeze %dma_wait3A_329 : memref<1x1024x8xf32, #tpu.memory_space<vmem>> -> memref<1024x8xf32, #tpu.memory_space<vmem>>
        %dma_wait3A_331 = arith.constant 0 : i32
        %dma_wait3A_332 = tpu.memref_slice %arg9[%dma_wait3A_325, %dma_wait3A_326, %dma_wait3A_331] : memref<2x2x1024xi32, #tpu.memory_space<vmem>> -> memref<1x1x1024xi32, #tpu.memory_space<vmem>>
        %dma_wait3A_333 = tpu.memref_squeeze %dma_wait3A_332 : memref<1x1x1024xi32, #tpu.memory_space<vmem>> -> memref<1024xi32, #tpu.memory_space<vmem>>
        %dma_wait3A_334 = arith.constant 0 : i32
        %dma_wait3A_335 = arith.constant 0 : i32
        %dma_wait3A_336 = tpu.memref_slice %arg7[%dma_wait3A_334, %dma_wait3A_335] : memref<100352x8xf32, #tpu.memory_space<vmem_shared>> -> memref<100352x8xf32, #tpu.memory_space<vmem_shared>>
        tpu.wait_indirect_dma semaphore(%arg14 : memref<!tpu.dma_semaphore, #tpu.memory_space<semaphore_mem>>) src(%dma_wait3A_330 : memref<1024x8xf32, #tpu.memory_space<vmem>>) dst(%dma_wait3A_336 : memref<100352x8xf32, #tpu.memory_space<vmem_shared>>)
      } else {
      }
      %lt3A_126 = arith.constant 52 : i32
      %lt3A_127 = arith.cmpi slt, %add3A_122, %lt3A_126 : i32
      %convert_element_type3A_128 = arith.extui %lt3A_127 : i1 to i32
      %cond3A_129 = arith.constant 0 : i32
      %cond3A_130 = arith.cmpi ne, %convert_element_type3A_128, %cond3A_129 : i32
      scf.if %cond3A_130 {
        %dma_start3A_324 = arith.constant 0 : i32
        %dma_start3A_325 = arith.constant 1 : i32
        %dma_start3A_326 = arith.constant 1 : i32
        %dma_start3A_327 = arith.constant 0 : i32
        %dma_start3A_328 = arith.constant 0 : i32
        %dma_start3A_329 = tpu.memref_slice %arg10[%dma_start3A_326, %dma_start3A_327, %dma_start3A_328] : memref<2x1024x8xf32, #tpu.memory_space<vmem>> -> memref<1x1024x8xf32, #tpu.memory_space<vmem>>
        %dma_start3A_330 = tpu.memref_squeeze %dma_start3A_329 : memref<1x1024x8xf32, #tpu.memory_space<vmem>> -> memref<1024x8xf32, #tpu.memory_space<vmem>>
        %dma_start3A_331 = arith.constant 0 : i32
        %dma_start3A_332 = tpu.memref_slice %arg8[%dma_start3A_324, %dma_start3A_325, %dma_start3A_331] : memref<2x2x1024xi32, #tpu.memory_space<vmem>> -> memref<1x1x1024xi32, #tpu.memory_space<vmem>>
        %dma_start3A_333 = tpu.memref_squeeze %dma_start3A_332 : memref<1x1x1024xi32, #tpu.memory_space<vmem>> -> memref<1024xi32, #tpu.memory_space<vmem>>
        %dma_start3A_334 = arith.constant 0 : i32
        %dma_start3A_335 = arith.constant 0 : i32
        %dma_start3A_336 = tpu.memref_slice %arg4[%dma_start3A_334, %dma_start3A_335] : memref<100352x8xf32, #tpu.memory_space<hbm>> -> memref<100352x8xf32, #tpu.memory_space<hbm>>
        tpu.enqueue_indirect_dma source(%dma_start3A_336 : memref<100352x8xf32, #tpu.memory_space<hbm>>) target(%dma_start3A_330 : memref<1024x8xf32, #tpu.memory_space<vmem>>) offsets(%dma_start3A_333 : memref<1024xi32, #tpu.memory_space<vmem>>) semaphore(%arg12 : memref<!tpu.dma_semaphore, #tpu.memory_space<semaphore_mem>>)
      } else {
      }
      %dma_wait3A_131 = arith.constant 0 : i32
      %dma_wait3A_132 = arith.constant 0 : i32
      %dma_wait3A_133 = arith.constant 0 : i32
      %dma_wait3A_134 = arith.constant 0 : i32
      %dma_wait3A_135 = arith.constant 0 : i32
      %dma_wait3A_136 = tpu.memref_slice %arg10[%dma_wait3A_133, %dma_wait3A_134, %dma_wait3A_135] : memref<2x1024x8xf32, #tpu.memory_space<vmem>> -> memref<1x1024x8xf32, #tpu.memory_space<vmem>>
      %dma_wait3A_137 = tpu.memref_squeeze %dma_wait3A_136 : memref<1x1024x8xf32, #tpu.memory_space<vmem>> -> memref<1024x8xf32, #tpu.memory_space<vmem>>
      %dma_wait3A_138 = arith.constant 0 : i32
      %dma_wait3A_139 = tpu.memref_slice %arg8[%dma_wait3A_131, %dma_wait3A_132, %dma_wait3A_138] : memref<2x2x1024xi32, #tpu.memory_space<vmem>> -> memref<1x1x1024xi32, #tpu.memory_space<vmem>>
      %dma_wait3A_140 = tpu.memref_squeeze %dma_wait3A_139 : memref<1x1x1024xi32, #tpu.memory_space<vmem>> -> memref<1024xi32, #tpu.memory_space<vmem>>
      %dma_wait3A_141 = arith.constant 0 : i32
      %dma_wait3A_142 = arith.constant 0 : i32
      %dma_wait3A_143 = tpu.memref_slice %arg4[%dma_wait3A_141, %dma_wait3A_142] : memref<100352x8xf32, #tpu.memory_space<hbm>> -> memref<100352x8xf32, #tpu.memory_space<hbm>>
      tpu.wait_indirect_dma semaphore(%arg11 : memref<!tpu.dma_semaphore, #tpu.memory_space<semaphore_mem>>) src(%dma_wait3A_143 : memref<100352x8xf32, #tpu.memory_space<hbm>>) dst(%dma_wait3A_137 : memref<1024x8xf32, #tpu.memory_space<vmem>>)
      %dma_start3A_144 = arith.constant 0 : i32
      %dma_start3A_145 = arith.constant 0 : i32
      %dma_start3A_146 = arith.constant 0 : i32
      %dma_start3A_147 = arith.constant 0 : i32
      %dma_start3A_148 = arith.constant 0 : i32
      %dma_start3A_149 = tpu.memref_slice %arg10[%dma_start3A_144, %dma_start3A_147, %dma_start3A_148] : memref<2x1024x8xf32, #tpu.memory_space<vmem>> -> memref<1x1024x8xf32, #tpu.memory_space<vmem>>
      %dma_start3A_150 = tpu.memref_squeeze %dma_start3A_149 : memref<1x1024x8xf32, #tpu.memory_space<vmem>> -> memref<1024x8xf32, #tpu.memory_space<vmem>>
      %dma_start3A_151 = arith.constant 0 : i32
      %dma_start3A_152 = tpu.memref_slice %arg9[%dma_start3A_145, %dma_start3A_146, %dma_start3A_151] : memref<2x2x1024xi32, #tpu.memory_space<vmem>> -> memref<1x1x1024xi32, #tpu.memory_space<vmem>>
      %dma_start3A_153 = tpu.memref_squeeze %dma_start3A_152 : memref<1x1x1024xi32, #tpu.memory_space<vmem>> -> memref<1024xi32, #tpu.memory_space<vmem>>
      %dma_start3A_154 = arith.constant 0 : i32
      %dma_start3A_155 = arith.constant 0 : i32
      %dma_start3A_156 = tpu.memref_slice %arg7[%dma_start3A_154, %dma_start3A_155] : memref<100352x8xf32, #tpu.memory_space<vmem_shared>> -> memref<100352x8xf32, #tpu.memory_space<vmem_shared>>
      tpu.enqueue_indirect_dma source(%dma_start3A_150 : memref<1024x8xf32, #tpu.memory_space<vmem>>) target(%dma_start3A_156 : memref<100352x8xf32, #tpu.memory_space<vmem_shared>>) offsets(%dma_start3A_153 : memref<1024xi32, #tpu.memory_space<vmem>>) semaphore(%arg13 : memref<!tpu.dma_semaphore, #tpu.memory_space<semaphore_mem>>) {add = true}
      %add3A_157 = arith.constant 1 : i32
      %add3A_158 = arith.addi %add3A_116, %add3A_157 : i32
      %lt3A_159 = arith.constant 26 : i32
      %lt3A_160 = arith.cmpi slt, %add3A_158, %lt3A_159 : i32
      %convert_element_type3A_161 = arith.extui %lt3A_160 : i1 to i32
      %cond3A_162 = arith.constant 0 : i32
      %cond3A_163 = arith.cmpi ne, %convert_element_type3A_161, %cond3A_162 : i32
      scf.if %cond3A_163 {
        %add3A_324 = arith.constant 1 : i32
        %add3A_325 = arith.addi %add3A_116, %add3A_324 : i32
        %mul3A_326 = arith.constant 2 : i32
        %mul3A_327 = arith.muli %add3A_325, %mul3A_326 : i32
        %add3A_328 = arith.addi %mul3A_2, %mul3A_327 : i32
        %dma_start3A_329 = arith.constant 1 : i32
        %dma_start3A_330 = arith.constant 0 : i32
        %dma_start3A_331 = arith.constant 0 : i32
        %dma_start3A_332 = tpu.memref_slice %arg8[%dma_start3A_329, %dma_start3A_330, %dma_start3A_331] : memref<2x2x1024xi32, #tpu.memory_space<vmem>> -> memref<1x2x1024xi32, #tpu.memory_space<vmem>>
        %dma_start3A_333 = tpu.memref_squeeze %dma_start3A_332 : memref<1x2x1024xi32, #tpu.memory_space<vmem>> -> memref<2x1024xi32, #tpu.memory_space<vmem>>
        %dma_start3A_334 = arith.constant 0 : i32
        %dma_start3A_335 = tpu.memref_slice %arg2[%add3A_328, %dma_start3A_334] : memref<1664x1024xi32, #tpu.memory_space<hbm>> -> memref<2x1024xi32, #tpu.memory_space<hbm>>
        %dma_start3A_336 = arith.constant 0 : i32
        %dma_start3A_337 = arith.constant 0 : i32
        %dma_start3A_338 = tpu.memref_slice %arg8[%dma_start3A_329, %dma_start3A_336, %dma_start3A_337] : memref<2x2x1024xi32, #tpu.memory_space<vmem>> -> memref<1x2x1024xi32, #tpu.memory_space<vmem>>
        %dma_start3A_339 = tpu.memref_squeeze %dma_start3A_338 : memref<1x2x1024xi32, #tpu.memory_space<vmem>> -> memref<2x1024xi32, #tpu.memory_space<vmem>>
        %dma_start3A_340 = arith.constant 0 : i32
        %dma_start3A_341 = tpu.memref_slice %arg2[%add3A_328, %dma_start3A_340] : memref<1664x1024xi32, #tpu.memory_space<hbm>> -> memref<2x1024xi32, #tpu.memory_space<hbm>>
        tpu.enqueue_dma source(%dma_start3A_341 : memref<2x1024xi32, #tpu.memory_space<hbm>>) target(%dma_start3A_339 : memref<2x1024xi32, #tpu.memory_space<vmem>>) target_semaphore(%arg16 : memref<!tpu.dma_semaphore, #tpu.memory_space<semaphore_mem>>)
        %mul3A_342 = arith.constant 2 : i32
        %mul3A_343 = arith.muli %add3A_325, %mul3A_342 : i32
        %add3A_344 = arith.addi %mul3A_2, %mul3A_343 : i32
        %dma_start3A_345 = arith.constant 1 : i32
        %dma_start3A_346 = arith.constant 0 : i32
        %dma_start3A_347 = arith.constant 0 : i32
        %dma_start3A_348 = tpu.memref_slice %arg9[%dma_start3A_345, %dma_start3A_346, %dma_start3A_347] : memref<2x2x1024xi32, #tpu.memory_space<vmem>> -> memref<1x2x1024xi32, #tpu.memory_space<vmem>>
        %dma_start3A_349 = tpu.memref_squeeze %dma_start3A_348 : memref<1x2x1024xi32, #tpu.memory_space<vmem>> -> memref<2x1024xi32, #tpu.memory_space<vmem>>
        %dma_start3A_350 = arith.constant 0 : i32
        %dma_start3A_351 = tpu.memref_slice %arg3[%add3A_344, %dma_start3A_350] : memref<1664x1024xi32, #tpu.memory_space<hbm>> -> memref<2x1024xi32, #tpu.memory_space<hbm>>
        %dma_start3A_352 = arith.constant 0 : i32
        %dma_start3A_353 = arith.constant 0 : i32
        %dma_start3A_354 = tpu.memref_slice %arg9[%dma_start3A_345, %dma_start3A_352, %dma_start3A_353] : memref<2x2x1024xi32, #tpu.memory_space<vmem>> -> memref<1x2x1024xi32, #tpu.memory_space<vmem>>
        %dma_start3A_355 = tpu.memref_squeeze %dma_start3A_354 : memref<1x2x1024xi32, #tpu.memory_space<vmem>> -> memref<2x1024xi32, #tpu.memory_space<vmem>>
        %dma_start3A_356 = arith.constant 0 : i32
        %dma_start3A_357 = tpu.memref_slice %arg3[%add3A_344, %dma_start3A_356] : memref<1664x1024xi32, #tpu.memory_space<hbm>> -> memref<2x1024xi32, #tpu.memory_space<hbm>>
        tpu.enqueue_dma source(%dma_start3A_357 : memref<2x1024xi32, #tpu.memory_space<hbm>>) target(%dma_start3A_355 : memref<2x1024xi32, #tpu.memory_space<vmem>>) target_semaphore(%arg16 : memref<!tpu.dma_semaphore, #tpu.memory_space<semaphore_mem>>)
      } else {
      }
      %mul3A_164 = arith.constant 2 : i32
      %mul3A_165 = arith.muli %add3A_116, %mul3A_164 : i32
      %add3A_166 = arith.constant 1 : i32
      %add3A_167 = arith.addi %mul3A_165, %add3A_166 : i32
      %add3A_168 = arith.constant 1 : i32
      %add3A_169 = arith.addi %add3A_167, %add3A_168 : i32
      %ge3A_170 = arith.constant 2 : i32
      %ge3A_171 = arith.cmpi sge, %add3A_169, %ge3A_170 : i32
      %lt3A_172 = arith.constant 52 : i32
      %lt3A_173 = arith.cmpi slt, %add3A_169, %lt3A_172 : i32
      %and3A_174 = arith.andi %ge3A_171, %lt3A_173 : i1
      %convert_element_type3A_175 = arith.extui %and3A_174 : i1 to i32
      %cond3A_176 = arith.constant 0 : i32
      %cond3A_177 = arith.cmpi ne, %convert_element_type3A_175, %cond3A_176 : i32
      scf.if %cond3A_177 {
        %dma_wait3A_324 = arith.constant 0 : i32
        %dma_wait3A_325 = arith.constant 0 : i32
        %dma_wait3A_326 = arith.constant 0 : i32
        %dma_wait3A_327 = arith.constant 0 : i32
        %dma_wait3A_328 = arith.constant 0 : i32
        %dma_wait3A_329 = tpu.memref_slice %arg10[%dma_wait3A_324, %dma_wait3A_327, %dma_wait3A_328] : memref<2x1024x8xf32, #tpu.memory_space<vmem>> -> memref<1x1024x8xf32, #tpu.memory_space<vmem>>
        %dma_wait3A_330 = tpu.memref_squeeze %dma_wait3A_329 : memref<1x1024x8xf32, #tpu.memory_space<vmem>> -> memref<1024x8xf32, #tpu.memory_space<vmem>>
        %dma_wait3A_331 = arith.constant 0 : i32
        %dma_wait3A_332 = tpu.memref_slice %arg9[%dma_wait3A_325, %dma_wait3A_326, %dma_wait3A_331] : memref<2x2x1024xi32, #tpu.memory_space<vmem>> -> memref<1x1x1024xi32, #tpu.memory_space<vmem>>
        %dma_wait3A_333 = tpu.memref_squeeze %dma_wait3A_332 : memref<1x1x1024xi32, #tpu.memory_space<vmem>> -> memref<1024xi32, #tpu.memory_space<vmem>>
        %dma_wait3A_334 = arith.constant 0 : i32
        %dma_wait3A_335 = arith.constant 0 : i32
        %dma_wait3A_336 = tpu.memref_slice %arg7[%dma_wait3A_334, %dma_wait3A_335] : memref<100352x8xf32, #tpu.memory_space<vmem_shared>> -> memref<100352x8xf32, #tpu.memory_space<vmem_shared>>
        tpu.wait_indirect_dma semaphore(%arg13 : memref<!tpu.dma_semaphore, #tpu.memory_space<semaphore_mem>>) src(%dma_wait3A_330 : memref<1024x8xf32, #tpu.memory_space<vmem>>) dst(%dma_wait3A_336 : memref<100352x8xf32, #tpu.memory_space<vmem_shared>>)
      } else {
      }
      %add3A_178 = arith.constant 1 : i32
      %add3A_179 = arith.addi %add3A_116, %add3A_178 : i32
      %lt3A_180 = arith.constant 26 : i32
      %lt3A_181 = arith.cmpi slt, %add3A_179, %lt3A_180 : i32
      %convert_element_type3A_182 = arith.extui %lt3A_181 : i1 to i32
      %cond3A_183 = arith.constant 0 : i32
      %cond3A_184 = arith.cmpi ne, %convert_element_type3A_182, %cond3A_183 : i32
      scf.if %cond3A_184 {
        %dma_wait3A_324 = arith.constant 1 : i32
        %dma_wait3A_325 = arith.constant 0 : i32
        %dma_wait3A_326 = arith.constant 0 : i32
        %dma_wait3A_327 = tpu.memref_slice %arg8[%dma_wait3A_324, %dma_wait3A_325, %dma_wait3A_326] : memref<2x2x1024xi32, #tpu.memory_space<vmem>> -> memref<1x2x1024xi32, #tpu.memory_space<vmem>>
        %dma_wait3A_328 = tpu.memref_squeeze %dma_wait3A_327 : memref<1x2x1024xi32, #tpu.memory_space<vmem>> -> memref<2x1024xi32, #tpu.memory_space<vmem>>
        %dma_wait3A_329 = arith.constant 0 : i32
        %dma_wait3A_330 = arith.constant 0 : i32
        %dma_wait3A_331 = tpu.memref_slice %arg2[%dma_wait3A_329, %dma_wait3A_330] : memref<1664x1024xi32, #tpu.memory_space<hbm>> -> memref<2x1024xi32, #tpu.memory_space<hbm>>
        %dma_wait3A_332 = arith.constant 0 : i32
        %dma_wait3A_333 = arith.constant 0 : i32
        %dma_wait3A_334 = tpu.memref_slice %arg8[%dma_wait3A_324, %dma_wait3A_332, %dma_wait3A_333] : memref<2x2x1024xi32, #tpu.memory_space<vmem>> -> memref<1x2x1024xi32, #tpu.memory_space<vmem>>
        %dma_wait3A_335 = tpu.memref_squeeze %dma_wait3A_334 : memref<1x2x1024xi32, #tpu.memory_space<vmem>> -> memref<2x1024xi32, #tpu.memory_space<vmem>>
        %dma_wait3A_336 = arith.constant 0 : i32
        %dma_wait3A_337 = arith.constant 0 : i32
        %dma_wait3A_338 = tpu.memref_slice %arg2[%dma_wait3A_336, %dma_wait3A_337] : memref<1664x1024xi32, #tpu.memory_space<hbm>> -> memref<2x1024xi32, #tpu.memory_space<hbm>>
        tpu.wait_dma2 semaphore(%arg16 : memref<!tpu.dma_semaphore, #tpu.memory_space<semaphore_mem>>) src(%dma_wait3A_338 : memref<2x1024xi32, #tpu.memory_space<hbm>>) dst(%dma_wait3A_335 : memref<2x1024xi32, #tpu.memory_space<vmem>>)
        %dma_wait3A_339 = arith.constant 1 : i32
        %dma_wait3A_340 = arith.constant 0 : i32
        %dma_wait3A_341 = arith.constant 0 : i32
        %dma_wait3A_342 = tpu.memref_slice %arg9[%dma_wait3A_339, %dma_wait3A_340, %dma_wait3A_341] : memref<2x2x1024xi32, #tpu.memory_space<vmem>> -> memref<1x2x1024xi32, #tpu.memory_space<vmem>>
        %dma_wait3A_343 = tpu.memref_squeeze %dma_wait3A_342 : memref<1x2x1024xi32, #tpu.memory_space<vmem>> -> memref<2x1024xi32, #tpu.memory_space<vmem>>
        %dma_wait3A_344 = arith.constant 0 : i32
        %dma_wait3A_345 = arith.constant 0 : i32
        %dma_wait3A_346 = tpu.memref_slice %arg3[%dma_wait3A_344, %dma_wait3A_345] : memref<1664x1024xi32, #tpu.memory_space<hbm>> -> memref<2x1024xi32, #tpu.memory_space<hbm>>
        %dma_wait3A_347 = arith.constant 0 : i32
        %dma_wait3A_348 = arith.constant 0 : i32
        %dma_wait3A_349 = tpu.memref_slice %arg9[%dma_wait3A_339, %dma_wait3A_347, %dma_wait3A_348] : memref<2x2x1024xi32, #tpu.memory_space<vmem>> -> memref<1x2x1024xi32, #tpu.memory_space<vmem>>
        %dma_wait3A_350 = tpu.memref_squeeze %dma_wait3A_349 : memref<1x2x1024xi32, #tpu.memory_space<vmem>> -> memref<2x1024xi32, #tpu.memory_space<vmem>>
        %dma_wait3A_351 = arith.constant 0 : i32
        %dma_wait3A_352 = arith.constant 0 : i32
        %dma_wait3A_353 = tpu.memref_slice %arg3[%dma_wait3A_351, %dma_wait3A_352] : memref<1664x1024xi32, #tpu.memory_space<hbm>> -> memref<2x1024xi32, #tpu.memory_space<hbm>>
        tpu.wait_dma2 semaphore(%arg16 : memref<!tpu.dma_semaphore, #tpu.memory_space<semaphore_mem>>) src(%dma_wait3A_353 : memref<2x1024xi32, #tpu.memory_space<hbm>>) dst(%dma_wait3A_350 : memref<2x1024xi32, #tpu.memory_space<vmem>>)
      } else {
      }
      %lt3A_185 = arith.constant 52 : i32
      %lt3A_186 = arith.cmpi slt, %add3A_169, %lt3A_185 : i32
      %convert_element_type3A_187 = arith.extui %lt3A_186 : i1 to i32
      %cond3A_188 = arith.constant 0 : i32
      %cond3A_189 = arith.cmpi ne, %convert_element_type3A_187, %cond3A_188 : i32
      scf.if %cond3A_189 {
        %dma_start3A_324 = arith.constant 1 : i32
        %dma_start3A_325 = arith.constant 0 : i32
        %dma_start3A_326 = arith.constant 0 : i32
        %dma_start3A_327 = arith.constant 0 : i32
        %dma_start3A_328 = arith.constant 0 : i32
        %dma_start3A_329 = tpu.memref_slice %arg10[%dma_start3A_326, %dma_start3A_327, %dma_start3A_328] : memref<2x1024x8xf32, #tpu.memory_space<vmem>> -> memref<1x1024x8xf32, #tpu.memory_space<vmem>>
        %dma_start3A_330 = tpu.memref_squeeze %dma_start3A_329 : memref<1x1024x8xf32, #tpu.memory_space<vmem>> -> memref<1024x8xf32, #tpu.memory_space<vmem>>
        %dma_start3A_331 = arith.constant 0 : i32
        %dma_start3A_332 = tpu.memref_slice %arg8[%dma_start3A_324, %dma_start3A_325, %dma_start3A_331] : memref<2x2x1024xi32, #tpu.memory_space<vmem>> -> memref<1x1x1024xi32, #tpu.memory_space<vmem>>
        %dma_start3A_333 = tpu.memref_squeeze %dma_start3A_332 : memref<1x1x1024xi32, #tpu.memory_space<vmem>> -> memref<1024xi32, #tpu.memory_space<vmem>>
        %dma_start3A_334 = arith.constant 0 : i32
        %dma_start3A_335 = arith.constant 0 : i32
        %dma_start3A_336 = tpu.memref_slice %arg4[%dma_start3A_334, %dma_start3A_335] : memref<100352x8xf32, #tpu.memory_space<hbm>> -> memref<100352x8xf32, #tpu.memory_space<hbm>>
        tpu.enqueue_indirect_dma source(%dma_start3A_336 : memref<100352x8xf32, #tpu.memory_space<hbm>>) target(%dma_start3A_330 : memref<1024x8xf32, #tpu.memory_space<vmem>>) offsets(%dma_start3A_333 : memref<1024xi32, #tpu.memory_space<vmem>>) semaphore(%arg11 : memref<!tpu.dma_semaphore, #tpu.memory_space<semaphore_mem>>)
      } else {
      }
      %dma_wait3A_190 = arith.constant 0 : i32
      %dma_wait3A_191 = arith.constant 1 : i32
      %dma_wait3A_192 = arith.constant 1 : i32
      %dma_wait3A_193 = arith.constant 0 : i32
      %dma_wait3A_194 = arith.constant 0 : i32
      %dma_wait3A_195 = tpu.memref_slice %arg10[%dma_wait3A_192, %dma_wait3A_193, %dma_wait3A_194] : memref<2x1024x8xf32, #tpu.memory_space<vmem>> -> memref<1x1024x8xf32, #tpu.memory_space<vmem>>
      %dma_wait3A_196 = tpu.memref_squeeze %dma_wait3A_195 : memref<1x1024x8xf32, #tpu.memory_space<vmem>> -> memref<1024x8xf32, #tpu.memory_space<vmem>>
      %dma_wait3A_197 = arith.constant 0 : i32
      %dma_wait3A_198 = tpu.memref_slice %arg8[%dma_wait3A_190, %dma_wait3A_191, %dma_wait3A_197] : memref<2x2x1024xi32, #tpu.memory_space<vmem>> -> memref<1x1x1024xi32, #tpu.memory_space<vmem>>
      %dma_wait3A_199 = tpu.memref_squeeze %dma_wait3A_198 : memref<1x1x1024xi32, #tpu.memory_space<vmem>> -> memref<1024xi32, #tpu.memory_space<vmem>>
      %dma_wait3A_200 = arith.constant 0 : i32
      %dma_wait3A_201 = arith.constant 0 : i32
      %dma_wait3A_202 = tpu.memref_slice %arg4[%dma_wait3A_200, %dma_wait3A_201] : memref<100352x8xf32, #tpu.memory_space<hbm>> -> memref<100352x8xf32, #tpu.memory_space<hbm>>
      tpu.wait_indirect_dma semaphore(%arg12 : memref<!tpu.dma_semaphore, #tpu.memory_space<semaphore_mem>>) src(%dma_wait3A_202 : memref<100352x8xf32, #tpu.memory_space<hbm>>) dst(%dma_wait3A_196 : memref<1024x8xf32, #tpu.memory_space<vmem>>)
      %dma_start3A_203 = arith.constant 1 : i32
      %dma_start3A_204 = arith.constant 0 : i32
      %dma_start3A_205 = arith.constant 1 : i32
      %dma_start3A_206 = arith.constant 0 : i32
      %dma_start3A_207 = arith.constant 0 : i32
      %dma_start3A_208 = tpu.memref_slice %arg10[%dma_start3A_203, %dma_start3A_206, %dma_start3A_207] : memref<2x1024x8xf32, #tpu.memory_space<vmem>> -> memref<1x1024x8xf32, #tpu.memory_space<vmem>>
      %dma_start3A_209 = tpu.memref_squeeze %dma_start3A_208 : memref<1x1024x8xf32, #tpu.memory_space<vmem>> -> memref<1024x8xf32, #tpu.memory_space<vmem>>
      %dma_start3A_210 = arith.constant 0 : i32
      %dma_start3A_211 = tpu.memref_slice %arg9[%dma_start3A_204, %dma_start3A_205, %dma_start3A_210] : memref<2x2x1024xi32, #tpu.memory_space<vmem>> -> memref<1x1x1024xi32, #tpu.memory_space<vmem>>
      %dma_start3A_212 = tpu.memref_squeeze %dma_start3A_211 : memref<1x1x1024xi32, #tpu.memory_space<vmem>> -> memref<1024xi32, #tpu.memory_space<vmem>>
      %dma_start3A_213 = arith.constant 0 : i32
      %dma_start3A_214 = arith.constant 0 : i32
      %dma_start3A_215 = tpu.memref_slice %arg7[%dma_start3A_213, %dma_start3A_214] : memref<100352x8xf32, #tpu.memory_space<vmem_shared>> -> memref<100352x8xf32, #tpu.memory_space<vmem_shared>>
      tpu.enqueue_indirect_dma source(%dma_start3A_209 : memref<1024x8xf32, #tpu.memory_space<vmem>>) target(%dma_start3A_215 : memref<100352x8xf32, #tpu.memory_space<vmem_shared>>) offsets(%dma_start3A_212 : memref<1024xi32, #tpu.memory_space<vmem>>) semaphore(%arg14 : memref<!tpu.dma_semaphore, #tpu.memory_space<semaphore_mem>>) {add = true}
      %mul3A_216 = arith.constant 2 : i32
      %mul3A_217 = arith.muli %scan3A_112, %mul3A_216 : i32
      %add3A_218 = arith.constant 1 : i32
      %add3A_219 = arith.addi %mul3A_217, %add3A_218 : i32
      %mul3A_220 = arith.constant 2 : i32
      %mul3A_221 = arith.muli %add3A_219, %mul3A_220 : i32
      %add3A_222 = arith.constant 0 : i32
      %add3A_223 = arith.addi %mul3A_221, %add3A_222 : i32
      %add3A_224 = arith.constant 1 : i32
      %add3A_225 = arith.addi %add3A_223, %add3A_224 : i32
      %ge3A_226 = arith.constant 2 : i32
      %ge3A_227 = arith.cmpi sge, %add3A_225, %ge3A_226 : i32
      %lt3A_228 = arith.constant 52 : i32
      %lt3A_229 = arith.cmpi slt, %add3A_225, %lt3A_228 : i32
      %and3A_230 = arith.andi %ge3A_227, %lt3A_229 : i1
      %convert_element_type3A_231 = arith.extui %and3A_230 : i1 to i32
      %cond3A_232 = arith.constant 0 : i32
      %cond3A_233 = arith.cmpi ne, %convert_element_type3A_231, %cond3A_232 : i32
      scf.if %cond3A_233 {
        %dma_wait3A_324 = arith.constant 1 : i32
        %dma_wait3A_325 = arith.constant 0 : i32
        %dma_wait3A_326 = arith.constant 0 : i32
        %dma_wait3A_327 = arith.constant 0 : i32
        %dma_wait3A_328 = arith.constant 0 : i32
        %dma_wait3A_329 = tpu.memref_slice %arg10[%dma_wait3A_324, %dma_wait3A_327, %dma_wait3A_328] : memref<2x1024x8xf32, #tpu.memory_space<vmem>> -> memref<1x1024x8xf32, #tpu.memory_space<vmem>>
        %dma_wait3A_330 = tpu.memref_squeeze %dma_wait3A_329 : memref<1x1024x8xf32, #tpu.memory_space<vmem>> -> memref<1024x8xf32, #tpu.memory_space<vmem>>
        %dma_wait3A_331 = arith.constant 0 : i32
        %dma_wait3A_332 = tpu.memref_slice %arg9[%dma_wait3A_325, %dma_wait3A_326, %dma_wait3A_331] : memref<2x2x1024xi32, #tpu.memory_space<vmem>> -> memref<1x1x1024xi32, #tpu.memory_space<vmem>>
        %dma_wait3A_333 = tpu.memref_squeeze %dma_wait3A_332 : memref<1x1x1024xi32, #tpu.memory_space<vmem>> -> memref<1024xi32, #tpu.memory_space<vmem>>
        %dma_wait3A_334 = arith.constant 0 : i32
        %dma_wait3A_335 = arith.constant 0 : i32
        %dma_wait3A_336 = tpu.memref_slice %arg7[%dma_wait3A_334, %dma_wait3A_335] : memref<100352x8xf32, #tpu.memory_space<vmem_shared>> -> memref<100352x8xf32, #tpu.memory_space<vmem_shared>>
        tpu.wait_indirect_dma semaphore(%arg14 : memref<!tpu.dma_semaphore, #tpu.memory_space<semaphore_mem>>) src(%dma_wait3A_330 : memref<1024x8xf32, #tpu.memory_space<vmem>>) dst(%dma_wait3A_336 : memref<100352x8xf32, #tpu.memory_space<vmem_shared>>)
      } else {
      }
      %lt3A_234 = arith.constant 52 : i32
      %lt3A_235 = arith.cmpi slt, %add3A_225, %lt3A_234 : i32
      %convert_element_type3A_236 = arith.extui %lt3A_235 : i1 to i32
      %cond3A_237 = arith.constant 0 : i32
      %cond3A_238 = arith.cmpi ne, %convert_element_type3A_236, %cond3A_237 : i32
      scf.if %cond3A_238 {
        %dma_start3A_324 = arith.constant 1 : i32
        %dma_start3A_325 = arith.constant 1 : i32
        %dma_start3A_326 = arith.constant 1 : i32
        %dma_start3A_327 = arith.constant 0 : i32
        %dma_start3A_328 = arith.constant 0 : i32
        %dma_start3A_329 = tpu.memref_slice %arg10[%dma_start3A_326, %dma_start3A_327, %dma_start3A_328] : memref<2x1024x8xf32, #tpu.memory_space<vmem>> -> memref<1x1024x8xf32, #tpu.memory_space<vmem>>
        %dma_start3A_330 = tpu.memref_squeeze %dma_start3A_329 : memref<1x1024x8xf32, #tpu.memory_space<vmem>> -> memref<1024x8xf32, #tpu.memory_space<vmem>>
        %dma_start3A_331 = arith.constant 0 : i32
        %dma_start3A_332 = tpu.memref_slice %arg8[%dma_start3A_324, %dma_start3A_325, %dma_start3A_331] : memref<2x2x1024xi32, #tpu.memory_space<vmem>> -> memref<1x1x1024xi32, #tpu.memory_space<vmem>>
        %dma_start3A_333 = tpu.memref_squeeze %dma_start3A_332 : memref<1x1x1024xi32, #tpu.memory_space<vmem>> -> memref<1024xi32, #tpu.memory_space<vmem>>
        %dma_start3A_334 = arith.constant 0 : i32
        %dma_start3A_335 = arith.constant 0 : i32
        %dma_start3A_336 = tpu.memref_slice %arg4[%dma_start3A_334, %dma_start3A_335] : memref<100352x8xf32, #tpu.memory_space<hbm>> -> memref<100352x8xf32, #tpu.memory_space<hbm>>
        tpu.enqueue_indirect_dma source(%dma_start3A_336 : memref<100352x8xf32, #tpu.memory_space<hbm>>) target(%dma_start3A_330 : memref<1024x8xf32, #tpu.memory_space<vmem>>) offsets(%dma_start3A_333 : memref<1024xi32, #tpu.memory_space<vmem>>) semaphore(%arg12 : memref<!tpu.dma_semaphore, #tpu.memory_space<semaphore_mem>>)
      } else {
      }
      %dma_wait3A_239 = arith.constant 1 : i32
      %dma_wait3A_240 = arith.constant 0 : i32
      %dma_wait3A_241 = arith.constant 0 : i32
      %dma_wait3A_242 = arith.constant 0 : i32
      %dma_wait3A_243 = arith.constant 0 : i32
      %dma_wait3A_244 = tpu.memref_slice %arg10[%dma_wait3A_241, %dma_wait3A_242, %dma_wait3A_243] : memref<2x1024x8xf32, #tpu.memory_space<vmem>> -> memref<1x1024x8xf32, #tpu.memory_space<vmem>>
      %dma_wait3A_245 = tpu.memref_squeeze %dma_wait3A_244 : memref<1x1024x8xf32, #tpu.memory_space<vmem>> -> memref<1024x8xf32, #tpu.memory_space<vmem>>
      %dma_wait3A_246 = arith.constant 0 : i32
      %dma_wait3A_247 = tpu.memref_slice %arg8[%dma_wait3A_239, %dma_wait3A_240, %dma_wait3A_246] : memref<2x2x1024xi32, #tpu.memory_space<vmem>> -> memref<1x1x1024xi32, #tpu.memory_space<vmem>>
      %dma_wait3A_248 = tpu.memref_squeeze %dma_wait3A_247 : memref<1x1x1024xi32, #tpu.memory_space<vmem>> -> memref<1024xi32, #tpu.memory_space<vmem>>
      %dma_wait3A_249 = arith.constant 0 : i32
      %dma_wait3A_250 = arith.constant 0 : i32
      %dma_wait3A_251 = tpu.memref_slice %arg4[%dma_wait3A_249, %dma_wait3A_250] : memref<100352x8xf32, #tpu.memory_space<hbm>> -> memref<100352x8xf32, #tpu.memory_space<hbm>>
      tpu.wait_indirect_dma semaphore(%arg11 : memref<!tpu.dma_semaphore, #tpu.memory_space<semaphore_mem>>) src(%dma_wait3A_251 : memref<100352x8xf32, #tpu.memory_space<hbm>>) dst(%dma_wait3A_245 : memref<1024x8xf32, #tpu.memory_space<vmem>>)
      %dma_start3A_252 = arith.constant 0 : i32
      %dma_start3A_253 = arith.constant 1 : i32
      %dma_start3A_254 = arith.constant 0 : i32
      %dma_start3A_255 = arith.constant 0 : i32
      %dma_start3A_256 = arith.constant 0 : i32
      %dma_start3A_257 = tpu.memref_slice %arg10[%dma_start3A_252, %dma_start3A_255, %dma_start3A_256] : memref<2x1024x8xf32, #tpu.memory_space<vmem>> -> memref<1x1024x8xf32, #tpu.memory_space<vmem>>
      %dma_start3A_258 = tpu.memref_squeeze %dma_start3A_257 : memref<1x1024x8xf32, #tpu.memory_space<vmem>> -> memref<1024x8xf32, #tpu.memory_space<vmem>>
      %dma_start3A_259 = arith.constant 0 : i32
      %dma_start3A_260 = tpu.memref_slice %arg9[%dma_start3A_253, %dma_start3A_254, %dma_start3A_259] : memref<2x2x1024xi32, #tpu.memory_space<vmem>> -> memref<1x1x1024xi32, #tpu.memory_space<vmem>>
      %dma_start3A_261 = tpu.memref_squeeze %dma_start3A_260 : memref<1x1x1024xi32, #tpu.memory_space<vmem>> -> memref<1024xi32, #tpu.memory_space<vmem>>
      %dma_start3A_262 = arith.constant 0 : i32
      %dma_start3A_263 = arith.constant 0 : i32
      %dma_start3A_264 = tpu.memref_slice %arg7[%dma_start3A_262, %dma_start3A_263] : memref<100352x8xf32, #tpu.memory_space<vmem_shared>> -> memref<100352x8xf32, #tpu.memory_space<vmem_shared>>
      tpu.enqueue_indirect_dma source(%dma_start3A_258 : memref<1024x8xf32, #tpu.memory_space<vmem>>) target(%dma_start3A_264 : memref<100352x8xf32, #tpu.memory_space<vmem_shared>>) offsets(%dma_start3A_261 : memref<1024xi32, #tpu.memory_space<vmem>>) semaphore(%arg13 : memref<!tpu.dma_semaphore, #tpu.memory_space<semaphore_mem>>) {add = true}
      %add3A_265 = arith.constant 1 : i32
      %add3A_266 = arith.addi %add3A_219, %add3A_265 : i32
      %lt3A_267 = arith.constant 26 : i32
      %lt3A_268 = arith.cmpi slt, %add3A_266, %lt3A_267 : i32
      %convert_element_type3A_269 = arith.extui %lt3A_268 : i1 to i32
      %cond3A_270 = arith.constant 0 : i32
      %cond3A_271 = arith.cmpi ne, %convert_element_type3A_269, %cond3A_270 : i32
      scf.if %cond3A_271 {
        %add3A_324 = arith.constant 1 : i32
        %add3A_325 = arith.addi %add3A_219, %add3A_324 : i32
        %mul3A_326 = arith.constant 2 : i32
        %mul3A_327 = arith.muli %add3A_325, %mul3A_326 : i32
        %add3A_328 = arith.addi %mul3A_2, %mul3A_327 : i32
        %dma_start3A_329 = arith.constant 0 : i32
        %dma_start3A_330 = arith.constant 0 : i32
        %dma_start3A_331 = arith.constant 0 : i32
        %dma_start3A_332 = tpu.memref_slice %arg8[%dma_start3A_329, %dma_start3A_330, %dma_start3A_331] : memref<2x2x1024xi32, #tpu.memory_space<vmem>> -> memref<1x2x1024xi32, #tpu.memory_space<vmem>>
        %dma_start3A_333 = tpu.memref_squeeze %dma_start3A_332 : memref<1x2x1024xi32, #tpu.memory_space<vmem>> -> memref<2x1024xi32, #tpu.memory_space<vmem>>
        %dma_start3A_334 = arith.constant 0 : i32
        %dma_start3A_335 = tpu.memref_slice %arg2[%add3A_328, %dma_start3A_334] : memref<1664x1024xi32, #tpu.memory_space<hbm>> -> memref<2x1024xi32, #tpu.memory_space<hbm>>
        %dma_start3A_336 = arith.constant 0 : i32
        %dma_start3A_337 = arith.constant 0 : i32
        %dma_start3A_338 = tpu.memref_slice %arg8[%dma_start3A_329, %dma_start3A_336, %dma_start3A_337] : memref<2x2x1024xi32, #tpu.memory_space<vmem>> -> memref<1x2x1024xi32, #tpu.memory_space<vmem>>
        %dma_start3A_339 = tpu.memref_squeeze %dma_start3A_338 : memref<1x2x1024xi32, #tpu.memory_space<vmem>> -> memref<2x1024xi32, #tpu.memory_space<vmem>>
        %dma_start3A_340 = arith.constant 0 : i32
        %dma_start3A_341 = tpu.memref_slice %arg2[%add3A_328, %dma_start3A_340] : memref<1664x1024xi32, #tpu.memory_space<hbm>> -> memref<2x1024xi32, #tpu.memory_space<hbm>>
        tpu.enqueue_dma source(%dma_start3A_341 : memref<2x1024xi32, #tpu.memory_space<hbm>>) target(%dma_start3A_339 : memref<2x1024xi32, #tpu.memory_space<vmem>>) target_semaphore(%arg15 : memref<!tpu.dma_semaphore, #tpu.memory_space<semaphore_mem>>)
        %mul3A_342 = arith.constant 2 : i32
        %mul3A_343 = arith.muli %add3A_325, %mul3A_342 : i32
        %add3A_344 = arith.addi %mul3A_2, %mul3A_343 : i32
        %dma_start3A_345 = arith.constant 0 : i32
        %dma_start3A_346 = arith.constant 0 : i32
        %dma_start3A_347 = arith.constant 0 : i32
        %dma_start3A_348 = tpu.memref_slice %arg9[%dma_start3A_345, %dma_start3A_346, %dma_start3A_347] : memref<2x2x1024xi32, #tpu.memory_space<vmem>> -> memref<1x2x1024xi32, #tpu.memory_space<vmem>>
        %dma_start3A_349 = tpu.memref_squeeze %dma_start3A_348 : memref<1x2x1024xi32, #tpu.memory_space<vmem>> -> memref<2x1024xi32, #tpu.memory_space<vmem>>
        %dma_start3A_350 = arith.constant 0 : i32
        %dma_start3A_351 = tpu.memref_slice %arg3[%add3A_344, %dma_start3A_350] : memref<1664x1024xi32, #tpu.memory_space<hbm>> -> memref<2x1024xi32, #tpu.memory_space<hbm>>
        %dma_start3A_352 = arith.constant 0 : i32
        %dma_start3A_353 = arith.constant 0 : i32
        %dma_start3A_354 = tpu.memref_slice %arg9[%dma_start3A_345, %dma_start3A_352, %dma_start3A_353] : memref<2x2x1024xi32, #tpu.memory_space<vmem>> -> memref<1x2x1024xi32, #tpu.memory_space<vmem>>
        %dma_start3A_355 = tpu.memref_squeeze %dma_start3A_354 : memref<1x2x1024xi32, #tpu.memory_space<vmem>> -> memref<2x1024xi32, #tpu.memory_space<vmem>>
        %dma_start3A_356 = arith.constant 0 : i32
        %dma_start3A_357 = tpu.memref_slice %arg3[%add3A_344, %dma_start3A_356] : memref<1664x1024xi32, #tpu.memory_space<hbm>> -> memref<2x1024xi32, #tpu.memory_space<hbm>>
        tpu.enqueue_dma source(%dma_start3A_357 : memref<2x1024xi32, #tpu.memory_space<hbm>>) target(%dma_start3A_355 : memref<2x1024xi32, #tpu.memory_space<vmem>>) target_semaphore(%arg15 : memref<!tpu.dma_semaphore, #tpu.memory_space<semaphore_mem>>)
      } else {
      }
      %mul3A_272 = arith.constant 2 : i32
      %mul3A_273 = arith.muli %add3A_219, %mul3A_272 : i32
      %add3A_274 = arith.constant 1 : i32
      %add3A_275 = arith.addi %mul3A_273, %add3A_274 : i32
      %add3A_276 = arith.constant 1 : i32
      %add3A_277 = arith.addi %add3A_275, %add3A_276 : i32
      %ge3A_278 = arith.constant 2 : i32
      %ge3A_279 = arith.cmpi sge, %add3A_277, %ge3A_278 : i32
      %lt3A_280 = arith.constant 52 : i32
      %lt3A_281 = arith.cmpi slt, %add3A_277, %lt3A_280 : i32
      %and3A_282 = arith.andi %ge3A_279, %lt3A_281 : i1
      %convert_element_type3A_283 = arith.extui %and3A_282 : i1 to i32
      %cond3A_284 = arith.constant 0 : i32
      %cond3A_285 = arith.cmpi ne, %convert_element_type3A_283, %cond3A_284 : i32
      scf.if %cond3A_285 {
        %dma_wait3A_324 = arith.constant 0 : i32
        %dma_wait3A_325 = arith.constant 0 : i32
        %dma_wait3A_326 = arith.constant 0 : i32
        %dma_wait3A_327 = arith.constant 0 : i32
        %dma_wait3A_328 = arith.constant 0 : i32
        %dma_wait3A_329 = tpu.memref_slice %arg10[%dma_wait3A_324, %dma_wait3A_327, %dma_wait3A_328] : memref<2x1024x8xf32, #tpu.memory_space<vmem>> -> memref<1x1024x8xf32, #tpu.memory_space<vmem>>
        %dma_wait3A_330 = tpu.memref_squeeze %dma_wait3A_329 : memref<1x1024x8xf32, #tpu.memory_space<vmem>> -> memref<1024x8xf32, #tpu.memory_space<vmem>>
        %dma_wait3A_331 = arith.constant 0 : i32
        %dma_wait3A_332 = tpu.memref_slice %arg9[%dma_wait3A_325, %dma_wait3A_326, %dma_wait3A_331] : memref<2x2x1024xi32, #tpu.memory_space<vmem>> -> memref<1x1x1024xi32, #tpu.memory_space<vmem>>
        %dma_wait3A_333 = tpu.memref_squeeze %dma_wait3A_332 : memref<1x1x1024xi32, #tpu.memory_space<vmem>> -> memref<1024xi32, #tpu.memory_space<vmem>>
        %dma_wait3A_334 = arith.constant 0 : i32
        %dma_wait3A_335 = arith.constant 0 : i32
        %dma_wait3A_336 = tpu.memref_slice %arg7[%dma_wait3A_334, %dma_wait3A_335] : memref<100352x8xf32, #tpu.memory_space<vmem_shared>> -> memref<100352x8xf32, #tpu.memory_space<vmem_shared>>
        tpu.wait_indirect_dma semaphore(%arg13 : memref<!tpu.dma_semaphore, #tpu.memory_space<semaphore_mem>>) src(%dma_wait3A_330 : memref<1024x8xf32, #tpu.memory_space<vmem>>) dst(%dma_wait3A_336 : memref<100352x8xf32, #tpu.memory_space<vmem_shared>>)
      } else {
      }
      %add3A_286 = arith.constant 1 : i32
      %add3A_287 = arith.addi %add3A_219, %add3A_286 : i32
      %lt3A_288 = arith.constant 26 : i32
      %lt3A_289 = arith.cmpi slt, %add3A_287, %lt3A_288 : i32
      %convert_element_type3A_290 = arith.extui %lt3A_289 : i1 to i32
      %cond3A_291 = arith.constant 0 : i32
      %cond3A_292 = arith.cmpi ne, %convert_element_type3A_290, %cond3A_291 : i32
      scf.if %cond3A_292 {
        %dma_wait3A_324 = arith.constant 0 : i32
        %dma_wait3A_325 = arith.constant 0 : i32
        %dma_wait3A_326 = arith.constant 0 : i32
        %dma_wait3A_327 = tpu.memref_slice %arg8[%dma_wait3A_324, %dma_wait3A_325, %dma_wait3A_326] : memref<2x2x1024xi32, #tpu.memory_space<vmem>> -> memref<1x2x1024xi32, #tpu.memory_space<vmem>>
        %dma_wait3A_328 = tpu.memref_squeeze %dma_wait3A_327 : memref<1x2x1024xi32, #tpu.memory_space<vmem>> -> memref<2x1024xi32, #tpu.memory_space<vmem>>
        %dma_wait3A_329 = arith.constant 0 : i32
        %dma_wait3A_330 = arith.constant 0 : i32
        %dma_wait3A_331 = tpu.memref_slice %arg2[%dma_wait3A_329, %dma_wait3A_330] : memref<1664x1024xi32, #tpu.memory_space<hbm>> -> memref<2x1024xi32, #tpu.memory_space<hbm>>
        %dma_wait3A_332 = arith.constant 0 : i32
        %dma_wait3A_333 = arith.constant 0 : i32
        %dma_wait3A_334 = tpu.memref_slice %arg8[%dma_wait3A_324, %dma_wait3A_332, %dma_wait3A_333] : memref<2x2x1024xi32, #tpu.memory_space<vmem>> -> memref<1x2x1024xi32, #tpu.memory_space<vmem>>
        %dma_wait3A_335 = tpu.memref_squeeze %dma_wait3A_334 : memref<1x2x1024xi32, #tpu.memory_space<vmem>> -> memref<2x1024xi32, #tpu.memory_space<vmem>>
        %dma_wait3A_336 = arith.constant 0 : i32
        %dma_wait3A_337 = arith.constant 0 : i32
        %dma_wait3A_338 = tpu.memref_slice %arg2[%dma_wait3A_336, %dma_wait3A_337] : memref<1664x1024xi32, #tpu.memory_space<hbm>> -> memref<2x1024xi32, #tpu.memory_space<hbm>>
        tpu.wait_dma2 semaphore(%arg15 : memref<!tpu.dma_semaphore, #tpu.memory_space<semaphore_mem>>) src(%dma_wait3A_338 : memref<2x1024xi32, #tpu.memory_space<hbm>>) dst(%dma_wait3A_335 : memref<2x1024xi32, #tpu.memory_space<vmem>>)
        %dma_wait3A_339 = arith.constant 0 : i32
        %dma_wait3A_340 = arith.constant 0 : i32
        %dma_wait3A_341 = arith.constant 0 : i32
        %dma_wait3A_342 = tpu.memref_slice %arg9[%dma_wait3A_339, %dma_wait3A_340, %dma_wait3A_341] : memref<2x2x1024xi32, #tpu.memory_space<vmem>> -> memref<1x2x1024xi32, #tpu.memory_space<vmem>>
        %dma_wait3A_343 = tpu.memref_squeeze %dma_wait3A_342 : memref<1x2x1024xi32, #tpu.memory_space<vmem>> -> memref<2x1024xi32, #tpu.memory_space<vmem>>
        %dma_wait3A_344 = arith.constant 0 : i32
        %dma_wait3A_345 = arith.constant 0 : i32
        %dma_wait3A_346 = tpu.memref_slice %arg3[%dma_wait3A_344, %dma_wait3A_345] : memref<1664x1024xi32, #tpu.memory_space<hbm>> -> memref<2x1024xi32, #tpu.memory_space<hbm>>
        %dma_wait3A_347 = arith.constant 0 : i32
        %dma_wait3A_348 = arith.constant 0 : i32
        %dma_wait3A_349 = tpu.memref_slice %arg9[%dma_wait3A_339, %dma_wait3A_347, %dma_wait3A_348] : memref<2x2x1024xi32, #tpu.memory_space<vmem>> -> memref<1x2x1024xi32, #tpu.memory_space<vmem>>
        %dma_wait3A_350 = tpu.memref_squeeze %dma_wait3A_349 : memref<1x2x1024xi32, #tpu.memory_space<vmem>> -> memref<2x1024xi32, #tpu.memory_space<vmem>>
        %dma_wait3A_351 = arith.constant 0 : i32
        %dma_wait3A_352 = arith.constant 0 : i32
        %dma_wait3A_353 = tpu.memref_slice %arg3[%dma_wait3A_351, %dma_wait3A_352] : memref<1664x1024xi32, #tpu.memory_space<hbm>> -> memref<2x1024xi32, #tpu.memory_space<hbm>>
        tpu.wait_dma2 semaphore(%arg15 : memref<!tpu.dma_semaphore, #tpu.memory_space<semaphore_mem>>) src(%dma_wait3A_353 : memref<2x1024xi32, #tpu.memory_space<hbm>>) dst(%dma_wait3A_350 : memref<2x1024xi32, #tpu.memory_space<vmem>>)
      } else {
      }
      %lt3A_293 = arith.constant 52 : i32
      %lt3A_294 = arith.cmpi slt, %add3A_277, %lt3A_293 : i32
      %convert_element_type3A_295 = arith.extui %lt3A_294 : i1 to i32
      %cond3A_296 = arith.constant 0 : i32
      %cond3A_297 = arith.cmpi ne, %convert_element_type3A_295, %cond3A_296 : i32
      scf.if %cond3A_297 {
        %dma_start3A_324 = arith.constant 0 : i32
        %dma_start3A_325 = arith.constant 0 : i32
        %dma_start3A_326 = arith.constant 0 : i32
        %dma_start3A_327 = arith.constant 0 : i32
        %dma_start3A_328 = arith.constant 0 : i32
        %dma_start3A_329 = tpu.memref_slice %arg10[%dma_start3A_326, %dma_start3A_327, %dma_start3A_328] : memref<2x1024x8xf32, #tpu.memory_space<vmem>> -> memref<1x1024x8xf32, #tpu.memory_space<vmem>>
        %dma_start3A_330 = tpu.memref_squeeze %dma_start3A_329 : memref<1x1024x8xf32, #tpu.memory_space<vmem>> -> memref<1024x8xf32, #tpu.memory_space<vmem>>
        %dma_start3A_331 = arith.constant 0 : i32
        %dma_start3A_332 = tpu.memref_slice %arg8[%dma_start3A_324, %dma_start3A_325, %dma_start3A_331] : memref<2x2x1024xi32, #tpu.memory_space<vmem>> -> memref<1x1x1024xi32, #tpu.memory_space<vmem>>
        %dma_start3A_333 = tpu.memref_squeeze %dma_start3A_332 : memref<1x1x1024xi32, #tpu.memory_space<vmem>> -> memref<1024xi32, #tpu.memory_space<vmem>>
        %dma_start3A_334 = arith.constant 0 : i32
        %dma_start3A_335 = arith.constant 0 : i32
        %dma_start3A_336 = tpu.memref_slice %arg4[%dma_start3A_334, %dma_start3A_335] : memref<100352x8xf32, #tpu.memory_space<hbm>> -> memref<100352x8xf32, #tpu.memory_space<hbm>>
        tpu.enqueue_indirect_dma source(%dma_start3A_336 : memref<100352x8xf32, #tpu.memory_space<hbm>>) target(%dma_start3A_330 : memref<1024x8xf32, #tpu.memory_space<vmem>>) offsets(%dma_start3A_333 : memref<1024xi32, #tpu.memory_space<vmem>>) semaphore(%arg11 : memref<!tpu.dma_semaphore, #tpu.memory_space<semaphore_mem>>)
      } else {
      }
      %dma_wait3A_298 = arith.constant 1 : i32
      %dma_wait3A_299 = arith.constant 1 : i32
      %dma_wait3A_300 = arith.constant 1 : i32
      %dma_wait3A_301 = arith.constant 0 : i32
      %dma_wait3A_302 = arith.constant 0 : i32
      %dma_wait3A_303 = tpu.memref_slice %arg10[%dma_wait3A_300, %dma_wait3A_301, %dma_wait3A_302] : memref<2x1024x8xf32, #tpu.memory_space<vmem>> -> memref<1x1024x8xf32, #tpu.memory_space<vmem>>
      %dma_wait3A_304 = tpu.memref_squeeze %dma_wait3A_303 : memref<1x1024x8xf32, #tpu.memory_space<vmem>> -> memref<1024x8xf32, #tpu.memory_space<vmem>>
      %dma_wait3A_305 = arith.constant 0 : i32
      %dma_wait3A_306 = tpu.memref_slice %arg8[%dma_wait3A_298, %dma_wait3A_299, %dma_wait3A_305] : memref<2x2x1024xi32, #tpu.memory_space<vmem>> -> memref<1x1x1024xi32, #tpu.memory_space<vmem>>
      %dma_wait3A_307 = tpu.memref_squeeze %dma_wait3A_306 : memref<1x1x1024xi32, #tpu.memory_space<vmem>> -> memref<1024xi32, #tpu.memory_space<vmem>>
      %dma_wait3A_308 = arith.constant 0 : i32
      %dma_wait3A_309 = arith.constant 0 : i32
      %dma_wait3A_310 = tpu.memref_slice %arg4[%dma_wait3A_308, %dma_wait3A_309] : memref<100352x8xf32, #tpu.memory_space<hbm>> -> memref<100352x8xf32, #tpu.memory_space<hbm>>
      tpu.wait_indirect_dma semaphore(%arg12 : memref<!tpu.dma_semaphore, #tpu.memory_space<semaphore_mem>>) src(%dma_wait3A_310 : memref<100352x8xf32, #tpu.memory_space<hbm>>) dst(%dma_wait3A_304 : memref<1024x8xf32, #tpu.memory_space<vmem>>)
      %dma_start3A_311 = arith.constant 1 : i32
      %dma_start3A_312 = arith.constant 1 : i32
      %dma_start3A_313 = arith.constant 1 : i32
      %dma_start3A_314 = arith.constant 0 : i32
      %dma_start3A_315 = arith.constant 0 : i32
      %dma_start3A_316 = tpu.memref_slice %arg10[%dma_start3A_311, %dma_start3A_314, %dma_start3A_315] : memref<2x1024x8xf32, #tpu.memory_space<vmem>> -> memref<1x1024x8xf32, #tpu.memory_space<vmem>>
      %dma_start3A_317 = tpu.memref_squeeze %dma_start3A_316 : memref<1x1024x8xf32, #tpu.memory_space<vmem>> -> memref<1024x8xf32, #tpu.memory_space<vmem>>
      %dma_start3A_318 = arith.constant 0 : i32
      %dma_start3A_319 = tpu.memref_slice %arg9[%dma_start3A_312, %dma_start3A_313, %dma_start3A_318] : memref<2x2x1024xi32, #tpu.memory_space<vmem>> -> memref<1x1x1024xi32, #tpu.memory_space<vmem>>
      %dma_start3A_320 = tpu.memref_squeeze %dma_start3A_319 : memref<1x1x1024xi32, #tpu.memory_space<vmem>> -> memref<1024xi32, #tpu.memory_space<vmem>>
      %dma_start3A_321 = arith.constant 0 : i32
      %dma_start3A_322 = arith.constant 0 : i32
      %dma_start3A_323 = tpu.memref_slice %arg7[%dma_start3A_321, %dma_start3A_322] : memref<100352x8xf32, #tpu.memory_space<vmem_shared>> -> memref<100352x8xf32, #tpu.memory_space<vmem_shared>>
      tpu.enqueue_indirect_dma source(%dma_start3A_317 : memref<1024x8xf32, #tpu.memory_space<vmem>>) target(%dma_start3A_323 : memref<100352x8xf32, #tpu.memory_space<vmem_shared>>) offsets(%dma_start3A_320 : memref<1024xi32, #tpu.memory_space<vmem>>) semaphore(%arg14 : memref<!tpu.dma_semaphore, #tpu.memory_space<semaphore_mem>>) {add = true}
    }
    %scan3A_80 = arith.constant 13 : i32
    %dma_wait3A_81 = arith.constant 0 : i32
    %dma_wait3A_82 = arith.constant 0 : i32
    %dma_wait3A_83 = arith.constant 0 : i32
    %dma_wait3A_84 = arith.constant 0 : i32
    %dma_wait3A_85 = arith.constant 0 : i32
    %dma_wait3A_86 = tpu.memref_slice %arg10[%dma_wait3A_81, %dma_wait3A_84, %dma_wait3A_85] : memref<2x1024x8xf32, #tpu.memory_space<vmem>> -> memref<1x1024x8xf32, #tpu.memory_space<vmem>>
    %dma_wait3A_87 = tpu.memref_squeeze %dma_wait3A_86 : memref<1x1024x8xf32, #tpu.memory_space<vmem>> -> memref<1024x8xf32, #tpu.memory_space<vmem>>
    %dma_wait3A_88 = arith.constant 0 : i32
    %dma_wait3A_89 = tpu.memref_slice %arg9[%dma_wait3A_82, %dma_wait3A_83, %dma_wait3A_88] : memref<2x2x1024xi32, #tpu.memory_space<vmem>> -> memref<1x1x1024xi32, #tpu.memory_space<vmem>>
    %dma_wait3A_90 = tpu.memref_squeeze %dma_wait3A_89 : memref<1x1x1024xi32, #tpu.memory_space<vmem>> -> memref<1024xi32, #tpu.memory_space<vmem>>
    %dma_wait3A_91 = arith.constant 0 : i32
    %dma_wait3A_92 = arith.constant 0 : i32
    %dma_wait3A_93 = tpu.memref_slice %arg7[%dma_wait3A_91, %dma_wait3A_92] : memref<100352x8xf32, #tpu.memory_space<vmem_shared>> -> memref<100352x8xf32, #tpu.memory_space<vmem_shared>>
    tpu.wait_indirect_dma semaphore(%arg13 : memref<!tpu.dma_semaphore, #tpu.memory_space<semaphore_mem>>) src(%dma_wait3A_87 : memref<1024x8xf32, #tpu.memory_space<vmem>>) dst(%dma_wait3A_93 : memref<100352x8xf32, #tpu.memory_space<vmem_shared>>)
    %dma_wait3A_94 = arith.constant 1 : i32
    %dma_wait3A_95 = arith.constant 0 : i32
    %dma_wait3A_96 = arith.constant 0 : i32
    %dma_wait3A_97 = arith.constant 0 : i32
    %dma_wait3A_98 = arith.constant 0 : i32
    %dma_wait3A_99 = tpu.memref_slice %arg10[%dma_wait3A_94, %dma_wait3A_97, %dma_wait3A_98] : memref<2x1024x8xf32, #tpu.memory_space<vmem>> -> memref<1x1024x8xf32, #tpu.memory_space<vmem>>
    %dma_wait3A_100 = tpu.memref_squeeze %dma_wait3A_99 : memref<1x1024x8xf32, #tpu.memory_space<vmem>> -> memref<1024x8xf32, #tpu.memory_space<vmem>>
    %dma_wait3A_101 = arith.constant 0 : i32
    %dma_wait3A_102 = tpu.memref_slice %arg9[%dma_wait3A_95, %dma_wait3A_96, %dma_wait3A_101] : memref<2x2x1024xi32, #tpu.memory_space<vmem>> -> memref<1x1x1024xi32, #tpu.memory_space<vmem>>
    %dma_wait3A_103 = tpu.memref_squeeze %dma_wait3A_102 : memref<1x1x1024xi32, #tpu.memory_space<vmem>> -> memref<1024xi32, #tpu.memory_space<vmem>>
    %dma_wait3A_104 = arith.constant 0 : i32
    %dma_wait3A_105 = arith.constant 0 : i32
    %dma_wait3A_106 = tpu.memref_slice %arg7[%dma_wait3A_104, %dma_wait3A_105] : memref<100352x8xf32, #tpu.memory_space<vmem_shared>> -> memref<100352x8xf32, #tpu.memory_space<vmem_shared>>
    tpu.wait_indirect_dma semaphore(%arg14 : memref<!tpu.dma_semaphore, #tpu.memory_space<semaphore_mem>>) src(%dma_wait3A_100 : memref<1024x8xf32, #tpu.memory_space<vmem>>) dst(%dma_wait3A_106 : memref<100352x8xf32, #tpu.memory_space<vmem_shared>>)
    %barrier3A_107 = arith.constant 0 : index
    tpu.barrier barrier_id(%barrier3A_107)
    %mul3A_108 = arith.constant 6272 : i32
    %mul3A_109 = arith.muli %arg1, %mul3A_108 : i32
    %mul3A_110 = arith.constant 6272 : i32
    %mul3A_111 = arith.muli %arg1, %mul3A_110 : i32
    "tpu.region"() ({
      %run_scoped3A = tpu.sem_alloc : memref<!tpu.dma_semaphore, #tpu.memory_space<semaphore_mem>>
      %dma_start3A_112 = arith.constant 0 : i32
      %dma_start3A_113 = tpu.memref_slice %arg6[%arg0, %mul3A_111, %dma_start3A_112] : memref<2x100352x8xf32, #tpu.memory_space<hbm>> -> memref<1x6272x8xf32, #tpu.memory_space<hbm>>
      %dma_start3A_114 = tpu.memref_squeeze %dma_start3A_113 : memref<1x6272x8xf32, #tpu.memory_space<hbm>> -> memref<6272x8xf32, #tpu.memory_space<hbm>>
      %dma_start3A_115 = arith.constant 0 : i32
      %dma_start3A_116 = tpu.memref_slice %arg7[%mul3A_109, %dma_start3A_115] : memref<100352x8xf32, #tpu.memory_space<vmem_shared>> -> memref<6272x8xf32, #tpu.memory_space<vmem_shared>>
      tpu.enqueue_dma source(%dma_start3A_116 : memref<6272x8xf32, #tpu.memory_space<vmem_shared>>) target(%dma_start3A_114 : memref<6272x8xf32, #tpu.memory_space<hbm>>) target_semaphore(%run_scoped3A : memref<!tpu.dma_semaphore, #tpu.memory_space<semaphore_mem>>)
      %dma_wait3A_117 = arith.constant 0 : i32
      %dma_wait3A_118 = tpu.memref_slice %arg6[%arg0, %mul3A_111, %dma_wait3A_117] : memref<2x100352x8xf32, #tpu.memory_space<hbm>> -> memref<1x6272x8xf32, #tpu.memory_space<hbm>>
      %dma_wait3A_119 = tpu.memref_squeeze %dma_wait3A_118 : memref<1x6272x8xf32, #tpu.memory_space<hbm>> -> memref<6272x8xf32, #tpu.memory_space<hbm>>
      %dma_wait3A_120 = arith.constant 0 : i32
      %dma_wait3A_121 = tpu.memref_slice %arg7[%mul3A_109, %dma_wait3A_120] : memref<100352x8xf32, #tpu.memory_space<vmem_shared>> -> memref<6272x8xf32, #tpu.memory_space<vmem_shared>>
      tpu.wait_dma2 semaphore(%run_scoped3A : memref<!tpu.dma_semaphore, #tpu.memory_space<semaphore_mem>>) src(%dma_wait3A_121 : memref<6272x8xf32, #tpu.memory_space<vmem_shared>>) dst(%dma_wait3A_119 : memref<6272x8xf32, #tpu.memory_space<hbm>>)
      tpu.yield
    }) : () -> ()
    return
  }
}

#map = affine_map<(d0, d1) -> (0, 0)>
#map1 = affine_map<(d0, d1) -> (0, 0, 0)>
module attributes {stable_mosaic.version = 14 : i64} {
  func.func @body(%arg0: i32, %arg1: i32, %arg2: memref<1664x1024xi32, #tpu.memory_space<hbm>>, %arg3: memref<1024x8xf32, #tpu.memory_space<hbm>>, %arg4: memref<6272x8xf32, #tpu.memory_space<hbm>>, %arg5: memref<2x100352x8xf32, #tpu.memory_space<hbm>>, %arg6: memref<100352x8xf32, #tpu.memory_space<vmem_shared>>, %arg7: memref<2x2x1024xi32, #tpu.memory_space<vmem>>, %arg8: memref<1024x8xf32, #tpu.memory_space<vmem>>, %arg9: memref<!tpu.dma_semaphore, #tpu.memory_space<semaphore_mem>>, %arg10: memref<!tpu.dma_semaphore, #tpu.memory_space<semaphore_mem>>, %arg11: memref<!tpu.dma_semaphore, #tpu.memory_space<semaphore_mem>>, %arg12: memref<!tpu.dma_semaphore, #tpu.memory_space<semaphore_mem>>) attributes {dimension_semantics = [#tpu.dimension_semantics<core_parallel>, #tpu.dimension_semantics<subcore_parallel>], iteration_bounds = array<i64: 2, 16>, scalar_prefetch = 0 : i64, scratch_operands = 7 : i64, tpu.core_type = #tpu.core_type<sc_vector_subcore>, window_params = [{transform_indices = #map}, {transform_indices = #map}, {transform_indices = #map}, {transform_indices = #map1}]} {
    %mul3A = arith.constant 16 : i32
    %mul3A_0 = arith.muli %arg0, %mul3A : i32
    %add3A = arith.addi %mul3A_0, %arg1 : i32
    %mul3A_1 = arith.constant 52 : i32
    %mul3A_2 = arith.muli %add3A, %mul3A_1 : i32
    "tpu.region"() ({
      %run_scoped3A = tpu.sem_alloc : memref<!tpu.dma_semaphore, #tpu.memory_space<semaphore_mem>>
      tpu.enqueue_dma source(%arg3 : memref<1024x8xf32, #tpu.memory_space<hbm>>) target(%arg8 : memref<1024x8xf32, #tpu.memory_space<vmem>>) target_semaphore(%run_scoped3A : memref<!tpu.dma_semaphore, #tpu.memory_space<semaphore_mem>>)
      tpu.wait_dma2 semaphore(%run_scoped3A : memref<!tpu.dma_semaphore, #tpu.memory_space<semaphore_mem>>) src(%arg3 : memref<1024x8xf32, #tpu.memory_space<hbm>>) dst(%arg8 : memref<1024x8xf32, #tpu.memory_space<vmem>>)
      tpu.yield
    }) : () -> ()
    %mul3A_3 = arith.constant 6272 : i32
    %mul3A_4 = arith.muli %arg1, %mul3A_3 : i32
    "tpu.region"() ({
      %run_scoped3A = tpu.sem_alloc : memref<!tpu.dma_semaphore, #tpu.memory_space<semaphore_mem>>
      %dma_start3A_59 = arith.constant 0 : i32
      %dma_start3A_60 = tpu.memref_slice %arg6[%mul3A_4, %dma_start3A_59] : memref<100352x8xf32, #tpu.memory_space<vmem_shared>> -> memref<6272x8xf32, #tpu.memory_space<vmem_shared>>
      tpu.enqueue_dma source(%arg4 : memref<6272x8xf32, #tpu.memory_space<hbm>>) target(%dma_start3A_60 : memref<6272x8xf32, #tpu.memory_space<vmem_shared>>) target_semaphore(%run_scoped3A : memref<!tpu.dma_semaphore, #tpu.memory_space<semaphore_mem>>)
      %dma_wait3A_61 = arith.constant 0 : i32
      %dma_wait3A_62 = tpu.memref_slice %arg6[%mul3A_4, %dma_wait3A_61] : memref<100352x8xf32, #tpu.memory_space<vmem_shared>> -> memref<6272x8xf32, #tpu.memory_space<vmem_shared>>
      tpu.wait_dma2 semaphore(%run_scoped3A : memref<!tpu.dma_semaphore, #tpu.memory_space<semaphore_mem>>) src(%arg4 : memref<6272x8xf32, #tpu.memory_space<hbm>>) dst(%dma_wait3A_62 : memref<6272x8xf32, #tpu.memory_space<vmem_shared>>)
      tpu.yield
    }) : () -> ()
    %add3A_5 = arith.constant 0 : i32
    %add3A_6 = arith.addi %mul3A_2, %add3A_5 : i32
    %dma_start3A = arith.constant 0 : i32
    %dma_start3A_7 = arith.constant 0 : i32
    %dma_start3A_8 = arith.constant 0 : i32
    %dma_start3A_9 = tpu.memref_slice %arg7[%dma_start3A, %dma_start3A_7, %dma_start3A_8] : memref<2x2x1024xi32, #tpu.memory_space<vmem>> -> memref<1x2x1024xi32, #tpu.memory_space<vmem>>
    %dma_start3A_10 = tpu.memref_squeeze %dma_start3A_9 : memref<1x2x1024xi32, #tpu.memory_space<vmem>> -> memref<2x1024xi32, #tpu.memory_space<vmem>>
    %dma_start3A_11 = arith.constant 0 : i32
    %dma_start3A_12 = tpu.memref_slice %arg2[%add3A_6, %dma_start3A_11] : memref<1664x1024xi32, #tpu.memory_space<hbm>> -> memref<2x1024xi32, #tpu.memory_space<hbm>>
    %dma_start3A_13 = arith.constant 0 : i32
    %dma_start3A_14 = arith.constant 0 : i32
    %dma_start3A_15 = tpu.memref_slice %arg7[%dma_start3A, %dma_start3A_13, %dma_start3A_14] : memref<2x2x1024xi32, #tpu.memory_space<vmem>> -> memref<1x2x1024xi32, #tpu.memory_space<vmem>>
    %dma_start3A_16 = tpu.memref_squeeze %dma_start3A_15 : memref<1x2x1024xi32, #tpu.memory_space<vmem>> -> memref<2x1024xi32, #tpu.memory_space<vmem>>
    %dma_start3A_17 = arith.constant 0 : i32
    %dma_start3A_18 = tpu.memref_slice %arg2[%add3A_6, %dma_start3A_17] : memref<1664x1024xi32, #tpu.memory_space<hbm>> -> memref<2x1024xi32, #tpu.memory_space<hbm>>
    tpu.enqueue_dma source(%dma_start3A_18 : memref<2x1024xi32, #tpu.memory_space<hbm>>) target(%dma_start3A_16 : memref<2x1024xi32, #tpu.memory_space<vmem>>) target_semaphore(%arg11 : memref<!tpu.dma_semaphore, #tpu.memory_space<semaphore_mem>>)
    %dma_wait3A = arith.constant 0 : i32
    %dma_wait3A_19 = arith.constant 0 : i32
    %dma_wait3A_20 = arith.constant 0 : i32
    %dma_wait3A_21 = tpu.memref_slice %arg7[%dma_wait3A, %dma_wait3A_19, %dma_wait3A_20] : memref<2x2x1024xi32, #tpu.memory_space<vmem>> -> memref<1x2x1024xi32, #tpu.memory_space<vmem>>
    %dma_wait3A_22 = tpu.memref_squeeze %dma_wait3A_21 : memref<1x2x1024xi32, #tpu.memory_space<vmem>> -> memref<2x1024xi32, #tpu.memory_space<vmem>>
    %dma_wait3A_23 = arith.constant 0 : i32
    %dma_wait3A_24 = arith.constant 0 : i32
    %dma_wait3A_25 = tpu.memref_slice %arg2[%dma_wait3A_23, %dma_wait3A_24] : memref<1664x1024xi32, #tpu.memory_space<hbm>> -> memref<2x1024xi32, #tpu.memory_space<hbm>>
    %dma_wait3A_26 = arith.constant 0 : i32
    %dma_wait3A_27 = arith.constant 0 : i32
    %dma_wait3A_28 = tpu.memref_slice %arg7[%dma_wait3A, %dma_wait3A_26, %dma_wait3A_27] : memref<2x2x1024xi32, #tpu.memory_space<vmem>> -> memref<1x2x1024xi32, #tpu.memory_space<vmem>>
    %dma_wait3A_29 = tpu.memref_squeeze %dma_wait3A_28 : memref<1x2x1024xi32, #tpu.memory_space<vmem>> -> memref<2x1024xi32, #tpu.memory_space<vmem>>
    %dma_wait3A_30 = arith.constant 0 : i32
    %dma_wait3A_31 = arith.constant 0 : i32
    %dma_wait3A_32 = tpu.memref_slice %arg2[%dma_wait3A_30, %dma_wait3A_31] : memref<1664x1024xi32, #tpu.memory_space<hbm>> -> memref<2x1024xi32, #tpu.memory_space<hbm>>
    tpu.wait_dma2 semaphore(%arg11 : memref<!tpu.dma_semaphore, #tpu.memory_space<semaphore_mem>>) src(%dma_wait3A_32 : memref<2x1024xi32, #tpu.memory_space<hbm>>) dst(%dma_wait3A_29 : memref<2x1024xi32, #tpu.memory_space<vmem>>)
    %barrier3A = arith.constant 0 : index
    tpu.barrier barrier_id(%barrier3A)
    %scan3A = arith.constant 0 : i32
    %scan3A_33 = arith.constant 0 : i32
    %scan3A_34 = arith.constant 13 : i32
    %scan3A_35 = arith.addi %scan3A_33, %scan3A_34 : i32
    %scan3A_36 = arith.constant 1 : i32
    scf.for %scan3A_59 = %scan3A_33 to %scan3A_35 step %scan3A_36  : i32 {
      %mul3A_60 = arith.constant 2 : i32
      %mul3A_61 = arith.muli %scan3A_59, %mul3A_60 : i32
      %add3A_62 = arith.constant 0 : i32
      %add3A_63 = arith.addi %mul3A_61, %add3A_62 : i32
      %mul3A_64 = arith.constant 2 : i32
      %mul3A_65 = arith.muli %add3A_63, %mul3A_64 : i32
      %add3A_66 = arith.constant 0 : i32
      %add3A_67 = arith.addi %mul3A_65, %add3A_66 : i32
      %ge3A = arith.constant 2 : i32
      %ge3A_68 = arith.cmpi sge, %add3A_67, %ge3A : i32
      %convert_element_type3A = arith.extui %ge3A_68 : i1 to i32
      %cond3A = arith.constant 0 : i32
      %cond3A_69 = arith.cmpi ne, %convert_element_type3A, %cond3A : i32
      scf.if %cond3A_69 {
        %dma_wait3A_146 = arith.constant 0 : i32
        %dma_wait3A_147 = arith.constant 0 : i32
        %dma_wait3A_148 = arith.constant 0 : i32
        %dma_wait3A_149 = tpu.memref_slice %arg7[%dma_wait3A_146, %dma_wait3A_147, %dma_wait3A_148] : memref<2x2x1024xi32, #tpu.memory_space<vmem>> -> memref<1x1x1024xi32, #tpu.memory_space<vmem>>
        %dma_wait3A_150 = tpu.memref_squeeze %dma_wait3A_149 : memref<1x1x1024xi32, #tpu.memory_space<vmem>> -> memref<1024xi32, #tpu.memory_space<vmem>>
        %dma_wait3A_151 = arith.constant 0 : i32
        %dma_wait3A_152 = arith.constant 0 : i32
        %dma_wait3A_153 = tpu.memref_slice %arg6[%dma_wait3A_151, %dma_wait3A_152] : memref<100352x8xf32, #tpu.memory_space<vmem_shared>> -> memref<100352x8xf32, #tpu.memory_space<vmem_shared>>
        tpu.wait_indirect_dma semaphore(%arg9 : memref<!tpu.dma_semaphore, #tpu.memory_space<semaphore_mem>>) src(%arg8 : memref<1024x8xf32, #tpu.memory_space<vmem>>) dst(%dma_wait3A_153 : memref<100352x8xf32, #tpu.memory_space<vmem_shared>>)
      } else {
      }
      %dma_start3A_70 = arith.constant 0 : i32
      %dma_start3A_71 = arith.constant 0 : i32
      %dma_start3A_72 = arith.constant 0 : i32
      %dma_start3A_73 = tpu.memref_slice %arg7[%dma_start3A_70, %dma_start3A_71, %dma_start3A_72] : memref<2x2x1024xi32, #tpu.memory_space<vmem>> -> memref<1x1x1024xi32, #tpu.memory_space<vmem>>
      %dma_start3A_74 = tpu.memref_squeeze %dma_start3A_73 : memref<1x1x1024xi32, #tpu.memory_space<vmem>> -> memref<1024xi32, #tpu.memory_space<vmem>>
      %dma_start3A_75 = arith.constant 0 : i32
      %dma_start3A_76 = arith.constant 0 : i32
      %dma_start3A_77 = tpu.memref_slice %arg6[%dma_start3A_75, %dma_start3A_76] : memref<100352x8xf32, #tpu.memory_space<vmem_shared>> -> memref<100352x8xf32, #tpu.memory_space<vmem_shared>>
      tpu.enqueue_indirect_dma source(%arg8 : memref<1024x8xf32, #tpu.memory_space<vmem>>) target(%dma_start3A_77 : memref<100352x8xf32, #tpu.memory_space<vmem_shared>>) offsets(%dma_start3A_74 : memref<1024xi32, #tpu.memory_space<vmem>>) semaphore(%arg9 : memref<!tpu.dma_semaphore, #tpu.memory_space<semaphore_mem>>) {add = true}
      %mul3A_78 = arith.constant 2 : i32
      %mul3A_79 = arith.muli %add3A_63, %mul3A_78 : i32
      %add3A_80 = arith.constant 1 : i32
      %add3A_81 = arith.addi %mul3A_79, %add3A_80 : i32
      %ge3A_82 = arith.constant 2 : i32
      %ge3A_83 = arith.cmpi sge, %add3A_81, %ge3A_82 : i32
      %convert_element_type3A_84 = arith.extui %ge3A_83 : i1 to i32
      %cond3A_85 = arith.constant 0 : i32
      %cond3A_86 = arith.cmpi ne, %convert_element_type3A_84, %cond3A_85 : i32
      scf.if %cond3A_86 {
        %dma_wait3A_146 = arith.constant 0 : i32
        %dma_wait3A_147 = arith.constant 0 : i32
        %dma_wait3A_148 = arith.constant 0 : i32
        %dma_wait3A_149 = tpu.memref_slice %arg7[%dma_wait3A_146, %dma_wait3A_147, %dma_wait3A_148] : memref<2x2x1024xi32, #tpu.memory_space<vmem>> -> memref<1x1x1024xi32, #tpu.memory_space<vmem>>
        %dma_wait3A_150 = tpu.memref_squeeze %dma_wait3A_149 : memref<1x1x1024xi32, #tpu.memory_space<vmem>> -> memref<1024xi32, #tpu.memory_space<vmem>>
        %dma_wait3A_151 = arith.constant 0 : i32
        %dma_wait3A_152 = arith.constant 0 : i32
        %dma_wait3A_153 = tpu.memref_slice %arg6[%dma_wait3A_151, %dma_wait3A_152] : memref<100352x8xf32, #tpu.memory_space<vmem_shared>> -> memref<100352x8xf32, #tpu.memory_space<vmem_shared>>
        tpu.wait_indirect_dma semaphore(%arg10 : memref<!tpu.dma_semaphore, #tpu.memory_space<semaphore_mem>>) src(%arg8 : memref<1024x8xf32, #tpu.memory_space<vmem>>) dst(%dma_wait3A_153 : memref<100352x8xf32, #tpu.memory_space<vmem_shared>>)
      } else {
      }
      %dma_start3A_87 = arith.constant 0 : i32
      %dma_start3A_88 = arith.constant 1 : i32
      %dma_start3A_89 = arith.constant 0 : i32
      %dma_start3A_90 = tpu.memref_slice %arg7[%dma_start3A_87, %dma_start3A_88, %dma_start3A_89] : memref<2x2x1024xi32, #tpu.memory_space<vmem>> -> memref<1x1x1024xi32, #tpu.memory_space<vmem>>
      %dma_start3A_91 = tpu.memref_squeeze %dma_start3A_90 : memref<1x1x1024xi32, #tpu.memory_space<vmem>> -> memref<1024xi32, #tpu.memory_space<vmem>>
      %dma_start3A_92 = arith.constant 0 : i32
      %dma_start3A_93 = arith.constant 0 : i32
      %dma_start3A_94 = tpu.memref_slice %arg6[%dma_start3A_92, %dma_start3A_93] : memref<100352x8xf32, #tpu.memory_space<vmem_shared>> -> memref<100352x8xf32, #tpu.memory_space<vmem_shared>>
      tpu.enqueue_indirect_dma source(%arg8 : memref<1024x8xf32, #tpu.memory_space<vmem>>) target(%dma_start3A_94 : memref<100352x8xf32, #tpu.memory_space<vmem_shared>>) offsets(%dma_start3A_91 : memref<1024xi32, #tpu.memory_space<vmem>>) semaphore(%arg10 : memref<!tpu.dma_semaphore, #tpu.memory_space<semaphore_mem>>) {add = true}
      %add3A_95 = arith.constant 1 : i32
      %add3A_96 = arith.addi %add3A_63, %add3A_95 : i32
      %lt3A = arith.constant 26 : i32
      %lt3A_97 = arith.cmpi slt, %add3A_96, %lt3A : i32
      %convert_element_type3A_98 = arith.extui %lt3A_97 : i1 to i32
      %cond3A_99 = arith.constant 0 : i32
      %cond3A_100 = arith.cmpi ne, %convert_element_type3A_98, %cond3A_99 : i32
      scf.if %cond3A_100 {
        %add3A_146 = arith.constant 1 : i32
        %add3A_147 = arith.addi %add3A_63, %add3A_146 : i32
        %mul3A_148 = arith.constant 2 : i32
        %mul3A_149 = arith.muli %add3A_147, %mul3A_148 : i32
        %add3A_150 = arith.addi %mul3A_2, %mul3A_149 : i32
        %dma_start3A_151 = arith.constant 1 : i32
        %dma_start3A_152 = arith.constant 0 : i32
        %dma_start3A_153 = arith.constant 0 : i32
        %dma_start3A_154 = tpu.memref_slice %arg7[%dma_start3A_151, %dma_start3A_152, %dma_start3A_153] : memref<2x2x1024xi32, #tpu.memory_space<vmem>> -> memref<1x2x1024xi32, #tpu.memory_space<vmem>>
        %dma_start3A_155 = tpu.memref_squeeze %dma_start3A_154 : memref<1x2x1024xi32, #tpu.memory_space<vmem>> -> memref<2x1024xi32, #tpu.memory_space<vmem>>
        %dma_start3A_156 = arith.constant 0 : i32
        %dma_start3A_157 = tpu.memref_slice %arg2[%add3A_150, %dma_start3A_156] : memref<1664x1024xi32, #tpu.memory_space<hbm>> -> memref<2x1024xi32, #tpu.memory_space<hbm>>
        %dma_start3A_158 = arith.constant 0 : i32
        %dma_start3A_159 = arith.constant 0 : i32
        %dma_start3A_160 = tpu.memref_slice %arg7[%dma_start3A_151, %dma_start3A_158, %dma_start3A_159] : memref<2x2x1024xi32, #tpu.memory_space<vmem>> -> memref<1x2x1024xi32, #tpu.memory_space<vmem>>
        %dma_start3A_161 = tpu.memref_squeeze %dma_start3A_160 : memref<1x2x1024xi32, #tpu.memory_space<vmem>> -> memref<2x1024xi32, #tpu.memory_space<vmem>>
        %dma_start3A_162 = arith.constant 0 : i32
        %dma_start3A_163 = tpu.memref_slice %arg2[%add3A_150, %dma_start3A_162] : memref<1664x1024xi32, #tpu.memory_space<hbm>> -> memref<2x1024xi32, #tpu.memory_space<hbm>>
        tpu.enqueue_dma source(%dma_start3A_163 : memref<2x1024xi32, #tpu.memory_space<hbm>>) target(%dma_start3A_161 : memref<2x1024xi32, #tpu.memory_space<vmem>>) target_semaphore(%arg12 : memref<!tpu.dma_semaphore, #tpu.memory_space<semaphore_mem>>)
        %dma_wait3A_164 = arith.constant 1 : i32
        %dma_wait3A_165 = arith.constant 0 : i32
        %dma_wait3A_166 = arith.constant 0 : i32
        %dma_wait3A_167 = tpu.memref_slice %arg7[%dma_wait3A_164, %dma_wait3A_165, %dma_wait3A_166] : memref<2x2x1024xi32, #tpu.memory_space<vmem>> -> memref<1x2x1024xi32, #tpu.memory_space<vmem>>
        %dma_wait3A_168 = tpu.memref_squeeze %dma_wait3A_167 : memref<1x2x1024xi32, #tpu.memory_space<vmem>> -> memref<2x1024xi32, #tpu.memory_space<vmem>>
        %dma_wait3A_169 = arith.constant 0 : i32
        %dma_wait3A_170 = arith.constant 0 : i32
        %dma_wait3A_171 = tpu.memref_slice %arg2[%dma_wait3A_169, %dma_wait3A_170] : memref<1664x1024xi32, #tpu.memory_space<hbm>> -> memref<2x1024xi32, #tpu.memory_space<hbm>>
        %dma_wait3A_172 = arith.constant 0 : i32
        %dma_wait3A_173 = arith.constant 0 : i32
        %dma_wait3A_174 = tpu.memref_slice %arg7[%dma_wait3A_164, %dma_wait3A_172, %dma_wait3A_173] : memref<2x2x1024xi32, #tpu.memory_space<vmem>> -> memref<1x2x1024xi32, #tpu.memory_space<vmem>>
        %dma_wait3A_175 = tpu.memref_squeeze %dma_wait3A_174 : memref<1x2x1024xi32, #tpu.memory_space<vmem>> -> memref<2x1024xi32, #tpu.memory_space<vmem>>
        %dma_wait3A_176 = arith.constant 0 : i32
        %dma_wait3A_177 = arith.constant 0 : i32
        %dma_wait3A_178 = tpu.memref_slice %arg2[%dma_wait3A_176, %dma_wait3A_177] : memref<1664x1024xi32, #tpu.memory_space<hbm>> -> memref<2x1024xi32, #tpu.memory_space<hbm>>
        tpu.wait_dma2 semaphore(%arg12 : memref<!tpu.dma_semaphore, #tpu.memory_space<semaphore_mem>>) src(%dma_wait3A_178 : memref<2x1024xi32, #tpu.memory_space<hbm>>) dst(%dma_wait3A_175 : memref<2x1024xi32, #tpu.memory_space<vmem>>)
      } else {
      }
      %mul3A_101 = arith.constant 2 : i32
      %mul3A_102 = arith.muli %scan3A_59, %mul3A_101 : i32
      %add3A_103 = arith.constant 1 : i32
      %add3A_104 = arith.addi %mul3A_102, %add3A_103 : i32
      %mul3A_105 = arith.constant 2 : i32
      %mul3A_106 = arith.muli %add3A_104, %mul3A_105 : i32
      %add3A_107 = arith.constant 0 : i32
      %add3A_108 = arith.addi %mul3A_106, %add3A_107 : i32
      %ge3A_109 = arith.constant 2 : i32
      %ge3A_110 = arith.cmpi sge, %add3A_108, %ge3A_109 : i32
      %convert_element_type3A_111 = arith.extui %ge3A_110 : i1 to i32
      %cond3A_112 = arith.constant 0 : i32
      %cond3A_113 = arith.cmpi ne, %convert_element_type3A_111, %cond3A_112 : i32
      scf.if %cond3A_113 {
        %dma_wait3A_146 = arith.constant 0 : i32
        %dma_wait3A_147 = arith.constant 0 : i32
        %dma_wait3A_148 = arith.constant 0 : i32
        %dma_wait3A_149 = tpu.memref_slice %arg7[%dma_wait3A_146, %dma_wait3A_147, %dma_wait3A_148] : memref<2x2x1024xi32, #tpu.memory_space<vmem>> -> memref<1x1x1024xi32, #tpu.memory_space<vmem>>
        %dma_wait3A_150 = tpu.memref_squeeze %dma_wait3A_149 : memref<1x1x1024xi32, #tpu.memory_space<vmem>> -> memref<1024xi32, #tpu.memory_space<vmem>>
        %dma_wait3A_151 = arith.constant 0 : i32
        %dma_wait3A_152 = arith.constant 0 : i32
        %dma_wait3A_153 = tpu.memref_slice %arg6[%dma_wait3A_151, %dma_wait3A_152] : memref<100352x8xf32, #tpu.memory_space<vmem_shared>> -> memref<100352x8xf32, #tpu.memory_space<vmem_shared>>
        tpu.wait_indirect_dma semaphore(%arg9 : memref<!tpu.dma_semaphore, #tpu.memory_space<semaphore_mem>>) src(%arg8 : memref<1024x8xf32, #tpu.memory_space<vmem>>) dst(%dma_wait3A_153 : memref<100352x8xf32, #tpu.memory_space<vmem_shared>>)
      } else {
      }
      %dma_start3A_114 = arith.constant 1 : i32
      %dma_start3A_115 = arith.constant 0 : i32
      %dma_start3A_116 = arith.constant 0 : i32
      %dma_start3A_117 = tpu.memref_slice %arg7[%dma_start3A_114, %dma_start3A_115, %dma_start3A_116] : memref<2x2x1024xi32, #tpu.memory_space<vmem>> -> memref<1x1x1024xi32, #tpu.memory_space<vmem>>
      %dma_start3A_118 = tpu.memref_squeeze %dma_start3A_117 : memref<1x1x1024xi32, #tpu.memory_space<vmem>> -> memref<1024xi32, #tpu.memory_space<vmem>>
      %dma_start3A_119 = arith.constant 0 : i32
      %dma_start3A_120 = arith.constant 0 : i32
      %dma_start3A_121 = tpu.memref_slice %arg6[%dma_start3A_119, %dma_start3A_120] : memref<100352x8xf32, #tpu.memory_space<vmem_shared>> -> memref<100352x8xf32, #tpu.memory_space<vmem_shared>>
      tpu.enqueue_indirect_dma source(%arg8 : memref<1024x8xf32, #tpu.memory_space<vmem>>) target(%dma_start3A_121 : memref<100352x8xf32, #tpu.memory_space<vmem_shared>>) offsets(%dma_start3A_118 : memref<1024xi32, #tpu.memory_space<vmem>>) semaphore(%arg9 : memref<!tpu.dma_semaphore, #tpu.memory_space<semaphore_mem>>) {add = true}
      %mul3A_122 = arith.constant 2 : i32
      %mul3A_123 = arith.muli %add3A_104, %mul3A_122 : i32
      %add3A_124 = arith.constant 1 : i32
      %add3A_125 = arith.addi %mul3A_123, %add3A_124 : i32
      %ge3A_126 = arith.constant 2 : i32
      %ge3A_127 = arith.cmpi sge, %add3A_125, %ge3A_126 : i32
      %convert_element_type3A_128 = arith.extui %ge3A_127 : i1 to i32
      %cond3A_129 = arith.constant 0 : i32
      %cond3A_130 = arith.cmpi ne, %convert_element_type3A_128, %cond3A_129 : i32
      scf.if %cond3A_130 {
        %dma_wait3A_146 = arith.constant 0 : i32
        %dma_wait3A_147 = arith.constant 0 : i32
        %dma_wait3A_148 = arith.constant 0 : i32
        %dma_wait3A_149 = tpu.memref_slice %arg7[%dma_wait3A_146, %dma_wait3A_147, %dma_wait3A_148] : memref<2x2x1024xi32, #tpu.memory_space<vmem>> -> memref<1x1x1024xi32, #tpu.memory_space<vmem>>
        %dma_wait3A_150 = tpu.memref_squeeze %dma_wait3A_149 : memref<1x1x1024xi32, #tpu.memory_space<vmem>> -> memref<1024xi32, #tpu.memory_space<vmem>>
        %dma_wait3A_151 = arith.constant 0 : i32
        %dma_wait3A_152 = arith.constant 0 : i32
        %dma_wait3A_153 = tpu.memref_slice %arg6[%dma_wait3A_151, %dma_wait3A_152] : memref<100352x8xf32, #tpu.memory_space<vmem_shared>> -> memref<100352x8xf32, #tpu.memory_space<vmem_shared>>
        tpu.wait_indirect_dma semaphore(%arg10 : memref<!tpu.dma_semaphore, #tpu.memory_space<semaphore_mem>>) src(%arg8 : memref<1024x8xf32, #tpu.memory_space<vmem>>) dst(%dma_wait3A_153 : memref<100352x8xf32, #tpu.memory_space<vmem_shared>>)
      } else {
      }
      %dma_start3A_131 = arith.constant 1 : i32
      %dma_start3A_132 = arith.constant 1 : i32
      %dma_start3A_133 = arith.constant 0 : i32
      %dma_start3A_134 = tpu.memref_slice %arg7[%dma_start3A_131, %dma_start3A_132, %dma_start3A_133] : memref<2x2x1024xi32, #tpu.memory_space<vmem>> -> memref<1x1x1024xi32, #tpu.memory_space<vmem>>
      %dma_start3A_135 = tpu.memref_squeeze %dma_start3A_134 : memref<1x1x1024xi32, #tpu.memory_space<vmem>> -> memref<1024xi32, #tpu.memory_space<vmem>>
      %dma_start3A_136 = arith.constant 0 : i32
      %dma_start3A_137 = arith.constant 0 : i32
      %dma_start3A_138 = tpu.memref_slice %arg6[%dma_start3A_136, %dma_start3A_137] : memref<100352x8xf32, #tpu.memory_space<vmem_shared>> -> memref<100352x8xf32, #tpu.memory_space<vmem_shared>>
      tpu.enqueue_indirect_dma source(%arg8 : memref<1024x8xf32, #tpu.memory_space<vmem>>) target(%dma_start3A_138 : memref<100352x8xf32, #tpu.memory_space<vmem_shared>>) offsets(%dma_start3A_135 : memref<1024xi32, #tpu.memory_space<vmem>>) semaphore(%arg10 : memref<!tpu.dma_semaphore, #tpu.memory_space<semaphore_mem>>) {add = true}
      %add3A_139 = arith.constant 1 : i32
      %add3A_140 = arith.addi %add3A_104, %add3A_139 : i32
      %lt3A_141 = arith.constant 26 : i32
      %lt3A_142 = arith.cmpi slt, %add3A_140, %lt3A_141 : i32
      %convert_element_type3A_143 = arith.extui %lt3A_142 : i1 to i32
      %cond3A_144 = arith.constant 0 : i32
      %cond3A_145 = arith.cmpi ne, %convert_element_type3A_143, %cond3A_144 : i32
      scf.if %cond3A_145 {
        %add3A_146 = arith.constant 1 : i32
        %add3A_147 = arith.addi %add3A_104, %add3A_146 : i32
        %mul3A_148 = arith.constant 2 : i32
        %mul3A_149 = arith.muli %add3A_147, %mul3A_148 : i32
        %add3A_150 = arith.addi %mul3A_2, %mul3A_149 : i32
        %dma_start3A_151 = arith.constant 0 : i32
        %dma_start3A_152 = arith.constant 0 : i32
        %dma_start3A_153 = arith.constant 0 : i32
        %dma_start3A_154 = tpu.memref_slice %arg7[%dma_start3A_151, %dma_start3A_152, %dma_start3A_153] : memref<2x2x1024xi32, #tpu.memory_space<vmem>> -> memref<1x2x1024xi32, #tpu.memory_space<vmem>>
        %dma_start3A_155 = tpu.memref_squeeze %dma_start3A_154 : memref<1x2x1024xi32, #tpu.memory_space<vmem>> -> memref<2x1024xi32, #tpu.memory_space<vmem>>
        %dma_start3A_156 = arith.constant 0 : i32
        %dma_start3A_157 = tpu.memref_slice %arg2[%add3A_150, %dma_start3A_156] : memref<1664x1024xi32, #tpu.memory_space<hbm>> -> memref<2x1024xi32, #tpu.memory_space<hbm>>
        %dma_start3A_158 = arith.constant 0 : i32
        %dma_start3A_159 = arith.constant 0 : i32
        %dma_start3A_160 = tpu.memref_slice %arg7[%dma_start3A_151, %dma_start3A_158, %dma_start3A_159] : memref<2x2x1024xi32, #tpu.memory_space<vmem>> -> memref<1x2x1024xi32, #tpu.memory_space<vmem>>
        %dma_start3A_161 = tpu.memref_squeeze %dma_start3A_160 : memref<1x2x1024xi32, #tpu.memory_space<vmem>> -> memref<2x1024xi32, #tpu.memory_space<vmem>>
        %dma_start3A_162 = arith.constant 0 : i32
        %dma_start3A_163 = tpu.memref_slice %arg2[%add3A_150, %dma_start3A_162] : memref<1664x1024xi32, #tpu.memory_space<hbm>> -> memref<2x1024xi32, #tpu.memory_space<hbm>>
        tpu.enqueue_dma source(%dma_start3A_163 : memref<2x1024xi32, #tpu.memory_space<hbm>>) target(%dma_start3A_161 : memref<2x1024xi32, #tpu.memory_space<vmem>>) target_semaphore(%arg11 : memref<!tpu.dma_semaphore, #tpu.memory_space<semaphore_mem>>)
        %dma_wait3A_164 = arith.constant 0 : i32
        %dma_wait3A_165 = arith.constant 0 : i32
        %dma_wait3A_166 = arith.constant 0 : i32
        %dma_wait3A_167 = tpu.memref_slice %arg7[%dma_wait3A_164, %dma_wait3A_165, %dma_wait3A_166] : memref<2x2x1024xi32, #tpu.memory_space<vmem>> -> memref<1x2x1024xi32, #tpu.memory_space<vmem>>
        %dma_wait3A_168 = tpu.memref_squeeze %dma_wait3A_167 : memref<1x2x1024xi32, #tpu.memory_space<vmem>> -> memref<2x1024xi32, #tpu.memory_space<vmem>>
        %dma_wait3A_169 = arith.constant 0 : i32
        %dma_wait3A_170 = arith.constant 0 : i32
        %dma_wait3A_171 = tpu.memref_slice %arg2[%dma_wait3A_169, %dma_wait3A_170] : memref<1664x1024xi32, #tpu.memory_space<hbm>> -> memref<2x1024xi32, #tpu.memory_space<hbm>>
        %dma_wait3A_172 = arith.constant 0 : i32
        %dma_wait3A_173 = arith.constant 0 : i32
        %dma_wait3A_174 = tpu.memref_slice %arg7[%dma_wait3A_164, %dma_wait3A_172, %dma_wait3A_173] : memref<2x2x1024xi32, #tpu.memory_space<vmem>> -> memref<1x2x1024xi32, #tpu.memory_space<vmem>>
        %dma_wait3A_175 = tpu.memref_squeeze %dma_wait3A_174 : memref<1x2x1024xi32, #tpu.memory_space<vmem>> -> memref<2x1024xi32, #tpu.memory_space<vmem>>
        %dma_wait3A_176 = arith.constant 0 : i32
        %dma_wait3A_177 = arith.constant 0 : i32
        %dma_wait3A_178 = tpu.memref_slice %arg2[%dma_wait3A_176, %dma_wait3A_177] : memref<1664x1024xi32, #tpu.memory_space<hbm>> -> memref<2x1024xi32, #tpu.memory_space<hbm>>
        tpu.wait_dma2 semaphore(%arg11 : memref<!tpu.dma_semaphore, #tpu.memory_space<semaphore_mem>>) src(%dma_wait3A_178 : memref<2x1024xi32, #tpu.memory_space<hbm>>) dst(%dma_wait3A_175 : memref<2x1024xi32, #tpu.memory_space<vmem>>)
      } else {
      }
    }
    %scan3A_37 = arith.constant 13 : i32
    %dma_wait3A_38 = arith.constant 0 : i32
    %dma_wait3A_39 = arith.constant 0 : i32
    %dma_wait3A_40 = arith.constant 0 : i32
    %dma_wait3A_41 = tpu.memref_slice %arg7[%dma_wait3A_38, %dma_wait3A_39, %dma_wait3A_40] : memref<2x2x1024xi32, #tpu.memory_space<vmem>> -> memref<1x1x1024xi32, #tpu.memory_space<vmem>>
    %dma_wait3A_42 = tpu.memref_squeeze %dma_wait3A_41 : memref<1x1x1024xi32, #tpu.memory_space<vmem>> -> memref<1024xi32, #tpu.memory_space<vmem>>
    %dma_wait3A_43 = arith.constant 0 : i32
    %dma_wait3A_44 = arith.constant 0 : i32
    %dma_wait3A_45 = tpu.memref_slice %arg6[%dma_wait3A_43, %dma_wait3A_44] : memref<100352x8xf32, #tpu.memory_space<vmem_shared>> -> memref<100352x8xf32, #tpu.memory_space<vmem_shared>>
    tpu.wait_indirect_dma semaphore(%arg9 : memref<!tpu.dma_semaphore, #tpu.memory_space<semaphore_mem>>) src(%arg8 : memref<1024x8xf32, #tpu.memory_space<vmem>>) dst(%dma_wait3A_45 : memref<100352x8xf32, #tpu.memory_space<vmem_shared>>)
    %dma_wait3A_46 = arith.constant 0 : i32
    %dma_wait3A_47 = arith.constant 0 : i32
    %dma_wait3A_48 = arith.constant 0 : i32
    %dma_wait3A_49 = tpu.memref_slice %arg7[%dma_wait3A_46, %dma_wait3A_47, %dma_wait3A_48] : memref<2x2x1024xi32, #tpu.memory_space<vmem>> -> memref<1x1x1024xi32, #tpu.memory_space<vmem>>
    %dma_wait3A_50 = tpu.memref_squeeze %dma_wait3A_49 : memref<1x1x1024xi32, #tpu.memory_space<vmem>> -> memref<1024xi32, #tpu.memory_space<vmem>>
    %dma_wait3A_51 = arith.constant 0 : i32
    %dma_wait3A_52 = arith.constant 0 : i32
    %dma_wait3A_53 = tpu.memref_slice %arg6[%dma_wait3A_51, %dma_wait3A_52] : memref<100352x8xf32, #tpu.memory_space<vmem_shared>> -> memref<100352x8xf32, #tpu.memory_space<vmem_shared>>
    tpu.wait_indirect_dma semaphore(%arg10 : memref<!tpu.dma_semaphore, #tpu.memory_space<semaphore_mem>>) src(%arg8 : memref<1024x8xf32, #tpu.memory_space<vmem>>) dst(%dma_wait3A_53 : memref<100352x8xf32, #tpu.memory_space<vmem_shared>>)
    %barrier3A_54 = arith.constant 0 : index
    tpu.barrier barrier_id(%barrier3A_54)
    %mul3A_55 = arith.constant 6272 : i32
    %mul3A_56 = arith.muli %arg1, %mul3A_55 : i32
    %mul3A_57 = arith.constant 6272 : i32
    %mul3A_58 = arith.muli %arg1, %mul3A_57 : i32
    "tpu.region"() ({
      %run_scoped3A = tpu.sem_alloc : memref<!tpu.dma_semaphore, #tpu.memory_space<semaphore_mem>>
      %dma_start3A_59 = arith.constant 0 : i32
      %dma_start3A_60 = tpu.memref_slice %arg5[%arg0, %mul3A_58, %dma_start3A_59] : memref<2x100352x8xf32, #tpu.memory_space<hbm>> -> memref<1x6272x8xf32, #tpu.memory_space<hbm>>
      %dma_start3A_61 = tpu.memref_squeeze %dma_start3A_60 : memref<1x6272x8xf32, #tpu.memory_space<hbm>> -> memref<6272x8xf32, #tpu.memory_space<hbm>>
      %dma_start3A_62 = arith.constant 0 : i32
      %dma_start3A_63 = tpu.memref_slice %arg6[%mul3A_56, %dma_start3A_62] : memref<100352x8xf32, #tpu.memory_space<vmem_shared>> -> memref<6272x8xf32, #tpu.memory_space<vmem_shared>>
      tpu.enqueue_dma source(%dma_start3A_63 : memref<6272x8xf32, #tpu.memory_space<vmem_shared>>) target(%dma_start3A_61 : memref<6272x8xf32, #tpu.memory_space<hbm>>) target_semaphore(%run_scoped3A : memref<!tpu.dma_semaphore, #tpu.memory_space<semaphore_mem>>)
      %dma_wait3A_64 = arith.constant 0 : i32
      %dma_wait3A_65 = tpu.memref_slice %arg5[%arg0, %mul3A_58, %dma_wait3A_64] : memref<2x100352x8xf32, #tpu.memory_space<hbm>> -> memref<1x6272x8xf32, #tpu.memory_space<hbm>>
      %dma_wait3A_66 = tpu.memref_squeeze %dma_wait3A_65 : memref<1x6272x8xf32, #tpu.memory_space<hbm>> -> memref<6272x8xf32, #tpu.memory_space<hbm>>
      %dma_wait3A_67 = arith.constant 0 : i32
      %dma_wait3A_68 = tpu.memref_slice %arg6[%mul3A_56, %dma_wait3A_67] : memref<100352x8xf32, #tpu.memory_space<vmem_shared>> -> memref<6272x8xf32, #tpu.memory_space<vmem_shared>>
      tpu.wait_dma2 semaphore(%run_scoped3A : memref<!tpu.dma_semaphore, #tpu.memory_space<semaphore_mem>>) src(%dma_wait3A_68 : memref<6272x8xf32, #tpu.memory_space<vmem_shared>>) dst(%dma_wait3A_66 : memref<6272x8xf32, #tpu.memory_space<hbm>>)
      tpu.yield
    }) : () -> ()
    return
  }
}

#map = affine_map<(d0, d1) -> (0, 0)>
#map1 = affine_map<(d0, d1) -> (0, 0, 0)>
module attributes {stable_mosaic.version = 14 : i64} {
  func.func @body(%arg0: i32, %arg1: i32, %arg2: memref<1664x1024xi32, #tpu.memory_space<hbm>>, %arg3: memref<1664x1024xi32, #tpu.memory_space<hbm>>, %arg4: memref<100352x8xf32, #tpu.memory_space<hbm>>, %arg5: memref<6272x8xf32, #tpu.memory_space<hbm>>, %arg6: memref<2x100352x8xf32, #tpu.memory_space<hbm>>, %arg7: memref<100352x8xf32, #tpu.memory_space<vmem_shared>>, %arg8: memref<2x2x1024xi32, #tpu.memory_space<vmem>>, %arg9: memref<2x2x1024xi32, #tpu.memory_space<vmem>>, %arg10: memref<2x1024x8xf32, #tpu.memory_space<vmem>>, %arg11: memref<!tpu.dma_semaphore, #tpu.memory_space<semaphore_mem>>, %arg12: memref<!tpu.dma_semaphore, #tpu.memory_space<semaphore_mem>>, %arg13: memref<!tpu.dma_semaphore, #tpu.memory_space<semaphore_mem>>, %arg14: memref<!tpu.dma_semaphore, #tpu.memory_space<semaphore_mem>>, %arg15: memref<!tpu.dma_semaphore, #tpu.memory_space<semaphore_mem>>, %arg16: memref<!tpu.dma_semaphore, #tpu.memory_space<semaphore_mem>>) attributes {dimension_semantics = [#tpu.dimension_semantics<core_parallel>, #tpu.dimension_semantics<subcore_parallel>], iteration_bounds = array<i64: 2, 16>, scalar_prefetch = 0 : i64, scratch_operands = 10 : i64, tpu.core_type = #tpu.core_type<sc_vector_subcore>, window_params = [{transform_indices = #map}, {transform_indices = #map}, {transform_indices = #map}, {transform_indices = #map}, {transform_indices = #map1}]} {
    %mul3A = arith.constant 16 : i32
    %mul3A_0 = arith.muli %arg0, %mul3A : i32
    %add3A = arith.addi %mul3A_0, %arg1 : i32
    %mul3A_1 = arith.constant 52 : i32
    %mul3A_2 = arith.muli %add3A, %mul3A_1 : i32
    %mul3A_3 = arith.constant 6272 : i32
    %mul3A_4 = arith.muli %arg1, %mul3A_3 : i32
    "tpu.region"() ({
      %run_scoped3A = tpu.sem_alloc : memref<!tpu.dma_semaphore, #tpu.memory_space<semaphore_mem>>
      %dma_start3A_112 = arith.constant 0 : i32
      %dma_start3A_113 = tpu.memref_slice %arg7[%mul3A_4, %dma_start3A_112] : memref<100352x8xf32, #tpu.memory_space<vmem_shared>> -> memref<6272x8xf32, #tpu.memory_space<vmem_shared>>
      tpu.enqueue_dma source(%arg5 : memref<6272x8xf32, #tpu.memory_space<hbm>>) target(%dma_start3A_113 : memref<6272x8xf32, #tpu.memory_space<vmem_shared>>) target_semaphore(%run_scoped3A : memref<!tpu.dma_semaphore, #tpu.memory_space<semaphore_mem>>)
      %dma_wait3A_114 = arith.constant 0 : i32
      %dma_wait3A_115 = tpu.memref_slice %arg7[%mul3A_4, %dma_wait3A_114] : memref<100352x8xf32, #tpu.memory_space<vmem_shared>> -> memref<6272x8xf32, #tpu.memory_space<vmem_shared>>
      tpu.wait_dma2 semaphore(%run_scoped3A : memref<!tpu.dma_semaphore, #tpu.memory_space<semaphore_mem>>) src(%arg5 : memref<6272x8xf32, #tpu.memory_space<hbm>>) dst(%dma_wait3A_115 : memref<6272x8xf32, #tpu.memory_space<vmem_shared>>)
      tpu.yield
    }) : () -> ()
    %add3A_5 = arith.constant 0 : i32
    %add3A_6 = arith.addi %mul3A_2, %add3A_5 : i32
    %dma_start3A = arith.constant 0 : i32
    %dma_start3A_7 = arith.constant 0 : i32
    %dma_start3A_8 = arith.constant 0 : i32
    %dma_start3A_9 = tpu.memref_slice %arg8[%dma_start3A, %dma_start3A_7, %dma_start3A_8] : memref<2x2x1024xi32, #tpu.memory_space<vmem>> -> memref<1x2x1024xi32, #tpu.memory_space<vmem>>
    %dma_start3A_10 = tpu.memref_squeeze %dma_start3A_9 : memref<1x2x1024xi32, #tpu.memory_space<vmem>> -> memref<2x1024xi32, #tpu.memory_space<vmem>>
    %dma_start3A_11 = arith.constant 0 : i32
    %dma_start3A_12 = tpu.memref_slice %arg2[%add3A_6, %dma_start3A_11] : memref<1664x1024xi32, #tpu.memory_space<hbm>> -> memref<2x1024xi32, #tpu.memory_space<hbm>>
    %dma_start3A_13 = arith.constant 0 : i32
    %dma_start3A_14 = arith.constant 0 : i32
    %dma_start3A_15 = tpu.memref_slice %arg8[%dma_start3A, %dma_start3A_13, %dma_start3A_14] : memref<2x2x1024xi32, #tpu.memory_space<vmem>> -> memref<1x2x1024xi32, #tpu.memory_space<vmem>>
    %dma_start3A_16 = tpu.memref_squeeze %dma_start3A_15 : memref<1x2x1024xi32, #tpu.memory_space<vmem>> -> memref<2x1024xi32, #tpu.memory_space<vmem>>
    %dma_start3A_17 = arith.constant 0 : i32
    %dma_start3A_18 = tpu.memref_slice %arg2[%add3A_6, %dma_start3A_17] : memref<1664x1024xi32, #tpu.memory_space<hbm>> -> memref<2x1024xi32, #tpu.memory_space<hbm>>
    tpu.enqueue_dma source(%dma_start3A_18 : memref<2x1024xi32, #tpu.memory_space<hbm>>) target(%dma_start3A_16 : memref<2x1024xi32, #tpu.memory_space<vmem>>) target_semaphore(%arg15 : memref<!tpu.dma_semaphore, #tpu.memory_space<semaphore_mem>>)
    %add3A_19 = arith.constant 0 : i32
    %add3A_20 = arith.addi %mul3A_2, %add3A_19 : i32
    %dma_start3A_21 = arith.constant 0 : i32
    %dma_start3A_22 = arith.constant 0 : i32
    %dma_start3A_23 = arith.constant 0 : i32
    %dma_start3A_24 = tpu.memref_slice %arg9[%dma_start3A_21, %dma_start3A_22, %dma_start3A_23] : memref<2x2x1024xi32, #tpu.memory_space<vmem>> -> memref<1x2x1024xi32, #tpu.memory_space<vmem>>
    %dma_start3A_25 = tpu.memref_squeeze %dma_start3A_24 : memref<1x2x1024xi32, #tpu.memory_space<vmem>> -> memref<2x1024xi32, #tpu.memory_space<vmem>>
    %dma_start3A_26 = arith.constant 0 : i32
    %dma_start3A_27 = tpu.memref_slice %arg3[%add3A_20, %dma_start3A_26] : memref<1664x1024xi32, #tpu.memory_space<hbm>> -> memref<2x1024xi32, #tpu.memory_space<hbm>>
    %dma_start3A_28 = arith.constant 0 : i32
    %dma_start3A_29 = arith.constant 0 : i32
    %dma_start3A_30 = tpu.memref_slice %arg9[%dma_start3A_21, %dma_start3A_28, %dma_start3A_29] : memref<2x2x1024xi32, #tpu.memory_space<vmem>> -> memref<1x2x1024xi32, #tpu.memory_space<vmem>>
    %dma_start3A_31 = tpu.memref_squeeze %dma_start3A_30 : memref<1x2x1024xi32, #tpu.memory_space<vmem>> -> memref<2x1024xi32, #tpu.memory_space<vmem>>
    %dma_start3A_32 = arith.constant 0 : i32
    %dma_start3A_33 = tpu.memref_slice %arg3[%add3A_20, %dma_start3A_32] : memref<1664x1024xi32, #tpu.memory_space<hbm>> -> memref<2x1024xi32, #tpu.memory_space<hbm>>
    tpu.enqueue_dma source(%dma_start3A_33 : memref<2x1024xi32, #tpu.memory_space<hbm>>) target(%dma_start3A_31 : memref<2x1024xi32, #tpu.memory_space<vmem>>) target_semaphore(%arg15 : memref<!tpu.dma_semaphore, #tpu.memory_space<semaphore_mem>>)
    %dma_wait3A = arith.constant 0 : i32
    %dma_wait3A_34 = arith.constant 0 : i32
    %dma_wait3A_35 = arith.constant 0 : i32
    %dma_wait3A_36 = tpu.memref_slice %arg8[%dma_wait3A, %dma_wait3A_34, %dma_wait3A_35] : memref<2x2x1024xi32, #tpu.memory_space<vmem>> -> memref<1x2x1024xi32, #tpu.memory_space<vmem>>
    %dma_wait3A_37 = tpu.memref_squeeze %dma_wait3A_36 : memref<1x2x1024xi32, #tpu.memory_space<vmem>> -> memref<2x1024xi32, #tpu.memory_space<vmem>>
    %dma_wait3A_38 = arith.constant 0 : i32
    %dma_wait3A_39 = arith.constant 0 : i32
    %dma_wait3A_40 = tpu.memref_slice %arg2[%dma_wait3A_38, %dma_wait3A_39] : memref<1664x1024xi32, #tpu.memory_space<hbm>> -> memref<2x1024xi32, #tpu.memory_space<hbm>>
    %dma_wait3A_41 = arith.constant 0 : i32
    %dma_wait3A_42 = arith.constant 0 : i32
    %dma_wait3A_43 = tpu.memref_slice %arg8[%dma_wait3A, %dma_wait3A_41, %dma_wait3A_42] : memref<2x2x1024xi32, #tpu.memory_space<vmem>> -> memref<1x2x1024xi32, #tpu.memory_space<vmem>>
    %dma_wait3A_44 = tpu.memref_squeeze %dma_wait3A_43 : memref<1x2x1024xi32, #tpu.memory_space<vmem>> -> memref<2x1024xi32, #tpu.memory_space<vmem>>
    %dma_wait3A_45 = arith.constant 0 : i32
    %dma_wait3A_46 = arith.constant 0 : i32
    %dma_wait3A_47 = tpu.memref_slice %arg2[%dma_wait3A_45, %dma_wait3A_46] : memref<1664x1024xi32, #tpu.memory_space<hbm>> -> memref<2x1024xi32, #tpu.memory_space<hbm>>
    tpu.wait_dma2 semaphore(%arg15 : memref<!tpu.dma_semaphore, #tpu.memory_space<semaphore_mem>>) src(%dma_wait3A_47 : memref<2x1024xi32, #tpu.memory_space<hbm>>) dst(%dma_wait3A_44 : memref<2x1024xi32, #tpu.memory_space<vmem>>)
    %dma_wait3A_48 = arith.constant 0 : i32
    %dma_wait3A_49 = arith.constant 0 : i32
    %dma_wait3A_50 = arith.constant 0 : i32
    %dma_wait3A_51 = tpu.memref_slice %arg9[%dma_wait3A_48, %dma_wait3A_49, %dma_wait3A_50] : memref<2x2x1024xi32, #tpu.memory_space<vmem>> -> memref<1x2x1024xi32, #tpu.memory_space<vmem>>
    %dma_wait3A_52 = tpu.memref_squeeze %dma_wait3A_51 : memref<1x2x1024xi32, #tpu.memory_space<vmem>> -> memref<2x1024xi32, #tpu.memory_space<vmem>>
    %dma_wait3A_53 = arith.constant 0 : i32
    %dma_wait3A_54 = arith.constant 0 : i32
    %dma_wait3A_55 = tpu.memref_slice %arg3[%dma_wait3A_53, %dma_wait3A_54] : memref<1664x1024xi32, #tpu.memory_space<hbm>> -> memref<2x1024xi32, #tpu.memory_space<hbm>>
    %dma_wait3A_56 = arith.constant 0 : i32
    %dma_wait3A_57 = arith.constant 0 : i32
    %dma_wait3A_58 = tpu.memref_slice %arg9[%dma_wait3A_48, %dma_wait3A_56, %dma_wait3A_57] : memref<2x2x1024xi32, #tpu.memory_space<vmem>> -> memref<1x2x1024xi32, #tpu.memory_space<vmem>>
    %dma_wait3A_59 = tpu.memref_squeeze %dma_wait3A_58 : memref<1x2x1024xi32, #tpu.memory_space<vmem>> -> memref<2x1024xi32, #tpu.memory_space<vmem>>
    %dma_wait3A_60 = arith.constant 0 : i32
    %dma_wait3A_61 = arith.constant 0 : i32
    %dma_wait3A_62 = tpu.memref_slice %arg3[%dma_wait3A_60, %dma_wait3A_61] : memref<1664x1024xi32, #tpu.memory_space<hbm>> -> memref<2x1024xi32, #tpu.memory_space<hbm>>
    tpu.wait_dma2 semaphore(%arg15 : memref<!tpu.dma_semaphore, #tpu.memory_space<semaphore_mem>>) src(%dma_wait3A_62 : memref<2x1024xi32, #tpu.memory_space<hbm>>) dst(%dma_wait3A_59 : memref<2x1024xi32, #tpu.memory_space<vmem>>)
    %dma_start3A_63 = arith.constant 0 : i32
    %dma_start3A_64 = arith.constant 0 : i32
    %dma_start3A_65 = arith.constant 0 : i32
    %dma_start3A_66 = arith.constant 0 : i32
    %dma_start3A_67 = arith.constant 0 : i32
    %dma_start3A_68 = tpu.memref_slice %arg10[%dma_start3A_65, %dma_start3A_66, %dma_start3A_67] : memref<2x1024x8xf32, #tpu.memory_space<vmem>> -> memref<1x1024x8xf32, #tpu.memory_space<vmem>>
    %dma_start3A_69 = tpu.memref_squeeze %dma_start3A_68 : memref<1x1024x8xf32, #tpu.memory_space<vmem>> -> memref<1024x8xf32, #tpu.memory_space<vmem>>
    %dma_start3A_70 = arith.constant 0 : i32
    %dma_start3A_71 = tpu.memref_slice %arg8[%dma_start3A_63, %dma_start3A_64, %dma_start3A_70] : memref<2x2x1024xi32, #tpu.memory_space<vmem>> -> memref<1x1x1024xi32, #tpu.memory_space<vmem>>
    %dma_start3A_72 = tpu.memref_squeeze %dma_start3A_71 : memref<1x1x1024xi32, #tpu.memory_space<vmem>> -> memref<1024xi32, #tpu.memory_space<vmem>>
    %dma_start3A_73 = arith.constant 0 : i32
    %dma_start3A_74 = arith.constant 0 : i32
    %dma_start3A_75 = tpu.memref_slice %arg4[%dma_start3A_73, %dma_start3A_74] : memref<100352x8xf32, #tpu.memory_space<hbm>> -> memref<100352x8xf32, #tpu.memory_space<hbm>>
    tpu.enqueue_indirect_dma source(%dma_start3A_75 : memref<100352x8xf32, #tpu.memory_space<hbm>>) target(%dma_start3A_69 : memref<1024x8xf32, #tpu.memory_space<vmem>>) offsets(%dma_start3A_72 : memref<1024xi32, #tpu.memory_space<vmem>>) semaphore(%arg11 : memref<!tpu.dma_semaphore, #tpu.memory_space<semaphore_mem>>)
    %barrier3A = arith.constant 0 : index
    tpu.barrier barrier_id(%barrier3A)
    %scan3A = arith.constant 0 : i32
    %scan3A_76 = arith.constant 0 : i32
    %scan3A_77 = arith.constant 13 : i32
    %scan3A_78 = arith.addi %scan3A_76, %scan3A_77 : i32
    %scan3A_79 = arith.constant 1 : i32
    scf.for %scan3A_112 = %scan3A_76 to %scan3A_78 step %scan3A_79  : i32 {
      %mul3A_113 = arith.constant 2 : i32
      %mul3A_114 = arith.muli %scan3A_112, %mul3A_113 : i32
      %add3A_115 = arith.constant 0 : i32
      %add3A_116 = arith.addi %mul3A_114, %add3A_115 : i32
      %mul3A_117 = arith.constant 2 : i32
      %mul3A_118 = arith.muli %add3A_116, %mul3A_117 : i32
      %add3A_119 = arith.constant 0 : i32
      %add3A_120 = arith.addi %mul3A_118, %add3A_119 : i32
      %add3A_121 = arith.constant 1 : i32
      %add3A_122 = arith.addi %add3A_120, %add3A_121 : i32
      %ge3A = arith.constant 2 : i32
      %ge3A_123 = arith.cmpi sge, %add3A_122, %ge3A : i32
      %lt3A = arith.constant 52 : i32
      %lt3A_124 = arith.cmpi slt, %add3A_122, %lt3A : i32
      %and3A = arith.andi %ge3A_123, %lt3A_124 : i1
      %convert_element_type3A = arith.extui %and3A : i1 to i32
      %cond3A = arith.constant 0 : i32
      %cond3A_125 = arith.cmpi ne, %convert_element_type3A, %cond3A : i32
      scf.if %cond3A_125 {
        %dma_wait3A_324 = arith.constant 1 : i32
        %dma_wait3A_325 = arith.constant 0 : i32
        %dma_wait3A_326 = arith.constant 0 : i32
        %dma_wait3A_327 = arith.constant 0 : i32
        %dma_wait3A_328 = arith.constant 0 : i32
        %dma_wait3A_329 = tpu.memref_slice %arg10[%dma_wait3A_324, %dma_wait3A_327, %dma_wait3A_328] : memref<2x1024x8xf32, #tpu.memory_space<vmem>> -> memref<1x1024x8xf32, #tpu.memory_space<vmem>>
        %dma_wait3A_330 = tpu.memref_squeeze %dma_wait3A_329 : memref<1x1024x8xf32, #tpu.memory_space<vmem>> -> memref<1024x8xf32, #tpu.memory_space<vmem>>
        %dma_wait3A_331 = arith.constant 0 : i32
        %dma_wait3A_332 = tpu.memref_slice %arg9[%dma_wait3A_325, %dma_wait3A_326, %dma_wait3A_331] : memref<2x2x1024xi32, #tpu.memory_space<vmem>> -> memref<1x1x1024xi32, #tpu.memory_space<vmem>>
        %dma_wait3A_333 = tpu.memref_squeeze %dma_wait3A_332 : memref<1x1x1024xi32, #tpu.memory_space<vmem>> -> memref<1024xi32, #tpu.memory_space<vmem>>
        %dma_wait3A_334 = arith.constant 0 : i32
        %dma_wait3A_335 = arith.constant 0 : i32
        %dma_wait3A_336 = tpu.memref_slice %arg7[%dma_wait3A_334, %dma_wait3A_335] : memref<100352x8xf32, #tpu.memory_space<vmem_shared>> -> memref<100352x8xf32, #tpu.memory_space<vmem_shared>>
        tpu.wait_indirect_dma semaphore(%arg14 : memref<!tpu.dma_semaphore, #tpu.memory_space<semaphore_mem>>) src(%dma_wait3A_330 : memref<1024x8xf32, #tpu.memory_space<vmem>>) dst(%dma_wait3A_336 : memref<100352x8xf32, #tpu.memory_space<vmem_shared>>)
      } else {
      }
      %lt3A_126 = arith.constant 52 : i32
      %lt3A_127 = arith.cmpi slt, %add3A_122, %lt3A_126 : i32
      %convert_element_type3A_128 = arith.extui %lt3A_127 : i1 to i32
      %cond3A_129 = arith.constant 0 : i32
      %cond3A_130 = arith.cmpi ne, %convert_element_type3A_128, %cond3A_129 : i32
      scf.if %cond3A_130 {
        %dma_start3A_324 = arith.constant 0 : i32
        %dma_start3A_325 = arith.constant 1 : i32
        %dma_start3A_326 = arith.constant 1 : i32
        %dma_start3A_327 = arith.constant 0 : i32
        %dma_start3A_328 = arith.constant 0 : i32
        %dma_start3A_329 = tpu.memref_slice %arg10[%dma_start3A_326, %dma_start3A_327, %dma_start3A_328] : memref<2x1024x8xf32, #tpu.memory_space<vmem>> -> memref<1x1024x8xf32, #tpu.memory_space<vmem>>
        %dma_start3A_330 = tpu.memref_squeeze %dma_start3A_329 : memref<1x1024x8xf32, #tpu.memory_space<vmem>> -> memref<1024x8xf32, #tpu.memory_space<vmem>>
        %dma_start3A_331 = arith.constant 0 : i32
        %dma_start3A_332 = tpu.memref_slice %arg8[%dma_start3A_324, %dma_start3A_325, %dma_start3A_331] : memref<2x2x1024xi32, #tpu.memory_space<vmem>> -> memref<1x1x1024xi32, #tpu.memory_space<vmem>>
        %dma_start3A_333 = tpu.memref_squeeze %dma_start3A_332 : memref<1x1x1024xi32, #tpu.memory_space<vmem>> -> memref<1024xi32, #tpu.memory_space<vmem>>
        %dma_start3A_334 = arith.constant 0 : i32
        %dma_start3A_335 = arith.constant 0 : i32
        %dma_start3A_336 = tpu.memref_slice %arg4[%dma_start3A_334, %dma_start3A_335] : memref<100352x8xf32, #tpu.memory_space<hbm>> -> memref<100352x8xf32, #tpu.memory_space<hbm>>
        tpu.enqueue_indirect_dma source(%dma_start3A_336 : memref<100352x8xf32, #tpu.memory_space<hbm>>) target(%dma_start3A_330 : memref<1024x8xf32, #tpu.memory_space<vmem>>) offsets(%dma_start3A_333 : memref<1024xi32, #tpu.memory_space<vmem>>) semaphore(%arg12 : memref<!tpu.dma_semaphore, #tpu.memory_space<semaphore_mem>>)
      } else {
      }
      %dma_wait3A_131 = arith.constant 0 : i32
      %dma_wait3A_132 = arith.constant 0 : i32
      %dma_wait3A_133 = arith.constant 0 : i32
      %dma_wait3A_134 = arith.constant 0 : i32
      %dma_wait3A_135 = arith.constant 0 : i32
      %dma_wait3A_136 = tpu.memref_slice %arg10[%dma_wait3A_133, %dma_wait3A_134, %dma_wait3A_135] : memref<2x1024x8xf32, #tpu.memory_space<vmem>> -> memref<1x1024x8xf32, #tpu.memory_space<vmem>>
      %dma_wait3A_137 = tpu.memref_squeeze %dma_wait3A_136 : memref<1x1024x8xf32, #tpu.memory_space<vmem>> -> memref<1024x8xf32, #tpu.memory_space<vmem>>
      %dma_wait3A_138 = arith.constant 0 : i32
      %dma_wait3A_139 = tpu.memref_slice %arg8[%dma_wait3A_131, %dma_wait3A_132, %dma_wait3A_138] : memref<2x2x1024xi32, #tpu.memory_space<vmem>> -> memref<1x1x1024xi32, #tpu.memory_space<vmem>>
      %dma_wait3A_140 = tpu.memref_squeeze %dma_wait3A_139 : memref<1x1x1024xi32, #tpu.memory_space<vmem>> -> memref<1024xi32, #tpu.memory_space<vmem>>
      %dma_wait3A_141 = arith.constant 0 : i32
      %dma_wait3A_142 = arith.constant 0 : i32
      %dma_wait3A_143 = tpu.memref_slice %arg4[%dma_wait3A_141, %dma_wait3A_142] : memref<100352x8xf32, #tpu.memory_space<hbm>> -> memref<100352x8xf32, #tpu.memory_space<hbm>>
      tpu.wait_indirect_dma semaphore(%arg11 : memref<!tpu.dma_semaphore, #tpu.memory_space<semaphore_mem>>) src(%dma_wait3A_143 : memref<100352x8xf32, #tpu.memory_space<hbm>>) dst(%dma_wait3A_137 : memref<1024x8xf32, #tpu.memory_space<vmem>>)
      %dma_start3A_144 = arith.constant 0 : i32
      %dma_start3A_145 = arith.constant 0 : i32
      %dma_start3A_146 = arith.constant 0 : i32
      %dma_start3A_147 = arith.constant 0 : i32
      %dma_start3A_148 = arith.constant 0 : i32
      %dma_start3A_149 = tpu.memref_slice %arg10[%dma_start3A_144, %dma_start3A_147, %dma_start3A_148] : memref<2x1024x8xf32, #tpu.memory_space<vmem>> -> memref<1x1024x8xf32, #tpu.memory_space<vmem>>
      %dma_start3A_150 = tpu.memref_squeeze %dma_start3A_149 : memref<1x1024x8xf32, #tpu.memory_space<vmem>> -> memref<1024x8xf32, #tpu.memory_space<vmem>>
      %dma_start3A_151 = arith.constant 0 : i32
      %dma_start3A_152 = tpu.memref_slice %arg9[%dma_start3A_145, %dma_start3A_146, %dma_start3A_151] : memref<2x2x1024xi32, #tpu.memory_space<vmem>> -> memref<1x1x1024xi32, #tpu.memory_space<vmem>>
      %dma_start3A_153 = tpu.memref_squeeze %dma_start3A_152 : memref<1x1x1024xi32, #tpu.memory_space<vmem>> -> memref<1024xi32, #tpu.memory_space<vmem>>
      %dma_start3A_154 = arith.constant 0 : i32
      %dma_start3A_155 = arith.constant 0 : i32
      %dma_start3A_156 = tpu.memref_slice %arg7[%dma_start3A_154, %dma_start3A_155] : memref<100352x8xf32, #tpu.memory_space<vmem_shared>> -> memref<100352x8xf32, #tpu.memory_space<vmem_shared>>
      tpu.enqueue_indirect_dma source(%dma_start3A_150 : memref<1024x8xf32, #tpu.memory_space<vmem>>) target(%dma_start3A_156 : memref<100352x8xf32, #tpu.memory_space<vmem_shared>>) offsets(%dma_start3A_153 : memref<1024xi32, #tpu.memory_space<vmem>>) semaphore(%arg13 : memref<!tpu.dma_semaphore, #tpu.memory_space<semaphore_mem>>) {add = true}
      %add3A_157 = arith.constant 1 : i32
      %add3A_158 = arith.addi %add3A_116, %add3A_157 : i32
      %lt3A_159 = arith.constant 26 : i32
      %lt3A_160 = arith.cmpi slt, %add3A_158, %lt3A_159 : i32
      %convert_element_type3A_161 = arith.extui %lt3A_160 : i1 to i32
      %cond3A_162 = arith.constant 0 : i32
      %cond3A_163 = arith.cmpi ne, %convert_element_type3A_161, %cond3A_162 : i32
      scf.if %cond3A_163 {
        %add3A_324 = arith.constant 1 : i32
        %add3A_325 = arith.addi %add3A_116, %add3A_324 : i32
        %mul3A_326 = arith.constant 2 : i32
        %mul3A_327 = arith.muli %add3A_325, %mul3A_326 : i32
        %add3A_328 = arith.addi %mul3A_2, %mul3A_327 : i32
        %dma_start3A_329 = arith.constant 1 : i32
        %dma_start3A_330 = arith.constant 0 : i32
        %dma_start3A_331 = arith.constant 0 : i32
        %dma_start3A_332 = tpu.memref_slice %arg8[%dma_start3A_329, %dma_start3A_330, %dma_start3A_331] : memref<2x2x1024xi32, #tpu.memory_space<vmem>> -> memref<1x2x1024xi32, #tpu.memory_space<vmem>>
        %dma_start3A_333 = tpu.memref_squeeze %dma_start3A_332 : memref<1x2x1024xi32, #tpu.memory_space<vmem>> -> memref<2x1024xi32, #tpu.memory_space<vmem>>
        %dma_start3A_334 = arith.constant 0 : i32
        %dma_start3A_335 = tpu.memref_slice %arg2[%add3A_328, %dma_start3A_334] : memref<1664x1024xi32, #tpu.memory_space<hbm>> -> memref<2x1024xi32, #tpu.memory_space<hbm>>
        %dma_start3A_336 = arith.constant 0 : i32
        %dma_start3A_337 = arith.constant 0 : i32
        %dma_start3A_338 = tpu.memref_slice %arg8[%dma_start3A_329, %dma_start3A_336, %dma_start3A_337] : memref<2x2x1024xi32, #tpu.memory_space<vmem>> -> memref<1x2x1024xi32, #tpu.memory_space<vmem>>
        %dma_start3A_339 = tpu.memref_squeeze %dma_start3A_338 : memref<1x2x1024xi32, #tpu.memory_space<vmem>> -> memref<2x1024xi32, #tpu.memory_space<vmem>>
        %dma_start3A_340 = arith.constant 0 : i32
        %dma_start3A_341 = tpu.memref_slice %arg2[%add3A_328, %dma_start3A_340] : memref<1664x1024xi32, #tpu.memory_space<hbm>> -> memref<2x1024xi32, #tpu.memory_space<hbm>>
        tpu.enqueue_dma source(%dma_start3A_341 : memref<2x1024xi32, #tpu.memory_space<hbm>>) target(%dma_start3A_339 : memref<2x1024xi32, #tpu.memory_space<vmem>>) target_semaphore(%arg16 : memref<!tpu.dma_semaphore, #tpu.memory_space<semaphore_mem>>)
        %mul3A_342 = arith.constant 2 : i32
        %mul3A_343 = arith.muli %add3A_325, %mul3A_342 : i32
        %add3A_344 = arith.addi %mul3A_2, %mul3A_343 : i32
        %dma_start3A_345 = arith.constant 1 : i32
        %dma_start3A_346 = arith.constant 0 : i32
        %dma_start3A_347 = arith.constant 0 : i32
        %dma_start3A_348 = tpu.memref_slice %arg9[%dma_start3A_345, %dma_start3A_346, %dma_start3A_347] : memref<2x2x1024xi32, #tpu.memory_space<vmem>> -> memref<1x2x1024xi32, #tpu.memory_space<vmem>>
        %dma_start3A_349 = tpu.memref_squeeze %dma_start3A_348 : memref<1x2x1024xi32, #tpu.memory_space<vmem>> -> memref<2x1024xi32, #tpu.memory_space<vmem>>
        %dma_start3A_350 = arith.constant 0 : i32
        %dma_start3A_351 = tpu.memref_slice %arg3[%add3A_344, %dma_start3A_350] : memref<1664x1024xi32, #tpu.memory_space<hbm>> -> memref<2x1024xi32, #tpu.memory_space<hbm>>
        %dma_start3A_352 = arith.constant 0 : i32
        %dma_start3A_353 = arith.constant 0 : i32
        %dma_start3A_354 = tpu.memref_slice %arg9[%dma_start3A_345, %dma_start3A_352, %dma_start3A_353] : memref<2x2x1024xi32, #tpu.memory_space<vmem>> -> memref<1x2x1024xi32, #tpu.memory_space<vmem>>
        %dma_start3A_355 = tpu.memref_squeeze %dma_start3A_354 : memref<1x2x1024xi32, #tpu.memory_space<vmem>> -> memref<2x1024xi32, #tpu.memory_space<vmem>>
        %dma_start3A_356 = arith.constant 0 : i32
        %dma_start3A_357 = tpu.memref_slice %arg3[%add3A_344, %dma_start3A_356] : memref<1664x1024xi32, #tpu.memory_space<hbm>> -> memref<2x1024xi32, #tpu.memory_space<hbm>>
        tpu.enqueue_dma source(%dma_start3A_357 : memref<2x1024xi32, #tpu.memory_space<hbm>>) target(%dma_start3A_355 : memref<2x1024xi32, #tpu.memory_space<vmem>>) target_semaphore(%arg16 : memref<!tpu.dma_semaphore, #tpu.memory_space<semaphore_mem>>)
      } else {
      }
      %mul3A_164 = arith.constant 2 : i32
      %mul3A_165 = arith.muli %add3A_116, %mul3A_164 : i32
      %add3A_166 = arith.constant 1 : i32
      %add3A_167 = arith.addi %mul3A_165, %add3A_166 : i32
      %add3A_168 = arith.constant 1 : i32
      %add3A_169 = arith.addi %add3A_167, %add3A_168 : i32
      %ge3A_170 = arith.constant 2 : i32
      %ge3A_171 = arith.cmpi sge, %add3A_169, %ge3A_170 : i32
      %lt3A_172 = arith.constant 52 : i32
      %lt3A_173 = arith.cmpi slt, %add3A_169, %lt3A_172 : i32
      %and3A_174 = arith.andi %ge3A_171, %lt3A_173 : i1
      %convert_element_type3A_175 = arith.extui %and3A_174 : i1 to i32
      %cond3A_176 = arith.constant 0 : i32
      %cond3A_177 = arith.cmpi ne, %convert_element_type3A_175, %cond3A_176 : i32
      scf.if %cond3A_177 {
        %dma_wait3A_324 = arith.constant 0 : i32
        %dma_wait3A_325 = arith.constant 0 : i32
        %dma_wait3A_326 = arith.constant 0 : i32
        %dma_wait3A_327 = arith.constant 0 : i32
        %dma_wait3A_328 = arith.constant 0 : i32
        %dma_wait3A_329 = tpu.memref_slice %arg10[%dma_wait3A_324, %dma_wait3A_327, %dma_wait3A_328] : memref<2x1024x8xf32, #tpu.memory_space<vmem>> -> memref<1x1024x8xf32, #tpu.memory_space<vmem>>
        %dma_wait3A_330 = tpu.memref_squeeze %dma_wait3A_329 : memref<1x1024x8xf32, #tpu.memory_space<vmem>> -> memref<1024x8xf32, #tpu.memory_space<vmem>>
        %dma_wait3A_331 = arith.constant 0 : i32
        %dma_wait3A_332 = tpu.memref_slice %arg9[%dma_wait3A_325, %dma_wait3A_326, %dma_wait3A_331] : memref<2x2x1024xi32, #tpu.memory_space<vmem>> -> memref<1x1x1024xi32, #tpu.memory_space<vmem>>
        %dma_wait3A_333 = tpu.memref_squeeze %dma_wait3A_332 : memref<1x1x1024xi32, #tpu.memory_space<vmem>> -> memref<1024xi32, #tpu.memory_space<vmem>>
        %dma_wait3A_334 = arith.constant 0 : i32
        %dma_wait3A_335 = arith.constant 0 : i32
        %dma_wait3A_336 = tpu.memref_slice %arg7[%dma_wait3A_334, %dma_wait3A_335] : memref<100352x8xf32, #tpu.memory_space<vmem_shared>> -> memref<100352x8xf32, #tpu.memory_space<vmem_shared>>
        tpu.wait_indirect_dma semaphore(%arg13 : memref<!tpu.dma_semaphore, #tpu.memory_space<semaphore_mem>>) src(%dma_wait3A_330 : memref<1024x8xf32, #tpu.memory_space<vmem>>) dst(%dma_wait3A_336 : memref<100352x8xf32, #tpu.memory_space<vmem_shared>>)
      } else {
      }
      %add3A_178 = arith.constant 1 : i32
      %add3A_179 = arith.addi %add3A_116, %add3A_178 : i32
      %lt3A_180 = arith.constant 26 : i32
      %lt3A_181 = arith.cmpi slt, %add3A_179, %lt3A_180 : i32
      %convert_element_type3A_182 = arith.extui %lt3A_181 : i1 to i32
      %cond3A_183 = arith.constant 0 : i32
      %cond3A_184 = arith.cmpi ne, %convert_element_type3A_182, %cond3A_183 : i32
      scf.if %cond3A_184 {
        %dma_wait3A_324 = arith.constant 1 : i32
        %dma_wait3A_325 = arith.constant 0 : i32
        %dma_wait3A_326 = arith.constant 0 : i32
        %dma_wait3A_327 = tpu.memref_slice %arg8[%dma_wait3A_324, %dma_wait3A_325, %dma_wait3A_326] : memref<2x2x1024xi32, #tpu.memory_space<vmem>> -> memref<1x2x1024xi32, #tpu.memory_space<vmem>>
        %dma_wait3A_328 = tpu.memref_squeeze %dma_wait3A_327 : memref<1x2x1024xi32, #tpu.memory_space<vmem>> -> memref<2x1024xi32, #tpu.memory_space<vmem>>
        %dma_wait3A_329 = arith.constant 0 : i32
        %dma_wait3A_330 = arith.constant 0 : i32
        %dma_wait3A_331 = tpu.memref_slice %arg2[%dma_wait3A_329, %dma_wait3A_330] : memref<1664x1024xi32, #tpu.memory_space<hbm>> -> memref<2x1024xi32, #tpu.memory_space<hbm>>
        %dma_wait3A_332 = arith.constant 0 : i32
        %dma_wait3A_333 = arith.constant 0 : i32
        %dma_wait3A_334 = tpu.memref_slice %arg8[%dma_wait3A_324, %dma_wait3A_332, %dma_wait3A_333] : memref<2x2x1024xi32, #tpu.memory_space<vmem>> -> memref<1x2x1024xi32, #tpu.memory_space<vmem>>
        %dma_wait3A_335 = tpu.memref_squeeze %dma_wait3A_334 : memref<1x2x1024xi32, #tpu.memory_space<vmem>> -> memref<2x1024xi32, #tpu.memory_space<vmem>>
        %dma_wait3A_336 = arith.constant 0 : i32
        %dma_wait3A_337 = arith.constant 0 : i32
        %dma_wait3A_338 = tpu.memref_slice %arg2[%dma_wait3A_336, %dma_wait3A_337] : memref<1664x1024xi32, #tpu.memory_space<hbm>> -> memref<2x1024xi32, #tpu.memory_space<hbm>>
        tpu.wait_dma2 semaphore(%arg16 : memref<!tpu.dma_semaphore, #tpu.memory_space<semaphore_mem>>) src(%dma_wait3A_338 : memref<2x1024xi32, #tpu.memory_space<hbm>>) dst(%dma_wait3A_335 : memref<2x1024xi32, #tpu.memory_space<vmem>>)
        %dma_wait3A_339 = arith.constant 1 : i32
        %dma_wait3A_340 = arith.constant 0 : i32
        %dma_wait3A_341 = arith.constant 0 : i32
        %dma_wait3A_342 = tpu.memref_slice %arg9[%dma_wait3A_339, %dma_wait3A_340, %dma_wait3A_341] : memref<2x2x1024xi32, #tpu.memory_space<vmem>> -> memref<1x2x1024xi32, #tpu.memory_space<vmem>>
        %dma_wait3A_343 = tpu.memref_squeeze %dma_wait3A_342 : memref<1x2x1024xi32, #tpu.memory_space<vmem>> -> memref<2x1024xi32, #tpu.memory_space<vmem>>
        %dma_wait3A_344 = arith.constant 0 : i32
        %dma_wait3A_345 = arith.constant 0 : i32
        %dma_wait3A_346 = tpu.memref_slice %arg3[%dma_wait3A_344, %dma_wait3A_345] : memref<1664x1024xi32, #tpu.memory_space<hbm>> -> memref<2x1024xi32, #tpu.memory_space<hbm>>
        %dma_wait3A_347 = arith.constant 0 : i32
        %dma_wait3A_348 = arith.constant 0 : i32
        %dma_wait3A_349 = tpu.memref_slice %arg9[%dma_wait3A_339, %dma_wait3A_347, %dma_wait3A_348] : memref<2x2x1024xi32, #tpu.memory_space<vmem>> -> memref<1x2x1024xi32, #tpu.memory_space<vmem>>
        %dma_wait3A_350 = tpu.memref_squeeze %dma_wait3A_349 : memref<1x2x1024xi32, #tpu.memory_space<vmem>> -> memref<2x1024xi32, #tpu.memory_space<vmem>>
        %dma_wait3A_351 = arith.constant 0 : i32
        %dma_wait3A_352 = arith.constant 0 : i32
        %dma_wait3A_353 = tpu.memref_slice %arg3[%dma_wait3A_351, %dma_wait3A_352] : memref<1664x1024xi32, #tpu.memory_space<hbm>> -> memref<2x1024xi32, #tpu.memory_space<hbm>>
        tpu.wait_dma2 semaphore(%arg16 : memref<!tpu.dma_semaphore, #tpu.memory_space<semaphore_mem>>) src(%dma_wait3A_353 : memref<2x1024xi32, #tpu.memory_space<hbm>>) dst(%dma_wait3A_350 : memref<2x1024xi32, #tpu.memory_space<vmem>>)
      } else {
      }
      %lt3A_185 = arith.constant 52 : i32
      %lt3A_186 = arith.cmpi slt, %add3A_169, %lt3A_185 : i32
      %convert_element_type3A_187 = arith.extui %lt3A_186 : i1 to i32
      %cond3A_188 = arith.constant 0 : i32
      %cond3A_189 = arith.cmpi ne, %convert_element_type3A_187, %cond3A_188 : i32
      scf.if %cond3A_189 {
        %dma_start3A_324 = arith.constant 1 : i32
        %dma_start3A_325 = arith.constant 0 : i32
        %dma_start3A_326 = arith.constant 0 : i32
        %dma_start3A_327 = arith.constant 0 : i32
        %dma_start3A_328 = arith.constant 0 : i32
        %dma_start3A_329 = tpu.memref_slice %arg10[%dma_start3A_326, %dma_start3A_327, %dma_start3A_328] : memref<2x1024x8xf32, #tpu.memory_space<vmem>> -> memref<1x1024x8xf32, #tpu.memory_space<vmem>>
        %dma_start3A_330 = tpu.memref_squeeze %dma_start3A_329 : memref<1x1024x8xf32, #tpu.memory_space<vmem>> -> memref<1024x8xf32, #tpu.memory_space<vmem>>
        %dma_start3A_331 = arith.constant 0 : i32
        %dma_start3A_332 = tpu.memref_slice %arg8[%dma_start3A_324, %dma_start3A_325, %dma_start3A_331] : memref<2x2x1024xi32, #tpu.memory_space<vmem>> -> memref<1x1x1024xi32, #tpu.memory_space<vmem>>
        %dma_start3A_333 = tpu.memref_squeeze %dma_start3A_332 : memref<1x1x1024xi32, #tpu.memory_space<vmem>> -> memref<1024xi32, #tpu.memory_space<vmem>>
        %dma_start3A_334 = arith.constant 0 : i32
        %dma_start3A_335 = arith.constant 0 : i32
        %dma_start3A_336 = tpu.memref_slice %arg4[%dma_start3A_334, %dma_start3A_335] : memref<100352x8xf32, #tpu.memory_space<hbm>> -> memref<100352x8xf32, #tpu.memory_space<hbm>>
        tpu.enqueue_indirect_dma source(%dma_start3A_336 : memref<100352x8xf32, #tpu.memory_space<hbm>>) target(%dma_start3A_330 : memref<1024x8xf32, #tpu.memory_space<vmem>>) offsets(%dma_start3A_333 : memref<1024xi32, #tpu.memory_space<vmem>>) semaphore(%arg11 : memref<!tpu.dma_semaphore, #tpu.memory_space<semaphore_mem>>)
      } else {
      }
      %dma_wait3A_190 = arith.constant 0 : i32
      %dma_wait3A_191 = arith.constant 1 : i32
      %dma_wait3A_192 = arith.constant 1 : i32
      %dma_wait3A_193 = arith.constant 0 : i32
      %dma_wait3A_194 = arith.constant 0 : i32
      %dma_wait3A_195 = tpu.memref_slice %arg10[%dma_wait3A_192, %dma_wait3A_193, %dma_wait3A_194] : memref<2x1024x8xf32, #tpu.memory_space<vmem>> -> memref<1x1024x8xf32, #tpu.memory_space<vmem>>
      %dma_wait3A_196 = tpu.memref_squeeze %dma_wait3A_195 : memref<1x1024x8xf32, #tpu.memory_space<vmem>> -> memref<1024x8xf32, #tpu.memory_space<vmem>>
      %dma_wait3A_197 = arith.constant 0 : i32
      %dma_wait3A_198 = tpu.memref_slice %arg8[%dma_wait3A_190, %dma_wait3A_191, %dma_wait3A_197] : memref<2x2x1024xi32, #tpu.memory_space<vmem>> -> memref<1x1x1024xi32, #tpu.memory_space<vmem>>
      %dma_wait3A_199 = tpu.memref_squeeze %dma_wait3A_198 : memref<1x1x1024xi32, #tpu.memory_space<vmem>> -> memref<1024xi32, #tpu.memory_space<vmem>>
      %dma_wait3A_200 = arith.constant 0 : i32
      %dma_wait3A_201 = arith.constant 0 : i32
      %dma_wait3A_202 = tpu.memref_slice %arg4[%dma_wait3A_200, %dma_wait3A_201] : memref<100352x8xf32, #tpu.memory_space<hbm>> -> memref<100352x8xf32, #tpu.memory_space<hbm>>
      tpu.wait_indirect_dma semaphore(%arg12 : memref<!tpu.dma_semaphore, #tpu.memory_space<semaphore_mem>>) src(%dma_wait3A_202 : memref<100352x8xf32, #tpu.memory_space<hbm>>) dst(%dma_wait3A_196 : memref<1024x8xf32, #tpu.memory_space<vmem>>)
      %dma_start3A_203 = arith.constant 1 : i32
      %dma_start3A_204 = arith.constant 0 : i32
      %dma_start3A_205 = arith.constant 1 : i32
      %dma_start3A_206 = arith.constant 0 : i32
      %dma_start3A_207 = arith.constant 0 : i32
      %dma_start3A_208 = tpu.memref_slice %arg10[%dma_start3A_203, %dma_start3A_206, %dma_start3A_207] : memref<2x1024x8xf32, #tpu.memory_space<vmem>> -> memref<1x1024x8xf32, #tpu.memory_space<vmem>>
      %dma_start3A_209 = tpu.memref_squeeze %dma_start3A_208 : memref<1x1024x8xf32, #tpu.memory_space<vmem>> -> memref<1024x8xf32, #tpu.memory_space<vmem>>
      %dma_start3A_210 = arith.constant 0 : i32
      %dma_start3A_211 = tpu.memref_slice %arg9[%dma_start3A_204, %dma_start3A_205, %dma_start3A_210] : memref<2x2x1024xi32, #tpu.memory_space<vmem>> -> memref<1x1x1024xi32, #tpu.memory_space<vmem>>
      %dma_start3A_212 = tpu.memref_squeeze %dma_start3A_211 : memref<1x1x1024xi32, #tpu.memory_space<vmem>> -> memref<1024xi32, #tpu.memory_space<vmem>>
      %dma_start3A_213 = arith.constant 0 : i32
      %dma_start3A_214 = arith.constant 0 : i32
      %dma_start3A_215 = tpu.memref_slice %arg7[%dma_start3A_213, %dma_start3A_214] : memref<100352x8xf32, #tpu.memory_space<vmem_shared>> -> memref<100352x8xf32, #tpu.memory_space<vmem_shared>>
      tpu.enqueue_indirect_dma source(%dma_start3A_209 : memref<1024x8xf32, #tpu.memory_space<vmem>>) target(%dma_start3A_215 : memref<100352x8xf32, #tpu.memory_space<vmem_shared>>) offsets(%dma_start3A_212 : memref<1024xi32, #tpu.memory_space<vmem>>) semaphore(%arg14 : memref<!tpu.dma_semaphore, #tpu.memory_space<semaphore_mem>>) {add = true}
      %mul3A_216 = arith.constant 2 : i32
      %mul3A_217 = arith.muli %scan3A_112, %mul3A_216 : i32
      %add3A_218 = arith.constant 1 : i32
      %add3A_219 = arith.addi %mul3A_217, %add3A_218 : i32
      %mul3A_220 = arith.constant 2 : i32
      %mul3A_221 = arith.muli %add3A_219, %mul3A_220 : i32
      %add3A_222 = arith.constant 0 : i32
      %add3A_223 = arith.addi %mul3A_221, %add3A_222 : i32
      %add3A_224 = arith.constant 1 : i32
      %add3A_225 = arith.addi %add3A_223, %add3A_224 : i32
      %ge3A_226 = arith.constant 2 : i32
      %ge3A_227 = arith.cmpi sge, %add3A_225, %ge3A_226 : i32
      %lt3A_228 = arith.constant 52 : i32
      %lt3A_229 = arith.cmpi slt, %add3A_225, %lt3A_228 : i32
      %and3A_230 = arith.andi %ge3A_227, %lt3A_229 : i1
      %convert_element_type3A_231 = arith.extui %and3A_230 : i1 to i32
      %cond3A_232 = arith.constant 0 : i32
      %cond3A_233 = arith.cmpi ne, %convert_element_type3A_231, %cond3A_232 : i32
      scf.if %cond3A_233 {
        %dma_wait3A_324 = arith.constant 1 : i32
        %dma_wait3A_325 = arith.constant 0 : i32
        %dma_wait3A_326 = arith.constant 0 : i32
        %dma_wait3A_327 = arith.constant 0 : i32
        %dma_wait3A_328 = arith.constant 0 : i32
        %dma_wait3A_329 = tpu.memref_slice %arg10[%dma_wait3A_324, %dma_wait3A_327, %dma_wait3A_328] : memref<2x1024x8xf32, #tpu.memory_space<vmem>> -> memref<1x1024x8xf32, #tpu.memory_space<vmem>>
        %dma_wait3A_330 = tpu.memref_squeeze %dma_wait3A_329 : memref<1x1024x8xf32, #tpu.memory_space<vmem>> -> memref<1024x8xf32, #tpu.memory_space<vmem>>
        %dma_wait3A_331 = arith.constant 0 : i32
        %dma_wait3A_332 = tpu.memref_slice %arg9[%dma_wait3A_325, %dma_wait3A_326, %dma_wait3A_331] : memref<2x2x1024xi32, #tpu.memory_space<vmem>> -> memref<1x1x1024xi32, #tpu.memory_space<vmem>>
        %dma_wait3A_333 = tpu.memref_squeeze %dma_wait3A_332 : memref<1x1x1024xi32, #tpu.memory_space<vmem>> -> memref<1024xi32, #tpu.memory_space<vmem>>
        %dma_wait3A_334 = arith.constant 0 : i32
        %dma_wait3A_335 = arith.constant 0 : i32
        %dma_wait3A_336 = tpu.memref_slice %arg7[%dma_wait3A_334, %dma_wait3A_335] : memref<100352x8xf32, #tpu.memory_space<vmem_shared>> -> memref<100352x8xf32, #tpu.memory_space<vmem_shared>>
        tpu.wait_indirect_dma semaphore(%arg14 : memref<!tpu.dma_semaphore, #tpu.memory_space<semaphore_mem>>) src(%dma_wait3A_330 : memref<1024x8xf32, #tpu.memory_space<vmem>>) dst(%dma_wait3A_336 : memref<100352x8xf32, #tpu.memory_space<vmem_shared>>)
      } else {
      }
      %lt3A_234 = arith.constant 52 : i32
      %lt3A_235 = arith.cmpi slt, %add3A_225, %lt3A_234 : i32
      %convert_element_type3A_236 = arith.extui %lt3A_235 : i1 to i32
      %cond3A_237 = arith.constant 0 : i32
      %cond3A_238 = arith.cmpi ne, %convert_element_type3A_236, %cond3A_237 : i32
      scf.if %cond3A_238 {
        %dma_start3A_324 = arith.constant 1 : i32
        %dma_start3A_325 = arith.constant 1 : i32
        %dma_start3A_326 = arith.constant 1 : i32
        %dma_start3A_327 = arith.constant 0 : i32
        %dma_start3A_328 = arith.constant 0 : i32
        %dma_start3A_329 = tpu.memref_slice %arg10[%dma_start3A_326, %dma_start3A_327, %dma_start3A_328] : memref<2x1024x8xf32, #tpu.memory_space<vmem>> -> memref<1x1024x8xf32, #tpu.memory_space<vmem>>
        %dma_start3A_330 = tpu.memref_squeeze %dma_start3A_329 : memref<1x1024x8xf32, #tpu.memory_space<vmem>> -> memref<1024x8xf32, #tpu.memory_space<vmem>>
        %dma_start3A_331 = arith.constant 0 : i32
        %dma_start3A_332 = tpu.memref_slice %arg8[%dma_start3A_324, %dma_start3A_325, %dma_start3A_331] : memref<2x2x1024xi32, #tpu.memory_space<vmem>> -> memref<1x1x1024xi32, #tpu.memory_space<vmem>>
        %dma_start3A_333 = tpu.memref_squeeze %dma_start3A_332 : memref<1x1x1024xi32, #tpu.memory_space<vmem>> -> memref<1024xi32, #tpu.memory_space<vmem>>
        %dma_start3A_334 = arith.constant 0 : i32
        %dma_start3A_335 = arith.constant 0 : i32
        %dma_start3A_336 = tpu.memref_slice %arg4[%dma_start3A_334, %dma_start3A_335] : memref<100352x8xf32, #tpu.memory_space<hbm>> -> memref<100352x8xf32, #tpu.memory_space<hbm>>
        tpu.enqueue_indirect_dma source(%dma_start3A_336 : memref<100352x8xf32, #tpu.memory_space<hbm>>) target(%dma_start3A_330 : memref<1024x8xf32, #tpu.memory_space<vmem>>) offsets(%dma_start3A_333 : memref<1024xi32, #tpu.memory_space<vmem>>) semaphore(%arg12 : memref<!tpu.dma_semaphore, #tpu.memory_space<semaphore_mem>>)
      } else {
      }
      %dma_wait3A_239 = arith.constant 1 : i32
      %dma_wait3A_240 = arith.constant 0 : i32
      %dma_wait3A_241 = arith.constant 0 : i32
      %dma_wait3A_242 = arith.constant 0 : i32
      %dma_wait3A_243 = arith.constant 0 : i32
      %dma_wait3A_244 = tpu.memref_slice %arg10[%dma_wait3A_241, %dma_wait3A_242, %dma_wait3A_243] : memref<2x1024x8xf32, #tpu.memory_space<vmem>> -> memref<1x1024x8xf32, #tpu.memory_space<vmem>>
      %dma_wait3A_245 = tpu.memref_squeeze %dma_wait3A_244 : memref<1x1024x8xf32, #tpu.memory_space<vmem>> -> memref<1024x8xf32, #tpu.memory_space<vmem>>
      %dma_wait3A_246 = arith.constant 0 : i32
      %dma_wait3A_247 = tpu.memref_slice %arg8[%dma_wait3A_239, %dma_wait3A_240, %dma_wait3A_246] : memref<2x2x1024xi32, #tpu.memory_space<vmem>> -> memref<1x1x1024xi32, #tpu.memory_space<vmem>>
      %dma_wait3A_248 = tpu.memref_squeeze %dma_wait3A_247 : memref<1x1x1024xi32, #tpu.memory_space<vmem>> -> memref<1024xi32, #tpu.memory_space<vmem>>
      %dma_wait3A_249 = arith.constant 0 : i32
      %dma_wait3A_250 = arith.constant 0 : i32
      %dma_wait3A_251 = tpu.memref_slice %arg4[%dma_wait3A_249, %dma_wait3A_250] : memref<100352x8xf32, #tpu.memory_space<hbm>> -> memref<100352x8xf32, #tpu.memory_space<hbm>>
      tpu.wait_indirect_dma semaphore(%arg11 : memref<!tpu.dma_semaphore, #tpu.memory_space<semaphore_mem>>) src(%dma_wait3A_251 : memref<100352x8xf32, #tpu.memory_space<hbm>>) dst(%dma_wait3A_245 : memref<1024x8xf32, #tpu.memory_space<vmem>>)
      %dma_start3A_252 = arith.constant 0 : i32
      %dma_start3A_253 = arith.constant 1 : i32
      %dma_start3A_254 = arith.constant 0 : i32
      %dma_start3A_255 = arith.constant 0 : i32
      %dma_start3A_256 = arith.constant 0 : i32
      %dma_start3A_257 = tpu.memref_slice %arg10[%dma_start3A_252, %dma_start3A_255, %dma_start3A_256] : memref<2x1024x8xf32, #tpu.memory_space<vmem>> -> memref<1x1024x8xf32, #tpu.memory_space<vmem>>
      %dma_start3A_258 = tpu.memref_squeeze %dma_start3A_257 : memref<1x1024x8xf32, #tpu.memory_space<vmem>> -> memref<1024x8xf32, #tpu.memory_space<vmem>>
      %dma_start3A_259 = arith.constant 0 : i32
      %dma_start3A_260 = tpu.memref_slice %arg9[%dma_start3A_253, %dma_start3A_254, %dma_start3A_259] : memref<2x2x1024xi32, #tpu.memory_space<vmem>> -> memref<1x1x1024xi32, #tpu.memory_space<vmem>>
      %dma_start3A_261 = tpu.memref_squeeze %dma_start3A_260 : memref<1x1x1024xi32, #tpu.memory_space<vmem>> -> memref<1024xi32, #tpu.memory_space<vmem>>
      %dma_start3A_262 = arith.constant 0 : i32
      %dma_start3A_263 = arith.constant 0 : i32
      %dma_start3A_264 = tpu.memref_slice %arg7[%dma_start3A_262, %dma_start3A_263] : memref<100352x8xf32, #tpu.memory_space<vmem_shared>> -> memref<100352x8xf32, #tpu.memory_space<vmem_shared>>
      tpu.enqueue_indirect_dma source(%dma_start3A_258 : memref<1024x8xf32, #tpu.memory_space<vmem>>) target(%dma_start3A_264 : memref<100352x8xf32, #tpu.memory_space<vmem_shared>>) offsets(%dma_start3A_261 : memref<1024xi32, #tpu.memory_space<vmem>>) semaphore(%arg13 : memref<!tpu.dma_semaphore, #tpu.memory_space<semaphore_mem>>) {add = true}
      %add3A_265 = arith.constant 1 : i32
      %add3A_266 = arith.addi %add3A_219, %add3A_265 : i32
      %lt3A_267 = arith.constant 26 : i32
      %lt3A_268 = arith.cmpi slt, %add3A_266, %lt3A_267 : i32
      %convert_element_type3A_269 = arith.extui %lt3A_268 : i1 to i32
      %cond3A_270 = arith.constant 0 : i32
      %cond3A_271 = arith.cmpi ne, %convert_element_type3A_269, %cond3A_270 : i32
      scf.if %cond3A_271 {
        %add3A_324 = arith.constant 1 : i32
        %add3A_325 = arith.addi %add3A_219, %add3A_324 : i32
        %mul3A_326 = arith.constant 2 : i32
        %mul3A_327 = arith.muli %add3A_325, %mul3A_326 : i32
        %add3A_328 = arith.addi %mul3A_2, %mul3A_327 : i32
        %dma_start3A_329 = arith.constant 0 : i32
        %dma_start3A_330 = arith.constant 0 : i32
        %dma_start3A_331 = arith.constant 0 : i32
        %dma_start3A_332 = tpu.memref_slice %arg8[%dma_start3A_329, %dma_start3A_330, %dma_start3A_331] : memref<2x2x1024xi32, #tpu.memory_space<vmem>> -> memref<1x2x1024xi32, #tpu.memory_space<vmem>>
        %dma_start3A_333 = tpu.memref_squeeze %dma_start3A_332 : memref<1x2x1024xi32, #tpu.memory_space<vmem>> -> memref<2x1024xi32, #tpu.memory_space<vmem>>
        %dma_start3A_334 = arith.constant 0 : i32
        %dma_start3A_335 = tpu.memref_slice %arg2[%add3A_328, %dma_start3A_334] : memref<1664x1024xi32, #tpu.memory_space<hbm>> -> memref<2x1024xi32, #tpu.memory_space<hbm>>
        %dma_start3A_336 = arith.constant 0 : i32
        %dma_start3A_337 = arith.constant 0 : i32
        %dma_start3A_338 = tpu.memref_slice %arg8[%dma_start3A_329, %dma_start3A_336, %dma_start3A_337] : memref<2x2x1024xi32, #tpu.memory_space<vmem>> -> memref<1x2x1024xi32, #tpu.memory_space<vmem>>
        %dma_start3A_339 = tpu.memref_squeeze %dma_start3A_338 : memref<1x2x1024xi32, #tpu.memory_space<vmem>> -> memref<2x1024xi32, #tpu.memory_space<vmem>>
        %dma_start3A_340 = arith.constant 0 : i32
        %dma_start3A_341 = tpu.memref_slice %arg2[%add3A_328, %dma_start3A_340] : memref<1664x1024xi32, #tpu.memory_space<hbm>> -> memref<2x1024xi32, #tpu.memory_space<hbm>>
        tpu.enqueue_dma source(%dma_start3A_341 : memref<2x1024xi32, #tpu.memory_space<hbm>>) target(%dma_start3A_339 : memref<2x1024xi32, #tpu.memory_space<vmem>>) target_semaphore(%arg15 : memref<!tpu.dma_semaphore, #tpu.memory_space<semaphore_mem>>)
        %mul3A_342 = arith.constant 2 : i32
        %mul3A_343 = arith.muli %add3A_325, %mul3A_342 : i32
        %add3A_344 = arith.addi %mul3A_2, %mul3A_343 : i32
        %dma_start3A_345 = arith.constant 0 : i32
        %dma_start3A_346 = arith.constant 0 : i32
        %dma_start3A_347 = arith.constant 0 : i32
        %dma_start3A_348 = tpu.memref_slice %arg9[%dma_start3A_345, %dma_start3A_346, %dma_start3A_347] : memref<2x2x1024xi32, #tpu.memory_space<vmem>> -> memref<1x2x1024xi32, #tpu.memory_space<vmem>>
        %dma_start3A_349 = tpu.memref_squeeze %dma_start3A_348 : memref<1x2x1024xi32, #tpu.memory_space<vmem>> -> memref<2x1024xi32, #tpu.memory_space<vmem>>
        %dma_start3A_350 = arith.constant 0 : i32
        %dma_start3A_351 = tpu.memref_slice %arg3[%add3A_344, %dma_start3A_350] : memref<1664x1024xi32, #tpu.memory_space<hbm>> -> memref<2x1024xi32, #tpu.memory_space<hbm>>
        %dma_start3A_352 = arith.constant 0 : i32
        %dma_start3A_353 = arith.constant 0 : i32
        %dma_start3A_354 = tpu.memref_slice %arg9[%dma_start3A_345, %dma_start3A_352, %dma_start3A_353] : memref<2x2x1024xi32, #tpu.memory_space<vmem>> -> memref<1x2x1024xi32, #tpu.memory_space<vmem>>
        %dma_start3A_355 = tpu.memref_squeeze %dma_start3A_354 : memref<1x2x1024xi32, #tpu.memory_space<vmem>> -> memref<2x1024xi32, #tpu.memory_space<vmem>>
        %dma_start3A_356 = arith.constant 0 : i32
        %dma_start3A_357 = tpu.memref_slice %arg3[%add3A_344, %dma_start3A_356] : memref<1664x1024xi32, #tpu.memory_space<hbm>> -> memref<2x1024xi32, #tpu.memory_space<hbm>>
        tpu.enqueue_dma source(%dma_start3A_357 : memref<2x1024xi32, #tpu.memory_space<hbm>>) target(%dma_start3A_355 : memref<2x1024xi32, #tpu.memory_space<vmem>>) target_semaphore(%arg15 : memref<!tpu.dma_semaphore, #tpu.memory_space<semaphore_mem>>)
      } else {
      }
      %mul3A_272 = arith.constant 2 : i32
      %mul3A_273 = arith.muli %add3A_219, %mul3A_272 : i32
      %add3A_274 = arith.constant 1 : i32
      %add3A_275 = arith.addi %mul3A_273, %add3A_274 : i32
      %add3A_276 = arith.constant 1 : i32
      %add3A_277 = arith.addi %add3A_275, %add3A_276 : i32
      %ge3A_278 = arith.constant 2 : i32
      %ge3A_279 = arith.cmpi sge, %add3A_277, %ge3A_278 : i32
      %lt3A_280 = arith.constant 52 : i32
      %lt3A_281 = arith.cmpi slt, %add3A_277, %lt3A_280 : i32
      %and3A_282 = arith.andi %ge3A_279, %lt3A_281 : i1
      %convert_element_type3A_283 = arith.extui %and3A_282 : i1 to i32
      %cond3A_284 = arith.constant 0 : i32
      %cond3A_285 = arith.cmpi ne, %convert_element_type3A_283, %cond3A_284 : i32
      scf.if %cond3A_285 {
        %dma_wait3A_324 = arith.constant 0 : i32
        %dma_wait3A_325 = arith.constant 0 : i32
        %dma_wait3A_326 = arith.constant 0 : i32
        %dma_wait3A_327 = arith.constant 0 : i32
        %dma_wait3A_328 = arith.constant 0 : i32
        %dma_wait3A_329 = tpu.memref_slice %arg10[%dma_wait3A_324, %dma_wait3A_327, %dma_wait3A_328] : memref<2x1024x8xf32, #tpu.memory_space<vmem>> -> memref<1x1024x8xf32, #tpu.memory_space<vmem>>
        %dma_wait3A_330 = tpu.memref_squeeze %dma_wait3A_329 : memref<1x1024x8xf32, #tpu.memory_space<vmem>> -> memref<1024x8xf32, #tpu.memory_space<vmem>>
        %dma_wait3A_331 = arith.constant 0 : i32
        %dma_wait3A_332 = tpu.memref_slice %arg9[%dma_wait3A_325, %dma_wait3A_326, %dma_wait3A_331] : memref<2x2x1024xi32, #tpu.memory_space<vmem>> -> memref<1x1x1024xi32, #tpu.memory_space<vmem>>
        %dma_wait3A_333 = tpu.memref_squeeze %dma_wait3A_332 : memref<1x1x1024xi32, #tpu.memory_space<vmem>> -> memref<1024xi32, #tpu.memory_space<vmem>>
        %dma_wait3A_334 = arith.constant 0 : i32
        %dma_wait3A_335 = arith.constant 0 : i32
        %dma_wait3A_336 = tpu.memref_slice %arg7[%dma_wait3A_334, %dma_wait3A_335] : memref<100352x8xf32, #tpu.memory_space<vmem_shared>> -> memref<100352x8xf32, #tpu.memory_space<vmem_shared>>
        tpu.wait_indirect_dma semaphore(%arg13 : memref<!tpu.dma_semaphore, #tpu.memory_space<semaphore_mem>>) src(%dma_wait3A_330 : memref<1024x8xf32, #tpu.memory_space<vmem>>) dst(%dma_wait3A_336 : memref<100352x8xf32, #tpu.memory_space<vmem_shared>>)
      } else {
      }
      %add3A_286 = arith.constant 1 : i32
      %add3A_287 = arith.addi %add3A_219, %add3A_286 : i32
      %lt3A_288 = arith.constant 26 : i32
      %lt3A_289 = arith.cmpi slt, %add3A_287, %lt3A_288 : i32
      %convert_element_type3A_290 = arith.extui %lt3A_289 : i1 to i32
      %cond3A_291 = arith.constant 0 : i32
      %cond3A_292 = arith.cmpi ne, %convert_element_type3A_290, %cond3A_291 : i32
      scf.if %cond3A_292 {
        %dma_wait3A_324 = arith.constant 0 : i32
        %dma_wait3A_325 = arith.constant 0 : i32
        %dma_wait3A_326 = arith.constant 0 : i32
        %dma_wait3A_327 = tpu.memref_slice %arg8[%dma_wait3A_324, %dma_wait3A_325, %dma_wait3A_326] : memref<2x2x1024xi32, #tpu.memory_space<vmem>> -> memref<1x2x1024xi32, #tpu.memory_space<vmem>>
        %dma_wait3A_328 = tpu.memref_squeeze %dma_wait3A_327 : memref<1x2x1024xi32, #tpu.memory_space<vmem>> -> memref<2x1024xi32, #tpu.memory_space<vmem>>
        %dma_wait3A_329 = arith.constant 0 : i32
        %dma_wait3A_330 = arith.constant 0 : i32
        %dma_wait3A_331 = tpu.memref_slice %arg2[%dma_wait3A_329, %dma_wait3A_330] : memref<1664x1024xi32, #tpu.memory_space<hbm>> -> memref<2x1024xi32, #tpu.memory_space<hbm>>
        %dma_wait3A_332 = arith.constant 0 : i32
        %dma_wait3A_333 = arith.constant 0 : i32
        %dma_wait3A_334 = tpu.memref_slice %arg8[%dma_wait3A_324, %dma_wait3A_332, %dma_wait3A_333] : memref<2x2x1024xi32, #tpu.memory_space<vmem>> -> memref<1x2x1024xi32, #tpu.memory_space<vmem>>
        %dma_wait3A_335 = tpu.memref_squeeze %dma_wait3A_334 : memref<1x2x1024xi32, #tpu.memory_space<vmem>> -> memref<2x1024xi32, #tpu.memory_space<vmem>>
        %dma_wait3A_336 = arith.constant 0 : i32
        %dma_wait3A_337 = arith.constant 0 : i32
        %dma_wait3A_338 = tpu.memref_slice %arg2[%dma_wait3A_336, %dma_wait3A_337] : memref<1664x1024xi32, #tpu.memory_space<hbm>> -> memref<2x1024xi32, #tpu.memory_space<hbm>>
        tpu.wait_dma2 semaphore(%arg15 : memref<!tpu.dma_semaphore, #tpu.memory_space<semaphore_mem>>) src(%dma_wait3A_338 : memref<2x1024xi32, #tpu.memory_space<hbm>>) dst(%dma_wait3A_335 : memref<2x1024xi32, #tpu.memory_space<vmem>>)
        %dma_wait3A_339 = arith.constant 0 : i32
        %dma_wait3A_340 = arith.constant 0 : i32
        %dma_wait3A_341 = arith.constant 0 : i32
        %dma_wait3A_342 = tpu.memref_slice %arg9[%dma_wait3A_339, %dma_wait3A_340, %dma_wait3A_341] : memref<2x2x1024xi32, #tpu.memory_space<vmem>> -> memref<1x2x1024xi32, #tpu.memory_space<vmem>>
        %dma_wait3A_343 = tpu.memref_squeeze %dma_wait3A_342 : memref<1x2x1024xi32, #tpu.memory_space<vmem>> -> memref<2x1024xi32, #tpu.memory_space<vmem>>
        %dma_wait3A_344 = arith.constant 0 : i32
        %dma_wait3A_345 = arith.constant 0 : i32
        %dma_wait3A_346 = tpu.memref_slice %arg3[%dma_wait3A_344, %dma_wait3A_345] : memref<1664x1024xi32, #tpu.memory_space<hbm>> -> memref<2x1024xi32, #tpu.memory_space<hbm>>
        %dma_wait3A_347 = arith.constant 0 : i32
        %dma_wait3A_348 = arith.constant 0 : i32
        %dma_wait3A_349 = tpu.memref_slice %arg9[%dma_wait3A_339, %dma_wait3A_347, %dma_wait3A_348] : memref<2x2x1024xi32, #tpu.memory_space<vmem>> -> memref<1x2x1024xi32, #tpu.memory_space<vmem>>
        %dma_wait3A_350 = tpu.memref_squeeze %dma_wait3A_349 : memref<1x2x1024xi32, #tpu.memory_space<vmem>> -> memref<2x1024xi32, #tpu.memory_space<vmem>>
        %dma_wait3A_351 = arith.constant 0 : i32
        %dma_wait3A_352 = arith.constant 0 : i32
        %dma_wait3A_353 = tpu.memref_slice %arg3[%dma_wait3A_351, %dma_wait3A_352] : memref<1664x1024xi32, #tpu.memory_space<hbm>> -> memref<2x1024xi32, #tpu.memory_space<hbm>>
        tpu.wait_dma2 semaphore(%arg15 : memref<!tpu.dma_semaphore, #tpu.memory_space<semaphore_mem>>) src(%dma_wait3A_353 : memref<2x1024xi32, #tpu.memory_space<hbm>>) dst(%dma_wait3A_350 : memref<2x1024xi32, #tpu.memory_space<vmem>>)
      } else {
      }
      %lt3A_293 = arith.constant 52 : i32
      %lt3A_294 = arith.cmpi slt, %add3A_277, %lt3A_293 : i32
      %convert_element_type3A_295 = arith.extui %lt3A_294 : i1 to i32
      %cond3A_296 = arith.constant 0 : i32
      %cond3A_297 = arith.cmpi ne, %convert_element_type3A_295, %cond3A_296 : i32
      scf.if %cond3A_297 {
        %dma_start3A_324 = arith.constant 0 : i32
        %dma_start3A_325 = arith.constant 0 : i32
        %dma_start3A_326 = arith.constant 0 : i32
        %dma_start3A_327 = arith.constant 0 : i32
        %dma_start3A_328 = arith.constant 0 : i32
        %dma_start3A_329 = tpu.memref_slice %arg10[%dma_start3A_326, %dma_start3A_327, %dma_start3A_328] : memref<2x1024x8xf32, #tpu.memory_space<vmem>> -> memref<1x1024x8xf32, #tpu.memory_space<vmem>>
        %dma_start3A_330 = tpu.memref_squeeze %dma_start3A_329 : memref<1x1024x8xf32, #tpu.memory_space<vmem>> -> memref<1024x8xf32, #tpu.memory_space<vmem>>
        %dma_start3A_331 = arith.constant 0 : i32
        %dma_start3A_332 = tpu.memref_slice %arg8[%dma_start3A_324, %dma_start3A_325, %dma_start3A_331] : memref<2x2x1024xi32, #tpu.memory_space<vmem>> -> memref<1x1x1024xi32, #tpu.memory_space<vmem>>
        %dma_start3A_333 = tpu.memref_squeeze %dma_start3A_332 : memref<1x1x1024xi32, #tpu.memory_space<vmem>> -> memref<1024xi32, #tpu.memory_space<vmem>>
        %dma_start3A_334 = arith.constant 0 : i32
        %dma_start3A_335 = arith.constant 0 : i32
        %dma_start3A_336 = tpu.memref_slice %arg4[%dma_start3A_334, %dma_start3A_335] : memref<100352x8xf32, #tpu.memory_space<hbm>> -> memref<100352x8xf32, #tpu.memory_space<hbm>>
        tpu.enqueue_indirect_dma source(%dma_start3A_336 : memref<100352x8xf32, #tpu.memory_space<hbm>>) target(%dma_start3A_330 : memref<1024x8xf32, #tpu.memory_space<vmem>>) offsets(%dma_start3A_333 : memref<1024xi32, #tpu.memory_space<vmem>>) semaphore(%arg11 : memref<!tpu.dma_semaphore, #tpu.memory_space<semaphore_mem>>)
      } else {
      }
      %dma_wait3A_298 = arith.constant 1 : i32
      %dma_wait3A_299 = arith.constant 1 : i32
      %dma_wait3A_300 = arith.constant 1 : i32
      %dma_wait3A_301 = arith.constant 0 : i32
      %dma_wait3A_302 = arith.constant 0 : i32
      %dma_wait3A_303 = tpu.memref_slice %arg10[%dma_wait3A_300, %dma_wait3A_301, %dma_wait3A_302] : memref<2x1024x8xf32, #tpu.memory_space<vmem>> -> memref<1x1024x8xf32, #tpu.memory_space<vmem>>
      %dma_wait3A_304 = tpu.memref_squeeze %dma_wait3A_303 : memref<1x1024x8xf32, #tpu.memory_space<vmem>> -> memref<1024x8xf32, #tpu.memory_space<vmem>>
      %dma_wait3A_305 = arith.constant 0 : i32
      %dma_wait3A_306 = tpu.memref_slice %arg8[%dma_wait3A_298, %dma_wait3A_299, %dma_wait3A_305] : memref<2x2x1024xi32, #tpu.memory_space<vmem>> -> memref<1x1x1024xi32, #tpu.memory_space<vmem>>
      %dma_wait3A_307 = tpu.memref_squeeze %dma_wait3A_306 : memref<1x1x1024xi32, #tpu.memory_space<vmem>> -> memref<1024xi32, #tpu.memory_space<vmem>>
      %dma_wait3A_308 = arith.constant 0 : i32
      %dma_wait3A_309 = arith.constant 0 : i32
      %dma_wait3A_310 = tpu.memref_slice %arg4[%dma_wait3A_308, %dma_wait3A_309] : memref<100352x8xf32, #tpu.memory_space<hbm>> -> memref<100352x8xf32, #tpu.memory_space<hbm>>
      tpu.wait_indirect_dma semaphore(%arg12 : memref<!tpu.dma_semaphore, #tpu.memory_space<semaphore_mem>>) src(%dma_wait3A_310 : memref<100352x8xf32, #tpu.memory_space<hbm>>) dst(%dma_wait3A_304 : memref<1024x8xf32, #tpu.memory_space<vmem>>)
      %dma_start3A_311 = arith.constant 1 : i32
      %dma_start3A_312 = arith.constant 1 : i32
      %dma_start3A_313 = arith.constant 1 : i32
      %dma_start3A_314 = arith.constant 0 : i32
      %dma_start3A_315 = arith.constant 0 : i32
      %dma_start3A_316 = tpu.memref_slice %arg10[%dma_start3A_311, %dma_start3A_314, %dma_start3A_315] : memref<2x1024x8xf32, #tpu.memory_space<vmem>> -> memref<1x1024x8xf32, #tpu.memory_space<vmem>>
      %dma_start3A_317 = tpu.memref_squeeze %dma_start3A_316 : memref<1x1024x8xf32, #tpu.memory_space<vmem>> -> memref<1024x8xf32, #tpu.memory_space<vmem>>
      %dma_start3A_318 = arith.constant 0 : i32
      %dma_start3A_319 = tpu.memref_slice %arg9[%dma_start3A_312, %dma_start3A_313, %dma_start3A_318] : memref<2x2x1024xi32, #tpu.memory_space<vmem>> -> memref<1x1x1024xi32, #tpu.memory_space<vmem>>
      %dma_start3A_320 = tpu.memref_squeeze %dma_start3A_319 : memref<1x1x1024xi32, #tpu.memory_space<vmem>> -> memref<1024xi32, #tpu.memory_space<vmem>>
      %dma_start3A_321 = arith.constant 0 : i32
      %dma_start3A_322 = arith.constant 0 : i32
      %dma_start3A_323 = tpu.memref_slice %arg7[%dma_start3A_321, %dma_start3A_322] : memref<100352x8xf32, #tpu.memory_space<vmem_shared>> -> memref<100352x8xf32, #tpu.memory_space<vmem_shared>>
      tpu.enqueue_indirect_dma source(%dma_start3A_317 : memref<1024x8xf32, #tpu.memory_space<vmem>>) target(%dma_start3A_323 : memref<100352x8xf32, #tpu.memory_space<vmem_shared>>) offsets(%dma_start3A_320 : memref<1024xi32, #tpu.memory_space<vmem>>) semaphore(%arg14 : memref<!tpu.dma_semaphore, #tpu.memory_space<semaphore_mem>>) {add = true}
    }
    %scan3A_80 = arith.constant 13 : i32
    %dma_wait3A_81 = arith.constant 0 : i32
    %dma_wait3A_82 = arith.constant 0 : i32
    %dma_wait3A_83 = arith.constant 0 : i32
    %dma_wait3A_84 = arith.constant 0 : i32
    %dma_wait3A_85 = arith.constant 0 : i32
    %dma_wait3A_86 = tpu.memref_slice %arg10[%dma_wait3A_81, %dma_wait3A_84, %dma_wait3A_85] : memref<2x1024x8xf32, #tpu.memory_space<vmem>> -> memref<1x1024x8xf32, #tpu.memory_space<vmem>>
    %dma_wait3A_87 = tpu.memref_squeeze %dma_wait3A_86 : memref<1x1024x8xf32, #tpu.memory_space<vmem>> -> memref<1024x8xf32, #tpu.memory_space<vmem>>
    %dma_wait3A_88 = arith.constant 0 : i32
    %dma_wait3A_89 = tpu.memref_slice %arg9[%dma_wait3A_82, %dma_wait3A_83, %dma_wait3A_88] : memref<2x2x1024xi32, #tpu.memory_space<vmem>> -> memref<1x1x1024xi32, #tpu.memory_space<vmem>>
    %dma_wait3A_90 = tpu.memref_squeeze %dma_wait3A_89 : memref<1x1x1024xi32, #tpu.memory_space<vmem>> -> memref<1024xi32, #tpu.memory_space<vmem>>
    %dma_wait3A_91 = arith.constant 0 : i32
    %dma_wait3A_92 = arith.constant 0 : i32
    %dma_wait3A_93 = tpu.memref_slice %arg7[%dma_wait3A_91, %dma_wait3A_92] : memref<100352x8xf32, #tpu.memory_space<vmem_shared>> -> memref<100352x8xf32, #tpu.memory_space<vmem_shared>>
    tpu.wait_indirect_dma semaphore(%arg13 : memref<!tpu.dma_semaphore, #tpu.memory_space<semaphore_mem>>) src(%dma_wait3A_87 : memref<1024x8xf32, #tpu.memory_space<vmem>>) dst(%dma_wait3A_93 : memref<100352x8xf32, #tpu.memory_space<vmem_shared>>)
    %dma_wait3A_94 = arith.constant 1 : i32
    %dma_wait3A_95 = arith.constant 0 : i32
    %dma_wait3A_96 = arith.constant 0 : i32
    %dma_wait3A_97 = arith.constant 0 : i32
    %dma_wait3A_98 = arith.constant 0 : i32
    %dma_wait3A_99 = tpu.memref_slice %arg10[%dma_wait3A_94, %dma_wait3A_97, %dma_wait3A_98] : memref<2x1024x8xf32, #tpu.memory_space<vmem>> -> memref<1x1024x8xf32, #tpu.memory_space<vmem>>
    %dma_wait3A_100 = tpu.memref_squeeze %dma_wait3A_99 : memref<1x1024x8xf32, #tpu.memory_space<vmem>> -> memref<1024x8xf32, #tpu.memory_space<vmem>>
    %dma_wait3A_101 = arith.constant 0 : i32
    %dma_wait3A_102 = tpu.memref_slice %arg9[%dma_wait3A_95, %dma_wait3A_96, %dma_wait3A_101] : memref<2x2x1024xi32, #tpu.memory_space<vmem>> -> memref<1x1x1024xi32, #tpu.memory_space<vmem>>
    %dma_wait3A_103 = tpu.memref_squeeze %dma_wait3A_102 : memref<1x1x1024xi32, #tpu.memory_space<vmem>> -> memref<1024xi32, #tpu.memory_space<vmem>>
    %dma_wait3A_104 = arith.constant 0 : i32
    %dma_wait3A_105 = arith.constant 0 : i32
    %dma_wait3A_106 = tpu.memref_slice %arg7[%dma_wait3A_104, %dma_wait3A_105] : memref<100352x8xf32, #tpu.memory_space<vmem_shared>> -> memref<100352x8xf32, #tpu.memory_space<vmem_shared>>
    tpu.wait_indirect_dma semaphore(%arg14 : memref<!tpu.dma_semaphore, #tpu.memory_space<semaphore_mem>>) src(%dma_wait3A_100 : memref<1024x8xf32, #tpu.memory_space<vmem>>) dst(%dma_wait3A_106 : memref<100352x8xf32, #tpu.memory_space<vmem_shared>>)
    %barrier3A_107 = arith.constant 0 : index
    tpu.barrier barrier_id(%barrier3A_107)
    %mul3A_108 = arith.constant 6272 : i32
    %mul3A_109 = arith.muli %arg1, %mul3A_108 : i32
    %mul3A_110 = arith.constant 6272 : i32
    %mul3A_111 = arith.muli %arg1, %mul3A_110 : i32
    "tpu.region"() ({
      %run_scoped3A = tpu.sem_alloc : memref<!tpu.dma_semaphore, #tpu.memory_space<semaphore_mem>>
      %dma_start3A_112 = arith.constant 0 : i32
      %dma_start3A_113 = tpu.memref_slice %arg6[%arg0, %mul3A_111, %dma_start3A_112] : memref<2x100352x8xf32, #tpu.memory_space<hbm>> -> memref<1x6272x8xf32, #tpu.memory_space<hbm>>
      %dma_start3A_114 = tpu.memref_squeeze %dma_start3A_113 : memref<1x6272x8xf32, #tpu.memory_space<hbm>> -> memref<6272x8xf32, #tpu.memory_space<hbm>>
      %dma_start3A_115 = arith.constant 0 : i32
      %dma_start3A_116 = tpu.memref_slice %arg7[%mul3A_109, %dma_start3A_115] : memref<100352x8xf32, #tpu.memory_space<vmem_shared>> -> memref<6272x8xf32, #tpu.memory_space<vmem_shared>>
      tpu.enqueue_dma source(%dma_start3A_116 : memref<6272x8xf32, #tpu.memory_space<vmem_shared>>) target(%dma_start3A_114 : memref<6272x8xf32, #tpu.memory_space<hbm>>) target_semaphore(%run_scoped3A : memref<!tpu.dma_semaphore, #tpu.memory_space<semaphore_mem>>)
      %dma_wait3A_117 = arith.constant 0 : i32
      %dma_wait3A_118 = tpu.memref_slice %arg6[%arg0, %mul3A_111, %dma_wait3A_117] : memref<2x100352x8xf32, #tpu.memory_space<hbm>> -> memref<1x6272x8xf32, #tpu.memory_space<hbm>>
      %dma_wait3A_119 = tpu.memref_squeeze %dma_wait3A_118 : memref<1x6272x8xf32, #tpu.memory_space<hbm>> -> memref<6272x8xf32, #tpu.memory_space<hbm>>
      %dma_wait3A_120 = arith.constant 0 : i32
      %dma_wait3A_121 = tpu.memref_slice %arg7[%mul3A_109, %dma_wait3A_120] : memref<100352x8xf32, #tpu.memory_space<vmem_shared>> -> memref<6272x8xf32, #tpu.memory_space<vmem_shared>>
      tpu.wait_dma2 semaphore(%run_scoped3A : memref<!tpu.dma_semaphore, #tpu.memory_space<semaphore_mem>>) src(%dma_wait3A_121 : memref<6272x8xf32, #tpu.memory_space<vmem_shared>>) dst(%dma_wait3A_119 : memref<6272x8xf32, #tpu.memory_space<hbm>>)
      tpu.yield
    }) : () -> ()
    return
  }
}

module attributes {stable_mosaic.version = 14 : i64} {
  func.func @_matmul0_body(%arg0: i32, %arg1: memref<14336x34xf32, #tpu.memory_space<vmem>>, %arg2: memref<34x8xf32, #tpu.memory_space<vmem>>, %arg3: memref<14336x8xf32, #tpu.memory_space<vmem>>) attributes {dimension_semantics = [#tpu.dimension_semantics<arbitrary>], iteration_bounds = array<i64: 7>, scalar_prefetch = 0 : i64, scratch_operands = 0 : i64, tpu.core_type = #tpu.core_type<tc>, window_params = [{transform_indices = @transform_0, window_bounds = array<i64: 14336, 34>}, {pipeline_mode = #tpu.pipeline_mode<synchronous>, transform_indices = @transform_1, window_bounds = array<i64: 34, 8>}, {transform_indices = @transform_2, window_bounds = array<i64: 14336, 8>}]} {
    %get3A = arith.constant 0 : index
    %get3A_0 = arith.constant 0 : index
    %get3A_1 = vector.load %arg1[%get3A, %get3A_0] : memref<14336x34xf32, #tpu.memory_space<vmem>>, vector<14336x34xf32>
    %get3A_2 = arith.constant 0 : index
    %get3A_3 = arith.constant 0 : index
    %get3A_4 = vector.load %arg2[%get3A_2, %get3A_3] : memref<34x8xf32, #tpu.memory_space<vmem>>, vector<34x8xf32>
    %dot_general3A = arith.constant dense<0.000000e+00> : vector<14336x8xf32>
    %dot_general3A_5 = tpu.matmul %get3A_1, %get3A_4, %dot_general3A {dimension_numbers = #tpu.dot_dimension_numbers<[1], [0], [0], [1], [0, 0, 1, 1], [], []>, transpose_lhs_hint = false} : vector<14336x34xf32>, vector<34x8xf32>, vector<14336x8xf32> -> vector<14336x8xf32>
    %swap3A = arith.constant 0 : index
    %swap3A_6 = arith.constant 0 : index
    %swap3A_7 = vector.load %arg3[%swap3A, %swap3A_6] : memref<14336x8xf32, #tpu.memory_space<vmem>>, vector<14336x8xf32>
    tpu.vector_store %arg3[%swap3A, %swap3A_6], %dot_general3A_5 {strides = array<i32>} : memref<14336x8xf32, #tpu.memory_space<vmem>>, vector<14336x8xf32>,
    return
  }
  func.func @transform_0(%arg0: i32) -> (i32, i32) {
    %c0_i32 = arith.constant 0 : i32
    %c0_i32_0 = arith.constant 0 : i32
    return %arg0, %c0_i32 : i32, i32
  }
  func.func @transform_1(%arg0: i32) -> (i32, i32) {
    %c0_i32 = arith.constant 0 : i32
    %c0_i32_0 = arith.constant 0 : i32
    %c0_i32_1 = arith.constant 0 : i32
    return %c0_i32, %c0_i32_0 : i32, i32
  }
  func.func @transform_2(%arg0: i32) -> (i32, i32) {
    %c0_i32 = arith.constant 0 : i32
    %c0_i32_0 = arith.constant 0 : i32
    return %arg0, %c0_i32 : i32, i32
  }
}

module attributes {stable_mosaic.version = 14 : i64} {
  func.func @_dense0_body(%arg0: i32, %arg1: memref<2x896x128xf32, #tpu.memory_space<vmem>>, %arg2: memref<896x128xf32, #tpu.memory_space<vmem>>, %arg3: memref<1x128xf32, #tpu.memory_space<vmem>>, %arg4: memref<896x128xf32, #tpu.memory_space<vmem>>, %arg5: memref<896x128xf32, #tpu.memory_space<vmem>>, %arg6: memref<896x128xf32, #tpu.memory_space<vmem>>, %arg7: memref<896x128xf32, #tpu.memory_space<vmem>>) attributes {dimension_semantics = [#tpu.dimension_semantics<arbitrary>], iteration_bounds = array<i64: 7>, scalar_prefetch = 0 : i64, scratch_operands = 0 : i64, tpu.core_type = #tpu.core_type<tc>, window_params = [{transform_indices = @transform_0, window_bounds = array<i64: 2, 896, 128>}, {transform_indices = @transform_1, window_bounds = array<i64: 896, 128>}, {pipeline_mode = #tpu.pipeline_mode<synchronous>, transform_indices = @transform_2, window_bounds = array<i64: 1, 128>}, {transform_indices = @transform_3, window_bounds = array<i64: 896, 128>}, {transform_indices = @transform_4, window_bounds = array<i64: 896, 128>}, {transform_indices = @transform_5, window_bounds = array<i64: 896, 128>}, {transform_indices = @transform_6, window_bounds = array<i64: 896, 128>}]} {
    %get3A = arith.constant 0 : index
    %get3A_0 = arith.constant 0 : index
    %get3A_1 = arith.constant 0 : index
    %get3A_2 = vector.load %arg1[%get3A, %get3A_0, %get3A_1] : memref<2x896x128xf32, #tpu.memory_space<vmem>>, vector<1x896x128xf32>
    %get3A_3 = vector.shape_cast %get3A_2 : vector<1x896x128xf32> to vector<896x128xf32>
    %get3A_4 = arith.constant 1 : index
    %get3A_5 = arith.constant 0 : index
    %get3A_6 = arith.constant 0 : index
    %get3A_7 = vector.load %arg1[%get3A_4, %get3A_5, %get3A_6] : memref<2x896x128xf32, #tpu.memory_space<vmem>>, vector<1x896x128xf32>
    %get3A_8 = vector.shape_cast %get3A_7 : vector<1x896x128xf32> to vector<896x128xf32>
    %add3A = arith.addf %get3A_3, %get3A_8 : vector<896x128xf32>
    %add3A_9 = arith.constant 1.000000e+00 : f32
    %add3A_10 = vector.broadcast %add3A_9 : f32 to vector<896x128xf32>
    %add3A_11 = arith.addf %add3A, %add3A_10 : vector<896x128xf32>
    %rsqrt3A = math.rsqrt %add3A_11 : vector<896x128xf32>
    %div3A = arith.constant 1.000000e+00 : f32
    %div3A_12 = vector.broadcast %div3A : f32 to vector<896x128xf32>
    %div3A_13 = arith.divf %div3A_12, %add3A_11 : vector<896x128xf32>
    %get3A_14 = arith.constant 0 : index
    %get3A_15 = arith.constant 0 : index
    %get3A_16 = vector.load %arg2[%get3A_14, %get3A_15] : memref<896x128xf32, #tpu.memory_space<vmem>>, vector<896x128xf32>
    %swap3A = arith.constant 0 : index
    %swap3A_17 = arith.constant 0 : index
    %swap3A_18 = vector.load %arg4[%swap3A, %swap3A_17] : memref<896x128xf32, #tpu.memory_space<vmem>>, vector<896x128xf32>
    tpu.vector_store %arg4[%swap3A, %swap3A_17], %rsqrt3A {strides = array<i32>} : memref<896x128xf32, #tpu.memory_space<vmem>>, vector<896x128xf32>,
    %swap3A_19 = arith.constant 0 : index
    %swap3A_20 = arith.constant 0 : index
    %swap3A_21 = vector.load %arg5[%swap3A_19, %swap3A_20] : memref<896x128xf32, #tpu.memory_space<vmem>>, vector<896x128xf32>
    tpu.vector_store %arg5[%swap3A_19, %swap3A_20], %div3A_13 {strides = array<i32>} : memref<896x128xf32, #tpu.memory_space<vmem>>, vector<896x128xf32>,
    %mul3A = arith.mulf %get3A_16, %rsqrt3A : vector<896x128xf32>
    %swap3A_22 = arith.constant 0 : index
    %swap3A_23 = arith.constant 0 : index
    %swap3A_24 = vector.load %arg6[%swap3A_22, %swap3A_23] : memref<896x128xf32, #tpu.memory_space<vmem>>, vector<896x128xf32>
    tpu.vector_store %arg6[%swap3A_22, %swap3A_23], %mul3A {strides = array<i32>} : memref<896x128xf32, #tpu.memory_space<vmem>>, vector<896x128xf32>,
    %mul3A_25 = arith.mulf %get3A_16, %div3A_13 : vector<896x128xf32>
    %get3A_26 = arith.constant 0 : index
    %get3A_27 = arith.constant 0 : index
    %get3A_28 = vector.load %arg3[%get3A_26, %get3A_27] : memref<1x128xf32, #tpu.memory_space<vmem>>, vector<1x128xf32>
    %add3A_29 = vector.broadcast %get3A_28 : vector<1x128xf32> to vector<896x128xf32>
    %add3A_30 = arith.addf %mul3A_25, %add3A_29 : vector<896x128xf32>
    %swap3A_31 = arith.constant 0 : index
    %swap3A_32 = arith.constant 0 : index
    %swap3A_33 = vector.load %arg7[%swap3A_31, %swap3A_32] : memref<896x128xf32, #tpu.memory_space<vmem>>, vector<896x128xf32>
    tpu.vector_store %arg7[%swap3A_31, %swap3A_32], %add3A_30 {strides = array<i32>} : memref<896x128xf32, #tpu.memory_space<vmem>>, vector<896x128xf32>,
    return
  }
  func.func @transform_0(%arg0: i32) -> (i32, i32, i32) {
    %c0_i32 = arith.constant 0 : i32
    %c0_i32_0 = arith.constant 0 : i32
    %c0_i32_1 = arith.constant 0 : i32
    return %c0_i32, %arg0, %c0_i32_0 : i32, i32, i32
  }
  func.func @transform_1(%arg0: i32) -> (i32, i32) {
    %c0_i32 = arith.constant 0 : i32
    %c0_i32_0 = arith.constant 0 : i32
    return %arg0, %c0_i32 : i32, i32
  }
  func.func @transform_2(%arg0: i32) -> (i32, i32) {
    %c0_i32 = arith.constant 0 : i32
    %c0_i32_0 = arith.constant 0 : i32
    %c0_i32_1 = arith.constant 0 : i32
    return %c0_i32, %c0_i32_0 : i32, i32
  }
  func.func @transform_3(%arg0: i32) -> (i32, i32) {
    %c0_i32 = arith.constant 0 : i32
    %c0_i32_0 = arith.constant 0 : i32
    return %arg0, %c0_i32 : i32, i32
  }
  func.func @transform_4(%arg0: i32) -> (i32, i32) {
    %c0_i32 = arith.constant 0 : i32
    %c0_i32_0 = arith.constant 0 : i32
    return %arg0, %c0_i32 : i32, i32
  }
  func.func @transform_5(%arg0: i32) -> (i32, i32) {
    %c0_i32 = arith.constant 0 : i32
    %c0_i32_0 = arith.constant 0 : i32
    return %arg0, %c0_i32 : i32, i32
  }
  func.func @transform_6(%arg0: i32) -> (i32, i32) {
    %c0_i32 = arith.constant 0 : i32
    %c0_i32_0 = arith.constant 0 : i32
    return %arg0, %c0_i32 : i32, i32
  }
}

module attributes {stable_mosaic.version = 14 : i64} {
  func.func @_dense_mid_body(%arg0: i32, %arg1: memref<2x896x128xf32, #tpu.memory_space<vmem>>, %arg2: memref<896x128xf32, #tpu.memory_space<vmem>>, %arg3: memref<896x128xf32, #tpu.memory_space<vmem>>, %arg4: memref<896x128xf32, #tpu.memory_space<vmem>>, %arg5: memref<128x128xf32, #tpu.memory_space<vmem>>, %arg6: memref<1x128xf32, #tpu.memory_space<vmem>>, %arg7: memref<896x128xf32, #tpu.memory_space<vmem>>, %arg8: memref<896x128xf32, #tpu.memory_space<vmem>>) attributes {dimension_semantics = [#tpu.dimension_semantics<arbitrary>], iteration_bounds = array<i64: 7>, scalar_prefetch = 0 : i64, scratch_operands = 0 : i64, tpu.core_type = #tpu.core_type<tc>, window_params = [{transform_indices = @transform_0, window_bounds = array<i64: 2, 896, 128>}, {transform_indices = @transform_1, window_bounds = array<i64: 896, 128>}, {transform_indices = @transform_2, window_bounds = array<i64: 896, 128>}, {transform_indices = @transform_3, window_bounds = array<i64: 896, 128>}, {pipeline_mode = #tpu.pipeline_mode<synchronous>, transform_indices = @transform_4, window_bounds = array<i64: 128, 128>}, {pipeline_mode = #tpu.pipeline_mode<synchronous>, transform_indices = @transform_5, window_bounds = array<i64: 1, 128>}, {transform_indices = @transform_6, window_bounds = array<i64: 896, 128>}, {transform_indices = @transform_7, window_bounds = array<i64: 896, 128>}]} {
    %get3A = arith.constant 0 : index
    %get3A_0 = arith.constant 0 : index
    %get3A_1 = vector.load %arg2[%get3A, %get3A_0] : memref<896x128xf32, #tpu.memory_space<vmem>>, vector<896x128xf32>
    %get3A_2 = arith.constant 0 : index
    %get3A_3 = arith.constant 0 : index
    %get3A_4 = arith.constant 0 : index
    %get3A_5 = vector.load %arg1[%get3A_2, %get3A_3, %get3A_4] : memref<2x896x128xf32, #tpu.memory_space<vmem>>, vector<1x896x128xf32>
    %get3A_6 = vector.shape_cast %get3A_5 : vector<1x896x128xf32> to vector<896x128xf32>
    %get3A_7 = arith.constant 1 : index
    %get3A_8 = arith.constant 0 : index
    %get3A_9 = arith.constant 0 : index
    %get3A_10 = vector.load %arg1[%get3A_7, %get3A_8, %get3A_9] : memref<2x896x128xf32, #tpu.memory_space<vmem>>, vector<1x896x128xf32>
    %get3A_11 = vector.shape_cast %get3A_10 : vector<1x896x128xf32> to vector<896x128xf32>
    %add3A = arith.addf %get3A_6, %get3A_11 : vector<896x128xf32>
    %mul3A = arith.mulf %get3A_1, %add3A : vector<896x128xf32>
    %get3A_12 = arith.constant 0 : index
    %get3A_13 = arith.constant 0 : index
    %get3A_14 = vector.load %arg4[%get3A_12, %get3A_13] : memref<896x128xf32, #tpu.memory_space<vmem>>, vector<896x128xf32>
    %add3A_15 = arith.addf %mul3A, %get3A_14 : vector<896x128xf32>
    %tanh3A = math.tanh %add3A_15 : vector<896x128xf32>
    %get3A_16 = arith.constant 0 : index
    %get3A_17 = arith.constant 0 : index
    %get3A_18 = vector.load %arg5[%get3A_16, %get3A_17] : memref<128x128xf32, #tpu.memory_space<vmem>>, vector<128x128xf32>
    %dot_general3A = arith.constant dense<0.000000e+00> : vector<896x128xf32>
    %dot_general3A_19 = tpu.matmul %tanh3A, %get3A_18, %dot_general3A {dimension_numbers = #tpu.dot_dimension_numbers<[1], [0], [0], [1], [0, 0, 1, 1], [], []>, transpose_lhs_hint = false} : vector<896x128xf32>, vector<128x128xf32>, vector<896x128xf32> -> vector<896x128xf32>
    %mul3A_20 = arith.mulf %dot_general3A_19, %get3A_1 : vector<896x128xf32>
    %swap3A = arith.constant 0 : index
    %swap3A_21 = arith.constant 0 : index
    %swap3A_22 = vector.load %arg7[%swap3A, %swap3A_21] : memref<896x128xf32, #tpu.memory_space<vmem>>, vector<896x128xf32>
    tpu.vector_store %arg7[%swap3A, %swap3A_21], %mul3A_20 {strides = array<i32>} : memref<896x128xf32, #tpu.memory_space<vmem>>, vector<896x128xf32>,
    %get3A_23 = arith.constant 0 : index
    %get3A_24 = arith.constant 0 : index
    %get3A_25 = vector.load %arg3[%get3A_23, %get3A_24] : memref<896x128xf32, #tpu.memory_space<vmem>>, vector<896x128xf32>
    %mul3A_26 = arith.mulf %dot_general3A_19, %get3A_25 : vector<896x128xf32>
    %get3A_27 = arith.constant 0 : index
    %get3A_28 = arith.constant 0 : index
    %get3A_29 = vector.load %arg6[%get3A_27, %get3A_28] : memref<1x128xf32, #tpu.memory_space<vmem>>, vector<1x128xf32>
    %add3A_30 = vector.broadcast %get3A_29 : vector<1x128xf32> to vector<896x128xf32>
    %add3A_31 = arith.addf %mul3A_26, %add3A_30 : vector<896x128xf32>
    %swap3A_32 = arith.constant 0 : index
    %swap3A_33 = arith.constant 0 : index
    %swap3A_34 = vector.load %arg8[%swap3A_32, %swap3A_33] : memref<896x128xf32, #tpu.memory_space<vmem>>, vector<896x128xf32>
    tpu.vector_store %arg8[%swap3A_32, %swap3A_33], %add3A_31 {strides = array<i32>} : memref<896x128xf32, #tpu.memory_space<vmem>>, vector<896x128xf32>,
    return
  }
  func.func @transform_0(%arg0: i32) -> (i32, i32, i32) {
    %c0_i32 = arith.constant 0 : i32
    %c0_i32_0 = arith.constant 0 : i32
    %c0_i32_1 = arith.constant 0 : i32
    return %c0_i32, %arg0, %c0_i32_0 : i32, i32, i32
  }
  func.func @transform_1(%arg0: i32) -> (i32, i32) {
    %c0_i32 = arith.constant 0 : i32
    %c0_i32_0 = arith.constant 0 : i32
    return %arg0, %c0_i32 : i32, i32
  }
  func.func @transform_2(%arg0: i32) -> (i32, i32) {
    %c0_i32 = arith.constant 0 : i32
    %c0_i32_0 = arith.constant 0 : i32
    return %arg0, %c0_i32 : i32, i32
  }
  func.func @transform_3(%arg0: i32) -> (i32, i32) {
    %c0_i32 = arith.constant 0 : i32
    %c0_i32_0 = arith.constant 0 : i32
    return %arg0, %c0_i32 : i32, i32
  }
  func.func @transform_4(%arg0: i32) -> (i32, i32) {
    %c0_i32 = arith.constant 0 : i32
    %c0_i32_0 = arith.constant 0 : i32
    %c0_i32_1 = arith.constant 0 : i32
    return %c0_i32, %c0_i32_0 : i32, i32
  }
  func.func @transform_5(%arg0: i32) -> (i32, i32) {
    %c0_i32 = arith.constant 0 : i32
    %c0_i32_0 = arith.constant 0 : i32
    %c0_i32_1 = arith.constant 0 : i32
    return %c0_i32, %c0_i32_0 : i32, i32
  }
  func.func @transform_6(%arg0: i32) -> (i32, i32) {
    %c0_i32 = arith.constant 0 : i32
    %c0_i32_0 = arith.constant 0 : i32
    return %arg0, %c0_i32 : i32, i32
  }
  func.func @transform_7(%arg0: i32) -> (i32, i32) {
    %c0_i32 = arith.constant 0 : i32
    %c0_i32_0 = arith.constant 0 : i32
    return %arg0, %c0_i32 : i32, i32
  }
}

module attributes {stable_mosaic.version = 14 : i64} {
  func.func @_dense_out_body(%arg0: i32, %arg1: memref<2x896x128xf32, #tpu.memory_space<vmem>>, %arg2: memref<896x128xf32, #tpu.memory_space<vmem>>, %arg3: memref<896x128xf32, #tpu.memory_space<vmem>>, %arg4: memref<128x128xf32, #tpu.memory_space<vmem>>, %arg5: memref<1x128xf32, #tpu.memory_space<vmem>>, %arg6: memref<896x128xf32, #tpu.memory_space<vmem>>, %arg7: memref<896x128xf32, #tpu.memory_space<vmem>>) attributes {dimension_semantics = [#tpu.dimension_semantics<arbitrary>], iteration_bounds = array<i64: 7>, scalar_prefetch = 0 : i64, scratch_operands = 0 : i64, tpu.core_type = #tpu.core_type<tc>, window_params = [{transform_indices = @transform_0, window_bounds = array<i64: 2, 896, 128>}, {transform_indices = @transform_1, window_bounds = array<i64: 896, 128>}, {transform_indices = @transform_2, window_bounds = array<i64: 896, 128>}, {pipeline_mode = #tpu.pipeline_mode<synchronous>, transform_indices = @transform_3, window_bounds = array<i64: 128, 128>}, {pipeline_mode = #tpu.pipeline_mode<synchronous>, transform_indices = @transform_4, window_bounds = array<i64: 1, 128>}, {transform_indices = @transform_5, window_bounds = array<i64: 896, 128>}, {transform_indices = @transform_6, window_bounds = array<i64: 896, 128>}]} {
    %get3A = arith.constant 0 : index
    %get3A_0 = arith.constant 0 : index
    %get3A_1 = vector.load %arg2[%get3A, %get3A_0] : memref<896x128xf32, #tpu.memory_space<vmem>>, vector<896x128xf32>
    %get3A_2 = arith.constant 0 : index
    %get3A_3 = arith.constant 0 : index
    %get3A_4 = arith.constant 0 : index
    %get3A_5 = vector.load %arg1[%get3A_2, %get3A_3, %get3A_4] : memref<2x896x128xf32, #tpu.memory_space<vmem>>, vector<1x896x128xf32>
    %get3A_6 = vector.shape_cast %get3A_5 : vector<1x896x128xf32> to vector<896x128xf32>
    %get3A_7 = arith.constant 1 : index
    %get3A_8 = arith.constant 0 : index
    %get3A_9 = arith.constant 0 : index
    %get3A_10 = vector.load %arg1[%get3A_7, %get3A_8, %get3A_9] : memref<2x896x128xf32, #tpu.memory_space<vmem>>, vector<1x896x128xf32>
    %get3A_11 = vector.shape_cast %get3A_10 : vector<1x896x128xf32> to vector<896x128xf32>
    %add3A = arith.addf %get3A_6, %get3A_11 : vector<896x128xf32>
    %mul3A = arith.mulf %get3A_1, %add3A : vector<896x128xf32>
    %get3A_12 = arith.constant 0 : index
    %get3A_13 = arith.constant 0 : index
    %get3A_14 = vector.load %arg3[%get3A_12, %get3A_13] : memref<896x128xf32, #tpu.memory_space<vmem>>, vector<896x128xf32>
    %add3A_15 = arith.addf %mul3A, %get3A_14 : vector<896x128xf32>
    %tanh3A = math.tanh %add3A_15 : vector<896x128xf32>
    %swap3A = arith.constant 0 : index
    %swap3A_16 = arith.constant 0 : index
    %swap3A_17 = vector.load %arg7[%swap3A, %swap3A_16] : memref<896x128xf32, #tpu.memory_space<vmem>>, vector<896x128xf32>
    tpu.vector_store %arg7[%swap3A, %swap3A_16], %tanh3A {strides = array<i32>} : memref<896x128xf32, #tpu.memory_space<vmem>>, vector<896x128xf32>,
    %get3A_18 = arith.constant 0 : index
    %get3A_19 = arith.constant 0 : index
    %get3A_20 = vector.load %arg4[%get3A_18, %get3A_19] : memref<128x128xf32, #tpu.memory_space<vmem>>, vector<128x128xf32>
    %dot_general3A = arith.constant dense<0.000000e+00> : vector<896x128xf32>
    %dot_general3A_21 = tpu.matmul %tanh3A, %get3A_20, %dot_general3A {dimension_numbers = #tpu.dot_dimension_numbers<[1], [0], [0], [1], [0, 0, 1, 1], [], []>, transpose_lhs_hint = false} : vector<896x128xf32>, vector<128x128xf32>, vector<896x128xf32> -> vector<896x128xf32>
    %get3A_22 = arith.constant 0 : index
    %get3A_23 = arith.constant 0 : index
    %get3A_24 = vector.load %arg5[%get3A_22, %get3A_23] : memref<1x128xf32, #tpu.memory_space<vmem>>, vector<1x128xf32>
    %add3A_25 = vector.broadcast %get3A_24 : vector<1x128xf32> to vector<896x128xf32>
    %add3A_26 = arith.addf %dot_general3A_21, %add3A_25 : vector<896x128xf32>
    %swap3A_27 = arith.constant 0 : index
    %swap3A_28 = arith.constant 0 : index
    %swap3A_29 = vector.load %arg6[%swap3A_27, %swap3A_28] : memref<896x128xf32, #tpu.memory_space<vmem>>, vector<896x128xf32>
    tpu.vector_store %arg6[%swap3A_27, %swap3A_28], %add3A_26 {strides = array<i32>} : memref<896x128xf32, #tpu.memory_space<vmem>>, vector<896x128xf32>,
    return
  }
  func.func @transform_0(%arg0: i32) -> (i32, i32, i32) {
    %c0_i32 = arith.constant 0 : i32
    %c0_i32_0 = arith.constant 0 : i32
    %c0_i32_1 = arith.constant 0 : i32
    return %c0_i32, %arg0, %c0_i32_0 : i32, i32, i32
  }
  func.func @transform_1(%arg0: i32) -> (i32, i32) {
    %c0_i32 = arith.constant 0 : i32
    %c0_i32_0 = arith.constant 0 : i32
    return %arg0, %c0_i32 : i32, i32
  }
  func.func @transform_2(%arg0: i32) -> (i32, i32) {
    %c0_i32 = arith.constant 0 : i32
    %c0_i32_0 = arith.constant 0 : i32
    return %arg0, %c0_i32 : i32, i32
  }
  func.func @transform_3(%arg0: i32) -> (i32, i32) {
    %c0_i32 = arith.constant 0 : i32
    %c0_i32_0 = arith.constant 0 : i32
    %c0_i32_1 = arith.constant 0 : i32
    return %c0_i32, %c0_i32_0 : i32, i32
  }
  func.func @transform_4(%arg0: i32) -> (i32, i32) {
    %c0_i32 = arith.constant 0 : i32
    %c0_i32_0 = arith.constant 0 : i32
    %c0_i32_1 = arith.constant 0 : i32
    return %c0_i32, %c0_i32_0 : i32, i32
  }
  func.func @transform_5(%arg0: i32) -> (i32, i32) {
    %c0_i32 = arith.constant 0 : i32
    %c0_i32_0 = arith.constant 0 : i32
    return %arg0, %c0_i32 : i32, i32
  }
  func.func @transform_6(%arg0: i32) -> (i32, i32) {
    %c0_i32 = arith.constant 0 : i32
    %c0_i32_0 = arith.constant 0 : i32
    return %arg0, %c0_i32 : i32, i32
  }
}

</mosaic_0001>

<sc_bundles>
// kernel: kernel.11.cloned.1.call-start
scs
__scs_entry_jumppad:
0x0: {  	(pc) =	sbr.rel $0x88, $3  }
0x1: {  	(tag) =	ssettag $0x0;
	lr =	simm.s32 $0x1  }
0x2: {  	[smem:$0x3F97] =	sst lr;
	_ =	strace $0xD0000000  }
0x3: {  	_ = 	snop  }
0x4: {  	_ = 	snop  }
0x5: {  	_ = 	snop  }
0x6: {  	_ = 	snop  }
0x7: {  	_ = 	snop  }
__scs_overlays_trampoline_lowered:
0x8: {  	[smem:$0x3FA6] =	sst s0  }
0x9: {  	[smem:$0x3FA7] =	sst s1  }
0xa: {  	[smem:$0x3FA8] =	sst s2  }
0xb: {  	[smem:$0x3FA9] =	sst s3  }
0xc: {  	[smem:$0x3FAA] =	sst s4  }
0xd: {  	[smem:$0x3FAB] =	sst s5  }
0xe: {  	[smem:$0x3FAC] =	sst s6  }
0xf: {  	[smem:$0x3FAD] =	sst s7  }
0x10: {  	[smem:$0x3FAE] =	sst s8  }
0x11: {  	[smem:$0x3FAF] =	sst s9;
	s0 =	simm.s32 @!p0 $0x0  }
0x12: {  	s1 =	sld [smem:$0x3F95];
	s0 =	simm.s32 @p0 $0x1  }
0x13: {  	[smem:$0x3FB0] =	sst s0;
	s0 =	simm.s32 @!p1 $0x0  }
0x14: {  	s2 =	sld [smem:$0x3F94];
	s0 =	simm.s32 @p1 $0x1  }
0x15: {  	[smem:$0x3FB1] =	sst s0;
	s0 =	simm.s32 @!p2 $0x0  }
0x16: {  	s3 =	sld [smem:$0x3FDB];
	s0 =	simm.s32 @p2 $0x1  }
0x17: {  	s4 =	simm.s32 $0x1BF5;
	[smem:$0x3FB3] =	sst s0  }
0x18: {  	s0 =	sld [smem:$0x3F96];
	_ =	swait.ge [sflag:s4], $0x0  }
0x19: {  	s7 =	sld [smem:$0x3F97]  }
0x1a: {  	s8 =	sadd.s32 $0xFFFFE003, lr  }
0x1b: {  	s9 =	sadd.s32 $0xFFFFFEF7, lr;
	s5 =	simm.s32 $0xFFFFFFFF;
	p2 =	slt.u32 s8, $0xFFFFF086  }
0x1c: {  	p1 =	slt.u32 s9, $0xF7A;
	s5 =	simm.s32 @!p2 $0x0  }
0x1d: {  	s5 =	simm.s32 @p1 $0x1;
	p0 =	seq.s32 s7, s2  }
0x1e: {  	s7 =	smul.u32 @!p0 $0xF7A, s2;
	p2 =	seq.s32 @!p0 s5, $0x0  }
0x1f: {  	s9 =	smul.u32 $0xF7A, s1;
	s8 =	simm.s32 @!p0 $0x1BF5;
	p2 =	por !p2, p0  }
0x20: {  	[sflag:s8] =	ssyncset.s32 @!p0 $0xFFFFF086;
	s6 =	sadd.s32 @!p0 s3, s7;
	s7 =	simm.s32 @!p0 $0x108  }
0x21: {  	s3 =	sadd.s32 s3, s9;
	s6 =	sadd.s32 @!p0 $0x88, s6;
	s7 =	simm.s32 @p2 $0x1082  }
0x22: {  	[simem:s7], [sflag:s8] =	dma.local @!p0 [hbm:s6], $0xF7A  }
0x23: {  	s9 =	sor.u32 $0xD0000000, s2;
	s6 =	simm.s32 $0x108;
	_ =	swait.ge @!p0 [sflag:s8], $0x0  }
0x24: {  	s3 =	sadd.s32 $0x88, s3;
	s6 =	simm.s32 @!p1 $0x1082;
	[sflag:s4] =	ssyncset.s32 $0xFFFFF086  }
0x25: {  	[simem:s6], [sflag:s4] =	dma.local [hbm:s3], $0xF7A  }
0x26: {  	[smem:$0x3F97] =	sst s1;
	(tag) =	ssettag s2;
	_ =	strace s9  }
0x27: {  	s1 =	sld [smem:$0x3FA7]  }
0x28: {  	s2 =	sld [smem:$0x3FA8]  }
0x29: {  	s4 =	sld [smem:$0x3FAA]  }
0x2a: {  	p0 =	seq.s32 s5, $0x0;
	s5 =	sld [smem:$0x3FAB]  }
0x2b: {  	s6 =	sld [smem:$0x3FAC]  }
0x2c: {  	s7 =	sld [smem:$0x3FAD]  }
0x2d: {  	s3 =	simm.s32 $0x108;
	s8 =	sld [smem:$0x3FAE]  }
0x2e: {  	s3 =	simm.s32 @!p0 $0x1082;
	s9 =	sld [smem:$0x3FAF]  }
0x2f: {  	lr =	sadd.s32 s0, s3;
	s0 =	sld [smem:$0x3FA6]  }
0x30: {  	s3 =	sld [smem:$0x3FA9]  }
0x31: {  	[smem:$0x3FB2] =	sst s10  }
0x32: {  	s10 =	sld [smem:$0x3FB0];
	_ =	sdelay $0x3  }
0x33: {  	p0 =	seq.s32 s10, $0x1;
	s10 =	sld [smem:$0x3FB2];
	_ =	sdelay $0x3  }
0x34: {  	[smem:$0x3FB2] =	sst s10  }
0x35: {  	s10 =	sld [smem:$0x3FB1];
	_ =	sdelay $0x3  }
0x36: {  	p1 =	seq.s32 s10, $0x1;
	s10 =	sld [smem:$0x3FB2];
	_ =	sdelay $0x3  }
0x37: {  	[smem:$0x3FB2] =	sst s10  }
0x38: {  	s10 =	sld [smem:$0x3FB3]  }
0x39: {  	_ = 	snop;
	(pc) =	sbr.ind lr, $3  }
0x3a: {  	_ = 	snop  }
0x3b: {  	_ = 	snop  }
0x3c: {  	p2 =	seq.s32 s10, $0x1;
	s10 =	sld [smem:$0x3FB2]  }
0x3d: {  	_ =	shalt  }
0x3e: {  	_ =	shalt  }
0x3f: {  	_ =	shalt  }
0x40: {  	_ =	shalt  }
0x41: {  	_ =	shalt  }
0x42: {  	_ =	shalt  }
0x43: {  	_ =	shalt  }
0x44: {  	_ =	shalt  }
0x45: {  	_ =	shalt  }
0x46: {  	_ =	shalt  }
0x47: {  	_ =	shalt  }
0x48: {  	_ =	shalt  }
0x49: {  	_ =	shalt  }
0x4a: {  	_ =	shalt  }
0x4b: {  	_ =	shalt  }
0x4c: {  	_ =	shalt  }
0x4d: {  	_ =	shalt  }
0x4e: {  	_ =	shalt  }
0x4f: {  	_ =	shalt  }
0x50: {  	_ =	shalt  }
0x51: {  	_ =	shalt  }
0x52: {  	_ =	shalt  }
0x53: {  	_ =	shalt  }
0x54: {  	_ =	shalt  }
0x55: {  	_ =	shalt  }
0x56: {  	_ =	shalt  }
0x57: {  	_ =	shalt  }
0x58: {  	_ =	shalt  }
0x59: {  	_ =	shalt  }
0x5a: {  	_ =	shalt  }
0x5b: {  	_ =	shalt  }
0x5c: {  	_ =	shalt  }
0x5d: {  	_ =	shalt  }
0x5e: {  	_ =	shalt  }
0x5f: {  	_ =	shalt  }
0x60: {  	_ =	shalt  }
0x61: {  	_ =	shalt  }
0x62: {  	_ =	shalt  }
0x63: {  	_ =	shalt  }
0x64: {  	_ =	shalt  }
0x65: {  	_ =	shalt  }
0x66: {  	_ =	shalt  }
0x67: {  	_ =	shalt  }
0x68: {  	_ =	shalt  }
0x69: {  	_ =	shalt  }
0x6a: {  	_ =	shalt  }
0x6b: {  	_ =	shalt  }
0x6c: {  	_ =	shalt  }
0x6d: {  	_ =	shalt  }
0x6e: {  	_ =	shalt  }
0x6f: {  	_ =	shalt  }
0x70: {  	_ =	shalt  }
0x71: {  	_ =	shalt  }
0x72: {  	_ =	shalt  }
0x73: {  	_ =	shalt  }
0x74: {  	_ =	shalt  }
0x75: {  	_ =	shalt  }
0x76: {  	_ =	shalt  }
0x77: {  	_ =	shalt  }
0x78: {  	_ =	shalt  }
0x79: {  	_ =	shalt  }
0x7a: {  	_ =	shalt  }
0x7b: {  	_ =	shalt  }
0x7c: {  	_ =	shalt  }
0x7d: {  	_ =	shalt  }
0x7e: {  	_ =	shalt  }
0x7f: {  	_ =	shalt  }
0x80: {  	_ =	shalt  }
0x81: {  	_ =	shalt  }
0x82: {  	_ =	shalt  }
0x83: {  	_ =	shalt  }
0x84: {  	_ =	shalt  }
0x85: {  	_ =	shalt  }
0x86: {  	_ =	shalt  }
0x87: {  	_ =	shalt  }
.Lfunc_end0:
.L_simem_size_0:
called_computation_lowered:
.L_overlay_start_0:
0x88: {  	s2 =	sld [smem:$0x3FD9]  }
0x89: {  	s3 =	sld [smem:$0x3FFE];
	_ =	sdelay $0x1  }
0x8a: {  	s1 =	srdreg.scid  }
0x8b: {  	s0 =	sand.u32 $0x1, s1  }
0x8c: {  	s14 =	sshll.u32 s0, $0xA;
	s2 =	sadd.s32 s3, s2  }
0x8d: {  	s2 =	sadd.s32 s2, s14  }
0x8e: {  	[smem:$0x3FBE] =	sst s2  }
0x8f: {  	_ = 	snop  }
0x90: {  	s2 =	sld [smem:$0x3FD0];
	_ =	sdelay $0x2  }
0x91: {  	s15 =	simm.s32 $0xA;
	s4 =	simm.s32 $0x10  }
0x92: {  	[smem:s4], [sflag:s15] =	dma.local [hbm:s2], $0x1  }
0x93: {  	_ =	swait.eq [sflag:s15], $0x1  }
0x94: {  	[sflag:s15] =	ssyncset.done $0x0  }
0x95: {  	s16 =	sld [smem:$0x10];
	[sflag:s15] =	ssyncadd.s32 $0xFFFFFFFF  }
0x96: {  	s17 =	sld [smem:$0x11];
	(tm) =	ssettm $0x1  }
0x97: {  	s18 =	sld [smem:$0x3FFB];
	_ =	sdelay $0x3  }
0x98: {  	_ =	strace s18  }
0x99: {  	s4 =	sld [smem:$0x3FFC];
	_ =	sdelay $0x3  }
0x9a: {  	_ =	strace s4  }
0x9b: {  	s4 =	sld [smem:$0x3FFD];
	_ =	sdelay $0x3  }
0x9c: {  	_ =	strace s4  }
0x9d: {  	_ =	strace $0x8FFFFFFF  }
0x9e: {  	s19 =	sld [smem:$0x3FDB];
	_ =	sdelay $0x1  }
0x9f: {  	s5 =	simm.s32 $_scs_section_size  }
0xa0: {  	s6 =	simm.s32 $_size__tile_overlayer_lowered;
	s7 =	simm.s32 $_tile_overlayer_lowered  }
0xa1: {  	s22 =	simm.s32 $0x1BFF;
	s21 =	sshll.u32 s7, $0x1;
	s4 =	sadd.s32 s5, s19  }
0xa2: {  	s8 =	simm.s32 $0x0;
	s20 =	sshll.u32 s6, $0x1;
	s6 =	sadd.s32 s21, s4  }
0xa3: {  	[timem:s8], [sflag:s22] =	dma.local [hbm:s6], s20  }
0xa4: {  	_ =	swait.ge [sflag:s22], s20  }
0xa5: {  	s5 =	ssub.s32 $0x0, s20;
	[sflag:s22] =	ssyncset.done $0x0  }
0xa6: {  	[sflag:s22] =	ssyncadd.s32 s5;
	_ =	sdelay $0x1  }
0xa7: {  	s23 =	simm.s32 $0x1B8B  }
0xa8: {  	_ =	swait.ge [sflag:s23], $0x1  }
0xa9: {  	[sflag:s23] =	ssyncset.done $0x0  }
0xaa: {  	s25 =	simm.s32 $0x1B8E;
	s24 =	sld [smem:$0x3FFE];
	[sflag:s23] =	ssyncadd.s32 $0xFFFFFFFF  }
0xab: {  	s26 =	simm.s32 $execute0_lowered;
	[smem:$0x3FD2] =	sst s25  }
0xac: {  	s6 =	sshll.u32 s26, $0x1;
	_ =	strace $0x80000046;
	[dreg:$0x1] =	wrdreg $0xFFFFFFFF  }
0xad: {  	s28 =	simm.s32 $_size_execute0_lowered;
	s4 =	sadd.s32 s4, s6;
	[dreg:$0x0] =	wrdreg $0x0  }
0xae: {  	s6 =	sshll.u32 s28, $0x1;
	[dreg:$0x2] =	wrdreg s4  }
0xaf: {  	[dreg:$0x3] =	wrdreg s6  }
0xb0: {  	[dreg:$0x4] =	wrdreg $0xC0  }
0xb1: {  	_ =	task [dreg:s8], $0x5FFFF  }
0xb2: {  	[dreg:$0x1] =	wrdreg $0xFFFFFFFF  }
0xb3: {  	[dreg:$0x0] =	wrdreg $0x60  }
0xb4: {  	[dreg:$0x2] =	wrdreg s24  }
0xb5: {  	[dreg:$0x3] =	wrdreg s16  }
0xb6: {  	[dreg:$0x4] =	wrdreg s17  }
0xb7: {  	[dreg:$0x5] =	wrdreg $0x0  }
0xb8: {  	[dreg:$0x6] =	wrdreg $0x9  }
0xb9: {  	_ =	task.clear_ibuf [dreg:s8], $0x7FFFF;
	_ =	strace $0x90000046  }
0xba: {  	s29 =	simm.s32 $0x9;
	_ =	strace $0x80000048  }
0xbb: {  	_ =	swait.ge [sflag:s29], $0x1  }
0xbc: {  	[sflag:s29] =	ssyncadd.s32 $0xFFFFFFFF  }
0xbd: {  	_ =	strace $0x90000048  }
0xbe: {  	_ =	sfence  }
0xbf: {  	s30 =	sld [smem:$0x0];
	_ =	sdelay $0x2  }
0xc0: {  	s31 =	sshll.u32 s1, $0xD;
	s1 =	sshrl.u32 s1, $0x2  }
0xc1: {  	s3 =	sand.u32 $0x4000, s31;
	s1 =	sadd.s32 s1, s30  }
0xc2: {  	s0 =	sor.u32 s3, s0;
	s1 =	sshll.u32 s1, $0x11  }
0xc3: {  	s0 =	sor.u32 s1, s0  }
0xc4: {  	s0 =	sadd.s32 $0x8F2B, s0  }
0xc5: {  	[sflag:s0] =	ssyncadd.remote.s32 $0x1  }
0xc6: {  	_ =	sfence.sel $0xFFFF  }
0xc7: {  	[dreg:$0x0] =	wrdreg $0xFFFFFFFF;
	(pc) =	sbr.abs _section_cstart, $3  }
0xc8: {  	[dreg:$0x1] =	wrdreg $0xFFFFFFFF  }
0xc9: {  	_ =	task.clear_ibuf [dreg:s8], $0x2FFFF;
	_ =	strace $0x9FFFFFFF  }
0xca: {  	(tm) =	ssettm $0x7FFFFFFF  }
0xcb: {  	_ =	shalt  }
tec
execute0_lowered:
.L_overlay_start_1:
0x0: {  	(tag) =	ssettag $0x1  }
0x1: {  	s6 =	rddreg [dreg:$0x0]  }
0x2: {  	s1 =	rddreg [dreg:$0x1]  }
0x3: {  	s3 =	rddreg [dreg:$0x2]  }
0x4: {  	s4 =	rddreg [dreg:$0x3]  }
0x5: {  	s0 =	rddreg [dreg:$0x4]  }
0x6: {  	s7 =	srdreg.scid;
	s2 =	stileid.u32;
	s5 =	simm.s32 $0x0  }
0x7: {  	s17 =	simm.s32 $0xC400;
	s18 =	simm.s32 $0x3;
	s19 =	simm.s32 $0x400  }
0x8: {  	s20 =	simm.s32 $0xC800;
	s21 =	simm.s32 $0xCC00;
	s22 =	simm.s32 $0x4  }
0x9: {  	s23 =	simm.s32 $0x1;
	s7 =	sand.u32 $0x1, s7;
	s8 =	smul.u32 $0xC400, s2  }
0xa: {  	[smem:$0x7FF] =	sst s5;
	s12 =	sadd.s32 $0x3E00, s6;
	s15 =	smul.u32 $0xD000, s2  }
0xb: {  	s31 =	sshll.u32 s2, $0x6;
	s9 =	smul.u32 $0xC4000, s7;
	s10 =	sshll.u32 s7, $0x4  }
0xc: {  	s11 =	ssub.s32 $0x2, s7;
	s24 =	smul.u32 $0xD0000, s7;
	s10 =	sor.u32 s2, s10  }
0xd: {  	_ =	strace $0x80000047;
	s14 =	sshrl.u32 s11, $0x1;
	s13 =	smul.u32 $0x1A00, s10  }
0xe: {  	s16 =	sadd.s32 s8, s4;
	s9 =	sadd.s32 s8, s9;
	s10 =	smul.u32 $0xD000, s10  }
0xf: {  	s11 =	ssub.s32 s11, s14;
	s28 =	sadd.s32 s15, s24;
	s14 =	simm.s32 $0x5  }
0x10: {  	s15 =	sor.u32 $0x1C05, s31;
	s16 =	sshrl.u32 s16, $0x3;
	s24 =	simm.s32 $0x2  }
0x11: {  	s9 =	sshrl.u32 s9, $0x3;
	s8 =	smax.u32 s11, $0x1;
	s29 =	sadd.s32 $0x2000, s28  }
0x12: {  	s11 =	sadd.s32 $0x1800, s28;
	s9 =	sadd.s32 s9, s6;
	s25 =	sor.u32 $0x800, s10  }
.Ltmp0:
0x13: {  	s6 =	sadd.s32 s12, s13;
	s10 =	sshrl.u32 s10, $0x3;
	(pc) =	sbr.rel .LBB2_1-.Ltmp0, $4  }
0x14: {  	s13 =	sshrl.u32 s29, $0x3;
	s30 =	sshrl.u32 s11, $0x3;
	s7 =	sadd.s32 $0x6BE00, s9  }
0x15: {  	s26 =	sshrl.u32 s25, $0x3;
	s10 =	sadd.s32 s12, s10;
	s11 =	sadd.s32 s13, s12  }
0x16: {  	s13 =	simm.s32 $0xD400;
	s25 =	simm.s32 $0xD000;
	s9 =	sadd.s32 s12, s26  }
0x17: {  	s10 =	sadd.s32 $0x200, s10;
	s12 =	sadd.s32 s30, s12;
	s26 =	simm.s32 $0x0  }
.LBB2_4:
0x18: {  	_ =	swait.ge [sflag:s23], $0x2000  }
0x19: {  	[sflag:s23] =	ssyncset.done $0x0  }
0x1a: {  	[sflag:s23] =	ssyncadd.s32 $0xFFFFE000  }
0x1b: {  	_ =	swait.ge [sflag:s24], $0x2000  }
0x1c: {  	s26 =	sadd.s32 $0x1, s26;
	[sflag:s24] =	ssyncset.done $0x0  }
0x1d: {  	p0 =	sne.s32 s26, s8;
	[sflag:s24] =	ssyncadd.s32 $0xFFFFE000  }
.Ltmp1:
0x1e: {  	[bflag:$0x0] =	sbarrier.arrive $0xFFFF;
	(pc) =	sbr.rel @!p0 .LBB2_5-.Ltmp1, $4  }
0x1f: {  	[hbm:s7], [sflag:s15] =	dma.local [spmem:s16], $0x1880  }
0x20: {  	_ =	swait.ge [sflag:s14], $0x1880  }
0x21: {  	[sflag:s14] =	ssyncset.done $0x0  }
0x22: {  	[sflag:s14] =	ssyncadd.s32 $0xFFFFE780  }
.LBB2_1:
0x23: {  	[tilespmem:s13], [sflag:$0x5] =	stream.linear.gather [hbm4b:s1+s5], $0x2000, $0x38;
	[tilespmem:$0xF400] =	vst v63  }
0x24: {  	_ =	swait.ge [sflag:s14], $0x2000  }
0x25: {  	[sflag:s14] =	ssyncset.done $0x0  }
0x26: {  	[sflag:s14] =	ssyncadd.s32 $0xFFFFE000  }
0x27: {  	[spmem:s16], [sflag:s15] =	dma.local [hbm:s3], $0x1880  }
0x28: {  	_ =	swait.ge [sflag:s14], $0x1880  }
0x29: {  	[sflag:s14] =	ssyncset.done $0x0  }
0x2a: {  	[sflag:s14] =	ssyncadd.s32 $0xFFFFE780  }
0x2b: {  	[tilespmem:s17], [sflag:$0x3] =	stream.linear.gather [hbm4b:s6+s5], $0x800, $0x38;
	[tilespmem:$0xF400] =	vst v63  }
0x2c: {  	_ =	swait.ge [sflag:s18], $0x800  }
0x2d: {  	[sflag:s18] =	ssyncset.done $0x0  }
0x2e: {  	[sflag:s18] =	ssyncadd.s32 $0xFFFFF800  }
0x2f: {  	[bflag:$0x0] =	sbarrier.arrive $0xFFFF  }
0x30: {  	[spmem:s4] =	stream.indirect.scatter.add.f32 [tilespmem:s13], [sflag:$0x1], $0x8, s17, s19, $0xb8;
	[tilespmem:$0xF400] =	vst v63  }
0x31: {  	_ = 	snop  }
0x32: {  	[spmem:s4] =	stream.indirect.scatter.add.f32 [tilespmem:s13], [sflag:$0x2], $0x8, s20, s19, $0xb8;
	[tilespmem:$0xF400] =	vst v63  }
0x33: {  	_ = 	snop  }
0x34: {  	[tilespmem:s21], [sflag:$0x4] =	stream.linear.gather [hbm4b:s9+s5], $0x800, $0x38;
	[tilespmem:$0xF400] =	vst v63  }
0x35: {  	_ =	swait.ge [sflag:s22], $0x800  }
0x36: {  	[sflag:s22] =	ssyncset.done $0x0  }
0x37: {  	[sflag:s22] =	ssyncadd.s32 $0xFFFFF800  }
0x38: {  	_ =	swait.ge [sflag:s23], $0x2000  }
0x39: {  	[sflag:s23] =	ssyncset.done $0x0  }
0x3a: {  	[sflag:s23] =	ssyncadd.s32 $0xFFFFE000  }
0x3b: {  	[spmem:s4] =	stream.indirect.scatter.add.f32 [tilespmem:s13], [sflag:$0x1], $0x8, s21, s19, $0xb8;
	[tilespmem:$0xF400] =	vst v63  }
0x3c: {  	_ =	swait.ge [sflag:s24], $0x2000  }
0x3d: {  	[sflag:s24] =	ssyncset.done $0x0  }
0x3e: {  	[sflag:s24] =	ssyncadd.s32 $0xFFFFE000  }
0x3f: {  	[spmem:s4] =	stream.indirect.scatter.add.f32 [tilespmem:s13], [sflag:$0x2], $0x8, s25, s19, $0xb8;
	[tilespmem:$0xF400] =	vst v63  }
0x40: {  	_ = 	snop  }
0x41: {  	[tilespmem:s17], [sflag:$0x3] =	stream.linear.gather [hbm4b:s10+s5], $0x800, $0x38;
	[tilespmem:$0xF400] =	vst v63  }
0x42: {  	_ =	swait.ge [sflag:s18], $0x800  }
0x43: {  	[sflag:s18] =	ssyncset.done $0x0  }
0x44: {  	s28 =	simm.s32 $0x0;
	[sflag:s18] =	ssyncadd.s32 $0xFFFFF800  }
.LBB2_2:
0x45: {  	_ =	swait.ge [sflag:s23], $0x2000  }
0x46: {  	[sflag:s23] =	ssyncset.done $0x0  }
0x47: {  	[sflag:s23] =	ssyncadd.s32 $0xFFFFE000  }
0x48: {  	[spmem:s4] =	stream.indirect.scatter.add.f32 [tilespmem:s13], [sflag:$0x1], $0x8, s17, s19, $0xb8;
	[tilespmem:$0xF400] =	vst v63  }
0x49: {  	_ =	swait.ge [sflag:s24], $0x2000  }
0x4a: {  	[sflag:s24] =	ssyncset.done $0x0  }
0x4b: {  	[sflag:s24] =	ssyncadd.s32 $0xFFFFE000  }
0x4c: {  	[spmem:s4] =	stream.indirect.scatter.add.f32 [tilespmem:s13], [sflag:$0x2], $0x8, s20, s19, $0xb8;
	[tilespmem:$0xF400] =	vst v63  }
0x4d: {  	s29 =	sadd.s32 s28, s12  }
0x4e: {  	[tilespmem:s21], [sflag:$0x4] =	stream.linear.gather [hbm4b:s29+s5], $0x800, $0x38;
	[tilespmem:$0xF400] =	vst v63  }
0x4f: {  	_ =	swait.ge [sflag:s22], $0x800  }
0x50: {  	[sflag:s22] =	ssyncset.done $0x0  }
0x51: {  	[sflag:s22] =	ssyncadd.s32 $0xFFFFF800  }
0x52: {  	_ =	swait.ge [sflag:s23], $0x2000  }
0x53: {  	[sflag:s23] =	ssyncset.done $0x0  }
0x54: {  	p0 =	seq.s32 s28, $0x1600;
	[sflag:s23] =	ssyncadd.s32 $0xFFFFE000  }
0x55: {  	[spmem:s4] =	stream.indirect.scatter.add.f32 [tilespmem:s13], [sflag:$0x1], $0x8, s21, s19, $0xb8;
	[tilespmem:$0xF400] =	vst v63  }
.Ltmp2:
0x56: {  	_ = 	snop;
	(pc) =	sbr.rel @p0 .LBB2_4-.Ltmp2, $4  }
0x57: {  	_ =	swait.ge [sflag:s24], $0x2000  }
0x58: {  	[sflag:s24] =	ssyncset.done $0x0  }
0x59: {  	[sflag:s24] =	ssyncadd.s32 $0xFFFFE000  }
0x5a: {  	[spmem:s4] =	stream.indirect.scatter.add.f32 [tilespmem:s13], [sflag:$0x2], $0x8, s25, s19, $0xb8;
	[tilespmem:$0xF400] =	vst v63  }
.Ltmp3:
0x5b: {  	s29 =	sadd.s32 s28, s11;
	(pc) =	sbr.rel .LBB2_2-.Ltmp3, $4  }
0x5c: {  	[tilespmem:s17], [sflag:$0x3] =	stream.linear.gather [hbm4b:s29+s5], $0x800, $0x38;
	[tilespmem:$0xF400] =	vst v63  }
0x5d: {  	_ =	swait.ge [sflag:s18], $0x800  }
0x5e: {  	[sflag:s18] =	ssyncset.done $0x0  }
0x5f: {  	s28 =	sadd.s32 $0x200, s28;
	[sflag:s18] =	ssyncadd.s32 $0xFFFFF800  }
.LBB2_5:
0x60: {  	_ =	sfence.sel $0x180000  }
0x61: {  	[bflag:$0x0] =	sbarrier.arrive $0xFFFF  }
0x62: {  	p0 =	sne.s32 s2, $0x0;
	_ =	strace $0x90000047  }
0x63: {  	s0 =	sadd.s32 @!p0 $0x100000, s0;
	[bflag:$0x2] =	sbarrier.arrive $0xFFFF  }
0x64: {  	[sflag:s0] =	ssyncadd.tile.s32 @!p0 $0x1;
	_ =	shalt  }
.Lfunc_end2:
_tile_overlayer_lowered:
.L_overlay_start_2:
0x65: {  	(tag) =	ssettag $0x2  }
0x66: {  	s0 =	rddreg [dreg:$0x0];
	s2 =	stileid.u32  }
0x67: {  	s1 =	rddreg [dreg:$0x1];
	p0 =	sne.s32 s2, $0x0  }
0x68: {  	s3 =	rddreg [dreg:$0x2];
	[bflag:$0x3] =	sbarrier.arrive $0xFFFF;
	s2 =	simm.s32 @!p0 $0x1C05  }
0x69: {  	[timem:s3], [sflag:s2] =	dma.local @!p0 [hbm:s0], s1  }
0x6a: {  	s0 =	simm.s32 @!p0 $0x5  }
0x6b: {  	_ =	swait.ge @!p0 [sflag:s0], s1  }
0x6c: {  	s1 =	ssub.s32 @!p0 $0x0, s1;
	[sflag:s0] =	ssyncset.done @!p0 $0x0  }
0x6d: {  	[sflag:s0] =	ssyncadd.s32 @!p0 s1  }
0x6e: {  	[bflag:$0x3] =	sbarrier.arrive $0xFFFF  }
0x6f: {  	_ =	shalt  }

// kernel: kernel.14.cloned.1.call-start
scs
__scs_entry_jumppad:
0x0: {  	(pc) =	sbr.rel $0x88, $3  }
0x1: {  	(tag) =	ssettag $0x0;
	lr =	simm.s32 $0x1  }
0x2: {  	[smem:$0x3F97] =	sst lr;
	_ =	strace $0xD0000000  }
0x3: {  	_ = 	snop  }
0x4: {  	_ = 	snop  }
0x5: {  	_ = 	snop  }
0x6: {  	_ = 	snop  }
0x7: {  	_ = 	snop  }
__scs_overlays_trampoline_lowered:
0x8: {  	[smem:$0x3FA6] =	sst s0  }
0x9: {  	[smem:$0x3FA7] =	sst s1  }
0xa: {  	[smem:$0x3FA8] =	sst s2  }
0xb: {  	[smem:$0x3FA9] =	sst s3  }
0xc: {  	[smem:$0x3FAA] =	sst s4  }
0xd: {  	[smem:$0x3FAB] =	sst s5  }
0xe: {  	[smem:$0x3FAC] =	sst s6  }
0xf: {  	[smem:$0x3FAD] =	sst s7  }
0x10: {  	[smem:$0x3FAE] =	sst s8  }
0x11: {  	[smem:$0x3FAF] =	sst s9;
	s0 =	simm.s32 @!p0 $0x0  }
0x12: {  	s1 =	sld [smem:$0x3F95];
	s0 =	simm.s32 @p0 $0x1  }
0x13: {  	[smem:$0x3FB0] =	sst s0;
	s0 =	simm.s32 @!p1 $0x0  }
0x14: {  	s2 =	sld [smem:$0x3F94];
	s0 =	simm.s32 @p1 $0x1  }
0x15: {  	[smem:$0x3FB1] =	sst s0;
	s0 =	simm.s32 @!p2 $0x0  }
0x16: {  	s3 =	sld [smem:$0x3FDB];
	s0 =	simm.s32 @p2 $0x1  }
0x17: {  	s4 =	simm.s32 $0x1BF5;
	[smem:$0x3FB3] =	sst s0  }
0x18: {  	s0 =	sld [smem:$0x3F96];
	_ =	swait.ge [sflag:s4], $0x0  }
0x19: {  	s7 =	sld [smem:$0x3F97]  }
0x1a: {  	s8 =	sadd.s32 $0xFFFFE003, lr  }
0x1b: {  	s9 =	sadd.s32 $0xFFFFFEF7, lr;
	s5 =	simm.s32 $0xFFFFFFFF;
	p2 =	slt.u32 s8, $0xFFFFF086  }
0x1c: {  	p1 =	slt.u32 s9, $0xF7A;
	s5 =	simm.s32 @!p2 $0x0  }
0x1d: {  	s5 =	simm.s32 @p1 $0x1;
	p0 =	seq.s32 s7, s2  }
0x1e: {  	s7 =	smul.u32 @!p0 $0xF7A, s2;
	p2 =	seq.s32 @!p0 s5, $0x0  }
0x1f: {  	s9 =	smul.u32 $0xF7A, s1;
	s8 =	simm.s32 @!p0 $0x1BF5;
	p2 =	por !p2, p0  }
0x20: {  	[sflag:s8] =	ssyncset.s32 @!p0 $0xFFFFF086;
	s6 =	sadd.s32 @!p0 s3, s7;
	s7 =	simm.s32 @!p0 $0x108  }
0x21: {  	s3 =	sadd.s32 s3, s9;
	s6 =	sadd.s32 @!p0 $0x88, s6;
	s7 =	simm.s32 @p2 $0x1082  }
0x22: {  	[simem:s7], [sflag:s8] =	dma.local @!p0 [hbm:s6], $0xF7A  }
0x23: {  	s9 =	sor.u32 $0xD0000000, s2;
	s6 =	simm.s32 $0x108;
	_ =	swait.ge @!p0 [sflag:s8], $0x0  }
0x24: {  	s3 =	sadd.s32 $0x88, s3;
	s6 =	simm.s32 @!p1 $0x1082;
	[sflag:s4] =	ssyncset.s32 $0xFFFFF086  }
0x25: {  	[simem:s6], [sflag:s4] =	dma.local [hbm:s3], $0xF7A  }
0x26: {  	[smem:$0x3F97] =	sst s1;
	(tag) =	ssettag s2;
	_ =	strace s9  }
0x27: {  	s1 =	sld [smem:$0x3FA7]  }
0x28: {  	s2 =	sld [smem:$0x3FA8]  }
0x29: {  	s4 =	sld [smem:$0x3FAA]  }
0x2a: {  	p0 =	seq.s32 s5, $0x0;
	s5 =	sld [smem:$0x3FAB]  }
0x2b: {  	s6 =	sld [smem:$0x3FAC]  }
0x2c: {  	s7 =	sld [smem:$0x3FAD]  }
0x2d: {  	s3 =	simm.s32 $0x108;
	s8 =	sld [smem:$0x3FAE]  }
0x2e: {  	s3 =	simm.s32 @!p0 $0x1082;
	s9 =	sld [smem:$0x3FAF]  }
0x2f: {  	lr =	sadd.s32 s0, s3;
	s0 =	sld [smem:$0x3FA6]  }
0x30: {  	s3 =	sld [smem:$0x3FA9]  }
0x31: {  	[smem:$0x3FB2] =	sst s10  }
0x32: {  	s10 =	sld [smem:$0x3FB0];
	_ =	sdelay $0x3  }
0x33: {  	p0 =	seq.s32 s10, $0x1;
	s10 =	sld [smem:$0x3FB2];
	_ =	sdelay $0x3  }
0x34: {  	[smem:$0x3FB2] =	sst s10  }
0x35: {  	s10 =	sld [smem:$0x3FB1];
	_ =	sdelay $0x3  }
0x36: {  	p1 =	seq.s32 s10, $0x1;
	s10 =	sld [smem:$0x3FB2];
	_ =	sdelay $0x3  }
0x37: {  	[smem:$0x3FB2] =	sst s10  }
0x38: {  	s10 =	sld [smem:$0x3FB3]  }
0x39: {  	_ = 	snop;
	(pc) =	sbr.ind lr, $3  }
0x3a: {  	_ = 	snop  }
0x3b: {  	_ = 	snop  }
0x3c: {  	p2 =	seq.s32 s10, $0x1;
	s10 =	sld [smem:$0x3FB2]  }
0x3d: {  	_ =	shalt  }
0x3e: {  	_ =	shalt  }
0x3f: {  	_ =	shalt  }
0x40: {  	_ =	shalt  }
0x41: {  	_ =	shalt  }
0x42: {  	_ =	shalt  }
0x43: {  	_ =	shalt  }
0x44: {  	_ =	shalt  }
0x45: {  	_ =	shalt  }
0x46: {  	_ =	shalt  }
0x47: {  	_ =	shalt  }
0x48: {  	_ =	shalt  }
0x49: {  	_ =	shalt  }
0x4a: {  	_ =	shalt  }
0x4b: {  	_ =	shalt  }
0x4c: {  	_ =	shalt  }
0x4d: {  	_ =	shalt  }
0x4e: {  	_ =	shalt  }
0x4f: {  	_ =	shalt  }
0x50: {  	_ =	shalt  }
0x51: {  	_ =	shalt  }
0x52: {  	_ =	shalt  }
0x53: {  	_ =	shalt  }
0x54: {  	_ =	shalt  }
0x55: {  	_ =	shalt  }
0x56: {  	_ =	shalt  }
0x57: {  	_ =	shalt  }
0x58: {  	_ =	shalt  }
0x59: {  	_ =	shalt  }
0x5a: {  	_ =	shalt  }
0x5b: {  	_ =	shalt  }
0x5c: {  	_ =	shalt  }
0x5d: {  	_ =	shalt  }
0x5e: {  	_ =	shalt  }
0x5f: {  	_ =	shalt  }
0x60: {  	_ =	shalt  }
0x61: {  	_ =	shalt  }
0x62: {  	_ =	shalt  }
0x63: {  	_ =	shalt  }
0x64: {  	_ =	shalt  }
0x65: {  	_ =	shalt  }
0x66: {  	_ =	shalt  }
0x67: {  	_ =	shalt  }
0x68: {  	_ =	shalt  }
0x69: {  	_ =	shalt  }
0x6a: {  	_ =	shalt  }
0x6b: {  	_ =	shalt  }
0x6c: {  	_ =	shalt  }
0x6d: {  	_ =	shalt  }
0x6e: {  	_ =	shalt  }
0x6f: {  	_ =	shalt  }
0x70: {  	_ =	shalt  }
0x71: {  	_ =	shalt  }
0x72: {  	_ =	shalt  }
0x73: {  	_ =	shalt  }
0x74: {  	_ =	shalt  }
0x75: {  	_ =	shalt  }
0x76: {  	_ =	shalt  }
0x77: {  	_ =	shalt  }
0x78: {  	_ =	shalt  }
0x79: {  	_ =	shalt  }
0x7a: {  	_ =	shalt  }
0x7b: {  	_ =	shalt  }
0x7c: {  	_ =	shalt  }
0x7d: {  	_ =	shalt  }
0x7e: {  	_ =	shalt  }
0x7f: {  	_ =	shalt  }
0x80: {  	_ =	shalt  }
0x81: {  	_ =	shalt  }
0x82: {  	_ =	shalt  }
0x83: {  	_ =	shalt  }
0x84: {  	_ =	shalt  }
0x85: {  	_ =	shalt  }
0x86: {  	_ =	shalt  }
0x87: {  	_ =	shalt  }
.Lfunc_end0:
.L_simem_size_0:
called_computation.1_lowered:
.L_overlay_start_0:
0x88: {  	s2 =	sld [smem:$0x3FD9]  }
0x89: {  	s3 =	sld [smem:$0x3FFE];
	_ =	sdelay $0x1  }
0x8a: {  	s1 =	srdreg.scid  }
0x8b: {  	s0 =	sand.u32 $0x1, s1  }
0x8c: {  	s14 =	sshll.u32 s0, $0xA;
	s2 =	sadd.s32 s3, s2  }
0x8d: {  	s2 =	sadd.s32 s2, s14  }
0x8e: {  	[smem:$0x3FBE] =	sst s2  }
0x8f: {  	_ = 	snop  }
0x90: {  	s2 =	sld [smem:$0x3FD0];
	_ =	sdelay $0x2  }
0x91: {  	s15 =	simm.s32 $0xA;
	s4 =	simm.s32 $0x10  }
0x92: {  	[smem:s4], [sflag:s15] =	dma.local [hbm:s2], $0x1  }
0x93: {  	_ =	swait.eq [sflag:s15], $0x1  }
0x94: {  	[sflag:s15] =	ssyncset.done $0x0  }
0x95: {  	[sflag:s15] =	ssyncadd.s32 $0xFFFFFFFF  }
0x96: {  	s16 =	sld [smem:$0x11];
	(tm) =	ssettm $0x1  }
0x97: {  	s17 =	sld [smem:$0x3FFB];
	_ =	sdelay $0x3  }
0x98: {  	_ =	strace s17  }
0x99: {  	s3 =	sld [smem:$0x3FFC];
	_ =	sdelay $0x3  }
0x9a: {  	_ =	strace s3  }
0x9b: {  	s3 =	sld [smem:$0x3FFD];
	_ =	sdelay $0x3  }
0x9c: {  	_ =	strace s3  }
0x9d: {  	_ =	strace $0x8FFFFFFF  }
0x9e: {  	s18 =	sld [smem:$0x3FDB];
	_ =	sdelay $0x1  }
0x9f: {  	s19 =	simm.s32 $_scs_section_size  }
0xa0: {  	s5 =	simm.s32 $_size__tile_overlayer_lowered;
	s6 =	simm.s32 $_tile_overlayer_lowered  }
0xa1: {  	s22 =	simm.s32 $0x1BFF;
	s21 =	sshll.u32 s6, $0x1;
	s3 =	sadd.s32 s19, s18  }
0xa2: {  	s7 =	simm.s32 $0x0;
	s20 =	sshll.u32 s5, $0x1;
	s5 =	sadd.s32 s21, s3  }
0xa3: {  	[timem:s7], [sflag:s22] =	dma.local [hbm:s5], s20  }
0xa4: {  	_ =	swait.ge [sflag:s22], s20  }
0xa5: {  	s4 =	ssub.s32 $0x0, s20;
	[sflag:s22] =	ssyncset.done $0x0  }
0xa6: {  	[sflag:s22] =	ssyncadd.s32 s4;
	_ =	sdelay $0x1  }
0xa7: {  	s23 =	simm.s32 $0x1B8B  }
0xa8: {  	_ =	swait.ge [sflag:s23], $0x1  }
0xa9: {  	[sflag:s23] =	ssyncset.done $0x0  }
0xaa: {  	s25 =	simm.s32 $0x1B8E;
	s24 =	sld [smem:$0x3FFE];
	[sflag:s23] =	ssyncadd.s32 $0xFFFFFFFF  }
0xab: {  	s26 =	simm.s32 $execute0_lowered;
	[smem:$0x3FD2] =	sst s25  }
0xac: {  	s5 =	sshll.u32 s26, $0x1;
	_ =	strace $0x80000049;
	[dreg:$0x1] =	wrdreg $0xFFFFFFFF  }
0xad: {  	s28 =	simm.s32 $_size_execute0_lowered;
	s3 =	sadd.s32 s3, s5;
	[dreg:$0x0] =	wrdreg $0x0  }
0xae: {  	s5 =	sshll.u32 s28, $0x1;
	[dreg:$0x2] =	wrdreg s3  }
0xaf: {  	[dreg:$0x3] =	wrdreg s5  }
0xb0: {  	[dreg:$0x4] =	wrdreg $0xC0  }
0xb1: {  	_ =	task [dreg:s7], $0x5FFFF  }
0xb2: {  	[dreg:$0x1] =	wrdreg $0xFFFFFFFF  }
0xb3: {  	[dreg:$0x0] =	wrdreg $0x60  }
0xb4: {  	[dreg:$0x2] =	wrdreg s24  }
0xb5: {  	[dreg:$0x3] =	wrdreg s16  }
0xb6: {  	[dreg:$0x4] =	wrdreg $0x0  }
0xb7: {  	[dreg:$0x5] =	wrdreg $0x9  }
0xb8: {  	_ =	task.clear_ibuf [dreg:s7], $0x6FFFF;
	_ =	strace $0x90000049  }
0xb9: {  	s29 =	simm.s32 $0x9;
	_ =	strace $0x8000004B  }
0xba: {  	_ =	swait.ge [sflag:s29], $0x1  }
0xbb: {  	[sflag:s29] =	ssyncadd.s32 $0xFFFFFFFF  }
0xbc: {  	_ =	strace $0x9000004B  }
0xbd: {  	_ =	sfence  }
0xbe: {  	s30 =	sld [smem:$0x0];
	_ =	sdelay $0x2  }
0xbf: {  	s31 =	sshll.u32 s1, $0xD;
	s1 =	sshrl.u32 s1, $0x2  }
0xc0: {  	s3 =	sand.u32 $0x4000, s31;
	s1 =	sadd.s32 s1, s30  }
0xc1: {  	s0 =	sor.u32 s3, s0;
	s1 =	sshll.u32 s1, $0x11  }
0xc2: {  	s0 =	sor.u32 s1, s0  }
0xc3: {  	s0 =	sadd.s32 $0x8F2B, s0  }
0xc4: {  	[sflag:s0] =	ssyncadd.remote.s32 $0x1  }
0xc5: {  	_ =	sfence.sel $0xFFFF  }
0xc6: {  	[dreg:$0x0] =	wrdreg $0xFFFFFFFF;
	(pc) =	sbr.abs _section_cstart, $3  }
0xc7: {  	[dreg:$0x1] =	wrdreg $0xFFFFFFFF  }
0xc8: {  	_ =	task.clear_ibuf [dreg:s7], $0x2FFFF;
	_ =	strace $0x9FFFFFFF  }
0xc9: {  	(tm) =	ssettm $0x7FFFFFFF  }
tec
execute0_lowered:
.L_overlay_start_1:
0x0: {  	(tag) =	ssettag $0x1  }
0x1: {  	s0 =	rddreg [dreg:$0x0]  }
0x2: {  	s3 =	rddreg [dreg:$0x2]  }
0x3: {  	s1 =	srdreg.scid;
	s12 =	stileid.u32  }
0x4: {  	s4 =	simm.s32 $0x0;
	s15 =	simm.s32 $0x7;
	s24 =	simm.s32 $0xC800  }
0x5: {  	s25 =	simm.s32 $0xD800;
	s26 =	simm.s32 $0xD000;
	s31 =	simm.s32 $0xE000  }
0x6: {  	s28 =	simm.s32 $0x2;
	s29 =	simm.s32 $0x4;
	s30 =	simm.s32 $0x0  }
0x7: {  	s1 =	sand.u32 $0x1, s1;
	s2 =	smul.u32 $0xC400, s12;
	[smem:$0x7FF] =	sst s4  }
0x8: {  	s5 =	sadd.s32 $0x37E00, s0;
	s6 =	sadd.s32 $0x3E00, s0;
	s7 =	sadd.s32 $0x6BE00, s0  }
0x9: {  	s11 =	smul.u32 $0xD000, s12;
	_ =	strace $0x8000004A;
	[dreg:$0x6] =	wrdreg s24  }
0xa: {  	s17 =	sshll.u32 s12, $0x6;
	s8 =	smul.u32 $0xC4000, s1;
	[dreg:$0x7] =	wrdreg s25  }
0xb: {  	s9 =	smul.u32 $0xD0000, s1;
	s10 =	ssub.s32 $0x2, s1;
	[dreg:$0x8] =	wrdreg s26  }
0xc: {  	s1 =	sshll.u32 s1, $0x4;
	s24 =	simm.s32 $0xDC00;
	[dreg:$0x9] =	wrdreg s31  }
0xd: {  	s25 =	simm.s32 $0x3;
	s26 =	simm.s32 $0x6;
	s16 =	sshrl.u32 s10, $0x1  }
0xe: {  	s1 =	sor.u32 s12, s1;
	s8 =	sadd.s32 s2, s8;
	s10 =	ssub.s32 s10, s16  }
0xf: {  	s9 =	sadd.s32 s11, s9;
	s1 =	smul.u32 $0x1A00, s1;
	s2 =	sadd.s32 s2, s3  }
0x10: {  	s8 =	sshrl.u32 s8, $0x3;
	s11 =	sor.u32 $0x800, s9;
	s22 =	smax.u32 s10, $0x1  }
0x11: {  	s23 =	sadd.s32 $0x1000, s9;
	s14 =	sshrl.u32 s2, $0x3;
	s0 =	sadd.s32 s8, s0  }
0x12: {  	s8 =	sor.u32 $0x1C07, s17;
	s18 =	sshrl.u32 s11, $0x3;
	[dreg:$0xd] =	wrdreg s22  }
0x13: {  	s19 =	sadd.s32 s5, s1;
	s1 =	sadd.s32 s6, s1;
	[dreg:$0xe] =	wrdreg s23  }
0x14: {  	s17 =	simm.s32 $0xD400;
	s22 =	simm.s32 $0x1;
	[dreg:$0xa] =	wrdreg s19  }
0x15: {  	s23 =	simm.s32 $0xCC00;
	[dreg:$0xb] =	wrdreg s1;
	s0 =	sadd.s32 $0x84600, s0  }
0x16: {  	s20 =	sadd.s32 s18, s6;
	s21 =	sadd.s32 s18, s5;
	[dreg:$0xc] =	wrdreg s0  }
0x17: {  	s18 =	simm.s32 $0x5;
	s19 =	simm.s32 $0x400;
	[dreg:$0x4] =	wrdreg s20  }
0x18: {  	[dreg:$0x5] =	wrdreg s21;
	s20 =	simm.s32 $0xE400;
	s21 =	simm.s32 $0x10400  }
.LBB2_1:
0x19: {  	s0 =	rddreg [dreg:$0x1]  }
0x1a: {  	[spmem:s14], [sflag:s8] =	dma.local [hbm:s0], $0x1880  }
0x1b: {  	_ =	swait.ge [sflag:s15], $0x1880  }
0x1c: {  	[sflag:s15] =	ssyncset.done $0x0  }
0x1d: {  	s1 =	simm.s32 $0xC400;
	s16 =	rddreg [dreg:$0xa];
	[sflag:s15] =	ssyncadd.s32 $0xFFFFE780  }
0x1e: {  	[tilespmem:s1], [sflag:$0x5] =	stream.linear.gather [hbm4b:s16+s4], $0x800, $0x38;
	[tilespmem:$0x12400] =	vst v63  }
0x1f: {  	s2 =	rddreg [dreg:$0xb]  }
0x20: {  	[tilespmem:s17], [sflag:$0x5] =	stream.linear.gather [hbm4b:s2+s4], $0x800, $0x38;
	[tilespmem:$0x12400] =	vst v63  }
0x21: {  	_ =	swait.ge [sflag:s18], $0x800  }
0x22: {  	[sflag:s18] =	ssyncset.done $0x0  }
0x23: {  	[sflag:s18] =	ssyncadd.s32 $0xFFFFF800  }
0x24: {  	_ =	swait.ge [sflag:s18], $0x800  }
0x25: {  	p0 =	por $0x1, $0x1;
	[sflag:s18] =	ssyncset.done $0x0  }
0x26: {  	p0 =	por p0, p0;
	[sflag:s18] =	ssyncadd.s32 $0xFFFFF800  }
0x27: {  	[tilespmem:s20], [sflag:$0x1] =	stream.indirect.gather [hbm4b:s7+s19], $0x8, s1, s19, $0xb8;
	[tilespmem:$0x12400] =	vst v63  }
0x28: {  	s0 =	simm.s32 @!p0 $0x4;
	[bflag:$0x0] =	sbarrier.arrive $0xFFFF  }
0x29: {  	_ =	swait.ge @!p0 [sflag:s0], $0x2000  }
0x2a: {  	[sflag:s0] =	ssyncset.done @!p0 $0x0  }
0x2b: {  	s13 =	smov.u32 s8;
	s8 =	rddreg [dreg:$0x6];
	[sflag:s0] =	ssyncadd.s32 @!p0 $0xFFFFE000  }
0x2c: {  	[tilespmem:s21], [sflag:$0x2] =	stream.indirect.gather [hbm4b:s7+s19], $0x8, s8, s19, $0xb8;
	[tilespmem:$0x12400] =	vst v63  }
0x2d: {  	_ =	swait.ge [sflag:s22], $0x2000  }
0x2e: {  	[sflag:s22] =	ssyncset.done $0x0  }
0x2f: {  	s9 =	rddreg [dreg:$0x5];
	[sflag:s22] =	ssyncadd.s32 $0xFFFFE000  }
0x30: {  	[spmem:s3] =	stream.indirect.scatter.add.f32 [tilespmem:s20], [sflag:$0x3], $0x8, s17, s19, $0xb8;
	[tilespmem:$0x12400] =	vst v63  }
0x31: {  	s10 =	rddreg [dreg:$0x4];
	s0 =	sadd.s32 $0x0, s9  }
0x32: {  	[tilespmem:s23], [sflag:$0x6] =	stream.linear.gather [hbm4b:s0+s4], $0x800, $0x38;
	[tilespmem:$0x12400] =	vst v63  }
0x33: {  	s11 =	sadd.s32 $0x0, s10  }
0x34: {  	[tilespmem:s24], [sflag:$0x6] =	stream.linear.gather [hbm4b:s11+s4], $0x800, $0x38;
	[tilespmem:$0x12400] =	vst v63  }
0x35: {  	_ =	swait.ge [sflag:s25], $0x2000  }
0x36: {  	[sflag:s25] =	ssyncset.done $0x0  }
0x37: {  	[sflag:s25] =	ssyncadd.s32 $0xFFFFE000  }
0x38: {  	_ =	swait.ge [sflag:s26], $0x800  }
0x39: {  	[sflag:s26] =	ssyncset.done $0x0  }
0x3a: {  	[sflag:s26] =	ssyncadd.s32 $0xFFFFF800  }
0x3b: {  	_ =	swait.ge [sflag:s26], $0x800  }
0x3c: {  	[sflag:s26] =	ssyncset.done $0x0  }
0x3d: {  	[sflag:s26] =	ssyncadd.s32 $0xFFFFF800  }
0x3e: {  	[tilespmem:s20], [sflag:$0x1] =	stream.indirect.gather [hbm4b:s7+s19], $0x8, s23, s19, $0xb8;
	[tilespmem:$0x12400] =	vst v63  }
0x3f: {  	_ =	swait.ge [sflag:s28], $0x2000  }
0x40: {  	[sflag:s28] =	ssyncset.done $0x0  }
0x41: {  	s12 =	rddreg [dreg:$0x7];
	[sflag:s28] =	ssyncadd.s32 $0xFFFFE000  }
0x42: {  	[spmem:s3] =	stream.indirect.scatter.add.f32 [tilespmem:s21], [sflag:$0x4], $0x8, s12, s19, $0xb8;
	[tilespmem:$0x12400] =	vst v63  }
0x43: {  	_ =	swait.ge [sflag:s29], $0x2000  }
0x44: {  	[sflag:s29] =	ssyncset.done $0x0  }
0x45: {  	s16 =	rddreg [dreg:$0x8];
	[sflag:s29] =	ssyncadd.s32 $0xFFFFE000  }
0x46: {  	[tilespmem:s21], [sflag:$0x2] =	stream.indirect.gather [hbm4b:s7+s19], $0x8, s16, s19, $0xb8;
	[tilespmem:$0x12400] =	vst v63  }
0x47: {  	_ =	swait.ge [sflag:s22], $0x2000  }
0x48: {  	p0 =	por $0x0, $0x0;
	[sflag:s22] =	ssyncset.done $0x0;
	s8 =	rddreg [dreg:$0xe]  }
0x49: {  	p1 =	por $0x0, $0x0;
	[sflag:s22] =	ssyncadd.s32 $0xFFFFE000;
	s0 =	sshrl.u32 @!p0 s8, $0x3  }
0x4a: {  	[spmem:s3] =	stream.indirect.scatter.add.f32 [tilespmem:s20], [sflag:$0x3], $0x8, s24, s19, $0xb8;
	[tilespmem:$0x12400] =	vst v63  }
0x4b: {  	s1 =	simm.s32 @!p0 $0x0;
	s2 =	simm.s32 @!p0 $0xC400;
	s9 =	sadd.s32 @!p0 s5, s0  }
0x4c: {  	[tilespmem:s2], [sflag:$0x5] =	stream.linear.gather @!p0 [hbm4b:s9+s1], $0x800, $0x38;
	[tilespmem:$0x12400] =	vst v63  }
0x4d: {  	s0 =	sadd.s32 @!p0 s6, s0;
	s2 =	simm.s32 @!p0 $0xD400;
	s9 =	simm.s32 @!p1 $0x3  }
0x4e: {  	[tilespmem:s2], [sflag:$0x5] =	stream.linear.gather @!p0 [hbm4b:s0+s1], $0x800, $0x38;
	[tilespmem:$0x12400] =	vst v63  }
0x4f: {  	_ =	swait.ge @!p1 [sflag:s9], $0x2000  }
0x50: {  	[sflag:s9] =	ssyncset.done @!p1 $0x0  }
0x51: {  	s0 =	simm.s32 @!p0 $0x5;
	[sflag:s9] =	ssyncadd.s32 @!p1 $0xFFFFE000  }
0x52: {  	_ =	swait.ge @!p0 [sflag:s0], $0x800  }
0x53: {  	[sflag:s0] =	ssyncset.done @!p0 $0x0  }
0x54: {  	[sflag:s0] =	ssyncadd.s32 @!p0 $0xFFFFF800  }
0x55: {  	_ =	swait.ge @!p0 [sflag:s0], $0x800  }
0x56: {  	p6 =	por $0x0, $0x0;
	s10 =	simm.s32 @!p1 $0xC400;
	[sflag:s0] =	ssyncset.done @!p0 $0x0  }
0x57: {  	s2 =	simm.s32 @!p1 $0xE400;
	s9 =	simm.s32 @!p1 $0x400;
	[sflag:s0] =	ssyncadd.s32 @!p0 $0xFFFFF800  }
0x58: {  	[tilespmem:s2], [sflag:$0x1] =	stream.indirect.gather @!p1 [hbm4b:s7+s9], $0x8, s10, s9, $0xb8;
	[tilespmem:$0x12400] =	vst v63  }
0x59: {  	s31 =	simm.s32 $0x3;
	s1 =	simm.s32 $0x200;
	_ =	swait.ge [sflag:s28], $0x2000  }
0x5a: {  	p0 =	por p6, p6;
	s0 =	sadd.s32 $0x1000, s8;
	[sflag:s28] =	ssyncset.done $0x0  }
0x5b: {  	s2 =	simm.s32 $0x400;
	s10 =	rddreg [dreg:$0x9];
	[sflag:s28] =	ssyncadd.s32 $0xFFFFE000  }
.LBB2_2:
0x5c: {  	s11 =	simm.s32 @!p0 $0x4  }
0x5d: {  	[spmem:s3] =	stream.indirect.scatter.add.f32 [tilespmem:s21], [sflag:$0x4], $0x8, s10, s19, $0xb8;
	[tilespmem:$0x12400] =	vst v63  }
0x5e: {  	_ =	swait.ge @!p0 [sflag:s11], $0x2000  }
0x5f: {  	[sflag:s11] =	ssyncset.done @!p0 $0x0  }
0x60: {  	s12 =	rddreg [dreg:$0x6];
	[sflag:s11] =	ssyncadd.s32 @!p0 $0xFFFFE000  }
0x61: {  	[tilespmem:s21], [sflag:$0x2] =	stream.indirect.gather [hbm4b:s7+s19], $0x8, s12, s19, $0xb8;
	[tilespmem:$0x12400] =	vst v63  }
0x62: {  	_ =	swait.ge [sflag:s22], $0x2000  }
0x63: {  	[sflag:s22] =	ssyncset.done $0x0  }
0x64: {  	s16 =	rddreg [dreg:$0x5];
	[sflag:s22] =	ssyncadd.s32 $0xFFFFE000  }
0x65: {  	[spmem:s3] =	stream.indirect.scatter.add.f32 [tilespmem:s20], [sflag:$0x3], $0x8, s17, s19, $0xb8;
	[tilespmem:$0x12400] =	vst v63  }
0x66: {  	s8 =	rddreg [dreg:$0x4];
	s10 =	sadd.s32 s1, s16  }
0x67: {  	[tilespmem:s23], [sflag:$0x6] =	stream.linear.gather [hbm4b:s10+s4], $0x800, $0x38;
	[tilespmem:$0x12400] =	vst v63  }
0x68: {  	s11 =	sadd.s32 s1, s8  }
0x69: {  	[tilespmem:s24], [sflag:$0x6] =	stream.linear.gather [hbm4b:s11+s4], $0x800, $0x38;
	[tilespmem:$0x12400] =	vst v63  }
0x6a: {  	_ =	swait.ge [sflag:s25], $0x2000  }
0x6b: {  	[sflag:s25] =	ssyncset.done $0x0  }
0x6c: {  	[sflag:s25] =	ssyncadd.s32 $0xFFFFE000  }
0x6d: {  	_ =	swait.ge [sflag:s26], $0x800  }
0x6e: {  	[sflag:s26] =	ssyncset.done $0x0  }
0x6f: {  	[sflag:s26] =	ssyncadd.s32 $0xFFFFF800  }
0x70: {  	_ =	swait.ge [sflag:s26], $0x800  }
0x71: {  	[sflag:s26] =	ssyncset.done $0x0  }
0x72: {  	[sflag:s26] =	ssyncadd.s32 $0xFFFFF800  }
0x73: {  	[tilespmem:s20], [sflag:$0x1] =	stream.indirect.gather [hbm4b:s7+s19], $0x8, s23, s19, $0xb8;
	[tilespmem:$0x12400] =	vst v63  }
0x74: {  	_ =	swait.ge [sflag:s28], $0x2000  }
0x75: {  	[sflag:s28] =	ssyncset.done $0x0  }
0x76: {  	s12 =	rddreg [dreg:$0x7];
	[sflag:s28] =	ssyncadd.s32 $0xFFFFE000  }
0x77: {  	[spmem:s3] =	stream.indirect.scatter.add.f32 [tilespmem:s21], [sflag:$0x4], $0x8, s12, s19, $0xb8;
	[tilespmem:$0x12400] =	vst v63  }
0x78: {  	_ =	swait.ge [sflag:s29], $0x2000  }
0x79: {  	[sflag:s29] =	ssyncset.done $0x0  }
0x7a: {  	s16 =	rddreg [dreg:$0x8];
	[sflag:s29] =	ssyncadd.s32 $0xFFFFE000  }
0x7b: {  	[tilespmem:s21], [sflag:$0x2] =	stream.indirect.gather [hbm4b:s7+s19], $0x8, s16, s19, $0xb8;
	[tilespmem:$0x12400] =	vst v63  }
0x7c: {  	p2 =	seq.s32 s2, $0x0;
	_ =	swait.ge [sflag:s22], $0x2000  }
0x7d: {  	p3 =	seq.s32 s1, $0x1800;
	p0 =	por p2, p2;
	[sflag:s22] =	ssyncset.done $0x0  }
0x7e: {  	p2 =	sgt.u32 s31, $0x18;
	s1 =	sshrl.u32 @!p3 s0, $0x3;
	[sflag:s22] =	ssyncadd.s32 $0xFFFFE000  }
0x7f: {  	[spmem:s3] =	stream.indirect.scatter.add.f32 [tilespmem:s20], [sflag:$0x3], $0x8, s24, s19, $0xb8;
	[tilespmem:$0x12400] =	vst v63  }
0x80: {  	s10 =	simm.s32 @!p3 $0x0;
	s11 =	simm.s32 @!p3 $0xC400;
	s16 =	sadd.s32 @!p3 s5, s1  }
0x81: {  	[tilespmem:s11], [sflag:$0x5] =	stream.linear.gather @!p3 [hbm4b:s16+s10], $0x800, $0x38;
	[tilespmem:$0x12400] =	vst v63  }
0x82: {  	s8 =	simm.s32 @!p3 $0xD400;
	s12 =	sadd.s32 @!p3 s6, s1;
	s11 =	simm.s32 @!p2 $0x3  }
0x83: {  	[tilespmem:s8], [sflag:$0x5] =	stream.linear.gather @!p3 [hbm4b:s12+s10], $0x800, $0x38;
	[tilespmem:$0x12400] =	vst v63  }
0x84: {  	_ =	swait.ge @!p2 [sflag:s11], $0x2000  }
0x85: {  	[sflag:s11] =	ssyncset.done @!p2 $0x0  }
0x86: {  	s8 =	simm.s32 @!p3 $0x5;
	[sflag:s11] =	ssyncadd.s32 @!p2 $0xFFFFE000  }
0x87: {  	_ =	swait.ge @!p3 [sflag:s8], $0x800  }
0x88: {  	[sflag:s8] =	ssyncset.done @!p3 $0x0  }
0x89: {  	s9 =	smov.u32 s2;
	s2 =	sadd.s32 $0x200, s2;
	[sflag:s8] =	ssyncadd.s32 @!p3 $0xFFFFF800  }
0x8a: {  	p1 =	sne.s32 s2, $0x1A00;
	s1 =	smov.u32 s9;
	_ =	swait.ge @!p3 [sflag:s8], $0x800  }
0x8b: {  	s9 =	simm.s32 @!p2 $0xE400;
	s10 =	simm.s32 @!p2 $0x400;
	[sflag:s8] =	ssyncset.done @!p3 $0x0  }
.Ltmp0:
0x8c: {  	s11 =	simm.s32 @!p2 $0xC400;
	[sflag:s8] =	ssyncadd.s32 @!p3 $0xFFFFF800;
	(pc) =	sbr.rel @p1 .LBB2_2-.Ltmp0, $4  }
0x8d: {  	[tilespmem:s9], [sflag:$0x1] =	stream.indirect.gather @!p2 [hbm4b:s7+s10], $0x8, s11, s10, $0xb8;
	[tilespmem:$0x12400] =	vst v63  }
0x8e: {  	_ =	swait.ge [sflag:s28], $0x2000  }
0x8f: {  	s31 =	sadd.s32 $0x2, s31;
	[sflag:s28] =	ssyncset.done $0x0  }
0x90: {  	s0 =	sadd.s32 $0x1000, s0;
	s10 =	rddreg [dreg:$0x9];
	[sflag:s28] =	ssyncadd.s32 $0xFFFFE000  }
0x91: {  	s2 =	simm.s32 @!p0 $0x4  }
0x92: {  	[spmem:s3] =	stream.indirect.scatter.add.f32 [tilespmem:s21], [sflag:$0x4], $0x8, s10, s19, $0xb8;
	[tilespmem:$0x12400] =	vst v63  }
0x93: {  	_ =	swait.ge @!p0 [sflag:s2], $0x2000  }
0x94: {  	[sflag:s2] =	ssyncset.done @!p0 $0x0  }
0x95: {  	s8 =	rddreg [dreg:$0x6];
	[sflag:s2] =	ssyncadd.s32 @!p0 $0xFFFFE000  }
0x96: {  	[tilespmem:s21], [sflag:$0x2] =	stream.indirect.gather [hbm4b:s7+s19], $0x8, s8, s19, $0xb8;
	[tilespmem:$0x12400] =	vst v63  }
0x97: {  	_ =	swait.ge [sflag:s22], $0x2000  }
0x98: {  	[sflag:s22] =	ssyncset.done $0x0  }
0x99: {  	s12 =	rddreg [dreg:$0x5];
	[sflag:s22] =	ssyncadd.s32 $0xFFFFE000  }
0x9a: {  	[spmem:s3] =	stream.indirect.scatter.add.f32 [tilespmem:s20], [sflag:$0x3], $0x8, s17, s19, $0xb8;
	[tilespmem:$0x12400] =	vst v63  }
0x9b: {  	s16 =	rddreg [dreg:$0x4];
	s2 =	sadd.s32 s1, s12  }
0x9c: {  	[tilespmem:s23], [sflag:$0x6] =	stream.linear.gather [hbm4b:s2+s4], $0x800, $0x38;
	[tilespmem:$0x12400] =	vst v63  }
0x9d: {  	s9 =	sadd.s32 s1, s16  }
0x9e: {  	[tilespmem:s24], [sflag:$0x6] =	stream.linear.gather [hbm4b:s9+s4], $0x800, $0x38;
	[tilespmem:$0x12400] =	vst v63  }
0x9f: {  	_ =	swait.ge [sflag:s25], $0x2000  }
0xa0: {  	[sflag:s25] =	ssyncset.done $0x0  }
0xa1: {  	[sflag:s25] =	ssyncadd.s32 $0xFFFFE000  }
0xa2: {  	_ =	swait.ge [sflag:s26], $0x800  }
0xa3: {  	[sflag:s26] =	ssyncset.done $0x0  }
0xa4: {  	[sflag:s26] =	ssyncadd.s32 $0xFFFFF800  }
0xa5: {  	_ =	swait.ge [sflag:s26], $0x800  }
0xa6: {  	[sflag:s26] =	ssyncset.done $0x0  }
0xa7: {  	[sflag:s26] =	ssyncadd.s32 $0xFFFFF800  }
0xa8: {  	[tilespmem:s20], [sflag:$0x1] =	stream.indirect.gather [hbm4b:s7+s19], $0x8, s23, s19, $0xb8;
	[tilespmem:$0x12400] =	vst v63  }
0xa9: {  	_ =	swait.ge [sflag:s28], $0x2000  }
0xaa: {  	[sflag:s28] =	ssyncset.done $0x0  }
0xab: {  	s10 =	rddreg [dreg:$0x7];
	[sflag:s28] =	ssyncadd.s32 $0xFFFFE000  }
0xac: {  	[spmem:s3] =	stream.indirect.scatter.add.f32 [tilespmem:s21], [sflag:$0x4], $0x8, s10, s19, $0xb8;
	[tilespmem:$0x12400] =	vst v63  }
0xad: {  	_ =	swait.ge [sflag:s29], $0x2000  }
0xae: {  	[sflag:s29] =	ssyncset.done $0x0  }
0xaf: {  	s11 =	rddreg [dreg:$0x8];
	[sflag:s29] =	ssyncadd.s32 $0xFFFFE000  }
0xb0: {  	[tilespmem:s21], [sflag:$0x2] =	stream.indirect.gather [hbm4b:s7+s19], $0x8, s11, s19, $0xb8;
	[tilespmem:$0x12400] =	vst v63  }
0xb1: {  	_ =	swait.ge [sflag:s22], $0x2000  }
0xb2: {  	p0 =	seq.s32 s1, $0x1800;
	[sflag:s22] =	ssyncset.done $0x0  }
0xb3: {  	s0 =	sshrl.u32 @!p0 s0, $0x3;
	[sflag:s22] =	ssyncadd.s32 $0xFFFFE000  }
0xb4: {  	[spmem:s3] =	stream.indirect.scatter.add.f32 [tilespmem:s20], [sflag:$0x3], $0x8, s24, s19, $0xb8;
	[tilespmem:$0x12400] =	vst v63  }
0xb5: {  	s8 =	sadd.s32 @!p0 s5, s0;
	s1 =	simm.s32 @!p0 $0x0;
	s2 =	simm.s32 @!p0 $0xC400  }
0xb6: {  	[tilespmem:s2], [sflag:$0x5] =	stream.linear.gather @!p0 [hbm4b:s8+s1], $0x800, $0x38;
	[tilespmem:$0x12400] =	vst v63  }
0xb7: {  	p1 =	sgt.u32 s31, $0x18;
	s0 =	sadd.s32 @!p0 s6, s0;
	s2 =	simm.s32 @!p0 $0xD400  }
0xb8: {  	[tilespmem:s2], [sflag:$0x5] =	stream.linear.gather @!p0 [hbm4b:s0+s1], $0x800, $0x38;
	[tilespmem:$0x12400] =	vst v63  }
0xb9: {  	s0 =	simm.s32 @!p1 $0x3  }
0xba: {  	_ =	swait.ge @!p1 [sflag:s0], $0x2000  }
0xbb: {  	[sflag:s0] =	ssyncset.done @!p1 $0x0  }
0xbc: {  	s1 =	simm.s32 @!p0 $0x5;
	[sflag:s0] =	ssyncadd.s32 @!p1 $0xFFFFE000  }
0xbd: {  	_ =	swait.ge @!p0 [sflag:s1], $0x800  }
0xbe: {  	[sflag:s1] =	ssyncset.done @!p0 $0x0  }
0xbf: {  	[sflag:s1] =	ssyncadd.s32 @!p0 $0xFFFFF800  }
0xc0: {  	_ =	swait.ge @!p0 [sflag:s1], $0x800  }
0xc1: {  	s2 =	simm.s32 @!p1 $0x400;
	[sflag:s1] =	ssyncset.done @!p0 $0x0  }
0xc2: {  	s0 =	simm.s32 @!p1 $0xE400;
	[sflag:s1] =	ssyncadd.s32 @!p0 $0xFFFFF800;
	s1 =	simm.s32 @!p1 $0xC400  }
0xc3: {  	[tilespmem:s0], [sflag:$0x1] =	stream.indirect.gather @!p1 [hbm4b:s7+s2], $0x8, s1, s2, $0xb8;
	[tilespmem:$0x12400] =	vst v63  }
0xc4: {  	_ =	swait.ge [sflag:s28], $0x2000  }
0xc5: {  	[sflag:s28] =	ssyncset.done $0x0  }
0xc6: {  	s12 =	rddreg [dreg:$0x9];
	[sflag:s28] =	ssyncadd.s32 $0xFFFFE000  }
0xc7: {  	[spmem:s3] =	stream.indirect.scatter.add.f32 [tilespmem:s21], [sflag:$0x4], $0x8, s12, s19, $0xb8;
	[tilespmem:$0x12400] =	vst v63  }
0xc8: {  	_ =	swait.ge [sflag:s25], $0x2000  }
0xc9: {  	[sflag:s25] =	ssyncset.done $0x0  }
0xca: {  	[sflag:s25] =	ssyncadd.s32 $0xFFFFE000  }
0xcb: {  	_ =	swait.ge [sflag:s29], $0x2000  }
0xcc: {  	[sflag:s29] =	ssyncset.done $0x0  }
0xcd: {  	[sflag:s29] =	ssyncadd.s32 $0xFFFFE000  }
0xce: {  	[bflag:$0x0] =	sbarrier.arrive $0xFFFF  }
0xcf: {  	s16 =	rddreg [dreg:$0xc]  }
0xd0: {  	[hbm:s16], [sflag:s13] =	dma.local [spmem:s14], $0x1880  }
0xd1: {  	_ =	swait.ge [sflag:s15], $0x1880  }
0xd2: {  	s30 =	sadd.s32 $0x1, s30;
	s31 =	rddreg [dreg:$0xd]  }
0xd3: {  	p0 =	sne.s32 s30, s31  }
.Ltmp1:
0xd4: {  	_ = 	snop;
	(pc) =	sbr.rel @p0 .LBB2_1-.Ltmp1, $3  }
0xd5: {  	_ =	sdelay $0x1  }
0xd6: {  	[sflag:s15] =	ssyncset.done $0x0  }
0xd7: {  	s8 =	smov.u32 s13;
	[sflag:s15] =	ssyncadd.s32 $0xFFFFE780  }
0xd8: {  	_ =	sfence.sel $0x180000  }
0xd9: {  	[bflag:$0x0] =	sbarrier.arrive $0xFFFF  }
0xda: {  	_ =	strace $0x9000004A  }
0xdb: {  	s0 =	stileid.u32;
	[bflag:$0x2] =	sbarrier.arrive $0xFFFF  }
0xdc: {  	p0 =	sne.s32 s0, $0x0;
	s0 =	rddreg [dreg:$0x3]  }
0xdd: {  	s0 =	sadd.s32 @!p0 $0x100000, s0  }
0xde: {  	[sflag:s0] =	ssyncadd.tile.s32 @!p0 $0x1;
	_ =	shalt  }
.Lfunc_end2:
_tile_overlayer_lowered:
.L_overlay_start_2:
0xdf: {  	(tag) =	ssettag $0x2  }
0xe0: {  	s0 =	rddreg [dreg:$0x0];
	s2 =	stileid.u32  }
0xe1: {  	s1 =	rddreg [dreg:$0x1];
	p0 =	sne.s32 s2, $0x0  }
0xe2: {  	s3 =	rddreg [dreg:$0x2];
	[bflag:$0x3] =	sbarrier.arrive $0xFFFF;
	s2 =	simm.s32 @!p0 $0x1C07  }
0xe3: {  	[timem:s3], [sflag:s2] =	dma.local @!p0 [hbm:s0], s1  }
0xe4: {  	s0 =	simm.s32 @!p0 $0x7  }
0xe5: {  	_ =	swait.ge @!p0 [sflag:s0], s1  }
0xe6: {  	s1 =	ssub.s32 @!p0 $0x0, s1;
	[sflag:s0] =	ssyncset.done @!p0 $0x0  }
0xe7: {  	[sflag:s0] =	ssyncadd.s32 @!p0 s1  }
0xe8: {  	[bflag:$0x3] =	sbarrier.arrive $0xFFFF  }
0xe9: {  	_ =	shalt  }

// kernel: kernel.17.cloned.1.call-start
scs
__scs_entry_jumppad:
0x0: {  	(pc) =	sbr.rel $0x88, $3  }
0x1: {  	(tag) =	ssettag $0x0;
	lr =	simm.s32 $0x1  }
0x2: {  	[smem:$0x3F97] =	sst lr;
	_ =	strace $0xD0000000  }
0x3: {  	_ = 	snop  }
0x4: {  	_ = 	snop  }
0x5: {  	_ = 	snop  }
0x6: {  	_ = 	snop  }
0x7: {  	_ = 	snop  }
__scs_overlays_trampoline_lowered:
0x8: {  	[smem:$0x3FA6] =	sst s0  }
0x9: {  	[smem:$0x3FA7] =	sst s1  }
0xa: {  	[smem:$0x3FA8] =	sst s2  }
0xb: {  	[smem:$0x3FA9] =	sst s3  }
0xc: {  	[smem:$0x3FAA] =	sst s4  }
0xd: {  	[smem:$0x3FAB] =	sst s5  }
0xe: {  	[smem:$0x3FAC] =	sst s6  }
0xf: {  	[smem:$0x3FAD] =	sst s7  }
0x10: {  	[smem:$0x3FAE] =	sst s8  }
0x11: {  	[smem:$0x3FAF] =	sst s9;
	s0 =	simm.s32 @!p0 $0x0  }
0x12: {  	s1 =	sld [smem:$0x3F95];
	s0 =	simm.s32 @p0 $0x1  }
0x13: {  	[smem:$0x3FB0] =	sst s0;
	s0 =	simm.s32 @!p1 $0x0  }
0x14: {  	s2 =	sld [smem:$0x3F94];
	s0 =	simm.s32 @p1 $0x1  }
0x15: {  	[smem:$0x3FB1] =	sst s0;
	s0 =	simm.s32 @!p2 $0x0  }
0x16: {  	s3 =	sld [smem:$0x3FDB];
	s0 =	simm.s32 @p2 $0x1  }
0x17: {  	s4 =	simm.s32 $0x1BF5;
	[smem:$0x3FB3] =	sst s0  }
0x18: {  	s0 =	sld [smem:$0x3F96];
	_ =	swait.ge [sflag:s4], $0x0  }
0x19: {  	s7 =	sld [smem:$0x3F97]  }
0x1a: {  	s8 =	sadd.s32 $0xFFFFE003, lr  }
0x1b: {  	s9 =	sadd.s32 $0xFFFFFEF7, lr;
	s5 =	simm.s32 $0xFFFFFFFF;
	p2 =	slt.u32 s8, $0xFFFFF086  }
0x1c: {  	p1 =	slt.u32 s9, $0xF7A;
	s5 =	simm.s32 @!p2 $0x0  }
0x1d: {  	s5 =	simm.s32 @p1 $0x1;
	p0 =	seq.s32 s7, s2  }
0x1e: {  	s7 =	smul.u32 @!p0 $0xF7A, s2;
	p2 =	seq.s32 @!p0 s5, $0x0  }
0x1f: {  	s9 =	smul.u32 $0xF7A, s1;
	s8 =	simm.s32 @!p0 $0x1BF5;
	p2 =	por !p2, p0  }
0x20: {  	[sflag:s8] =	ssyncset.s32 @!p0 $0xFFFFF086;
	s6 =	sadd.s32 @!p0 s3, s7;
	s7 =	simm.s32 @!p0 $0x108  }
0x21: {  	s3 =	sadd.s32 s3, s9;
	s6 =	sadd.s32 @!p0 $0x88, s6;
	s7 =	simm.s32 @p2 $0x1082  }
0x22: {  	[simem:s7], [sflag:s8] =	dma.local @!p0 [hbm:s6], $0xF7A  }
0x23: {  	s9 =	sor.u32 $0xD0000000, s2;
	s6 =	simm.s32 $0x108;
	_ =	swait.ge @!p0 [sflag:s8], $0x0  }
0x24: {  	s3 =	sadd.s32 $0x88, s3;
	s6 =	simm.s32 @!p1 $0x1082;
	[sflag:s4] =	ssyncset.s32 $0xFFFFF086  }
0x25: {  	[simem:s6], [sflag:s4] =	dma.local [hbm:s3], $0xF7A  }
0x26: {  	[smem:$0x3F97] =	sst s1;
	(tag) =	ssettag s2;
	_ =	strace s9  }
0x27: {  	s1 =	sld [smem:$0x3FA7]  }
0x28: {  	s2 =	sld [smem:$0x3FA8]  }
0x29: {  	s4 =	sld [smem:$0x3FAA]  }
0x2a: {  	p0 =	seq.s32 s5, $0x0;
	s5 =	sld [smem:$0x3FAB]  }
0x2b: {  	s6 =	sld [smem:$0x3FAC]  }
0x2c: {  	s7 =	sld [smem:$0x3FAD]  }
0x2d: {  	s3 =	simm.s32 $0x108;
	s8 =	sld [smem:$0x3FAE]  }
0x2e: {  	s3 =	simm.s32 @!p0 $0x1082;
	s9 =	sld [smem:$0x3FAF]  }
0x2f: {  	lr =	sadd.s32 s0, s3;
	s0 =	sld [smem:$0x3FA6]  }
0x30: {  	s3 =	sld [smem:$0x3FA9]  }
0x31: {  	[smem:$0x3FB2] =	sst s10  }
0x32: {  	s10 =	sld [smem:$0x3FB0];
	_ =	sdelay $0x3  }
0x33: {  	p0 =	seq.s32 s10, $0x1;
	s10 =	sld [smem:$0x3FB2];
	_ =	sdelay $0x3  }
0x34: {  	[smem:$0x3FB2] =	sst s10  }
0x35: {  	s10 =	sld [smem:$0x3FB1];
	_ =	sdelay $0x3  }
0x36: {  	p1 =	seq.s32 s10, $0x1;
	s10 =	sld [smem:$0x3FB2];
	_ =	sdelay $0x3  }
0x37: {  	[smem:$0x3FB2] =	sst s10  }
0x38: {  	s10 =	sld [smem:$0x3FB3]  }
0x39: {  	_ = 	snop;
	(pc) =	sbr.ind lr, $3  }
0x3a: {  	_ = 	snop  }
0x3b: {  	_ = 	snop  }
0x3c: {  	p2 =	seq.s32 s10, $0x1;
	s10 =	sld [smem:$0x3FB2]  }
0x3d: {  	_ =	shalt  }
0x3e: {  	_ =	shalt  }
0x3f: {  	_ =	shalt  }
0x40: {  	_ =	shalt  }
0x41: {  	_ =	shalt  }
0x42: {  	_ =	shalt  }
0x43: {  	_ =	shalt  }
0x44: {  	_ =	shalt  }
0x45: {  	_ =	shalt  }
0x46: {  	_ =	shalt  }
0x47: {  	_ =	shalt  }
0x48: {  	_ =	shalt  }
0x49: {  	_ =	shalt  }
0x4a: {  	_ =	shalt  }
0x4b: {  	_ =	shalt  }
0x4c: {  	_ =	shalt  }
0x4d: {  	_ =	shalt  }
0x4e: {  	_ =	shalt  }
0x4f: {  	_ =	shalt  }
0x50: {  	_ =	shalt  }
0x51: {  	_ =	shalt  }
0x52: {  	_ =	shalt  }
0x53: {  	_ =	shalt  }
0x54: {  	_ =	shalt  }
0x55: {  	_ =	shalt  }
0x56: {  	_ =	shalt  }
0x57: {  	_ =	shalt  }
0x58: {  	_ =	shalt  }
0x59: {  	_ =	shalt  }
0x5a: {  	_ =	shalt  }
0x5b: {  	_ =	shalt  }
0x5c: {  	_ =	shalt  }
0x5d: {  	_ =	shalt  }
0x5e: {  	_ =	shalt  }
0x5f: {  	_ =	shalt  }
0x60: {  	_ =	shalt  }
0x61: {  	_ =	shalt  }
0x62: {  	_ =	shalt  }
0x63: {  	_ =	shalt  }
0x64: {  	_ =	shalt  }
0x65: {  	_ =	shalt  }
0x66: {  	_ =	shalt  }
0x67: {  	_ =	shalt  }
0x68: {  	_ =	shalt  }
0x69: {  	_ =	shalt  }
0x6a: {  	_ =	shalt  }
0x6b: {  	_ =	shalt  }
0x6c: {  	_ =	shalt  }
0x6d: {  	_ =	shalt  }
0x6e: {  	_ =	shalt  }
0x6f: {  	_ =	shalt  }
0x70: {  	_ =	shalt  }
0x71: {  	_ =	shalt  }
0x72: {  	_ =	shalt  }
0x73: {  	_ =	shalt  }
0x74: {  	_ =	shalt  }
0x75: {  	_ =	shalt  }
0x76: {  	_ =	shalt  }
0x77: {  	_ =	shalt  }
0x78: {  	_ =	shalt  }
0x79: {  	_ =	shalt  }
0x7a: {  	_ =	shalt  }
0x7b: {  	_ =	shalt  }
0x7c: {  	_ =	shalt  }
0x7d: {  	_ =	shalt  }
0x7e: {  	_ =	shalt  }
0x7f: {  	_ =	shalt  }
0x80: {  	_ =	shalt  }
0x81: {  	_ =	shalt  }
0x82: {  	_ =	shalt  }
0x83: {  	_ =	shalt  }
0x84: {  	_ =	shalt  }
0x85: {  	_ =	shalt  }
0x86: {  	_ =	shalt  }
0x87: {  	_ =	shalt  }
.Lfunc_end0:
.L_simem_size_0:
called_computation.2_lowered:
.L_overlay_start_0:
0x88: {  	s2 =	sld [smem:$0x3FD9]  }
0x89: {  	s3 =	sld [smem:$0x3FFE];
	_ =	sdelay $0x1  }
0x8a: {  	s1 =	srdreg.scid  }
0x8b: {  	s0 =	sand.u32 $0x1, s1  }
0x8c: {  	s14 =	sshll.u32 s0, $0xA;
	s2 =	sadd.s32 s3, s2  }
0x8d: {  	s2 =	sadd.s32 s2, s14  }
0x8e: {  	[smem:$0x3FBE] =	sst s2  }
0x8f: {  	_ = 	snop  }
0x90: {  	s2 =	sld [smem:$0x3FD0];
	_ =	sdelay $0x2  }
0x91: {  	s15 =	simm.s32 $0xA;
	s4 =	simm.s32 $0x10  }
0x92: {  	[smem:s4], [sflag:s15] =	dma.local [hbm:s2], $0x1  }
0x93: {  	_ =	swait.eq [sflag:s15], $0x1  }
0x94: {  	[sflag:s15] =	ssyncset.done $0x0  }
0x95: {  	[sflag:s15] =	ssyncadd.s32 $0xFFFFFFFF  }
0x96: {  	s16 =	sld [smem:$0x11];
	(tm) =	ssettm $0x1  }
0x97: {  	s17 =	sld [smem:$0x3FFB];
	_ =	sdelay $0x3  }
0x98: {  	_ =	strace s17  }
0x99: {  	s3 =	sld [smem:$0x3FFC];
	_ =	sdelay $0x3  }
0x9a: {  	_ =	strace s3  }
0x9b: {  	s3 =	sld [smem:$0x3FFD];
	_ =	sdelay $0x3  }
0x9c: {  	_ =	strace s3  }
0x9d: {  	_ =	strace $0x8FFFFFFF  }
0x9e: {  	s18 =	sld [smem:$0x3FDB];
	_ =	sdelay $0x1  }
0x9f: {  	s19 =	simm.s32 $_scs_section_size  }
0xa0: {  	s5 =	simm.s32 $_size__tile_overlayer_lowered;
	s6 =	simm.s32 $_tile_overlayer_lowered  }
0xa1: {  	s22 =	simm.s32 $0x1BFF;
	s21 =	sshll.u32 s6, $0x1;
	s3 =	sadd.s32 s19, s18  }
0xa2: {  	s7 =	simm.s32 $0x0;
	s20 =	sshll.u32 s5, $0x1;
	s5 =	sadd.s32 s21, s3  }
0xa3: {  	[timem:s7], [sflag:s22] =	dma.local [hbm:s5], s20  }
0xa4: {  	_ =	swait.ge [sflag:s22], s20  }
0xa5: {  	s4 =	ssub.s32 $0x0, s20;
	[sflag:s22] =	ssyncset.done $0x0  }
0xa6: {  	[sflag:s22] =	ssyncadd.s32 s4;
	_ =	sdelay $0x1  }
0xa7: {  	s23 =	simm.s32 $0x1B8B  }
0xa8: {  	_ =	swait.ge [sflag:s23], $0x1  }
0xa9: {  	[sflag:s23] =	ssyncset.done $0x0  }
0xaa: {  	s25 =	simm.s32 $0x1B8E;
	s24 =	sld [smem:$0x3FFE];
	[sflag:s23] =	ssyncadd.s32 $0xFFFFFFFF  }
0xab: {  	s26 =	simm.s32 $execute0_lowered;
	[smem:$0x3FD2] =	sst s25  }
0xac: {  	s5 =	sshll.u32 s26, $0x1;
	_ =	strace $0x8000004C;
	[dreg:$0x1] =	wrdreg $0xFFFFFFFF  }
0xad: {  	s28 =	simm.s32 $_size_execute0_lowered;
	s3 =	sadd.s32 s3, s5;
	[dreg:$0x0] =	wrdreg $0x0  }
0xae: {  	s5 =	sshll.u32 s28, $0x1;
	[dreg:$0x2] =	wrdreg s3  }
0xaf: {  	[dreg:$0x3] =	wrdreg s5  }
0xb0: {  	[dreg:$0x4] =	wrdreg $0xC0  }
0xb1: {  	_ =	task [dreg:s7], $0x5FFFF  }
0xb2: {  	[dreg:$0x1] =	wrdreg $0xFFFFFFFF  }
0xb3: {  	[dreg:$0x0] =	wrdreg $0x60  }
0xb4: {  	[dreg:$0x2] =	wrdreg s24  }
0xb5: {  	[dreg:$0x3] =	wrdreg s16  }
0xb6: {  	[dreg:$0x4] =	wrdreg $0x0  }
0xb7: {  	[dreg:$0x5] =	wrdreg $0x9  }
0xb8: {  	_ =	task.clear_ibuf [dreg:s7], $0x6FFFF;
	_ =	strace $0x9000004C  }
0xb9: {  	s29 =	simm.s32 $0x9;
	_ =	strace $0x8000004E  }
0xba: {  	_ =	swait.ge [sflag:s29], $0x1  }
0xbb: {  	[sflag:s29] =	ssyncadd.s32 $0xFFFFFFFF  }
0xbc: {  	_ =	strace $0x9000004E  }
0xbd: {  	_ =	sfence  }
0xbe: {  	s30 =	sld [smem:$0x0];
	_ =	sdelay $0x2  }
0xbf: {  	s31 =	sshll.u32 s1, $0xD;
	s1 =	sshrl.u32 s1, $0x2  }
0xc0: {  	s3 =	sand.u32 $0x4000, s31;
	s1 =	sadd.s32 s1, s30  }
0xc1: {  	s0 =	sor.u32 s3, s0;
	s1 =	sshll.u32 s1, $0x11  }
0xc2: {  	s0 =	sor.u32 s1, s0  }
0xc3: {  	s0 =	sadd.s32 $0x8F2B, s0  }
0xc4: {  	[sflag:s0] =	ssyncadd.remote.s32 $0x1  }
0xc5: {  	_ =	sfence.sel $0xFFFF  }
0xc6: {  	[dreg:$0x0] =	wrdreg $0xFFFFFFFF;
	(pc) =	sbr.abs _section_cstart, $3  }
0xc7: {  	[dreg:$0x1] =	wrdreg $0xFFFFFFFF  }
0xc8: {  	_ =	task.clear_ibuf [dreg:s7], $0x2FFFF;
	_ =	strace $0x9FFFFFFF  }
0xc9: {  	(tm) =	ssettm $0x7FFFFFFF  }
tec
execute0_lowered:
.L_overlay_start_1:
0x0: {  	(tag) =	ssettag $0x1  }
0x1: {  	s0 =	rddreg [dreg:$0x0]  }
0x2: {  	s3 =	rddreg [dreg:$0x2]  }
0x3: {  	s1 =	srdreg.scid;
	s12 =	stileid.u32  }
0x4: {  	s4 =	simm.s32 $0x0;
	s15 =	simm.s32 $0x7;
	s24 =	simm.s32 $0xC800  }
0x5: {  	s25 =	simm.s32 $0xD800;
	s26 =	simm.s32 $0xD000;
	s31 =	simm.s32 $0xE000  }
0x6: {  	s28 =	simm.s32 $0x2;
	s29 =	simm.s32 $0x4;
	s30 =	simm.s32 $0x0  }
0x7: {  	s1 =	sand.u32 $0x1, s1;
	s2 =	smul.u32 $0xC400, s12;
	[smem:$0x7FF] =	sst s4  }
0x8: {  	s5 =	sadd.s32 $0x37E00, s0;
	s6 =	sadd.s32 $0x3E00, s0;
	s7 =	sadd.s32 $0x6BE00, s0  }
0x9: {  	s11 =	smul.u32 $0xD000, s12;
	_ =	strace $0x8000004D;
	[dreg:$0x6] =	wrdreg s24  }
0xa: {  	s17 =	sshll.u32 s12, $0x6;
	s8 =	smul.u32 $0xC4000, s1;
	[dreg:$0x7] =	wrdreg s25  }
0xb: {  	s9 =	smul.u32 $0xD0000, s1;
	s10 =	ssub.s32 $0x2, s1;
	[dreg:$0x8] =	wrdreg s26  }
0xc: {  	s1 =	sshll.u32 s1, $0x4;
	s24 =	simm.s32 $0xDC00;
	[dreg:$0x9] =	wrdreg s31  }
0xd: {  	s25 =	simm.s32 $0x3;
	s26 =	simm.s32 $0x6;
	s16 =	sshrl.u32 s10, $0x1  }
0xe: {  	s1 =	sor.u32 s12, s1;
	s8 =	sadd.s32 s2, s8;
	s10 =	ssub.s32 s10, s16  }
0xf: {  	s9 =	sadd.s32 s11, s9;
	s1 =	smul.u32 $0x1A00, s1;
	s2 =	sadd.s32 s2, s3  }
0x10: {  	s8 =	sshrl.u32 s8, $0x3;
	s11 =	sor.u32 $0x800, s9;
	s22 =	smax.u32 s10, $0x1  }
0x11: {  	s23 =	sadd.s32 $0x1000, s9;
	s14 =	sshrl.u32 s2, $0x3;
	s0 =	sadd.s32 s8, s0  }
0x12: {  	s8 =	sor.u32 $0x1C07, s17;
	s18 =	sshrl.u32 s11, $0x3;
	[dreg:$0xd] =	wrdreg s22  }
0x13: {  	s19 =	sadd.s32 s5, s1;
	s1 =	sadd.s32 s6, s1;
	[dreg:$0xe] =	wrdreg s23  }
0x14: {  	s17 =	simm.s32 $0xD400;
	s22 =	simm.s32 $0x1;
	[dreg:$0xa] =	wrdreg s19  }
0x15: {  	s23 =	simm.s32 $0xCC00;
	[dreg:$0xb] =	wrdreg s1;
	s0 =	sadd.s32 $0x84600, s0  }
0x16: {  	s20 =	sadd.s32 s18, s6;
	s21 =	sadd.s32 s18, s5;
	[dreg:$0xc] =	wrdreg s0  }
0x17: {  	s18 =	simm.s32 $0x5;
	s19 =	simm.s32 $0x400;
	[dreg:$0x4] =	wrdreg s20  }
0x18: {  	[dreg:$0x5] =	wrdreg s21;
	s20 =	simm.s32 $0xE400;
	s21 =	simm.s32 $0x10400  }
.LBB2_1:
0x19: {  	s0 =	rddreg [dreg:$0x1]  }
0x1a: {  	[spmem:s14], [sflag:s8] =	dma.local [hbm:s0], $0x1880  }
0x1b: {  	_ =	swait.ge [sflag:s15], $0x1880  }
0x1c: {  	[sflag:s15] =	ssyncset.done $0x0  }
0x1d: {  	s1 =	simm.s32 $0xC400;
	s16 =	rddreg [dreg:$0xa];
	[sflag:s15] =	ssyncadd.s32 $0xFFFFE780  }
0x1e: {  	[tilespmem:s1], [sflag:$0x5] =	stream.linear.gather [hbm4b:s16+s4], $0x800, $0x38;
	[tilespmem:$0x12400] =	vst v63  }
0x1f: {  	s2 =	rddreg [dreg:$0xb]  }
0x20: {  	[tilespmem:s17], [sflag:$0x5] =	stream.linear.gather [hbm4b:s2+s4], $0x800, $0x38;
	[tilespmem:$0x12400] =	vst v63  }
0x21: {  	_ =	swait.ge [sflag:s18], $0x800  }
0x22: {  	[sflag:s18] =	ssyncset.done $0x0  }
0x23: {  	[sflag:s18] =	ssyncadd.s32 $0xFFFFF800  }
0x24: {  	_ =	swait.ge [sflag:s18], $0x800  }
0x25: {  	p0 =	por $0x1, $0x1;
	[sflag:s18] =	ssyncset.done $0x0  }
0x26: {  	p0 =	por p0, p0;
	[sflag:s18] =	ssyncadd.s32 $0xFFFFF800  }
0x27: {  	[tilespmem:s20], [sflag:$0x1] =	stream.indirect.gather [hbm4b:s7+s19], $0x8, s1, s19, $0xb8;
	[tilespmem:$0x12400] =	vst v63  }
0x28: {  	s0 =	simm.s32 @!p0 $0x4;
	[bflag:$0x0] =	sbarrier.arrive $0xFFFF  }
0x29: {  	_ =	swait.ge @!p0 [sflag:s0], $0x2000  }
0x2a: {  	[sflag:s0] =	ssyncset.done @!p0 $0x0  }
0x2b: {  	s13 =	smov.u32 s8;
	s8 =	rddreg [dreg:$0x6];
	[sflag:s0] =	ssyncadd.s32 @!p0 $0xFFFFE000  }
0x2c: {  	[tilespmem:s21], [sflag:$0x2] =	stream.indirect.gather [hbm4b:s7+s19], $0x8, s8, s19, $0xb8;
	[tilespmem:$0x12400] =	vst v63  }
0x2d: {  	_ =	swait.ge [sflag:s22], $0x2000  }
0x2e: {  	[sflag:s22] =	ssyncset.done $0x0  }
0x2f: {  	s9 =	rddreg [dreg:$0x5];
	[sflag:s22] =	ssyncadd.s32 $0xFFFFE000  }
0x30: {  	[spmem:s3] =	stream.indirect.scatter.add.f32 [tilespmem:s20], [sflag:$0x3], $0x8, s17, s19, $0xb8;
	[tilespmem:$0x12400] =	vst v63  }
0x31: {  	s10 =	rddreg [dreg:$0x4];
	s0 =	sadd.s32 $0x0, s9  }
0x32: {  	[tilespmem:s23], [sflag:$0x6] =	stream.linear.gather [hbm4b:s0+s4], $0x800, $0x38;
	[tilespmem:$0x12400] =	vst v63  }
0x33: {  	s11 =	sadd.s32 $0x0, s10  }
0x34: {  	[tilespmem:s24], [sflag:$0x6] =	stream.linear.gather [hbm4b:s11+s4], $0x800, $0x38;
	[tilespmem:$0x12400] =	vst v63  }
0x35: {  	_ =	swait.ge [sflag:s25], $0x2000  }
0x36: {  	[sflag:s25] =	ssyncset.done $0x0  }
0x37: {  	[sflag:s25] =	ssyncadd.s32 $0xFFFFE000  }
0x38: {  	_ =	swait.ge [sflag:s26], $0x800  }
0x39: {  	[sflag:s26] =	ssyncset.done $0x0  }
0x3a: {  	[sflag:s26] =	ssyncadd.s32 $0xFFFFF800  }
0x3b: {  	_ =	swait.ge [sflag:s26], $0x800  }
0x3c: {  	[sflag:s26] =	ssyncset.done $0x0  }
0x3d: {  	[sflag:s26] =	ssyncadd.s32 $0xFFFFF800  }
0x3e: {  	[tilespmem:s20], [sflag:$0x1] =	stream.indirect.gather [hbm4b:s7+s19], $0x8, s23, s19, $0xb8;
	[tilespmem:$0x12400] =	vst v63  }
0x3f: {  	_ =	swait.ge [sflag:s28], $0x2000  }
0x40: {  	[sflag:s28] =	ssyncset.done $0x0  }
0x41: {  	s12 =	rddreg [dreg:$0x7];
	[sflag:s28] =	ssyncadd.s32 $0xFFFFE000  }
0x42: {  	[spmem:s3] =	stream.indirect.scatter.add.f32 [tilespmem:s21], [sflag:$0x4], $0x8, s12, s19, $0xb8;
	[tilespmem:$0x12400] =	vst v63  }
0x43: {  	_ =	swait.ge [sflag:s29], $0x2000  }
0x44: {  	[sflag:s29] =	ssyncset.done $0x0  }
0x45: {  	s16 =	rddreg [dreg:$0x8];
	[sflag:s29] =	ssyncadd.s32 $0xFFFFE000  }
0x46: {  	[tilespmem:s21], [sflag:$0x2] =	stream.indirect.gather [hbm4b:s7+s19], $0x8, s16, s19, $0xb8;
	[tilespmem:$0x12400] =	vst v63  }
0x47: {  	_ =	swait.ge [sflag:s22], $0x2000  }
0x48: {  	p0 =	por $0x0, $0x0;
	[sflag:s22] =	ssyncset.done $0x0;
	s8 =	rddreg [dreg:$0xe]  }
0x49: {  	p1 =	por $0x0, $0x0;
	[sflag:s22] =	ssyncadd.s32 $0xFFFFE000;
	s0 =	sshrl.u32 @!p0 s8, $0x3  }
0x4a: {  	[spmem:s3] =	stream.indirect.scatter.add.f32 [tilespmem:s20], [sflag:$0x3], $0x8, s24, s19, $0xb8;
	[tilespmem:$0x12400] =	vst v63  }
0x4b: {  	s1 =	simm.s32 @!p0 $0x0;
	s2 =	simm.s32 @!p0 $0xC400;
	s9 =	sadd.s32 @!p0 s5, s0  }
0x4c: {  	[tilespmem:s2], [sflag:$0x5] =	stream.linear.gather @!p0 [hbm4b:s9+s1], $0x800, $0x38;
	[tilespmem:$0x12400] =	vst v63  }
0x4d: {  	s0 =	sadd.s32 @!p0 s6, s0;
	s2 =	simm.s32 @!p0 $0xD400;
	s9 =	simm.s32 @!p1 $0x3  }
0x4e: {  	[tilespmem:s2], [sflag:$0x5] =	stream.linear.gather @!p0 [hbm4b:s0+s1], $0x800, $0x38;
	[tilespmem:$0x12400] =	vst v63  }
0x4f: {  	_ =	swait.ge @!p1 [sflag:s9], $0x2000  }
0x50: {  	[sflag:s9] =	ssyncset.done @!p1 $0x0  }
0x51: {  	s0 =	simm.s32 @!p0 $0x5;
	[sflag:s9] =	ssyncadd.s32 @!p1 $0xFFFFE000  }
0x52: {  	_ =	swait.ge @!p0 [sflag:s0], $0x800  }
0x53: {  	[sflag:s0] =	ssyncset.done @!p0 $0x0  }
0x54: {  	[sflag:s0] =	ssyncadd.s32 @!p0 $0xFFFFF800  }
0x55: {  	_ =	swait.ge @!p0 [sflag:s0], $0x800  }
0x56: {  	p6 =	por $0x0, $0x0;
	s10 =	simm.s32 @!p1 $0xC400;
	[sflag:s0] =	ssyncset.done @!p0 $0x0  }
0x57: {  	s2 =	simm.s32 @!p1 $0xE400;
	s9 =	simm.s32 @!p1 $0x400;
	[sflag:s0] =	ssyncadd.s32 @!p0 $0xFFFFF800  }
0x58: {  	[tilespmem:s2], [sflag:$0x1] =	stream.indirect.gather @!p1 [hbm4b:s7+s9], $0x8, s10, s9, $0xb8;
	[tilespmem:$0x12400] =	vst v63  }
0x59: {  	s31 =	simm.s32 $0x3;
	s1 =	simm.s32 $0x200;
	_ =	swait.ge [sflag:s28], $0x2000  }
0x5a: {  	p0 =	por p6, p6;
	s0 =	sadd.s32 $0x1000, s8;
	[sflag:s28] =	ssyncset.done $0x0  }
0x5b: {  	s2 =	simm.s32 $0x400;
	s10 =	rddreg [dreg:$0x9];
	[sflag:s28] =	ssyncadd.s32 $0xFFFFE000  }
.LBB2_2:
0x5c: {  	s11 =	simm.s32 @!p0 $0x4  }
0x5d: {  	[spmem:s3] =	stream.indirect.scatter.add.f32 [tilespmem:s21], [sflag:$0x4], $0x8, s10, s19, $0xb8;
	[tilespmem:$0x12400] =	vst v63  }
0x5e: {  	_ =	swait.ge @!p0 [sflag:s11], $0x2000  }
0x5f: {  	[sflag:s11] =	ssyncset.done @!p0 $0x0  }
0x60: {  	s12 =	rddreg [dreg:$0x6];
	[sflag:s11] =	ssyncadd.s32 @!p0 $0xFFFFE000  }
0x61: {  	[tilespmem:s21], [sflag:$0x2] =	stream.indirect.gather [hbm4b:s7+s19], $0x8, s12, s19, $0xb8;
	[tilespmem:$0x12400] =	vst v63  }
0x62: {  	_ =	swait.ge [sflag:s22], $0x2000  }
0x63: {  	[sflag:s22] =	ssyncset.done $0x0  }
0x64: {  	s16 =	rddreg [dreg:$0x5];
	[sflag:s22] =	ssyncadd.s32 $0xFFFFE000  }
0x65: {  	[spmem:s3] =	stream.indirect.scatter.add.f32 [tilespmem:s20], [sflag:$0x3], $0x8, s17, s19, $0xb8;
	[tilespmem:$0x12400] =	vst v63  }
0x66: {  	s8 =	rddreg [dreg:$0x4];
	s10 =	sadd.s32 s1, s16  }
0x67: {  	[tilespmem:s23], [sflag:$0x6] =	stream.linear.gather [hbm4b:s10+s4], $0x800, $0x38;
	[tilespmem:$0x12400] =	vst v63  }
0x68: {  	s11 =	sadd.s32 s1, s8  }
0x69: {  	[tilespmem:s24], [sflag:$0x6] =	stream.linear.gather [hbm4b:s11+s4], $0x800, $0x38;
	[tilespmem:$0x12400] =	vst v63  }
0x6a: {  	_ =	swait.ge [sflag:s25], $0x2000  }
0x6b: {  	[sflag:s25] =	ssyncset.done $0x0  }
0x6c: {  	[sflag:s25] =	ssyncadd.s32 $0xFFFFE000  }
0x6d: {  	_ =	swait.ge [sflag:s26], $0x800  }
0x6e: {  	[sflag:s26] =	ssyncset.done $0x0  }
0x6f: {  	[sflag:s26] =	ssyncadd.s32 $0xFFFFF800  }
0x70: {  	_ =	swait.ge [sflag:s26], $0x800  }
0x71: {  	[sflag:s26] =	ssyncset.done $0x0  }
0x72: {  	[sflag:s26] =	ssyncadd.s32 $0xFFFFF800  }
0x73: {  	[tilespmem:s20], [sflag:$0x1] =	stream.indirect.gather [hbm4b:s7+s19], $0x8, s23, s19, $0xb8;
	[tilespmem:$0x12400] =	vst v63  }
0x74: {  	_ =	swait.ge [sflag:s28], $0x2000  }
0x75: {  	[sflag:s28] =	ssyncset.done $0x0  }
0x76: {  	s12 =	rddreg [dreg:$0x7];
	[sflag:s28] =	ssyncadd.s32 $0xFFFFE000  }
0x77: {  	[spmem:s3] =	stream.indirect.scatter.add.f32 [tilespmem:s21], [sflag:$0x4], $0x8, s12, s19, $0xb8;
	[tilespmem:$0x12400] =	vst v63  }
0x78: {  	_ =	swait.ge [sflag:s29], $0x2000  }
0x79: {  	[sflag:s29] =	ssyncset.done $0x0  }
0x7a: {  	s16 =	rddreg [dreg:$0x8];
	[sflag:s29] =	ssyncadd.s32 $0xFFFFE000  }
0x7b: {  	[tilespmem:s21], [sflag:$0x2] =	stream.indirect.gather [hbm4b:s7+s19], $0x8, s16, s19, $0xb8;
	[tilespmem:$0x12400] =	vst v63  }
0x7c: {  	p2 =	seq.s32 s2, $0x0;
	_ =	swait.ge [sflag:s22], $0x2000  }
0x7d: {  	p3 =	seq.s32 s1, $0x1800;
	p0 =	por p2, p2;
	[sflag:s22] =	ssyncset.done $0x0  }
0x7e: {  	p2 =	sgt.u32 s31, $0x18;
	s1 =	sshrl.u32 @!p3 s0, $0x3;
	[sflag:s22] =	ssyncadd.s32 $0xFFFFE000  }
0x7f: {  	[spmem:s3] =	stream.indirect.scatter.add.f32 [tilespmem:s20], [sflag:$0x3], $0x8, s24, s19, $0xb8;
	[tilespmem:$0x12400] =	vst v63  }
0x80: {  	s10 =	simm.s32 @!p3 $0x0;
	s11 =	simm.s32 @!p3 $0xC400;
	s16 =	sadd.s32 @!p3 s5, s1  }
0x81: {  	[tilespmem:s11], [sflag:$0x5] =	stream.linear.gather @!p3 [hbm4b:s16+s10], $0x800, $0x38;
	[tilespmem:$0x12400] =	vst v63  }
0x82: {  	s8 =	simm.s32 @!p3 $0xD400;
	s12 =	sadd.s32 @!p3 s6, s1;
	s11 =	simm.s32 @!p2 $0x3  }
0x83: {  	[tilespmem:s8], [sflag:$0x5] =	stream.linear.gather @!p3 [hbm4b:s12+s10], $0x800, $0x38;
	[tilespmem:$0x12400] =	vst v63  }
0x84: {  	_ =	swait.ge @!p2 [sflag:s11], $0x2000  }
0x85: {  	[sflag:s11] =	ssyncset.done @!p2 $0x0  }
0x86: {  	s8 =	simm.s32 @!p3 $0x5;
	[sflag:s11] =	ssyncadd.s32 @!p2 $0xFFFFE000  }
0x87: {  	_ =	swait.ge @!p3 [sflag:s8], $0x800  }
0x88: {  	[sflag:s8] =	ssyncset.done @!p3 $0x0  }
0x89: {  	s9 =	smov.u32 s2;
	s2 =	sadd.s32 $0x200, s2;
	[sflag:s8] =	ssyncadd.s32 @!p3 $0xFFFFF800  }
0x8a: {  	p1 =	sne.s32 s2, $0x1A00;
	s1 =	smov.u32 s9;
	_ =	swait.ge @!p3 [sflag:s8], $0x800  }
0x8b: {  	s9 =	simm.s32 @!p2 $0xE400;
	s10 =	simm.s32 @!p2 $0x400;
	[sflag:s8] =	ssyncset.done @!p3 $0x0  }
.Ltmp0:
0x8c: {  	s11 =	simm.s32 @!p2 $0xC400;
	[sflag:s8] =	ssyncadd.s32 @!p3 $0xFFFFF800;
	(pc) =	sbr.rel @p1 .LBB2_2-.Ltmp0, $4  }
0x8d: {  	[tilespmem:s9], [sflag:$0x1] =	stream.indirect.gather @!p2 [hbm4b:s7+s10], $0x8, s11, s10, $0xb8;
	[tilespmem:$0x12400] =	vst v63  }
0x8e: {  	_ =	swait.ge [sflag:s28], $0x2000  }
0x8f: {  	s31 =	sadd.s32 $0x2, s31;
	[sflag:s28] =	ssyncset.done $0x0  }
0x90: {  	s0 =	sadd.s32 $0x1000, s0;
	s10 =	rddreg [dreg:$0x9];
	[sflag:s28] =	ssyncadd.s32 $0xFFFFE000  }
0x91: {  	s2 =	simm.s32 @!p0 $0x4  }
0x92: {  	[spmem:s3] =	stream.indirect.scatter.add.f32 [tilespmem:s21], [sflag:$0x4], $0x8, s10, s19, $0xb8;
	[tilespmem:$0x12400] =	vst v63  }
0x93: {  	_ =	swait.ge @!p0 [sflag:s2], $0x2000  }
0x94: {  	[sflag:s2] =	ssyncset.done @!p0 $0x0  }
0x95: {  	s8 =	rddreg [dreg:$0x6];
	[sflag:s2] =	ssyncadd.s32 @!p0 $0xFFFFE000  }
0x96: {  	[tilespmem:s21], [sflag:$0x2] =	stream.indirect.gather [hbm4b:s7+s19], $0x8, s8, s19, $0xb8;
	[tilespmem:$0x12400] =	vst v63  }
0x97: {  	_ =	swait.ge [sflag:s22], $0x2000  }
0x98: {  	[sflag:s22] =	ssyncset.done $0x0  }
0x99: {  	s12 =	rddreg [dreg:$0x5];
	[sflag:s22] =	ssyncadd.s32 $0xFFFFE000  }
0x9a: {  	[spmem:s3] =	stream.indirect.scatter.add.f32 [tilespmem:s20], [sflag:$0x3], $0x8, s17, s19, $0xb8;
	[tilespmem:$0x12400] =	vst v63  }
0x9b: {  	s16 =	rddreg [dreg:$0x4];
	s2 =	sadd.s32 s1, s12  }
0x9c: {  	[tilespmem:s23], [sflag:$0x6] =	stream.linear.gather [hbm4b:s2+s4], $0x800, $0x38;
	[tilespmem:$0x12400] =	vst v63  }
0x9d: {  	s9 =	sadd.s32 s1, s16  }
0x9e: {  	[tilespmem:s24], [sflag:$0x6] =	stream.linear.gather [hbm4b:s9+s4], $0x800, $0x38;
	[tilespmem:$0x12400] =	vst v63  }
0x9f: {  	_ =	swait.ge [sflag:s25], $0x2000  }
0xa0: {  	[sflag:s25] =	ssyncset.done $0x0  }
0xa1: {  	[sflag:s25] =	ssyncadd.s32 $0xFFFFE000  }
0xa2: {  	_ =	swait.ge [sflag:s26], $0x800  }
0xa3: {  	[sflag:s26] =	ssyncset.done $0x0  }
0xa4: {  	[sflag:s26] =	ssyncadd.s32 $0xFFFFF800  }
0xa5: {  	_ =	swait.ge [sflag:s26], $0x800  }
0xa6: {  	[sflag:s26] =	ssyncset.done $0x0  }
0xa7: {  	[sflag:s26] =	ssyncadd.s32 $0xFFFFF800  }
0xa8: {  	[tilespmem:s20], [sflag:$0x1] =	stream.indirect.gather [hbm4b:s7+s19], $0x8, s23, s19, $0xb8;
	[tilespmem:$0x12400] =	vst v63  }
0xa9: {  	_ =	swait.ge [sflag:s28], $0x2000  }
0xaa: {  	[sflag:s28] =	ssyncset.done $0x0  }
0xab: {  	s10 =	rddreg [dreg:$0x7];
	[sflag:s28] =	ssyncadd.s32 $0xFFFFE000  }
0xac: {  	[spmem:s3] =	stream.indirect.scatter.add.f32 [tilespmem:s21], [sflag:$0x4], $0x8, s10, s19, $0xb8;
	[tilespmem:$0x12400] =	vst v63  }
0xad: {  	_ =	swait.ge [sflag:s29], $0x2000  }
0xae: {  	[sflag:s29] =	ssyncset.done $0x0  }
0xaf: {  	s11 =	rddreg [dreg:$0x8];
	[sflag:s29] =	ssyncadd.s32 $0xFFFFE000  }
0xb0: {  	[tilespmem:s21], [sflag:$0x2] =	stream.indirect.gather [hbm4b:s7+s19], $0x8, s11, s19, $0xb8;
	[tilespmem:$0x12400] =	vst v63  }
0xb1: {  	_ =	swait.ge [sflag:s22], $0x2000  }
0xb2: {  	p0 =	seq.s32 s1, $0x1800;
	[sflag:s22] =	ssyncset.done $0x0  }
0xb3: {  	s0 =	sshrl.u32 @!p0 s0, $0x3;
	[sflag:s22] =	ssyncadd.s32 $0xFFFFE000  }
0xb4: {  	[spmem:s3] =	stream.indirect.scatter.add.f32 [tilespmem:s20], [sflag:$0x3], $0x8, s24, s19, $0xb8;
	[tilespmem:$0x12400] =	vst v63  }
0xb5: {  	s8 =	sadd.s32 @!p0 s5, s0;
	s1 =	simm.s32 @!p0 $0x0;
	s2 =	simm.s32 @!p0 $0xC400  }
0xb6: {  	[tilespmem:s2], [sflag:$0x5] =	stream.linear.gather @!p0 [hbm4b:s8+s1], $0x800, $0x38;
	[tilespmem:$0x12400] =	vst v63  }
0xb7: {  	p1 =	sgt.u32 s31, $0x18;
	s0 =	sadd.s32 @!p0 s6, s0;
	s2 =	simm.s32 @!p0 $0xD400  }
0xb8: {  	[tilespmem:s2], [sflag:$0x5] =	stream.linear.gather @!p0 [hbm4b:s0+s1], $0x800, $0x38;
	[tilespmem:$0x12400] =	vst v63  }
0xb9: {  	s0 =	simm.s32 @!p1 $0x3  }
0xba: {  	_ =	swait.ge @!p1 [sflag:s0], $0x2000  }
0xbb: {  	[sflag:s0] =	ssyncset.done @!p1 $0x0  }
0xbc: {  	s1 =	simm.s32 @!p0 $0x5;
	[sflag:s0] =	ssyncadd.s32 @!p1 $0xFFFFE000  }
0xbd: {  	_ =	swait.ge @!p0 [sflag:s1], $0x800  }
0xbe: {  	[sflag:s1] =	ssyncset.done @!p0 $0x0  }
0xbf: {  	[sflag:s1] =	ssyncadd.s32 @!p0 $0xFFFFF800  }
0xc0: {  	_ =	swait.ge @!p0 [sflag:s1], $0x800  }
0xc1: {  	s2 =	simm.s32 @!p1 $0x400;
	[sflag:s1] =	ssyncset.done @!p0 $0x0  }
0xc2: {  	s0 =	simm.s32 @!p1 $0xE400;
	[sflag:s1] =	ssyncadd.s32 @!p0 $0xFFFFF800;
	s1 =	simm.s32 @!p1 $0xC400  }
0xc3: {  	[tilespmem:s0], [sflag:$0x1] =	stream.indirect.gather @!p1 [hbm4b:s7+s2], $0x8, s1, s2, $0xb8;
	[tilespmem:$0x12400] =	vst v63  }
0xc4: {  	_ =	swait.ge [sflag:s28], $0x2000  }
0xc5: {  	[sflag:s28] =	ssyncset.done $0x0  }
0xc6: {  	s12 =	rddreg [dreg:$0x9];
	[sflag:s28] =	ssyncadd.s32 $0xFFFFE000  }
0xc7: {  	[spmem:s3] =	stream.indirect.scatter.add.f32 [tilespmem:s21], [sflag:$0x4], $0x8, s12, s19, $0xb8;
	[tilespmem:$0x12400] =	vst v63  }
0xc8: {  	_ =	swait.ge [sflag:s25], $0x2000  }
0xc9: {  	[sflag:s25] =	ssyncset.done $0x0  }
0xca: {  	[sflag:s25] =	ssyncadd.s32 $0xFFFFE000  }
0xcb: {  	_ =	swait.ge [sflag:s29], $0x2000  }
0xcc: {  	[sflag:s29] =	ssyncset.done $0x0  }
0xcd: {  	[sflag:s29] =	ssyncadd.s32 $0xFFFFE000  }
0xce: {  	[bflag:$0x0] =	sbarrier.arrive $0xFFFF  }
0xcf: {  	s16 =	rddreg [dreg:$0xc]  }
0xd0: {  	[hbm:s16], [sflag:s13] =	dma.local [spmem:s14], $0x1880  }
0xd1: {  	_ =	swait.ge [sflag:s15], $0x1880  }
0xd2: {  	s30 =	sadd.s32 $0x1, s30;
	s31 =	rddreg [dreg:$0xd]  }
0xd3: {  	p0 =	sne.s32 s30, s31  }
.Ltmp1:
0xd4: {  	_ = 	snop;
	(pc) =	sbr.rel @p0 .LBB2_1-.Ltmp1, $3  }
0xd5: {  	_ =	sdelay $0x1  }
0xd6: {  	[sflag:s15] =	ssyncset.done $0x0  }
0xd7: {  	s8 =	smov.u32 s13;
	[sflag:s15] =	ssyncadd.s32 $0xFFFFE780  }
0xd8: {  	_ =	sfence.sel $0x180000  }
0xd9: {  	[bflag:$0x0] =	sbarrier.arrive $0xFFFF  }
0xda: {  	_ =	strace $0x9000004D  }
0xdb: {  	s0 =	stileid.u32;
	[bflag:$0x2] =	sbarrier.arrive $0xFFFF  }
0xdc: {  	p0 =	sne.s32 s0, $0x0;
	s0 =	rddreg [dreg:$0x3]  }
0xdd: {  	s0 =	sadd.s32 @!p0 $0x100000, s0  }
0xde: {  	[sflag:s0] =	ssyncadd.tile.s32 @!p0 $0x1;
	_ =	shalt  }
.Lfunc_end2:
_tile_overlayer_lowered:
.L_overlay_start_2:
0xdf: {  	(tag) =	ssettag $0x2  }
0xe0: {  	s0 =	rddreg [dreg:$0x0];
	s2 =	stileid.u32  }
0xe1: {  	s1 =	rddreg [dreg:$0x1];
	p0 =	sne.s32 s2, $0x0  }
0xe2: {  	s3 =	rddreg [dreg:$0x2];
	[bflag:$0x3] =	sbarrier.arrive $0xFFFF;
	s2 =	simm.s32 @!p0 $0x1C07  }
0xe3: {  	[timem:s3], [sflag:s2] =	dma.local @!p0 [hbm:s0], s1  }
0xe4: {  	s0 =	simm.s32 @!p0 $0x7  }
0xe5: {  	_ =	swait.ge @!p0 [sflag:s0], s1  }
0xe6: {  	s1 =	ssub.s32 @!p0 $0x0, s1;
	[sflag:s0] =	ssyncset.done @!p0 $0x0  }
0xe7: {  	[sflag:s0] =	ssyncadd.s32 @!p0 s1  }
0xe8: {  	[bflag:$0x3] =	sbarrier.arrive $0xFFFF  }
0xe9: {  	_ =	shalt  }

// kernel: kernel.20.cloned.1.call-start
scs
__scs_entry_jumppad:
0x0: {  	(pc) =	sbr.rel $0x88, $3  }
0x1: {  	(tag) =	ssettag $0x0;
	lr =	simm.s32 $0x1  }
0x2: {  	[smem:$0x3F97] =	sst lr;
	_ =	strace $0xD0000000  }
0x3: {  	_ = 	snop  }
0x4: {  	_ = 	snop  }
0x5: {  	_ = 	snop  }
0x6: {  	_ = 	snop  }
0x7: {  	_ = 	snop  }
__scs_overlays_trampoline_lowered:
0x8: {  	[smem:$0x3FA6] =	sst s0  }
0x9: {  	[smem:$0x3FA7] =	sst s1  }
0xa: {  	[smem:$0x3FA8] =	sst s2  }
0xb: {  	[smem:$0x3FA9] =	sst s3  }
0xc: {  	[smem:$0x3FAA] =	sst s4  }
0xd: {  	[smem:$0x3FAB] =	sst s5  }
0xe: {  	[smem:$0x3FAC] =	sst s6  }
0xf: {  	[smem:$0x3FAD] =	sst s7  }
0x10: {  	[smem:$0x3FAE] =	sst s8  }
0x11: {  	[smem:$0x3FAF] =	sst s9;
	s0 =	simm.s32 @!p0 $0x0  }
0x12: {  	s1 =	sld [smem:$0x3F95];
	s0 =	simm.s32 @p0 $0x1  }
0x13: {  	[smem:$0x3FB0] =	sst s0;
	s0 =	simm.s32 @!p1 $0x0  }
0x14: {  	s2 =	sld [smem:$0x3F94];
	s0 =	simm.s32 @p1 $0x1  }
0x15: {  	[smem:$0x3FB1] =	sst s0;
	s0 =	simm.s32 @!p2 $0x0  }
0x16: {  	s3 =	sld [smem:$0x3FDB];
	s0 =	simm.s32 @p2 $0x1  }
0x17: {  	s4 =	simm.s32 $0x1BF5;
	[smem:$0x3FB3] =	sst s0  }
0x18: {  	s0 =	sld [smem:$0x3F96];
	_ =	swait.ge [sflag:s4], $0x0  }
0x19: {  	s7 =	sld [smem:$0x3F97]  }
0x1a: {  	s8 =	sadd.s32 $0xFFFFE003, lr  }
0x1b: {  	s9 =	sadd.s32 $0xFFFFFEF7, lr;
	s5 =	simm.s32 $0xFFFFFFFF;
	p2 =	slt.u32 s8, $0xFFFFF086  }
0x1c: {  	p1 =	slt.u32 s9, $0xF7A;
	s5 =	simm.s32 @!p2 $0x0  }
0x1d: {  	s5 =	simm.s32 @p1 $0x1;
	p0 =	seq.s32 s7, s2  }
0x1e: {  	s7 =	smul.u32 @!p0 $0xF7A, s2;
	p2 =	seq.s32 @!p0 s5, $0x0  }
0x1f: {  	s9 =	smul.u32 $0xF7A, s1;
	s8 =	simm.s32 @!p0 $0x1BF5;
	p2 =	por !p2, p0  }
0x20: {  	[sflag:s8] =	ssyncset.s32 @!p0 $0xFFFFF086;
	s6 =	sadd.s32 @!p0 s3, s7;
	s7 =	simm.s32 @!p0 $0x108  }
0x21: {  	s3 =	sadd.s32 s3, s9;
	s6 =	sadd.s32 @!p0 $0x88, s6;
	s7 =	simm.s32 @p2 $0x1082  }
0x22: {  	[simem:s7], [sflag:s8] =	dma.local @!p0 [hbm:s6], $0xF7A  }
0x23: {  	s9 =	sor.u32 $0xD0000000, s2;
	s6 =	simm.s32 $0x108;
	_ =	swait.ge @!p0 [sflag:s8], $0x0  }
0x24: {  	s3 =	sadd.s32 $0x88, s3;
	s6 =	simm.s32 @!p1 $0x1082;
	[sflag:s4] =	ssyncset.s32 $0xFFFFF086  }
0x25: {  	[simem:s6], [sflag:s4] =	dma.local [hbm:s3], $0xF7A  }
0x26: {  	[smem:$0x3F97] =	sst s1;
	(tag) =	ssettag s2;
	_ =	strace s9  }
0x27: {  	s1 =	sld [smem:$0x3FA7]  }
0x28: {  	s2 =	sld [smem:$0x3FA8]  }
0x29: {  	s4 =	sld [smem:$0x3FAA]  }
0x2a: {  	p0 =	seq.s32 s5, $0x0;
	s5 =	sld [smem:$0x3FAB]  }
0x2b: {  	s6 =	sld [smem:$0x3FAC]  }
0x2c: {  	s7 =	sld [smem:$0x3FAD]  }
0x2d: {  	s3 =	simm.s32 $0x108;
	s8 =	sld [smem:$0x3FAE]  }
0x2e: {  	s3 =	simm.s32 @!p0 $0x1082;
	s9 =	sld [smem:$0x3FAF]  }
0x2f: {  	lr =	sadd.s32 s0, s3;
	s0 =	sld [smem:$0x3FA6]  }
0x30: {  	s3 =	sld [smem:$0x3FA9]  }
0x31: {  	[smem:$0x3FB2] =	sst s10  }
0x32: {  	s10 =	sld [smem:$0x3FB0];
	_ =	sdelay $0x3  }
0x33: {  	p0 =	seq.s32 s10, $0x1;
	s10 =	sld [smem:$0x3FB2];
	_ =	sdelay $0x3  }
0x34: {  	[smem:$0x3FB2] =	sst s10  }
0x35: {  	s10 =	sld [smem:$0x3FB1];
	_ =	sdelay $0x3  }
0x36: {  	p1 =	seq.s32 s10, $0x1;
	s10 =	sld [smem:$0x3FB2];
	_ =	sdelay $0x3  }
0x37: {  	[smem:$0x3FB2] =	sst s10  }
0x38: {  	s10 =	sld [smem:$0x3FB3]  }
0x39: {  	_ = 	snop;
	(pc) =	sbr.ind lr, $3  }
0x3a: {  	_ = 	snop  }
0x3b: {  	_ = 	snop  }
0x3c: {  	p2 =	seq.s32 s10, $0x1;
	s10 =	sld [smem:$0x3FB2]  }
0x3d: {  	_ =	shalt  }
0x3e: {  	_ =	shalt  }
0x3f: {  	_ =	shalt  }
0x40: {  	_ =	shalt  }
0x41: {  	_ =	shalt  }
0x42: {  	_ =	shalt  }
0x43: {  	_ =	shalt  }
0x44: {  	_ =	shalt  }
0x45: {  	_ =	shalt  }
0x46: {  	_ =	shalt  }
0x47: {  	_ =	shalt  }
0x48: {  	_ =	shalt  }
0x49: {  	_ =	shalt  }
0x4a: {  	_ =	shalt  }
0x4b: {  	_ =	shalt  }
0x4c: {  	_ =	shalt  }
0x4d: {  	_ =	shalt  }
0x4e: {  	_ =	shalt  }
0x4f: {  	_ =	shalt  }
0x50: {  	_ =	shalt  }
0x51: {  	_ =	shalt  }
0x52: {  	_ =	shalt  }
0x53: {  	_ =	shalt  }
0x54: {  	_ =	shalt  }
0x55: {  	_ =	shalt  }
0x56: {  	_ =	shalt  }
0x57: {  	_ =	shalt  }
0x58: {  	_ =	shalt  }
0x59: {  	_ =	shalt  }
0x5a: {  	_ =	shalt  }
0x5b: {  	_ =	shalt  }
0x5c: {  	_ =	shalt  }
0x5d: {  	_ =	shalt  }
0x5e: {  	_ =	shalt  }
0x5f: {  	_ =	shalt  }
0x60: {  	_ =	shalt  }
0x61: {  	_ =	shalt  }
0x62: {  	_ =	shalt  }
0x63: {  	_ =	shalt  }
0x64: {  	_ =	shalt  }
0x65: {  	_ =	shalt  }
0x66: {  	_ =	shalt  }
0x67: {  	_ =	shalt  }
0x68: {  	_ =	shalt  }
0x69: {  	_ =	shalt  }
0x6a: {  	_ =	shalt  }
0x6b: {  	_ =	shalt  }
0x6c: {  	_ =	shalt  }
0x6d: {  	_ =	shalt  }
0x6e: {  	_ =	shalt  }
0x6f: {  	_ =	shalt  }
0x70: {  	_ =	shalt  }
0x71: {  	_ =	shalt  }
0x72: {  	_ =	shalt  }
0x73: {  	_ =	shalt  }
0x74: {  	_ =	shalt  }
0x75: {  	_ =	shalt  }
0x76: {  	_ =	shalt  }
0x77: {  	_ =	shalt  }
0x78: {  	_ =	shalt  }
0x79: {  	_ =	shalt  }
0x7a: {  	_ =	shalt  }
0x7b: {  	_ =	shalt  }
0x7c: {  	_ =	shalt  }
0x7d: {  	_ =	shalt  }
0x7e: {  	_ =	shalt  }
0x7f: {  	_ =	shalt  }
0x80: {  	_ =	shalt  }
0x81: {  	_ =	shalt  }
0x82: {  	_ =	shalt  }
0x83: {  	_ =	shalt  }
0x84: {  	_ =	shalt  }
0x85: {  	_ =	shalt  }
0x86: {  	_ =	shalt  }
0x87: {  	_ =	shalt  }
.Lfunc_end0:
.L_simem_size_0:
called_computation.3_lowered:
.L_overlay_start_0:
0x88: {  	s2 =	sld [smem:$0x3FD9]  }
0x89: {  	s3 =	sld [smem:$0x3FFE];
	_ =	sdelay $0x1  }
0x8a: {  	s1 =	srdreg.scid  }
0x8b: {  	s0 =	sand.u32 $0x1, s1  }
0x8c: {  	s14 =	sshll.u32 s0, $0xA;
	s2 =	sadd.s32 s3, s2  }
0x8d: {  	s2 =	sadd.s32 s2, s14  }
0x8e: {  	[smem:$0x3FBE] =	sst s2  }
0x8f: {  	_ = 	snop  }
0x90: {  	s2 =	sld [smem:$0x3FD0];
	_ =	sdelay $0x2  }
0x91: {  	s15 =	simm.s32 $0xA;
	s4 =	simm.s32 $0x10  }
0x92: {  	[smem:s4], [sflag:s15] =	dma.local [hbm:s2], $0x1  }
0x93: {  	_ =	swait.eq [sflag:s15], $0x1  }
0x94: {  	[sflag:s15] =	ssyncset.done $0x0  }
0x95: {  	[sflag:s15] =	ssyncadd.s32 $0xFFFFFFFF  }
0x96: {  	s16 =	sld [smem:$0x11];
	(tm) =	ssettm $0x1  }
0x97: {  	s17 =	sld [smem:$0x3FFB];
	_ =	sdelay $0x3  }
0x98: {  	_ =	strace s17  }
0x99: {  	s3 =	sld [smem:$0x3FFC];
	_ =	sdelay $0x3  }
0x9a: {  	_ =	strace s3  }
0x9b: {  	s3 =	sld [smem:$0x3FFD];
	_ =	sdelay $0x3  }
0x9c: {  	_ =	strace s3  }
0x9d: {  	_ =	strace $0x8FFFFFFF  }
0x9e: {  	s18 =	sld [smem:$0x3FDB];
	_ =	sdelay $0x1  }
0x9f: {  	s19 =	simm.s32 $_scs_section_size  }
0xa0: {  	s5 =	simm.s32 $_size__tile_overlayer_lowered;
	s6 =	simm.s32 $_tile_overlayer_lowered  }
0xa1: {  	s22 =	simm.s32 $0x1BFF;
	s21 =	sshll.u32 s6, $0x1;
	s3 =	sadd.s32 s19, s18  }
0xa2: {  	s7 =	simm.s32 $0x0;
	s20 =	sshll.u32 s5, $0x1;
	s5 =	sadd.s32 s21, s3  }
0xa3: {  	[timem:s7], [sflag:s22] =	dma.local [hbm:s5], s20  }
0xa4: {  	_ =	swait.ge [sflag:s22], s20  }
0xa5: {  	s4 =	ssub.s32 $0x0, s20;
	[sflag:s22] =	ssyncset.done $0x0  }
0xa6: {  	[sflag:s22] =	ssyncadd.s32 s4;
	_ =	sdelay $0x1  }
0xa7: {  	s23 =	simm.s32 $0x1B8B  }
0xa8: {  	_ =	swait.ge [sflag:s23], $0x1  }
0xa9: {  	[sflag:s23] =	ssyncset.done $0x0  }
0xaa: {  	s25 =	simm.s32 $0x1B8E;
	s24 =	sld [smem:$0x3FFE];
	[sflag:s23] =	ssyncadd.s32 $0xFFFFFFFF  }
0xab: {  	s26 =	simm.s32 $execute0_lowered;
	[smem:$0x3FD2] =	sst s25  }
0xac: {  	s5 =	sshll.u32 s26, $0x1;
	_ =	strace $0x8000004F;
	[dreg:$0x1] =	wrdreg $0xFFFFFFFF  }
0xad: {  	s28 =	simm.s32 $_size_execute0_lowered;
	s3 =	sadd.s32 s3, s5;
	[dreg:$0x0] =	wrdreg $0x0  }
0xae: {  	s5 =	sshll.u32 s28, $0x1;
	[dreg:$0x2] =	wrdreg s3  }
0xaf: {  	[dreg:$0x3] =	wrdreg s5  }
0xb0: {  	[dreg:$0x4] =	wrdreg $0xC0  }
0xb1: {  	_ =	task [dreg:s7], $0x5FFFF  }
0xb2: {  	[dreg:$0x1] =	wrdreg $0xFFFFFFFF  }
0xb3: {  	[dreg:$0x0] =	wrdreg $0x60  }
0xb4: {  	[dreg:$0x2] =	wrdreg s24  }
0xb5: {  	[dreg:$0x3] =	wrdreg s16  }
0xb6: {  	[dreg:$0x4] =	wrdreg $0x0  }
0xb7: {  	[dreg:$0x5] =	wrdreg $0x9  }
0xb8: {  	_ =	task.clear_ibuf [dreg:s7], $0x6FFFF;
	_ =	strace $0x9000004F  }
0xb9: {  	s29 =	simm.s32 $0x9;
	_ =	strace $0x80000051  }
0xba: {  	_ =	swait.ge [sflag:s29], $0x1  }
0xbb: {  	[sflag:s29] =	ssyncadd.s32 $0xFFFFFFFF  }
0xbc: {  	_ =	strace $0x90000051  }
0xbd: {  	_ =	sfence  }
0xbe: {  	s30 =	sld [smem:$0x0];
	_ =	sdelay $0x2  }
0xbf: {  	s31 =	sshll.u32 s1, $0xD;
	s1 =	sshrl.u32 s1, $0x2  }
0xc0: {  	s3 =	sand.u32 $0x4000, s31;
	s1 =	sadd.s32 s1, s30  }
0xc1: {  	s0 =	sor.u32 s3, s0;
	s1 =	sshll.u32 s1, $0x11  }
0xc2: {  	s0 =	sor.u32 s1, s0  }
0xc3: {  	s0 =	sadd.s32 $0x8F2B, s0  }
0xc4: {  	[sflag:s0] =	ssyncadd.remote.s32 $0x1  }
0xc5: {  	_ =	sfence.sel $0xFFFF  }
0xc6: {  	[dreg:$0x0] =	wrdreg $0xFFFFFFFF;
	(pc) =	sbr.abs _section_cstart, $3  }
0xc7: {  	[dreg:$0x1] =	wrdreg $0xFFFFFFFF  }
0xc8: {  	_ =	task.clear_ibuf [dreg:s7], $0x2FFFF;
	_ =	strace $0x9FFFFFFF  }
0xc9: {  	(tm) =	ssettm $0x7FFFFFFF  }
tec
execute0_lowered:
.L_overlay_start_1:
0x0: {  	(tag) =	ssettag $0x1  }
0x1: {  	s0 =	rddreg [dreg:$0x0]  }
0x2: {  	s3 =	rddreg [dreg:$0x2]  }
0x3: {  	s1 =	srdreg.scid;
	s12 =	stileid.u32  }
0x4: {  	s4 =	simm.s32 $0x0;
	s15 =	simm.s32 $0x7;
	s24 =	simm.s32 $0xC800  }
0x5: {  	s25 =	simm.s32 $0xD800;
	s26 =	simm.s32 $0xD000;
	s31 =	simm.s32 $0xE000  }
0x6: {  	s28 =	simm.s32 $0x2;
	s29 =	simm.s32 $0x4;
	s30 =	simm.s32 $0x0  }
0x7: {  	s1 =	sand.u32 $0x1, s1;
	s2 =	smul.u32 $0xC400, s12;
	[smem:$0x7FF] =	sst s4  }
0x8: {  	s5 =	sadd.s32 $0x37E00, s0;
	s6 =	sadd.s32 $0x3E00, s0;
	s7 =	sadd.s32 $0x6BE00, s0  }
0x9: {  	s11 =	smul.u32 $0xD000, s12;
	_ =	strace $0x80000050;
	[dreg:$0x6] =	wrdreg s24  }
0xa: {  	s17 =	sshll.u32 s12, $0x6;
	s8 =	smul.u32 $0xC4000, s1;
	[dreg:$0x7] =	wrdreg s25  }
0xb: {  	s9 =	smul.u32 $0xD0000, s1;
	s10 =	ssub.s32 $0x2, s1;
	[dreg:$0x8] =	wrdreg s26  }
0xc: {  	s1 =	sshll.u32 s1, $0x4;
	s24 =	simm.s32 $0xDC00;
	[dreg:$0x9] =	wrdreg s31  }
0xd: {  	s25 =	simm.s32 $0x3;
	s26 =	simm.s32 $0x6;
	s16 =	sshrl.u32 s10, $0x1  }
0xe: {  	s1 =	sor.u32 s12, s1;
	s8 =	sadd.s32 s2, s8;
	s10 =	ssub.s32 s10, s16  }
0xf: {  	s9 =	sadd.s32 s11, s9;
	s1 =	smul.u32 $0x1A00, s1;
	s2 =	sadd.s32 s2, s3  }
0x10: {  	s8 =	sshrl.u32 s8, $0x3;
	s11 =	sor.u32 $0x800, s9;
	s22 =	smax.u32 s10, $0x1  }
0x11: {  	s23 =	sadd.s32 $0x1000, s9;
	s14 =	sshrl.u32 s2, $0x3;
	s0 =	sadd.s32 s8, s0  }
0x12: {  	s8 =	sor.u32 $0x1C07, s17;
	s18 =	sshrl.u32 s11, $0x3;
	[dreg:$0xd] =	wrdreg s22  }
0x13: {  	s19 =	sadd.s32 s5, s1;
	s1 =	sadd.s32 s6, s1;
	[dreg:$0xe] =	wrdreg s23  }
0x14: {  	s17 =	simm.s32 $0xD400;
	s22 =	simm.s32 $0x1;
	[dreg:$0xa] =	wrdreg s19  }
0x15: {  	s23 =	simm.s32 $0xCC00;
	[dreg:$0xb] =	wrdreg s1;
	s0 =	sadd.s32 $0x84600, s0  }
0x16: {  	s20 =	sadd.s32 s18, s6;
	s21 =	sadd.s32 s18, s5;
	[dreg:$0xc] =	wrdreg s0  }
0x17: {  	s18 =	simm.s32 $0x5;
	s19 =	simm.s32 $0x400;
	[dreg:$0x4] =	wrdreg s20  }
0x18: {  	[dreg:$0x5] =	wrdreg s21;
	s20 =	simm.s32 $0xE400;
	s21 =	simm.s32 $0x10400  }
.LBB2_1:
0x19: {  	s0 =	rddreg [dreg:$0x1]  }
0x1a: {  	[spmem:s14], [sflag:s8] =	dma.local [hbm:s0], $0x1880  }
0x1b: {  	_ =	swait.ge [sflag:s15], $0x1880  }
0x1c: {  	[sflag:s15] =	ssyncset.done $0x0  }
0x1d: {  	s1 =	simm.s32 $0xC400;
	s16 =	rddreg [dreg:$0xa];
	[sflag:s15] =	ssyncadd.s32 $0xFFFFE780  }
0x1e: {  	[tilespmem:s1], [sflag:$0x5] =	stream.linear.gather [hbm4b:s16+s4], $0x800, $0x38;
	[tilespmem:$0x12400] =	vst v63  }
0x1f: {  	s2 =	rddreg [dreg:$0xb]  }
0x20: {  	[tilespmem:s17], [sflag:$0x5] =	stream.linear.gather [hbm4b:s2+s4], $0x800, $0x38;
	[tilespmem:$0x12400] =	vst v63  }
0x21: {  	_ =	swait.ge [sflag:s18], $0x800  }
0x22: {  	[sflag:s18] =	ssyncset.done $0x0  }
0x23: {  	[sflag:s18] =	ssyncadd.s32 $0xFFFFF800  }
0x24: {  	_ =	swait.ge [sflag:s18], $0x800  }
0x25: {  	p0 =	por $0x1, $0x1;
	[sflag:s18] =	ssyncset.done $0x0  }
0x26: {  	p0 =	por p0, p0;
	[sflag:s18] =	ssyncadd.s32 $0xFFFFF800  }
0x27: {  	[tilespmem:s20], [sflag:$0x1] =	stream.indirect.gather [hbm4b:s7+s19], $0x8, s1, s19, $0xb8;
	[tilespmem:$0x12400] =	vst v63  }
0x28: {  	s0 =	simm.s32 @!p0 $0x4;
	[bflag:$0x0] =	sbarrier.arrive $0xFFFF  }
0x29: {  	_ =	swait.ge @!p0 [sflag:s0], $0x2000  }
0x2a: {  	[sflag:s0] =	ssyncset.done @!p0 $0x0  }
0x2b: {  	s13 =	smov.u32 s8;
	s8 =	rddreg [dreg:$0x6];
	[sflag:s0] =	ssyncadd.s32 @!p0 $0xFFFFE000  }
0x2c: {  	[tilespmem:s21], [sflag:$0x2] =	stream.indirect.gather [hbm4b:s7+s19], $0x8, s8, s19, $0xb8;
	[tilespmem:$0x12400] =	vst v63  }
0x2d: {  	_ =	swait.ge [sflag:s22], $0x2000  }
0x2e: {  	[sflag:s22] =	ssyncset.done $0x0  }
0x2f: {  	s9 =	rddreg [dreg:$0x5];
	[sflag:s22] =	ssyncadd.s32 $0xFFFFE000  }
0x30: {  	[spmem:s3] =	stream.indirect.scatter.add.f32 [tilespmem:s20], [sflag:$0x3], $0x8, s17, s19, $0xb8;
	[tilespmem:$0x12400] =	vst v63  }
0x31: {  	s10 =	rddreg [dreg:$0x4];
	s0 =	sadd.s32 $0x0, s9  }
0x32: {  	[tilespmem:s23], [sflag:$0x6] =	stream.linear.gather [hbm4b:s0+s4], $0x800, $0x38;
	[tilespmem:$0x12400] =	vst v63  }
0x33: {  	s11 =	sadd.s32 $0x0, s10  }
0x34: {  	[tilespmem:s24], [sflag:$0x6] =	stream.linear.gather [hbm4b:s11+s4], $0x800, $0x38;
	[tilespmem:$0x12400] =	vst v63  }
0x35: {  	_ =	swait.ge [sflag:s25], $0x2000  }
0x36: {  	[sflag:s25] =	ssyncset.done $0x0  }
0x37: {  	[sflag:s25] =	ssyncadd.s32 $0xFFFFE000  }
0x38: {  	_ =	swait.ge [sflag:s26], $0x800  }
0x39: {  	[sflag:s26] =	ssyncset.done $0x0  }
0x3a: {  	[sflag:s26] =	ssyncadd.s32 $0xFFFFF800  }
0x3b: {  	_ =	swait.ge [sflag:s26], $0x800  }
0x3c: {  	[sflag:s26] =	ssyncset.done $0x0  }
0x3d: {  	[sflag:s26] =	ssyncadd.s32 $0xFFFFF800  }
0x3e: {  	[tilespmem:s20], [sflag:$0x1] =	stream.indirect.gather [hbm4b:s7+s19], $0x8, s23, s19, $0xb8;
	[tilespmem:$0x12400] =	vst v63  }
0x3f: {  	_ =	swait.ge [sflag:s28], $0x2000  }
0x40: {  	[sflag:s28] =	ssyncset.done $0x0  }
0x41: {  	s12 =	rddreg [dreg:$0x7];
	[sflag:s28] =	ssyncadd.s32 $0xFFFFE000  }
0x42: {  	[spmem:s3] =	stream.indirect.scatter.add.f32 [tilespmem:s21], [sflag:$0x4], $0x8, s12, s19, $0xb8;
	[tilespmem:$0x12400] =	vst v63  }
0x43: {  	_ =	swait.ge [sflag:s29], $0x2000  }
0x44: {  	[sflag:s29] =	ssyncset.done $0x0  }
0x45: {  	s16 =	rddreg [dreg:$0x8];
	[sflag:s29] =	ssyncadd.s32 $0xFFFFE000  }
0x46: {  	[tilespmem:s21], [sflag:$0x2] =	stream.indirect.gather [hbm4b:s7+s19], $0x8, s16, s19, $0xb8;
	[tilespmem:$0x12400] =	vst v63  }
0x47: {  	_ =	swait.ge [sflag:s22], $0x2000  }
0x48: {  	p0 =	por $0x0, $0x0;
	[sflag:s22] =	ssyncset.done $0x0;
	s8 =	rddreg [dreg:$0xe]  }
0x49: {  	p1 =	por $0x0, $0x0;
	[sflag:s22] =	ssyncadd.s32 $0xFFFFE000;
	s0 =	sshrl.u32 @!p0 s8, $0x3  }
0x4a: {  	[spmem:s3] =	stream.indirect.scatter.add.f32 [tilespmem:s20], [sflag:$0x3], $0x8, s24, s19, $0xb8;
	[tilespmem:$0x12400] =	vst v63  }
0x4b: {  	s1 =	simm.s32 @!p0 $0x0;
	s2 =	simm.s32 @!p0 $0xC400;
	s9 =	sadd.s32 @!p0 s5, s0  }
0x4c: {  	[tilespmem:s2], [sflag:$0x5] =	stream.linear.gather @!p0 [hbm4b:s9+s1], $0x800, $0x38;
	[tilespmem:$0x12400] =	vst v63  }
0x4d: {  	s0 =	sadd.s32 @!p0 s6, s0;
	s2 =	simm.s32 @!p0 $0xD400;
	s9 =	simm.s32 @!p1 $0x3  }
0x4e: {  	[tilespmem:s2], [sflag:$0x5] =	stream.linear.gather @!p0 [hbm4b:s0+s1], $0x800, $0x38;
	[tilespmem:$0x12400] =	vst v63  }
0x4f: {  	_ =	swait.ge @!p1 [sflag:s9], $0x2000  }
0x50: {  	[sflag:s9] =	ssyncset.done @!p1 $0x0  }
0x51: {  	s0 =	simm.s32 @!p0 $0x5;
	[sflag:s9] =	ssyncadd.s32 @!p1 $0xFFFFE000  }
0x52: {  	_ =	swait.ge @!p0 [sflag:s0], $0x800  }
0x53: {  	[sflag:s0] =	ssyncset.done @!p0 $0x0  }
0x54: {  	[sflag:s0] =	ssyncadd.s32 @!p0 $0xFFFFF800  }
0x55: {  	_ =	swait.ge @!p0 [sflag:s0], $0x800  }
0x56: {  	p6 =	por $0x0, $0x0;
	s10 =	simm.s32 @!p1 $0xC400;
	[sflag:s0] =	ssyncset.done @!p0 $0x0  }
0x57: {  	s2 =	simm.s32 @!p1 $0xE400;
	s9 =	simm.s32 @!p1 $0x400;
	[sflag:s0] =	ssyncadd.s32 @!p0 $0xFFFFF800  }
0x58: {  	[tilespmem:s2], [sflag:$0x1] =	stream.indirect.gather @!p1 [hbm4b:s7+s9], $0x8, s10, s9, $0xb8;
	[tilespmem:$0x12400] =	vst v63  }
0x59: {  	s31 =	simm.s32 $0x3;
	s1 =	simm.s32 $0x200;
	_ =	swait.ge [sflag:s28], $0x2000  }
0x5a: {  	p0 =	por p6, p6;
	s0 =	sadd.s32 $0x1000, s8;
	[sflag:s28] =	ssyncset.done $0x0  }
0x5b: {  	s2 =	simm.s32 $0x400;
	s10 =	rddreg [dreg:$0x9];
	[sflag:s28] =	ssyncadd.s32 $0xFFFFE000  }
.LBB2_2:
0x5c: {  	s11 =	simm.s32 @!p0 $0x4  }
0x5d: {  	[spmem:s3] =	stream.indirect.scatter.add.f32 [tilespmem:s21], [sflag:$0x4], $0x8, s10, s19, $0xb8;
	[tilespmem:$0x12400] =	vst v63  }
0x5e: {  	_ =	swait.ge @!p0 [sflag:s11], $0x2000  }
0x5f: {  	[sflag:s11] =	ssyncset.done @!p0 $0x0  }
0x60: {  	s12 =	rddreg [dreg:$0x6];
	[sflag:s11] =	ssyncadd.s32 @!p0 $0xFFFFE000  }
0x61: {  	[tilespmem:s21], [sflag:$0x2] =	stream.indirect.gather [hbm4b:s7+s19], $0x8, s12, s19, $0xb8;
	[tilespmem:$0x12400] =	vst v63  }
0x62: {  	_ =	swait.ge [sflag:s22], $0x2000  }
0x63: {  	[sflag:s22] =	ssyncset.done $0x0  }
0x64: {  	s16 =	rddreg [dreg:$0x5];
	[sflag:s22] =	ssyncadd.s32 $0xFFFFE000  }
0x65: {  	[spmem:s3] =	stream.indirect.scatter.add.f32 [tilespmem:s20], [sflag:$0x3], $0x8, s17, s19, $0xb8;
	[tilespmem:$0x12400] =	vst v63  }
0x66: {  	s8 =	rddreg [dreg:$0x4];
	s10 =	sadd.s32 s1, s16  }
0x67: {  	[tilespmem:s23], [sflag:$0x6] =	stream.linear.gather [hbm4b:s10+s4], $0x800, $0x38;
	[tilespmem:$0x12400] =	vst v63  }
0x68: {  	s11 =	sadd.s32 s1, s8  }
0x69: {  	[tilespmem:s24], [sflag:$0x6] =	stream.linear.gather [hbm4b:s11+s4], $0x800, $0x38;
	[tilespmem:$0x12400] =	vst v63  }
0x6a: {  	_ =	swait.ge [sflag:s25], $0x2000  }
0x6b: {  	[sflag:s25] =	ssyncset.done $0x0  }
0x6c: {  	[sflag:s25] =	ssyncadd.s32 $0xFFFFE000  }
0x6d: {  	_ =	swait.ge [sflag:s26], $0x800  }
0x6e: {  	[sflag:s26] =	ssyncset.done $0x0  }
0x6f: {  	[sflag:s26] =	ssyncadd.s32 $0xFFFFF800  }
0x70: {  	_ =	swait.ge [sflag:s26], $0x800  }
0x71: {  	[sflag:s26] =	ssyncset.done $0x0  }
0x72: {  	[sflag:s26] =	ssyncadd.s32 $0xFFFFF800  }
0x73: {  	[tilespmem:s20], [sflag:$0x1] =	stream.indirect.gather [hbm4b:s7+s19], $0x8, s23, s19, $0xb8;
	[tilespmem:$0x12400] =	vst v63  }
0x74: {  	_ =	swait.ge [sflag:s28], $0x2000  }
0x75: {  	[sflag:s28] =	ssyncset.done $0x0  }
0x76: {  	s12 =	rddreg [dreg:$0x7];
	[sflag:s28] =	ssyncadd.s32 $0xFFFFE000  }
0x77: {  	[spmem:s3] =	stream.indirect.scatter.add.f32 [tilespmem:s21], [sflag:$0x4], $0x8, s12, s19, $0xb8;
	[tilespmem:$0x12400] =	vst v63  }
0x78: {  	_ =	swait.ge [sflag:s29], $0x2000  }
0x79: {  	[sflag:s29] =	ssyncset.done $0x0  }
0x7a: {  	s16 =	rddreg [dreg:$0x8];
	[sflag:s29] =	ssyncadd.s32 $0xFFFFE000  }
0x7b: {  	[tilespmem:s21], [sflag:$0x2] =	stream.indirect.gather [hbm4b:s7+s19], $0x8, s16, s19, $0xb8;
	[tilespmem:$0x12400] =	vst v63  }
0x7c: {  	p2 =	seq.s32 s2, $0x0;
	_ =	swait.ge [sflag:s22], $0x2000  }
0x7d: {  	p3 =	seq.s32 s1, $0x1800;
	p0 =	por p2, p2;
	[sflag:s22] =	ssyncset.done $0x0  }
0x7e: {  	p2 =	sgt.u32 s31, $0x18;
	s1 =	sshrl.u32 @!p3 s0, $0x3;
	[sflag:s22] =	ssyncadd.s32 $0xFFFFE000  }
0x7f: {  	[spmem:s3] =	stream.indirect.scatter.add.f32 [tilespmem:s20], [sflag:$0x3], $0x8, s24, s19, $0xb8;
	[tilespmem:$0x12400] =	vst v63  }
0x80: {  	s10 =	simm.s32 @!p3 $0x0;
	s11 =	simm.s32 @!p3 $0xC400;
	s16 =	sadd.s32 @!p3 s5, s1  }
0x81: {  	[tilespmem:s11], [sflag:$0x5] =	stream.linear.gather @!p3 [hbm4b:s16+s10], $0x800, $0x38;
	[tilespmem:$0x12400] =	vst v63  }
0x82: {  	s8 =	simm.s32 @!p3 $0xD400;
	s12 =	sadd.s32 @!p3 s6, s1;
	s11 =	simm.s32 @!p2 $0x3  }
0x83: {  	[tilespmem:s8], [sflag:$0x5] =	stream.linear.gather @!p3 [hbm4b:s12+s10], $0x800, $0x38;
	[tilespmem:$0x12400] =	vst v63  }
0x84: {  	_ =	swait.ge @!p2 [sflag:s11], $0x2000  }
0x85: {  	[sflag:s11] =	ssyncset.done @!p2 $0x0  }
0x86: {  	s8 =	simm.s32 @!p3 $0x5;
	[sflag:s11] =	ssyncadd.s32 @!p2 $0xFFFFE000  }
0x87: {  	_ =	swait.ge @!p3 [sflag:s8], $0x800  }
0x88: {  	[sflag:s8] =	ssyncset.done @!p3 $0x0  }
0x89: {  	s9 =	smov.u32 s2;
	s2 =	sadd.s32 $0x200, s2;
	[sflag:s8] =	ssyncadd.s32 @!p3 $0xFFFFF800  }
0x8a: {  	p1 =	sne.s32 s2, $0x1A00;
	s1 =	smov.u32 s9;
	_ =	swait.ge @!p3 [sflag:s8], $0x800  }
0x8b: {  	s9 =	simm.s32 @!p2 $0xE400;
	s10 =	simm.s32 @!p2 $0x400;
	[sflag:s8] =	ssyncset.done @!p3 $0x0  }
.Ltmp0:
0x8c: {  	s11 =	simm.s32 @!p2 $0xC400;
	[sflag:s8] =	ssyncadd.s32 @!p3 $0xFFFFF800;
	(pc) =	sbr.rel @p1 .LBB2_2-.Ltmp0, $4  }
0x8d: {  	[tilespmem:s9], [sflag:$0x1] =	stream.indirect.gather @!p2 [hbm4b:s7+s10], $0x8, s11, s10, $0xb8;
	[tilespmem:$0x12400] =	vst v63  }
0x8e: {  	_ =	swait.ge [sflag:s28], $0x2000  }
0x8f: {  	s31 =	sadd.s32 $0x2, s31;
	[sflag:s28] =	ssyncset.done $0x0  }
0x90: {  	s0 =	sadd.s32 $0x1000, s0;
	s10 =	rddreg [dreg:$0x9];
	[sflag:s28] =	ssyncadd.s32 $0xFFFFE000  }
0x91: {  	s2 =	simm.s32 @!p0 $0x4  }
0x92: {  	[spmem:s3] =	stream.indirect.scatter.add.f32 [tilespmem:s21], [sflag:$0x4], $0x8, s10, s19, $0xb8;
	[tilespmem:$0x12400] =	vst v63  }
0x93: {  	_ =	swait.ge @!p0 [sflag:s2], $0x2000  }
0x94: {  	[sflag:s2] =	ssyncset.done @!p0 $0x0  }
0x95: {  	s8 =	rddreg [dreg:$0x6];
	[sflag:s2] =	ssyncadd.s32 @!p0 $0xFFFFE000  }
0x96: {  	[tilespmem:s21], [sflag:$0x2] =	stream.indirect.gather [hbm4b:s7+s19], $0x8, s8, s19, $0xb8;
	[tilespmem:$0x12400] =	vst v63  }
0x97: {  	_ =	swait.ge [sflag:s22], $0x2000  }
0x98: {  	[sflag:s22] =	ssyncset.done $0x0  }
0x99: {  	s12 =	rddreg [dreg:$0x5];
	[sflag:s22] =	ssyncadd.s32 $0xFFFFE000  }
0x9a: {  	[spmem:s3] =	stream.indirect.scatter.add.f32 [tilespmem:s20], [sflag:$0x3], $0x8, s17, s19, $0xb8;
	[tilespmem:$0x12400] =	vst v63  }
0x9b: {  	s16 =	rddreg [dreg:$0x4];
	s2 =	sadd.s32 s1, s12  }
0x9c: {  	[tilespmem:s23], [sflag:$0x6] =	stream.linear.gather [hbm4b:s2+s4], $0x800, $0x38;
	[tilespmem:$0x12400] =	vst v63  }
0x9d: {  	s9 =	sadd.s32 s1, s16  }
0x9e: {  	[tilespmem:s24], [sflag:$0x6] =	stream.linear.gather [hbm4b:s9+s4], $0x800, $0x38;
	[tilespmem:$0x12400] =	vst v63  }
0x9f: {  	_ =	swait.ge [sflag:s25], $0x2000  }
0xa0: {  	[sflag:s25] =	ssyncset.done $0x0  }
0xa1: {  	[sflag:s25] =	ssyncadd.s32 $0xFFFFE000  }
0xa2: {  	_ =	swait.ge [sflag:s26], $0x800  }
0xa3: {  	[sflag:s26] =	ssyncset.done $0x0  }
0xa4: {  	[sflag:s26] =	ssyncadd.s32 $0xFFFFF800  }
0xa5: {  	_ =	swait.ge [sflag:s26], $0x800  }
0xa6: {  	[sflag:s26] =	ssyncset.done $0x0  }
0xa7: {  	[sflag:s26] =	ssyncadd.s32 $0xFFFFF800  }
0xa8: {  	[tilespmem:s20], [sflag:$0x1] =	stream.indirect.gather [hbm4b:s7+s19], $0x8, s23, s19, $0xb8;
	[tilespmem:$0x12400] =	vst v63  }
0xa9: {  	_ =	swait.ge [sflag:s28], $0x2000  }
0xaa: {  	[sflag:s28] =	ssyncset.done $0x0  }
0xab: {  	s10 =	rddreg [dreg:$0x7];
	[sflag:s28] =	ssyncadd.s32 $0xFFFFE000  }
0xac: {  	[spmem:s3] =	stream.indirect.scatter.add.f32 [tilespmem:s21], [sflag:$0x4], $0x8, s10, s19, $0xb8;
	[tilespmem:$0x12400] =	vst v63  }
0xad: {  	_ =	swait.ge [sflag:s29], $0x2000  }
0xae: {  	[sflag:s29] =	ssyncset.done $0x0  }
0xaf: {  	s11 =	rddreg [dreg:$0x8];
	[sflag:s29] =	ssyncadd.s32 $0xFFFFE000  }
0xb0: {  	[tilespmem:s21], [sflag:$0x2] =	stream.indirect.gather [hbm4b:s7+s19], $0x8, s11, s19, $0xb8;
	[tilespmem:$0x12400] =	vst v63  }
0xb1: {  	_ =	swait.ge [sflag:s22], $0x2000  }
0xb2: {  	p0 =	seq.s32 s1, $0x1800;
	[sflag:s22] =	ssyncset.done $0x0  }
0xb3: {  	s0 =	sshrl.u32 @!p0 s0, $0x3;
	[sflag:s22] =	ssyncadd.s32 $0xFFFFE000  }
0xb4: {  	[spmem:s3] =	stream.indirect.scatter.add.f32 [tilespmem:s20], [sflag:$0x3], $0x8, s24, s19, $0xb8;
	[tilespmem:$0x12400] =	vst v63  }
0xb5: {  	s8 =	sadd.s32 @!p0 s5, s0;
	s1 =	simm.s32 @!p0 $0x0;
	s2 =	simm.s32 @!p0 $0xC400  }
0xb6: {  	[tilespmem:s2], [sflag:$0x5] =	stream.linear.gather @!p0 [hbm4b:s8+s1], $0x800, $0x38;
	[tilespmem:$0x12400] =	vst v63  }
0xb7: {  	p1 =	sgt.u32 s31, $0x18;
	s0 =	sadd.s32 @!p0 s6, s0;
	s2 =	simm.s32 @!p0 $0xD400  }
0xb8: {  	[tilespmem:s2], [sflag:$0x5] =	stream.linear.gather @!p0 [hbm4b:s0+s1], $0x800, $0x38;
	[tilespmem:$0x12400] =	vst v63  }
0xb9: {  	s0 =	simm.s32 @!p1 $0x3  }
0xba: {  	_ =	swait.ge @!p1 [sflag:s0], $0x2000  }
0xbb: {  	[sflag:s0] =	ssyncset.done @!p1 $0x0  }
0xbc: {  	s1 =	simm.s32 @!p0 $0x5;
	[sflag:s0] =	ssyncadd.s32 @!p1 $0xFFFFE000  }
0xbd: {  	_ =	swait.ge @!p0 [sflag:s1], $0x800  }
0xbe: {  	[sflag:s1] =	ssyncset.done @!p0 $0x0  }
0xbf: {  	[sflag:s1] =	ssyncadd.s32 @!p0 $0xFFFFF800  }
0xc0: {  	_ =	swait.ge @!p0 [sflag:s1], $0x800  }
0xc1: {  	s2 =	simm.s32 @!p1 $0x400;
	[sflag:s1] =	ssyncset.done @!p0 $0x0  }
0xc2: {  	s0 =	simm.s32 @!p1 $0xE400;
	[sflag:s1] =	ssyncadd.s32 @!p0 $0xFFFFF800;
	s1 =	simm.s32 @!p1 $0xC400  }
0xc3: {  	[tilespmem:s0], [sflag:$0x1] =	stream.indirect.gather @!p1 [hbm4b:s7+s2], $0x8, s1, s2, $0xb8;
	[tilespmem:$0x12400] =	vst v63  }
0xc4: {  	_ =	swait.ge [sflag:s28], $0x2000  }
0xc5: {  	[sflag:s28] =	ssyncset.done $0x0  }
0xc6: {  	s12 =	rddreg [dreg:$0x9];
	[sflag:s28] =	ssyncadd.s32 $0xFFFFE000  }
0xc7: {  	[spmem:s3] =	stream.indirect.scatter.add.f32 [tilespmem:s21], [sflag:$0x4], $0x8, s12, s19, $0xb8;
	[tilespmem:$0x12400] =	vst v63  }
0xc8: {  	_ =	swait.ge [sflag:s25], $0x2000  }
0xc9: {  	[sflag:s25] =	ssyncset.done $0x0  }
0xca: {  	[sflag:s25] =	ssyncadd.s32 $0xFFFFE000  }
0xcb: {  	_ =	swait.ge [sflag:s29], $0x2000  }
0xcc: {  	[sflag:s29] =	ssyncset.done $0x0  }
0xcd: {  	[sflag:s29] =	ssyncadd.s32 $0xFFFFE000  }
0xce: {  	[bflag:$0x0] =	sbarrier.arrive $0xFFFF  }
0xcf: {  	s16 =	rddreg [dreg:$0xc]  }
0xd0: {  	[hbm:s16], [sflag:s13] =	dma.local [spmem:s14], $0x1880  }
0xd1: {  	_ =	swait.ge [sflag:s15], $0x1880  }
0xd2: {  	s30 =	sadd.s32 $0x1, s30;
	s31 =	rddreg [dreg:$0xd]  }
0xd3: {  	p0 =	sne.s32 s30, s31  }
.Ltmp1:
0xd4: {  	_ = 	snop;
	(pc) =	sbr.rel @p0 .LBB2_1-.Ltmp1, $3  }
0xd5: {  	_ =	sdelay $0x1  }
0xd6: {  	[sflag:s15] =	ssyncset.done $0x0  }
0xd7: {  	s8 =	smov.u32 s13;
	[sflag:s15] =	ssyncadd.s32 $0xFFFFE780  }
0xd8: {  	_ =	sfence.sel $0x180000  }
0xd9: {  	[bflag:$0x0] =	sbarrier.arrive $0xFFFF  }
0xda: {  	_ =	strace $0x90000050  }
0xdb: {  	s0 =	stileid.u32;
	[bflag:$0x2] =	sbarrier.arrive $0xFFFF  }
0xdc: {  	p0 =	sne.s32 s0, $0x0;
	s0 =	rddreg [dreg:$0x3]  }
0xdd: {  	s0 =	sadd.s32 @!p0 $0x100000, s0  }
0xde: {  	[sflag:s0] =	ssyncadd.tile.s32 @!p0 $0x1;
	_ =	shalt  }
.Lfunc_end2:
_tile_overlayer_lowered:
.L_overlay_start_2:
0xdf: {  	(tag) =	ssettag $0x2  }
0xe0: {  	s0 =	rddreg [dreg:$0x0];
	s2 =	stileid.u32  }
0xe1: {  	s1 =	rddreg [dreg:$0x1];
	p0 =	sne.s32 s2, $0x0  }
0xe2: {  	s3 =	rddreg [dreg:$0x2];
	[bflag:$0x3] =	sbarrier.arrive $0xFFFF;
	s2 =	simm.s32 @!p0 $0x1C07  }
0xe3: {  	[timem:s3], [sflag:s2] =	dma.local @!p0 [hbm:s0], s1  }
0xe4: {  	s0 =	simm.s32 @!p0 $0x7  }
0xe5: {  	_ =	swait.ge @!p0 [sflag:s0], s1  }
0xe6: {  	s1 =	ssub.s32 @!p0 $0x0, s1;
	[sflag:s0] =	ssyncset.done @!p0 $0x0  }
0xe7: {  	[sflag:s0] =	ssyncadd.s32 @!p0 s1  }
0xe8: {  	[bflag:$0x3] =	sbarrier.arrive $0xFFFF  }
0xe9: {  	_ =	shalt  }

</sc_bundles>
